<compile_context>
chip_gen: v7x
topology: tpu7x:2x2x1
jax: 0.10.2.dev20260603
libtpu: 0.0.44.dev20260713+nightly
codegen_flags: <defaults>
</compile_context>

<pallas_src>
import functools

import jax
import jax.numpy as jnp
from jax import lax
from jax.experimental import pallas as pl
from jax.experimental.pallas import tpu as pltpu
from jax.experimental.pallas import tpu_sc as plsc

N = 100000
E = 1600000
F = 32
FH = F // 2
N_SHAPE = 16
N_COLOR = 8
N_GRAPHS = 256

NC = 2
NS = 16
CHUNK = 128
K = 8
KD = 8
BLK_E = CHUNK * 2 * KD * NS
E_PAD_D = ((E + BLK_E - 1) // BLK_E) * BLK_E
NCHP_D = E_PAD_D // CHUNK
NBLKD_C = NCHP_D // 2 // KD
SUB_ITERS_D = NBLKD_C // NS
EA = E + N
E_PAD_A = ((EA + BLK_E - 1) // BLK_E) * BLK_E
NCHP_A = E_PAD_A // CHUNK
NBLK_A = NCHP_A // K
SUB_ITERS_A = NBLK_A // NS
JUNK = 500
JUNKD = 512
ACC_D = N + JUNKD
ACC_A = N + JUNK
WB = 1000
NWB = N // WB
WB_ITERS = (NWB + NS - 1) // NS
WB2 = 125
NWB2_I = ACC_A // WB2
NWB2_O = N // WB2
WB2_ITERS = (NWB2_I + NS - 1) // NS

_MESH = plsc.VectorSubcoreMesh(
    core_axis_name="c", subcore_axis_name="s", num_cores=NC, num_subcores=NS
)

NP = 102400
MP = NP // 8
PADN = NP - N
BM = 1280
NBM = MP // BM
BLK = 2000
NB = N // BLK

_PREC = lax.Precision.HIGHEST


@functools.partial(
    pl.kernel,
    out_type=[
        jax.ShapeDtypeStruct((N,), jnp.float32),
        jax.ShapeDtypeStruct((N,), jnp.float32),
    ],
    mesh=_MESH,
    compiler_params=pltpu.CompilerParams(use_tc_tiling_on_sc=False),
    scratch_types=[
        pltpu.VMEM_SHARED((ACC_D,), jnp.float32),
        pltpu.VMEM((KD, CHUNK), jnp.int32),
        pltpu.VMEM((CHUNK,), jnp.float32),
        pltpu.VMEM((WB,), jnp.float32),
        pltpu.SemaphoreType.DMA,
    ],
)
def _deg_sc(dst_hbm, ones_hbm, zeros_hbm, degA_hbm, degB_hbm,
            acc, ibuf, obuf, wbuf, sem):
    c = lax.axis_index("c")
    s = lax.axis_index("s")

    pltpu.sync_copy(ones_hbm, obuf)
    pltpu.sync_copy(zeros_hbm, wbuf)

    def zinit(i, carry):
        j = s + NS * i

        @pl.when(j < NWB)
        def _():
            pltpu.sync_copy(wbuf, acc.at[pl.ds(j * WB, WB)])

        return carry

    lax.fori_loop(0, WB_ITERS, zinit, 0)

    @pl.when(s == 0)
    def _():
        pltpu.sync_copy(wbuf.at[pl.ds(0, JUNKD)], acc.at[pl.ds(N, JUNKD)])

    plsc.subcore_barrier()

    def body(i, carry):
        b = c * NBLKD_C + s + NS * i
        row = b * KD
        pltpu.sync_copy(dst_hbm.at[pl.ds(row, KD)], ibuf)
        hs = [
            pltpu.async_copy(obuf, acc.at[ibuf.at[k]], sem, add=True)
            for k in range(KD)
        ]
        for h in hs:
            h.wait()
        return carry

    lax.fori_loop(0, SUB_ITERS_D, body, 0)
    plsc.subcore_barrier()

    def wback(i, carry):
        j = s + NS * i

        @pl.when(j < NWB)
        def _():
            pltpu.sync_copy(acc.at[pl.ds(j * WB, WB)], wbuf)

            @pl.when(c == 0)
            def _():
                pltpu.sync_copy(wbuf, degA_hbm.at[pl.ds(j * WB, WB)])

            @pl.when(c == 1)
            def _():
                pltpu.sync_copy(wbuf, degB_hbm.at[pl.ds(j * WB, WB)])

        return carry

    lax.fori_loop(0, WB_ITERS, wback, 0)


@functools.partial(
    pl.kernel,
    out_type=[
        jax.ShapeDtypeStruct((NP, FH), jnp.float32),
        jax.ShapeDtypeStruct((NP, FH), jnp.float32),
    ],
    mesh=_MESH,
    compiler_params=pltpu.CompilerParams(use_tc_tiling_on_sc=False),
    scratch_types=[
        pltpu.VMEM_SHARED((ACC_A, FH), jnp.float32),
        pltpu.VMEM((K, CHUNK), jnp.int32),
        pltpu.VMEM((K, CHUNK), jnp.int32),
        pltpu.VMEM((K, CHUNK, FH), jnp.float32),
        pltpu.VMEM((WB2, FH), jnp.float32),
        pltpu.SemaphoreType.DMA,
        pltpu.SemaphoreType.DMA,
    ],
)
def _agg_sc(gL_hbm, gR_hbm, src_hbm, dst_hbm, zeros_hbm, outL_hbm, outR_hbm,
            acc, sbuf, ibuf, rbuf, wbuf, gsem, ssem):
    c = lax.axis_index("c")
    s = lax.axis_index("s")

    pltpu.sync_copy(zeros_hbm, wbuf)

    def zinit(i, carry):
        j = s + NS * i

        @pl.when(j < NWB2_I)
        def _():
            pltpu.sync_copy(wbuf, acc.at[pl.ds(j * WB2, WB2)])

        return carry

    lax.fori_loop(0, WB2_ITERS, zinit, 0)
    plsc.subcore_barrier()

    def _pipeline(g_hbm):
        gh = [
            pltpu.async_copy(g_hbm.at[sbuf.at[k]], rbuf.at[k], gsem)
            for k in range(K)
        ]
        sh = []
        for k in range(K):
            gh[k].wait()
            sh.append(
                pltpu.async_copy(rbuf.at[k], acc.at[ibuf.at[k]], ssem, add=True)
            )
        for h in sh:
            h.wait()

    def body(i, carry):
        b = s + NS * i
        row = b * K

        pltpu.sync_copy(src_hbm.at[pl.ds(row, K)], sbuf)
        pltpu.sync_copy(dst_hbm.at[pl.ds(row, K)], ibuf)

        @pl.when(c == 0)
        def _():
            _pipeline(gL_hbm)

        @pl.when(c == 1)
        def _():
            _pipeline(gR_hbm)

        return carry

    lax.fori_loop(0, SUB_ITERS_A, body, 0)
    plsc.subcore_barrier()

    def wback(i, carry):
        j = s + NS * i

        @pl.when(j < NWB2_O)
        def _():
            pltpu.sync_copy(acc.at[pl.ds(j * WB2, WB2)], wbuf)

            @pl.when(c == 0)
            def _():
                pltpu.sync_copy(wbuf, outL_hbm.at[pl.ds(j * WB2, WB2)])

            @pl.when(c == 1)
            def _():
                pltpu.sync_copy(wbuf, outR_hbm.at[pl.ds(j * WB2, WB2)])

        return carry

    lax.fori_loop(0, WB2_ITERS, wback, 0)


def _prep_body(x0_ref, x1_ref, degp_ref, sel_ref, ser_ref, cel_ref, cer_ref,
               g0L_ref, g0R_ref):
    iota16 = lax.broadcasted_iota(jnp.int32, (1, 128), 1) % 16
    ohS = (x0_ref[...] == iota16).astype(jnp.float32)
    ohC = (x1_ref[...] == iota16).astype(jnp.float32)
    hL = (jnp.dot(ohS, sel_ref[...], precision=_PREC)
          + jnp.dot(ohC, cel_ref[...], precision=_PREC))
    hR = (jnp.dot(ohS, ser_ref[...], precision=_PREC)
          + jnp.dot(ohC, cer_ref[...], precision=_PREC))
    dinv = lax.rsqrt(degp_ref[...] + 1.0)
    g0L_ref[...] = hL * dinv
    g0R_ref[...] = hR * dinv


def _layer_body(sL_ref, sR_ref, degp_ref, wll_ref, wrl_ref, wlr_ref, wrr_ref,
                bl_ref, br_ref, gL_ref, gR_ref):
    dinv = lax.rsqrt(degp_ref[...] + 1.0)
    zL = sL_ref[...] * dinv
    zR = sR_ref[...] * dinv
    hL = jnp.maximum(
        jnp.dot(zL, wll_ref[...], precision=_PREC)
        + jnp.dot(zR, wrl_ref[...], precision=_PREC) + bl_ref[...], 0.0)
    hR = jnp.maximum(
        jnp.dot(zL, wlr_ref[...], precision=_PREC)
        + jnp.dot(zR, wrr_ref[...], precision=_PREC) + br_ref[...], 0.0)
    gL_ref[...] = hL * dinv
    gR_ref[...] = hR * dinv


def _pool_body(sL_ref, sR_ref, deg_ref, w_ref, b_ref, batch_ref,
               sums_ref, cnt_ref):
    i = pl.program_id(0)
    dinv = lax.rsqrt(deg_ref[...] + 1.0)
    z = jnp.concatenate([sL_ref[...], sR_ref[...]], axis=1) * dinv
    h = jnp.maximum(jnp.dot(z, w_ref[...], precision=_PREC) + b_ref[...], 0.0)
    oh = (batch_ref[...] == lax.broadcasted_iota(jnp.int32, (BLK, N_GRAPHS), 1))
    oh = oh.astype(jnp.float32)
    ps = lax.dot_general(oh, h, (((0,), (0,)), ((), ())))
    pc = jnp.sum(oh, axis=0)[:, None]

    @pl.when(i == 0)
    def _():
        sums_ref[...] = ps
        cnt_ref[...] = pc

    @pl.when(i != 0)
    def _():
        sums_ref[...] += ps
        cnt_ref[...] += pc


def _head_body(sums_ref, cnt_ref, wl_ref, bl_ref, out_ref):
    hg = sums_ref[...] / jnp.maximum(cnt_ref[...], 1.0)
    out_ref[...] = jnp.dot(hg, wl_ref[...], precision=_PREC) + bl_ref[...]


def _pk_spec():
    return pl.BlockSpec((BM, 128), lambda i: (i, 0))


def _row_spec(width):
    return pl.BlockSpec((BLK, width), lambda i: (i, 0))


def _full_spec(shape):
    return pl.BlockSpec(shape, lambda i: (0, 0))


def _kron8(w):
    return jnp.kron(jnp.eye(8, dtype=jnp.float32), w)


def _pack8(v):
    vp = jnp.concatenate([v, jnp.zeros((PADN,), v.dtype)])
    return jnp.broadcast_to(
        vp.reshape(MP, 8, 1), (MP, 8, 16)).reshape(MP, 128)


def kernel(x, edge_index, batch, shape_emb, color_emb, W1, b1, W2, b2, Wlin, blin):
    src = edge_index[0].astype(jnp.int32)
    dst = edge_index[1].astype(jnp.int32)
    loop = jnp.arange(N, dtype=jnp.int32)

    padD = E_PAD_D - E
    dstD = jnp.concatenate(
        [dst, N + (jnp.arange(padD, dtype=jnp.int32) % JUNK)]).reshape(NCHP_D, CHUNK)
    padA = E_PAD_A - EA
    srcA = jnp.concatenate(
        [src, loop, jnp.zeros((padA,), jnp.int32)]).reshape(NCHP_A, CHUNK)
    dstA = jnp.concatenate(
        [dst, loop,
         N + (jnp.arange(padA, dtype=jnp.int32) % JUNK)]).reshape(NCHP_A, CHUNK)

    ones128 = jnp.ones((CHUNK,), jnp.float32)
    zeros1d = jnp.zeros((WB,), jnp.float32)
    zeros2d = jnp.zeros((WB2, FH), jnp.float32)

    degA, degB = _deg_sc(dstD, ones128, zeros1d)
    deg = degA + degB
    degp = _pack8(deg)
    deg2 = deg[:, None]

    x0p = _pack8(x[:, 0].astype(jnp.int32))
    x1p = _pack8(x[:, 1].astype(jnp.int32))
    ce16 = jnp.zeros((N_SHAPE, F), jnp.float32).at[:N_COLOR].set(color_emb)
    seL = _kron8(shape_emb[:, :FH])
    seR = _kron8(shape_emb[:, FH:])
    ceL = _kron8(ce16[:, :FH])
    ceR = _kron8(ce16[:, FH:])
    w1ll = _kron8(W1[:FH, :FH])
    w1rl = _kron8(W1[FH:, :FH])
    w1lr = _kron8(W1[:FH, FH:])
    w1rr = _kron8(W1[FH:, FH:])
    b1l = jnp.tile(b1[:FH], 8)[None, :]
    b1r = jnp.tile(b1[FH:], 8)[None, :]

    g0Lp, g0Rp = pl.pallas_call(
        _prep_body,
        grid=(NBM,),
        in_specs=[
            _pk_spec(), _pk_spec(), _pk_spec(),
            _full_spec((128, 128)), _full_spec((128, 128)),
            _full_spec((128, 128)), _full_spec((128, 128)),
        ],
        out_specs=[_pk_spec(), _pk_spec()],
        out_shape=[
            jax.ShapeDtypeStruct((MP, 128), jnp.float32),
            jax.ShapeDtypeStruct((MP, 128), jnp.float32),
        ],
    )(x0p, x1p, degp, seL, seR, ceL, ceR)

    s1L, s1R = _agg_sc(
        g0Lp.reshape(NP, FH), g0Rp.reshape(NP, FH), srcA, dstA, zeros2d)

    g1Lp, g1Rp = pl.pallas_call(
        _layer_body,
        grid=(NBM,),
        in_specs=[
            _pk_spec(), _pk_spec(), _pk_spec(),
            _full_spec((128, 128)), _full_spec((128, 128)),
            _full_spec((128, 128)), _full_spec((128, 128)),
            _full_spec((1, 128)), _full_spec((1, 128)),
        ],
        out_specs=[_pk_spec(), _pk_spec()],
        out_shape=[
            jax.ShapeDtypeStruct((MP, 128), jnp.float32),
            jax.ShapeDtypeStruct((MP, 128), jnp.float32),
        ],
    )(s1L.reshape(MP, 128), s1R.reshape(MP, 128), degp,
      w1ll, w1rl, w1lr, w1rr, b1l, b1r)

    s2L, s2R = _agg_sc(
        g1Lp.reshape(NP, FH), g1Rp.reshape(NP, FH), srcA, dstA, zeros2d)

    sums, cnt = pl.pallas_call(
        _pool_body,
        grid=(NB,),
        in_specs=[
            _row_spec(FH), _row_spec(FH), _row_spec(1),
            _full_spec((F, F)), _full_spec((1, F)), _row_spec(1),
        ],
        out_specs=[
            _full_spec((N_GRAPHS, F)),
            _full_spec((N_GRAPHS, 1)),
        ],
        out_shape=[
            jax.ShapeDtypeStruct((N_GRAPHS, F), jnp.float32),
            jax.ShapeDtypeStruct((N_GRAPHS, 1), jnp.float32),
        ],
    )(s2L, s2R, deg2, W2, b2[None, :], batch[:, None])

    out = pl.pallas_call(
        _head_body,
        grid=(1,),
        in_specs=[
            _full_spec((N_GRAPHS, F)),
            _full_spec((N_GRAPHS, 1)),
            _full_spec((F, blin.shape[0])),
            _full_spec((1, blin.shape[0])),
        ],
        out_specs=_full_spec((N_GRAPHS, blin.shape[0])),
        out_shape=jax.ShapeDtypeStruct((N_GRAPHS, blin.shape[0]), jnp.float32),
    )(sums, cnt, Wlin, blin[None, :])

    return out

# --- scband reference (transcript-rebuilt; emitter-appended) ---
"""Pipeline reference for scband-spr-gnn-88648124990214 (READ-ONLY COPY).

The authoritative reference and input builder live on the scoring server;
editing this copy changes nothing except your own understanding.
"""

import jax, jax.numpy as jnp
import numpy as np

N = 100000
E = 1600000
N_SHAPE = 16
N_COLOR = 8
EMB = 32
HID = 32
N_LABEL = 10
N_GRAPHS = 256


def setup_inputs(seed: int = 0) -> dict:
    key = jax.random.key(seed)
    ks = jax.random.split(key, 12)
    x = jax.random.randint(ks[0], (N, 2), 0, N_COLOR)
    edge_index = jax.random.randint(ks[1], (2, E), 0, N)
    batch = jnp.sort(jax.random.randint(ks[2], (N,), 0, N_GRAPHS))
    shape_emb = jax.random.normal(ks[3], (N_SHAPE, EMB), dtype=jnp.float32) * 0.1
    color_emb = jax.random.normal(ks[4], (N_COLOR, EMB), dtype=jnp.float32) * 0.1
    W1 = jax.random.normal(ks[5], (EMB, HID), dtype=jnp.float32) / np.sqrt(EMB)
    b1 = jnp.zeros((HID,), dtype=jnp.float32)
    W2 = jax.random.normal(ks[6], (HID, HID), dtype=jnp.float32) / np.sqrt(HID)
    b2 = jnp.zeros((HID,), dtype=jnp.float32)
    Wlin = jax.random.normal(ks[7], (HID, N_LABEL), dtype=jnp.float32) / np.sqrt(HID)
    blin = jnp.zeros((N_LABEL,), dtype=jnp.float32)
    return {"x": x, "edge_index": edge_index, "batch": batch,
            "shape_emb": shape_emb, "color_emb": color_emb,
            "W1": W1, "b1": b1, "W2": W2, "b2": b2,
            "Wlin": Wlin, "blin": blin}


def gcn_conv(h, src, dst, norm, W, b):
    # GCNConv: X' = D^{-1/2}(A+I)D^{-1/2} X W + b  (self loops already in src/dst)
    msg = h[src] * norm[:, None]
    agg = jnp.zeros((h.shape[0], h.shape[1]), dtype=h.dtype).at[dst].add(msg)
    return agg @ W + b


def reference(x, edge_index, batch, shape_emb, color_emb, W1, b1, W2, b2, Wlin, blin):
    num_nodes = x.shape[0]
    # embeddings
    h = shape_emb[x[:, 0]] + color_emb[x[:, 1]]
    # add self loops + symmetric normalization (shared by both convs)
    loop = jnp.arange(num_nodes, dtype=edge_index.dtype)
    src = jnp.concatenate([edge_index[0], loop])
    dst = jnp.concatenate([edge_index[1], loop])
    deg = jnp.zeros((num_nodes,), dtype=jnp.float32).at[dst].add(1.0)
    dinv = jax.lax.rsqrt(jnp.maximum(deg, 1.0))
    norm = dinv[src] * dinv[dst]
    # two GCN layers with ReLU
    h = jax.nn.relu(gcn_conv(h, src, dst, norm, W1, b1))
    h = jax.nn.relu(gcn_conv(h, src, dst, norm, W2, b2))
    # global mean pool over graphs
    sums = jax.ops.segment_sum(h, batch, num_segments=N_GRAPHS)
    counts = jax.ops.segment_sum(jnp.ones((num_nodes, 1), dtype=jnp.float32), batch, num_segments=N_GRAPHS)
    hg = sums / jnp.maximum(counts, 1.0)
    return hg @ Wlin + blin

if __name__ == "__main__":
    import jax
    _d = setup_inputs()
    print(jax.jit(kernel)(*tuple(_d.values())))

</pallas_src>

<mosaic_0001>
#map = affine_map<(d0, d1) -> (0, 0)>
module attributes {stable_mosaic.version = 14 : i64} {
  func.func @_agg_sc(%arg0: i32, %arg1: i32, %arg2: memref<102400x16xf32, #tpu.memory_space<hbm>>, %arg3: memref<102400x16xf32, #tpu.memory_space<hbm>>, %arg4: memref<13312x128xi32, #tpu.memory_space<hbm>>, %arg5: memref<13312x128xi32, #tpu.memory_space<hbm>>, %arg6: memref<125x16xf32, #tpu.memory_space<hbm>>, %arg7: memref<102400x16xf32, #tpu.memory_space<hbm>>, %arg8: memref<102400x16xf32, #tpu.memory_space<hbm>>, %arg9: memref<100500x16xf32, #tpu.memory_space<vmem_shared>>, %arg10: memref<8x128xi32, #tpu.memory_space<vmem>>, %arg11: memref<8x128xi32, #tpu.memory_space<vmem>>, %arg12: memref<8x128x16xf32, #tpu.memory_space<vmem>>, %arg13: memref<125x16xf32, #tpu.memory_space<vmem>>, %arg14: memref<!tpu.dma_semaphore, #tpu.memory_space<semaphore_mem>>, %arg15: memref<!tpu.dma_semaphore, #tpu.memory_space<semaphore_mem>>) attributes {dimension_semantics = [#tpu.dimension_semantics<core_parallel>, #tpu.dimension_semantics<subcore_parallel>], iteration_bounds = array<i64: 2, 16>, scalar_prefetch = 0 : i64, scratch_operands = 7 : i64, tpu.core_type = #tpu.core_type<sc_vector_subcore>, window_params = [{transform_indices = #map}, {transform_indices = #map}, {transform_indices = #map}, {transform_indices = #map}, {transform_indices = #map}, {transform_indices = #map}, {transform_indices = #map}]} {
    "tpu.region"() ({
      %run_scoped3A = tpu.sem_alloc : memref<!tpu.dma_semaphore, #tpu.memory_space<semaphore_mem>>
      tpu.enqueue_dma source(%arg6 : memref<125x16xf32, #tpu.memory_space<hbm>>) target(%arg13 : memref<125x16xf32, #tpu.memory_space<vmem>>) target_semaphore(%run_scoped3A : memref<!tpu.dma_semaphore, #tpu.memory_space<semaphore_mem>>)
      tpu.wait_dma2 semaphore(%run_scoped3A : memref<!tpu.dma_semaphore, #tpu.memory_space<semaphore_mem>>) src(%arg6 : memref<125x16xf32, #tpu.memory_space<hbm>>) dst(%arg13 : memref<125x16xf32, #tpu.memory_space<vmem>>)
      tpu.yield
    }) : () -> ()
    %scan3A = arith.constant 0 : i32
    %scan3A_0 = arith.constant 0 : i32
    %scan3A_1 = arith.constant 51 : i32
    %scan3A_2 = arith.addi %scan3A_0, %scan3A_1 : i32
    %scan3A_3 = arith.constant 1 : i32
    scf.for %scan3A_18 = %scan3A_0 to %scan3A_2 step %scan3A_3  : i32 {
      %mul3A = arith.constant 16 : i32
      %mul3A_19 = arith.muli %mul3A, %scan3A_18 : i32
      %add3A = arith.addi %arg1, %mul3A_19 : i32
      %lt3A = arith.constant 804 : i32
      %lt3A_20 = arith.cmpi slt, %add3A, %lt3A : i32
      %convert_element_type3A = arith.extui %lt3A_20 : i1 to i32
      %cond3A = arith.constant 0 : i32
      %cond3A_21 = arith.cmpi ne, %convert_element_type3A, %cond3A : i32
      scf.if %cond3A_21 {
        %mul3A_22 = arith.constant 125 : i32
        %mul3A_23 = arith.muli %add3A, %mul3A_22 : i32
        "tpu.region"() ({
          %run_scoped3A = tpu.sem_alloc : memref<!tpu.dma_semaphore, #tpu.memory_space<semaphore_mem>>
          %dma_start3A = arith.constant 0 : i32
          %dma_start3A_24 = tpu.memref_slice %arg9[%mul3A_23, %dma_start3A] : memref<100500x16xf32, #tpu.memory_space<vmem_shared>> -> memref<125x16xf32, #tpu.memory_space<vmem_shared>>
          %dma_start3A_25 = arith.constant 0 : i32
          %dma_start3A_26 = tpu.memref_slice %arg9[%mul3A_23, %dma_start3A_25] : memref<100500x16xf32, #tpu.memory_space<vmem_shared>> -> memref<125x16xf32, #tpu.memory_space<vmem_shared>>
          tpu.enqueue_dma source(%arg13 : memref<125x16xf32, #tpu.memory_space<vmem>>) target(%dma_start3A_26 : memref<125x16xf32, #tpu.memory_space<vmem_shared>>) target_semaphore(%run_scoped3A : memref<!tpu.dma_semaphore, #tpu.memory_space<semaphore_mem>>)
          %dma_wait3A = arith.constant 0 : i32
          %dma_wait3A_27 = tpu.memref_slice %arg9[%mul3A_23, %dma_wait3A] : memref<100500x16xf32, #tpu.memory_space<vmem_shared>> -> memref<125x16xf32, #tpu.memory_space<vmem_shared>>
          %dma_wait3A_28 = arith.constant 0 : i32
          %dma_wait3A_29 = tpu.memref_slice %arg9[%mul3A_23, %dma_wait3A_28] : memref<100500x16xf32, #tpu.memory_space<vmem_shared>> -> memref<125x16xf32, #tpu.memory_space<vmem_shared>>
          tpu.wait_dma2 semaphore(%run_scoped3A : memref<!tpu.dma_semaphore, #tpu.memory_space<semaphore_mem>>) src(%arg13 : memref<125x16xf32, #tpu.memory_space<vmem>>) dst(%dma_wait3A_29 : memref<125x16xf32, #tpu.memory_space<vmem_shared>>)
          tpu.yield
        }) : () -> ()
      } else {
      }
    }
    %scan3A_4 = arith.constant 51 : i32
    %barrier3A = arith.constant 0 : index
    tpu.barrier barrier_id(%barrier3A)
    %scan3A_5 = arith.constant 0 : i32
    %scan3A_6 = arith.constant 0 : i32
    %scan3A_7 = arith.constant 104 : i32
    %scan3A_8 = arith.addi %scan3A_6, %scan3A_7 : i32
    %scan3A_9 = arith.constant 1 : i32
    scf.for %scan3A_18 = %scan3A_6 to %scan3A_8 step %scan3A_9  : i32 {
      %mul3A = arith.constant 16 : i32
      %mul3A_19 = arith.muli %mul3A, %scan3A_18 : i32
      %add3A = arith.addi %arg1, %mul3A_19 : i32
      %mul3A_20 = arith.constant 8 : i32
      %mul3A_21 = arith.muli %add3A, %mul3A_20 : i32
      "tpu.region"() ({
        %run_scoped3A = tpu.sem_alloc : memref<!tpu.dma_semaphore, #tpu.memory_space<semaphore_mem>>
        %dma_start3A = arith.constant 0 : i32
        %dma_start3A_29 = tpu.memref_slice %arg4[%mul3A_21, %dma_start3A] : memref<13312x128xi32, #tpu.memory_space<hbm>> -> memref<8x128xi32, #tpu.memory_space<hbm>>
        %dma_start3A_30 = arith.constant 0 : i32
        %dma_start3A_31 = tpu.memref_slice %arg4[%mul3A_21, %dma_start3A_30] : memref<13312x128xi32, #tpu.memory_space<hbm>> -> memref<8x128xi32, #tpu.memory_space<hbm>>
        tpu.enqueue_dma source(%dma_start3A_31 : memref<8x128xi32, #tpu.memory_space<hbm>>) target(%arg10 : memref<8x128xi32, #tpu.memory_space<vmem>>) target_semaphore(%run_scoped3A : memref<!tpu.dma_semaphore, #tpu.memory_space<semaphore_mem>>)
        %dma_wait3A = arith.constant 0 : i32
        %dma_wait3A_32 = tpu.memref_slice %arg4[%mul3A_21, %dma_wait3A] : memref<13312x128xi32, #tpu.memory_space<hbm>> -> memref<8x128xi32, #tpu.memory_space<hbm>>
        %dma_wait3A_33 = arith.constant 0 : i32
        %dma_wait3A_34 = tpu.memref_slice %arg4[%mul3A_21, %dma_wait3A_33] : memref<13312x128xi32, #tpu.memory_space<hbm>> -> memref<8x128xi32, #tpu.memory_space<hbm>>
        tpu.wait_dma2 semaphore(%run_scoped3A : memref<!tpu.dma_semaphore, #tpu.memory_space<semaphore_mem>>) src(%dma_wait3A_34 : memref<8x128xi32, #tpu.memory_space<hbm>>) dst(%arg10 : memref<8x128xi32, #tpu.memory_space<vmem>>)
        tpu.yield
      }) : () -> ()
      "tpu.region"() ({
        %run_scoped3A = tpu.sem_alloc : memref<!tpu.dma_semaphore, #tpu.memory_space<semaphore_mem>>
        %dma_start3A = arith.constant 0 : i32
        %dma_start3A_29 = tpu.memref_slice %arg5[%mul3A_21, %dma_start3A] : memref<13312x128xi32, #tpu.memory_space<hbm>> -> memref<8x128xi32, #tpu.memory_space<hbm>>
        %dma_start3A_30 = arith.constant 0 : i32
        %dma_start3A_31 = tpu.memref_slice %arg5[%mul3A_21, %dma_start3A_30] : memref<13312x128xi32, #tpu.memory_space<hbm>> -> memref<8x128xi32, #tpu.memory_space<hbm>>
        tpu.enqueue_dma source(%dma_start3A_31 : memref<8x128xi32, #tpu.memory_space<hbm>>) target(%arg11 : memref<8x128xi32, #tpu.memory_space<vmem>>) target_semaphore(%run_scoped3A : memref<!tpu.dma_semaphore, #tpu.memory_space<semaphore_mem>>)
        %dma_wait3A = arith.constant 0 : i32
        %dma_wait3A_32 = tpu.memref_slice %arg5[%mul3A_21, %dma_wait3A] : memref<13312x128xi32, #tpu.memory_space<hbm>> -> memref<8x128xi32, #tpu.memory_space<hbm>>
        %dma_wait3A_33 = arith.constant 0 : i32
        %dma_wait3A_34 = tpu.memref_slice %arg5[%mul3A_21, %dma_wait3A_33] : memref<13312x128xi32, #tpu.memory_space<hbm>> -> memref<8x128xi32, #tpu.memory_space<hbm>>
        tpu.wait_dma2 semaphore(%run_scoped3A : memref<!tpu.dma_semaphore, #tpu.memory_space<semaphore_mem>>) src(%dma_wait3A_34 : memref<8x128xi32, #tpu.memory_space<hbm>>) dst(%arg11 : memref<8x128xi32, #tpu.memory_space<vmem>>)
        tpu.yield
      }) : () -> ()
      %eq3A = arith.constant 0 : i32
      %eq3A_22 = arith.cmpi eq, %arg0, %eq3A : i32
      %convert_element_type3A = arith.extui %eq3A_22 : i1 to i32
      %cond3A = arith.constant 0 : i32
      %cond3A_23 = arith.cmpi ne, %convert_element_type3A, %cond3A : i32
      scf.if %cond3A_23 {
        %dma_start3A = arith.constant 0 : i32
        %dma_start3A_29 = arith.constant 0 : i32
        %dma_start3A_30 = arith.constant 0 : i32
        %dma_start3A_31 = arith.constant 0 : i32
        %dma_start3A_32 = tpu.memref_slice %arg12[%dma_start3A_29, %dma_start3A_30, %dma_start3A_31] : memref<8x128x16xf32, #tpu.memory_space<vmem>> -> memref<1x128x16xf32, #tpu.memory_space<vmem>>
        %dma_start3A_33 = tpu.memref_squeeze %dma_start3A_32 : memref<1x128x16xf32, #tpu.memory_space<vmem>> -> memref<128x16xf32, #tpu.memory_space<vmem>>
        %dma_start3A_34 = arith.constant 0 : i32
        %dma_start3A_35 = tpu.memref_slice %arg10[%dma_start3A, %dma_start3A_34] : memref<8x128xi32, #tpu.memory_space<vmem>> -> memref<1x128xi32, #tpu.memory_space<vmem>>
        %dma_start3A_36 = tpu.memref_squeeze %dma_start3A_35 : memref<1x128xi32, #tpu.memory_space<vmem>> -> memref<128xi32, #tpu.memory_space<vmem>>
        %dma_start3A_37 = arith.constant 0 : i32
        %dma_start3A_38 = arith.constant 0 : i32
        %dma_start3A_39 = tpu.memref_slice %arg2[%dma_start3A_37, %dma_start3A_38] : memref<102400x16xf32, #tpu.memory_space<hbm>> -> memref<102400x16xf32, #tpu.memory_space<hbm>>
        tpu.enqueue_indirect_dma source(%dma_start3A_39 : memref<102400x16xf32, #tpu.memory_space<hbm>>) target(%dma_start3A_33 : memref<128x16xf32, #tpu.memory_space<vmem>>) offsets(%dma_start3A_36 : memref<128xi32, #tpu.memory_space<vmem>>) semaphore(%arg14 : memref<!tpu.dma_semaphore, #tpu.memory_space<semaphore_mem>>)
        %dma_start3A_40 = arith.constant 1 : i32
        %dma_start3A_41 = arith.constant 1 : i32
        %dma_start3A_42 = arith.constant 0 : i32
        %dma_start3A_43 = arith.constant 0 : i32
        %dma_start3A_44 = tpu.memref_slice %arg12[%dma_start3A_41, %dma_start3A_42, %dma_start3A_43] : memref<8x128x16xf32, #tpu.memory_space<vmem>> -> memref<1x128x16xf32, #tpu.memory_space<vmem>>
        %dma_start3A_45 = tpu.memref_squeeze %dma_start3A_44 : memref<1x128x16xf32, #tpu.memory_space<vmem>> -> memref<128x16xf32, #tpu.memory_space<vmem>>
        %dma_start3A_46 = arith.constant 0 : i32
        %dma_start3A_47 = tpu.memref_slice %arg10[%dma_start3A_40, %dma_start3A_46] : memref<8x128xi32, #tpu.memory_space<vmem>> -> memref<1x128xi32, #tpu.memory_space<vmem>>
        %dma_start3A_48 = tpu.memref_squeeze %dma_start3A_47 : memref<1x128xi32, #tpu.memory_space<vmem>> -> memref<128xi32, #tpu.memory_space<vmem>>
        %dma_start3A_49 = arith.constant 0 : i32
        %dma_start3A_50 = arith.constant 0 : i32
        %dma_start3A_51 = tpu.memref_slice %arg2[%dma_start3A_49, %dma_start3A_50] : memref<102400x16xf32, #tpu.memory_space<hbm>> -> memref<102400x16xf32, #tpu.memory_space<hbm>>
        tpu.enqueue_indirect_dma source(%dma_start3A_51 : memref<102400x16xf32, #tpu.memory_space<hbm>>) target(%dma_start3A_45 : memref<128x16xf32, #tpu.memory_space<vmem>>) offsets(%dma_start3A_48 : memref<128xi32, #tpu.memory_space<vmem>>) semaphore(%arg14 : memref<!tpu.dma_semaphore, #tpu.memory_space<semaphore_mem>>)
        %dma_start3A_52 = arith.constant 2 : i32
        %dma_start3A_53 = arith.constant 2 : i32
        %dma_start3A_54 = arith.constant 0 : i32
        %dma_start3A_55 = arith.constant 0 : i32
        %dma_start3A_56 = tpu.memref_slice %arg12[%dma_start3A_53, %dma_start3A_54, %dma_start3A_55] : memref<8x128x16xf32, #tpu.memory_space<vmem>> -> memref<1x128x16xf32, #tpu.memory_space<vmem>>
        %dma_start3A_57 = tpu.memref_squeeze %dma_start3A_56 : memref<1x128x16xf32, #tpu.memory_space<vmem>> -> memref<128x16xf32, #tpu.memory_space<vmem>>
        %dma_start3A_58 = arith.constant 0 : i32
        %dma_start3A_59 = tpu.memref_slice %arg10[%dma_start3A_52, %dma_start3A_58] : memref<8x128xi32, #tpu.memory_space<vmem>> -> memref<1x128xi32, #tpu.memory_space<vmem>>
        %dma_start3A_60 = tpu.memref_squeeze %dma_start3A_59 : memref<1x128xi32, #tpu.memory_space<vmem>> -> memref<128xi32, #tpu.memory_space<vmem>>
        %dma_start3A_61 = arith.constant 0 : i32
        %dma_start3A_62 = arith.constant 0 : i32
        %dma_start3A_63 = tpu.memref_slice %arg2[%dma_start3A_61, %dma_start3A_62] : memref<102400x16xf32, #tpu.memory_space<hbm>> -> memref<102400x16xf32, #tpu.memory_space<hbm>>
        tpu.enqueue_indirect_dma source(%dma_start3A_63 : memref<102400x16xf32, #tpu.memory_space<hbm>>) target(%dma_start3A_57 : memref<128x16xf32, #tpu.memory_space<vmem>>) offsets(%dma_start3A_60 : memref<128xi32, #tpu.memory_space<vmem>>) semaphore(%arg14 : memref<!tpu.dma_semaphore, #tpu.memory_space<semaphore_mem>>)
        %dma_start3A_64 = arith.constant 3 : i32
        %dma_start3A_65 = arith.constant 3 : i32
        %dma_start3A_66 = arith.constant 0 : i32
        %dma_start3A_67 = arith.constant 0 : i32
        %dma_start3A_68 = tpu.memref_slice %arg12[%dma_start3A_65, %dma_start3A_66, %dma_start3A_67] : memref<8x128x16xf32, #tpu.memory_space<vmem>> -> memref<1x128x16xf32, #tpu.memory_space<vmem>>
        %dma_start3A_69 = tpu.memref_squeeze %dma_start3A_68 : memref<1x128x16xf32, #tpu.memory_space<vmem>> -> memref<128x16xf32, #tpu.memory_space<vmem>>
        %dma_start3A_70 = arith.constant 0 : i32
        %dma_start3A_71 = tpu.memref_slice %arg10[%dma_start3A_64, %dma_start3A_70] : memref<8x128xi32, #tpu.memory_space<vmem>> -> memref<1x128xi32, #tpu.memory_space<vmem>>
        %dma_start3A_72 = tpu.memref_squeeze %dma_start3A_71 : memref<1x128xi32, #tpu.memory_space<vmem>> -> memref<128xi32, #tpu.memory_space<vmem>>
        %dma_start3A_73 = arith.constant 0 : i32
        %dma_start3A_74 = arith.constant 0 : i32
        %dma_start3A_75 = tpu.memref_slice %arg2[%dma_start3A_73, %dma_start3A_74] : memref<102400x16xf32, #tpu.memory_space<hbm>> -> memref<102400x16xf32, #tpu.memory_space<hbm>>
        tpu.enqueue_indirect_dma source(%dma_start3A_75 : memref<102400x16xf32, #tpu.memory_space<hbm>>) target(%dma_start3A_69 : memref<128x16xf32, #tpu.memory_space<vmem>>) offsets(%dma_start3A_72 : memref<128xi32, #tpu.memory_space<vmem>>) semaphore(%arg14 : memref<!tpu.dma_semaphore, #tpu.memory_space<semaphore_mem>>)
        %dma_start3A_76 = arith.constant 4 : i32
        %dma_start3A_77 = arith.constant 4 : i32
        %dma_start3A_78 = arith.constant 0 : i32
        %dma_start3A_79 = arith.constant 0 : i32
        %dma_start3A_80 = tpu.memref_slice %arg12[%dma_start3A_77, %dma_start3A_78, %dma_start3A_79] : memref<8x128x16xf32, #tpu.memory_space<vmem>> -> memref<1x128x16xf32, #tpu.memory_space<vmem>>
        %dma_start3A_81 = tpu.memref_squeeze %dma_start3A_80 : memref<1x128x16xf32, #tpu.memory_space<vmem>> -> memref<128x16xf32, #tpu.memory_space<vmem>>
        %dma_start3A_82 = arith.constant 0 : i32
        %dma_start3A_83 = tpu.memref_slice %arg10[%dma_start3A_76, %dma_start3A_82] : memref<8x128xi32, #tpu.memory_space<vmem>> -> memref<1x128xi32, #tpu.memory_space<vmem>>
        %dma_start3A_84 = tpu.memref_squeeze %dma_start3A_83 : memref<1x128xi32, #tpu.memory_space<vmem>> -> memref<128xi32, #tpu.memory_space<vmem>>
        %dma_start3A_85 = arith.constant 0 : i32
        %dma_start3A_86 = arith.constant 0 : i32
        %dma_start3A_87 = tpu.memref_slice %arg2[%dma_start3A_85, %dma_start3A_86] : memref<102400x16xf32, #tpu.memory_space<hbm>> -> memref<102400x16xf32, #tpu.memory_space<hbm>>
        tpu.enqueue_indirect_dma source(%dma_start3A_87 : memref<102400x16xf32, #tpu.memory_space<hbm>>) target(%dma_start3A_81 : memref<128x16xf32, #tpu.memory_space<vmem>>) offsets(%dma_start3A_84 : memref<128xi32, #tpu.memory_space<vmem>>) semaphore(%arg14 : memref<!tpu.dma_semaphore, #tpu.memory_space<semaphore_mem>>)
        %dma_start3A_88 = arith.constant 5 : i32
        %dma_start3A_89 = arith.constant 5 : i32
        %dma_start3A_90 = arith.constant 0 : i32
        %dma_start3A_91 = arith.constant 0 : i32
        %dma_start3A_92 = tpu.memref_slice %arg12[%dma_start3A_89, %dma_start3A_90, %dma_start3A_91] : memref<8x128x16xf32, #tpu.memory_space<vmem>> -> memref<1x128x16xf32, #tpu.memory_space<vmem>>
        %dma_start3A_93 = tpu.memref_squeeze %dma_start3A_92 : memref<1x128x16xf32, #tpu.memory_space<vmem>> -> memref<128x16xf32, #tpu.memory_space<vmem>>
        %dma_start3A_94 = arith.constant 0 : i32
        %dma_start3A_95 = tpu.memref_slice %arg10[%dma_start3A_88, %dma_start3A_94] : memref<8x128xi32, #tpu.memory_space<vmem>> -> memref<1x128xi32, #tpu.memory_space<vmem>>
        %dma_start3A_96 = tpu.memref_squeeze %dma_start3A_95 : memref<1x128xi32, #tpu.memory_space<vmem>> -> memref<128xi32, #tpu.memory_space<vmem>>
        %dma_start3A_97 = arith.constant 0 : i32
        %dma_start3A_98 = arith.constant 0 : i32
        %dma_start3A_99 = tpu.memref_slice %arg2[%dma_start3A_97, %dma_start3A_98] : memref<102400x16xf32, #tpu.memory_space<hbm>> -> memref<102400x16xf32, #tpu.memory_space<hbm>>
        tpu.enqueue_indirect_dma source(%dma_start3A_99 : memref<102400x16xf32, #tpu.memory_space<hbm>>) target(%dma_start3A_93 : memref<128x16xf32, #tpu.memory_space<vmem>>) offsets(%dma_start3A_96 : memref<128xi32, #tpu.memory_space<vmem>>) semaphore(%arg14 : memref<!tpu.dma_semaphore, #tpu.memory_space<semaphore_mem>>)
        %dma_start3A_100 = arith.constant 6 : i32
        %dma_start3A_101 = arith.constant 6 : i32
        %dma_start3A_102 = arith.constant 0 : i32
        %dma_start3A_103 = arith.constant 0 : i32
        %dma_start3A_104 = tpu.memref_slice %arg12[%dma_start3A_101, %dma_start3A_102, %dma_start3A_103] : memref<8x128x16xf32, #tpu.memory_space<vmem>> -> memref<1x128x16xf32, #tpu.memory_space<vmem>>
        %dma_start3A_105 = tpu.memref_squeeze %dma_start3A_104 : memref<1x128x16xf32, #tpu.memory_space<vmem>> -> memref<128x16xf32, #tpu.memory_space<vmem>>
        %dma_start3A_106 = arith.constant 0 : i32
        %dma_start3A_107 = tpu.memref_slice %arg10[%dma_start3A_100, %dma_start3A_106] : memref<8x128xi32, #tpu.memory_space<vmem>> -> memref<1x128xi32, #tpu.memory_space<vmem>>
        %dma_start3A_108 = tpu.memref_squeeze %dma_start3A_107 : memref<1x128xi32, #tpu.memory_space<vmem>> -> memref<128xi32, #tpu.memory_space<vmem>>
        %dma_start3A_109 = arith.constant 0 : i32
        %dma_start3A_110 = arith.constant 0 : i32
        %dma_start3A_111 = tpu.memref_slice %arg2[%dma_start3A_109, %dma_start3A_110] : memref<102400x16xf32, #tpu.memory_space<hbm>> -> memref<102400x16xf32, #tpu.memory_space<hbm>>
        tpu.enqueue_indirect_dma source(%dma_start3A_111 : memref<102400x16xf32, #tpu.memory_space<hbm>>) target(%dma_start3A_105 : memref<128x16xf32, #tpu.memory_space<vmem>>) offsets(%dma_start3A_108 : memref<128xi32, #tpu.memory_space<vmem>>) semaphore(%arg14 : memref<!tpu.dma_semaphore, #tpu.memory_space<semaphore_mem>>)
        %dma_start3A_112 = arith.constant 7 : i32
        %dma_start3A_113 = arith.constant 7 : i32
        %dma_start3A_114 = arith.constant 0 : i32
        %dma_start3A_115 = arith.constant 0 : i32
        %dma_start3A_116 = tpu.memref_slice %arg12[%dma_start3A_113, %dma_start3A_114, %dma_start3A_115] : memref<8x128x16xf32, #tpu.memory_space<vmem>> -> memref<1x128x16xf32, #tpu.memory_space<vmem>>
        %dma_start3A_117 = tpu.memref_squeeze %dma_start3A_116 : memref<1x128x16xf32, #tpu.memory_space<vmem>> -> memref<128x16xf32, #tpu.memory_space<vmem>>
        %dma_start3A_118 = arith.constant 0 : i32
        %dma_start3A_119 = tpu.memref_slice %arg10[%dma_start3A_112, %dma_start3A_118] : memref<8x128xi32, #tpu.memory_space<vmem>> -> memref<1x128xi32, #tpu.memory_space<vmem>>
        %dma_start3A_120 = tpu.memref_squeeze %dma_start3A_119 : memref<1x128xi32, #tpu.memory_space<vmem>> -> memref<128xi32, #tpu.memory_space<vmem>>
        %dma_start3A_121 = arith.constant 0 : i32
        %dma_start3A_122 = arith.constant 0 : i32
        %dma_start3A_123 = tpu.memref_slice %arg2[%dma_start3A_121, %dma_start3A_122] : memref<102400x16xf32, #tpu.memory_space<hbm>> -> memref<102400x16xf32, #tpu.memory_space<hbm>>
        tpu.enqueue_indirect_dma source(%dma_start3A_123 : memref<102400x16xf32, #tpu.memory_space<hbm>>) target(%dma_start3A_117 : memref<128x16xf32, #tpu.memory_space<vmem>>) offsets(%dma_start3A_120 : memref<128xi32, #tpu.memory_space<vmem>>) semaphore(%arg14 : memref<!tpu.dma_semaphore, #tpu.memory_space<semaphore_mem>>)
        %dma_wait3A = arith.constant 0 : i32
        %dma_wait3A_124 = arith.constant 0 : i32
        %dma_wait3A_125 = arith.constant 0 : i32
        %dma_wait3A_126 = arith.constant 0 : i32
        %dma_wait3A_127 = tpu.memref_slice %arg12[%dma_wait3A_124, %dma_wait3A_125, %dma_wait3A_126] : memref<8x128x16xf32, #tpu.memory_space<vmem>> -> memref<1x128x16xf32, #tpu.memory_space<vmem>>
        %dma_wait3A_128 = tpu.memref_squeeze %dma_wait3A_127 : memref<1x128x16xf32, #tpu.memory_space<vmem>> -> memref<128x16xf32, #tpu.memory_space<vmem>>
        %dma_wait3A_129 = arith.constant 0 : i32
        %dma_wait3A_130 = tpu.memref_slice %arg10[%dma_wait3A, %dma_wait3A_129] : memref<8x128xi32, #tpu.memory_space<vmem>> -> memref<1x128xi32, #tpu.memory_space<vmem>>
        %dma_wait3A_131 = tpu.memref_squeeze %dma_wait3A_130 : memref<1x128xi32, #tpu.memory_space<vmem>> -> memref<128xi32, #tpu.memory_space<vmem>>
        %dma_wait3A_132 = arith.constant 0 : i32
        %dma_wait3A_133 = arith.constant 0 : i32
        %dma_wait3A_134 = tpu.memref_slice %arg2[%dma_wait3A_132, %dma_wait3A_133] : memref<102400x16xf32, #tpu.memory_space<hbm>> -> memref<102400x16xf32, #tpu.memory_space<hbm>>
        tpu.wait_indirect_dma semaphore(%arg14 : memref<!tpu.dma_semaphore, #tpu.memory_space<semaphore_mem>>) src(%dma_wait3A_134 : memref<102400x16xf32, #tpu.memory_space<hbm>>) dst(%dma_wait3A_128 : memref<128x16xf32, #tpu.memory_space<vmem>>)
        %dma_start3A_135 = arith.constant 0 : i32
        %dma_start3A_136 = arith.constant 0 : i32
        %dma_start3A_137 = arith.constant 0 : i32
        %dma_start3A_138 = arith.constant 0 : i32
        %dma_start3A_139 = tpu.memref_slice %arg12[%dma_start3A_135, %dma_start3A_137, %dma_start3A_138] : memref<8x128x16xf32, #tpu.memory_space<vmem>> -> memref<1x128x16xf32, #tpu.memory_space<vmem>>
        %dma_start3A_140 = tpu.memref_squeeze %dma_start3A_139 : memref<1x128x16xf32, #tpu.memory_space<vmem>> -> memref<128x16xf32, #tpu.memory_space<vmem>>
        %dma_start3A_141 = arith.constant 0 : i32
        %dma_start3A_142 = tpu.memref_slice %arg11[%dma_start3A_136, %dma_start3A_141] : memref<8x128xi32, #tpu.memory_space<vmem>> -> memref<1x128xi32, #tpu.memory_space<vmem>>
        %dma_start3A_143 = tpu.memref_squeeze %dma_start3A_142 : memref<1x128xi32, #tpu.memory_space<vmem>> -> memref<128xi32, #tpu.memory_space<vmem>>
        %dma_start3A_144 = arith.constant 0 : i32
        %dma_start3A_145 = arith.constant 0 : i32
        %dma_start3A_146 = tpu.memref_slice %arg9[%dma_start3A_144, %dma_start3A_145] : memref<100500x16xf32, #tpu.memory_space<vmem_shared>> -> memref<100500x16xf32, #tpu.memory_space<vmem_shared>>
        tpu.enqueue_indirect_dma source(%dma_start3A_140 : memref<128x16xf32, #tpu.memory_space<vmem>>) target(%dma_start3A_146 : memref<100500x16xf32, #tpu.memory_space<vmem_shared>>) offsets(%dma_start3A_143 : memref<128xi32, #tpu.memory_space<vmem>>) semaphore(%arg15 : memref<!tpu.dma_semaphore, #tpu.memory_space<semaphore_mem>>) {add = true}
        %dma_wait3A_147 = arith.constant 1 : i32
        %dma_wait3A_148 = arith.constant 1 : i32
        %dma_wait3A_149 = arith.constant 0 : i32
        %dma_wait3A_150 = arith.constant 0 : i32
        %dma_wait3A_151 = tpu.memref_slice %arg12[%dma_wait3A_148, %dma_wait3A_149, %dma_wait3A_150] : memref<8x128x16xf32, #tpu.memory_space<vmem>> -> memref<1x128x16xf32, #tpu.memory_space<vmem>>
        %dma_wait3A_152 = tpu.memref_squeeze %dma_wait3A_151 : memref<1x128x16xf32, #tpu.memory_space<vmem>> -> memref<128x16xf32, #tpu.memory_space<vmem>>
        %dma_wait3A_153 = arith.constant 0 : i32
        %dma_wait3A_154 = tpu.memref_slice %arg10[%dma_wait3A_147, %dma_wait3A_153] : memref<8x128xi32, #tpu.memory_space<vmem>> -> memref<1x128xi32, #tpu.memory_space<vmem>>
        %dma_wait3A_155 = tpu.memref_squeeze %dma_wait3A_154 : memref<1x128xi32, #tpu.memory_space<vmem>> -> memref<128xi32, #tpu.memory_space<vmem>>
        %dma_wait3A_156 = arith.constant 0 : i32
        %dma_wait3A_157 = arith.constant 0 : i32
        %dma_wait3A_158 = tpu.memref_slice %arg2[%dma_wait3A_156, %dma_wait3A_157] : memref<102400x16xf32, #tpu.memory_space<hbm>> -> memref<102400x16xf32, #tpu.memory_space<hbm>>
        tpu.wait_indirect_dma semaphore(%arg14 : memref<!tpu.dma_semaphore, #tpu.memory_space<semaphore_mem>>) src(%dma_wait3A_158 : memref<102400x16xf32, #tpu.memory_space<hbm>>) dst(%dma_wait3A_152 : memref<128x16xf32, #tpu.memory_space<vmem>>)
        %dma_start3A_159 = arith.constant 1 : i32
        %dma_start3A_160 = arith.constant 1 : i32
        %dma_start3A_161 = arith.constant 0 : i32
        %dma_start3A_162 = arith.constant 0 : i32
        %dma_start3A_163 = tpu.memref_slice %arg12[%dma_start3A_159, %dma_start3A_161, %dma_start3A_162] : memref<8x128x16xf32, #tpu.memory_space<vmem>> -> memref<1x128x16xf32, #tpu.memory_space<vmem>>
        %dma_start3A_164 = tpu.memref_squeeze %dma_start3A_163 : memref<1x128x16xf32, #tpu.memory_space<vmem>> -> memref<128x16xf32, #tpu.memory_space<vmem>>
        %dma_start3A_165 = arith.constant 0 : i32
        %dma_start3A_166 = tpu.memref_slice %arg11[%dma_start3A_160, %dma_start3A_165] : memref<8x128xi32, #tpu.memory_space<vmem>> -> memref<1x128xi32, #tpu.memory_space<vmem>>
        %dma_start3A_167 = tpu.memref_squeeze %dma_start3A_166 : memref<1x128xi32, #tpu.memory_space<vmem>> -> memref<128xi32, #tpu.memory_space<vmem>>
        %dma_start3A_168 = arith.constant 0 : i32
        %dma_start3A_169 = arith.constant 0 : i32
        %dma_start3A_170 = tpu.memref_slice %arg9[%dma_start3A_168, %dma_start3A_169] : memref<100500x16xf32, #tpu.memory_space<vmem_shared>> -> memref<100500x16xf32, #tpu.memory_space<vmem_shared>>
        tpu.enqueue_indirect_dma source(%dma_start3A_164 : memref<128x16xf32, #tpu.memory_space<vmem>>) target(%dma_start3A_170 : memref<100500x16xf32, #tpu.memory_space<vmem_shared>>) offsets(%dma_start3A_167 : memref<128xi32, #tpu.memory_space<vmem>>) semaphore(%arg15 : memref<!tpu.dma_semaphore, #tpu.memory_space<semaphore_mem>>) {add = true}
        %dma_wait3A_171 = arith.constant 2 : i32
        %dma_wait3A_172 = arith.constant 2 : i32
        %dma_wait3A_173 = arith.constant 0 : i32
        %dma_wait3A_174 = arith.constant 0 : i32
        %dma_wait3A_175 = tpu.memref_slice %arg12[%dma_wait3A_172, %dma_wait3A_173, %dma_wait3A_174] : memref<8x128x16xf32, #tpu.memory_space<vmem>> -> memref<1x128x16xf32, #tpu.memory_space<vmem>>
        %dma_wait3A_176 = tpu.memref_squeeze %dma_wait3A_175 : memref<1x128x16xf32, #tpu.memory_space<vmem>> -> memref<128x16xf32, #tpu.memory_space<vmem>>
        %dma_wait3A_177 = arith.constant 0 : i32
        %dma_wait3A_178 = tpu.memref_slice %arg10[%dma_wait3A_171, %dma_wait3A_177] : memref<8x128xi32, #tpu.memory_space<vmem>> -> memref<1x128xi32, #tpu.memory_space<vmem>>
        %dma_wait3A_179 = tpu.memref_squeeze %dma_wait3A_178 : memref<1x128xi32, #tpu.memory_space<vmem>> -> memref<128xi32, #tpu.memory_space<vmem>>
        %dma_wait3A_180 = arith.constant 0 : i32
        %dma_wait3A_181 = arith.constant 0 : i32
        %dma_wait3A_182 = tpu.memref_slice %arg2[%dma_wait3A_180, %dma_wait3A_181] : memref<102400x16xf32, #tpu.memory_space<hbm>> -> memref<102400x16xf32, #tpu.memory_space<hbm>>
        tpu.wait_indirect_dma semaphore(%arg14 : memref<!tpu.dma_semaphore, #tpu.memory_space<semaphore_mem>>) src(%dma_wait3A_182 : memref<102400x16xf32, #tpu.memory_space<hbm>>) dst(%dma_wait3A_176 : memref<128x16xf32, #tpu.memory_space<vmem>>)
        %dma_start3A_183 = arith.constant 2 : i32
        %dma_start3A_184 = arith.constant 2 : i32
        %dma_start3A_185 = arith.constant 0 : i32
        %dma_start3A_186 = arith.constant 0 : i32
        %dma_start3A_187 = tpu.memref_slice %arg12[%dma_start3A_183, %dma_start3A_185, %dma_start3A_186] : memref<8x128x16xf32, #tpu.memory_space<vmem>> -> memref<1x128x16xf32, #tpu.memory_space<vmem>>
        %dma_start3A_188 = tpu.memref_squeeze %dma_start3A_187 : memref<1x128x16xf32, #tpu.memory_space<vmem>> -> memref<128x16xf32, #tpu.memory_space<vmem>>
        %dma_start3A_189 = arith.constant 0 : i32
        %dma_start3A_190 = tpu.memref_slice %arg11[%dma_start3A_184, %dma_start3A_189] : memref<8x128xi32, #tpu.memory_space<vmem>> -> memref<1x128xi32, #tpu.memory_space<vmem>>
        %dma_start3A_191 = tpu.memref_squeeze %dma_start3A_190 : memref<1x128xi32, #tpu.memory_space<vmem>> -> memref<128xi32, #tpu.memory_space<vmem>>
        %dma_start3A_192 = arith.constant 0 : i32
        %dma_start3A_193 = arith.constant 0 : i32
        %dma_start3A_194 = tpu.memref_slice %arg9[%dma_start3A_192, %dma_start3A_193] : memref<100500x16xf32, #tpu.memory_space<vmem_shared>> -> memref<100500x16xf32, #tpu.memory_space<vmem_shared>>
        tpu.enqueue_indirect_dma source(%dma_start3A_188 : memref<128x16xf32, #tpu.memory_space<vmem>>) target(%dma_start3A_194 : memref<100500x16xf32, #tpu.memory_space<vmem_shared>>) offsets(%dma_start3A_191 : memref<128xi32, #tpu.memory_space<vmem>>) semaphore(%arg15 : memref<!tpu.dma_semaphore, #tpu.memory_space<semaphore_mem>>) {add = true}
        %dma_wait3A_195 = arith.constant 3 : i32
        %dma_wait3A_196 = arith.constant 3 : i32
        %dma_wait3A_197 = arith.constant 0 : i32
        %dma_wait3A_198 = arith.constant 0 : i32
        %dma_wait3A_199 = tpu.memref_slice %arg12[%dma_wait3A_196, %dma_wait3A_197, %dma_wait3A_198] : memref<8x128x16xf32, #tpu.memory_space<vmem>> -> memref<1x128x16xf32, #tpu.memory_space<vmem>>
        %dma_wait3A_200 = tpu.memref_squeeze %dma_wait3A_199 : memref<1x128x16xf32, #tpu.memory_space<vmem>> -> memref<128x16xf32, #tpu.memory_space<vmem>>
        %dma_wait3A_201 = arith.constant 0 : i32
        %dma_wait3A_202 = tpu.memref_slice %arg10[%dma_wait3A_195, %dma_wait3A_201] : memref<8x128xi32, #tpu.memory_space<vmem>> -> memref<1x128xi32, #tpu.memory_space<vmem>>
        %dma_wait3A_203 = tpu.memref_squeeze %dma_wait3A_202 : memref<1x128xi32, #tpu.memory_space<vmem>> -> memref<128xi32, #tpu.memory_space<vmem>>
        %dma_wait3A_204 = arith.constant 0 : i32
        %dma_wait3A_205 = arith.constant 0 : i32
        %dma_wait3A_206 = tpu.memref_slice %arg2[%dma_wait3A_204, %dma_wait3A_205] : memref<102400x16xf32, #tpu.memory_space<hbm>> -> memref<102400x16xf32, #tpu.memory_space<hbm>>
        tpu.wait_indirect_dma semaphore(%arg14 : memref<!tpu.dma_semaphore, #tpu.memory_space<semaphore_mem>>) src(%dma_wait3A_206 : memref<102400x16xf32, #tpu.memory_space<hbm>>) dst(%dma_wait3A_200 : memref<128x16xf32, #tpu.memory_space<vmem>>)
        %dma_start3A_207 = arith.constant 3 : i32
        %dma_start3A_208 = arith.constant 3 : i32
        %dma_start3A_209 = arith.constant 0 : i32
        %dma_start3A_210 = arith.constant 0 : i32
        %dma_start3A_211 = tpu.memref_slice %arg12[%dma_start3A_207, %dma_start3A_209, %dma_start3A_210] : memref<8x128x16xf32, #tpu.memory_space<vmem>> -> memref<1x128x16xf32, #tpu.memory_space<vmem>>
        %dma_start3A_212 = tpu.memref_squeeze %dma_start3A_211 : memref<1x128x16xf32, #tpu.memory_space<vmem>> -> memref<128x16xf32, #tpu.memory_space<vmem>>
        %dma_start3A_213 = arith.constant 0 : i32
        %dma_start3A_214 = tpu.memref_slice %arg11[%dma_start3A_208, %dma_start3A_213] : memref<8x128xi32, #tpu.memory_space<vmem>> -> memref<1x128xi32, #tpu.memory_space<vmem>>
        %dma_start3A_215 = tpu.memref_squeeze %dma_start3A_214 : memref<1x128xi32, #tpu.memory_space<vmem>> -> memref<128xi32, #tpu.memory_space<vmem>>
        %dma_start3A_216 = arith.constant 0 : i32
        %dma_start3A_217 = arith.constant 0 : i32
        %dma_start3A_218 = tpu.memref_slice %arg9[%dma_start3A_216, %dma_start3A_217] : memref<100500x16xf32, #tpu.memory_space<vmem_shared>> -> memref<100500x16xf32, #tpu.memory_space<vmem_shared>>
        tpu.enqueue_indirect_dma source(%dma_start3A_212 : memref<128x16xf32, #tpu.memory_space<vmem>>) target(%dma_start3A_218 : memref<100500x16xf32, #tpu.memory_space<vmem_shared>>) offsets(%dma_start3A_215 : memref<128xi32, #tpu.memory_space<vmem>>) semaphore(%arg15 : memref<!tpu.dma_semaphore, #tpu.memory_space<semaphore_mem>>) {add = true}
        %dma_wait3A_219 = arith.constant 4 : i32
        %dma_wait3A_220 = arith.constant 4 : i32
        %dma_wait3A_221 = arith.constant 0 : i32
        %dma_wait3A_222 = arith.constant 0 : i32
        %dma_wait3A_223 = tpu.memref_slice %arg12[%dma_wait3A_220, %dma_wait3A_221, %dma_wait3A_222] : memref<8x128x16xf32, #tpu.memory_space<vmem>> -> memref<1x128x16xf32, #tpu.memory_space<vmem>>
        %dma_wait3A_224 = tpu.memref_squeeze %dma_wait3A_223 : memref<1x128x16xf32, #tpu.memory_space<vmem>> -> memref<128x16xf32, #tpu.memory_space<vmem>>
        %dma_wait3A_225 = arith.constant 0 : i32
        %dma_wait3A_226 = tpu.memref_slice %arg10[%dma_wait3A_219, %dma_wait3A_225] : memref<8x128xi32, #tpu.memory_space<vmem>> -> memref<1x128xi32, #tpu.memory_space<vmem>>
        %dma_wait3A_227 = tpu.memref_squeeze %dma_wait3A_226 : memref<1x128xi32, #tpu.memory_space<vmem>> -> memref<128xi32, #tpu.memory_space<vmem>>
        %dma_wait3A_228 = arith.constant 0 : i32
        %dma_wait3A_229 = arith.constant 0 : i32
        %dma_wait3A_230 = tpu.memref_slice %arg2[%dma_wait3A_228, %dma_wait3A_229] : memref<102400x16xf32, #tpu.memory_space<hbm>> -> memref<102400x16xf32, #tpu.memory_space<hbm>>
        tpu.wait_indirect_dma semaphore(%arg14 : memref<!tpu.dma_semaphore, #tpu.memory_space<semaphore_mem>>) src(%dma_wait3A_230 : memref<102400x16xf32, #tpu.memory_space<hbm>>) dst(%dma_wait3A_224 : memref<128x16xf32, #tpu.memory_space<vmem>>)
        %dma_start3A_231 = arith.constant 4 : i32
        %dma_start3A_232 = arith.constant 4 : i32
        %dma_start3A_233 = arith.constant 0 : i32
        %dma_start3A_234 = arith.constant 0 : i32
        %dma_start3A_235 = tpu.memref_slice %arg12[%dma_start3A_231, %dma_start3A_233, %dma_start3A_234] : memref<8x128x16xf32, #tpu.memory_space<vmem>> -> memref<1x128x16xf32, #tpu.memory_space<vmem>>
        %dma_start3A_236 = tpu.memref_squeeze %dma_start3A_235 : memref<1x128x16xf32, #tpu.memory_space<vmem>> -> memref<128x16xf32, #tpu.memory_space<vmem>>
        %dma_start3A_237 = arith.constant 0 : i32
        %dma_start3A_238 = tpu.memref_slice %arg11[%dma_start3A_232, %dma_start3A_237] : memref<8x128xi32, #tpu.memory_space<vmem>> -> memref<1x128xi32, #tpu.memory_space<vmem>>
        %dma_start3A_239 = tpu.memref_squeeze %dma_start3A_238 : memref<1x128xi32, #tpu.memory_space<vmem>> -> memref<128xi32, #tpu.memory_space<vmem>>
        %dma_start3A_240 = arith.constant 0 : i32
        %dma_start3A_241 = arith.constant 0 : i32
        %dma_start3A_242 = tpu.memref_slice %arg9[%dma_start3A_240, %dma_start3A_241] : memref<100500x16xf32, #tpu.memory_space<vmem_shared>> -> memref<100500x16xf32, #tpu.memory_space<vmem_shared>>
        tpu.enqueue_indirect_dma source(%dma_start3A_236 : memref<128x16xf32, #tpu.memory_space<vmem>>) target(%dma_start3A_242 : memref<100500x16xf32, #tpu.memory_space<vmem_shared>>) offsets(%dma_start3A_239 : memref<128xi32, #tpu.memory_space<vmem>>) semaphore(%arg15 : memref<!tpu.dma_semaphore, #tpu.memory_space<semaphore_mem>>) {add = true}
        %dma_wait3A_243 = arith.constant 5 : i32
        %dma_wait3A_244 = arith.constant 5 : i32
        %dma_wait3A_245 = arith.constant 0 : i32
        %dma_wait3A_246 = arith.constant 0 : i32
        %dma_wait3A_247 = tpu.memref_slice %arg12[%dma_wait3A_244, %dma_wait3A_245, %dma_wait3A_246] : memref<8x128x16xf32, #tpu.memory_space<vmem>> -> memref<1x128x16xf32, #tpu.memory_space<vmem>>
        %dma_wait3A_248 = tpu.memref_squeeze %dma_wait3A_247 : memref<1x128x16xf32, #tpu.memory_space<vmem>> -> memref<128x16xf32, #tpu.memory_space<vmem>>
        %dma_wait3A_249 = arith.constant 0 : i32
        %dma_wait3A_250 = tpu.memref_slice %arg10[%dma_wait3A_243, %dma_wait3A_249] : memref<8x128xi32, #tpu.memory_space<vmem>> -> memref<1x128xi32, #tpu.memory_space<vmem>>
        %dma_wait3A_251 = tpu.memref_squeeze %dma_wait3A_250 : memref<1x128xi32, #tpu.memory_space<vmem>> -> memref<128xi32, #tpu.memory_space<vmem>>
        %dma_wait3A_252 = arith.constant 0 : i32
        %dma_wait3A_253 = arith.constant 0 : i32
        %dma_wait3A_254 = tpu.memref_slice %arg2[%dma_wait3A_252, %dma_wait3A_253] : memref<102400x16xf32, #tpu.memory_space<hbm>> -> memref<102400x16xf32, #tpu.memory_space<hbm>>
        tpu.wait_indirect_dma semaphore(%arg14 : memref<!tpu.dma_semaphore, #tpu.memory_space<semaphore_mem>>) src(%dma_wait3A_254 : memref<102400x16xf32, #tpu.memory_space<hbm>>) dst(%dma_wait3A_248 : memref<128x16xf32, #tpu.memory_space<vmem>>)
        %dma_start3A_255 = arith.constant 5 : i32
        %dma_start3A_256 = arith.constant 5 : i32
        %dma_start3A_257 = arith.constant 0 : i32
        %dma_start3A_258 = arith.constant 0 : i32
        %dma_start3A_259 = tpu.memref_slice %arg12[%dma_start3A_255, %dma_start3A_257, %dma_start3A_258] : memref<8x128x16xf32, #tpu.memory_space<vmem>> -> memref<1x128x16xf32, #tpu.memory_space<vmem>>
        %dma_start3A_260 = tpu.memref_squeeze %dma_start3A_259 : memref<1x128x16xf32, #tpu.memory_space<vmem>> -> memref<128x16xf32, #tpu.memory_space<vmem>>
        %dma_start3A_261 = arith.constant 0 : i32
        %dma_start3A_262 = tpu.memref_slice %arg11[%dma_start3A_256, %dma_start3A_261] : memref<8x128xi32, #tpu.memory_space<vmem>> -> memref<1x128xi32, #tpu.memory_space<vmem>>
        %dma_start3A_263 = tpu.memref_squeeze %dma_start3A_262 : memref<1x128xi32, #tpu.memory_space<vmem>> -> memref<128xi32, #tpu.memory_space<vmem>>
        %dma_start3A_264 = arith.constant 0 : i32
        %dma_start3A_265 = arith.constant 0 : i32
        %dma_start3A_266 = tpu.memref_slice %arg9[%dma_start3A_264, %dma_start3A_265] : memref<100500x16xf32, #tpu.memory_space<vmem_shared>> -> memref<100500x16xf32, #tpu.memory_space<vmem_shared>>
        tpu.enqueue_indirect_dma source(%dma_start3A_260 : memref<128x16xf32, #tpu.memory_space<vmem>>) target(%dma_start3A_266 : memref<100500x16xf32, #tpu.memory_space<vmem_shared>>) offsets(%dma_start3A_263 : memref<128xi32, #tpu.memory_space<vmem>>) semaphore(%arg15 : memref<!tpu.dma_semaphore, #tpu.memory_space<semaphore_mem>>) {add = true}
        %dma_wait3A_267 = arith.constant 6 : i32
        %dma_wait3A_268 = arith.constant 6 : i32
        %dma_wait3A_269 = arith.constant 0 : i32
        %dma_wait3A_270 = arith.constant 0 : i32
        %dma_wait3A_271 = tpu.memref_slice %arg12[%dma_wait3A_268, %dma_wait3A_269, %dma_wait3A_270] : memref<8x128x16xf32, #tpu.memory_space<vmem>> -> memref<1x128x16xf32, #tpu.memory_space<vmem>>
        %dma_wait3A_272 = tpu.memref_squeeze %dma_wait3A_271 : memref<1x128x16xf32, #tpu.memory_space<vmem>> -> memref<128x16xf32, #tpu.memory_space<vmem>>
        %dma_wait3A_273 = arith.constant 0 : i32
        %dma_wait3A_274 = tpu.memref_slice %arg10[%dma_wait3A_267, %dma_wait3A_273] : memref<8x128xi32, #tpu.memory_space<vmem>> -> memref<1x128xi32, #tpu.memory_space<vmem>>
        %dma_wait3A_275 = tpu.memref_squeeze %dma_wait3A_274 : memref<1x128xi32, #tpu.memory_space<vmem>> -> memref<128xi32, #tpu.memory_space<vmem>>
        %dma_wait3A_276 = arith.constant 0 : i32
        %dma_wait3A_277 = arith.constant 0 : i32
        %dma_wait3A_278 = tpu.memref_slice %arg2[%dma_wait3A_276, %dma_wait3A_277] : memref<102400x16xf32, #tpu.memory_space<hbm>> -> memref<102400x16xf32, #tpu.memory_space<hbm>>
        tpu.wait_indirect_dma semaphore(%arg14 : memref<!tpu.dma_semaphore, #tpu.memory_space<semaphore_mem>>) src(%dma_wait3A_278 : memref<102400x16xf32, #tpu.memory_space<hbm>>) dst(%dma_wait3A_272 : memref<128x16xf32, #tpu.memory_space<vmem>>)
        %dma_start3A_279 = arith.constant 6 : i32
        %dma_start3A_280 = arith.constant 6 : i32
        %dma_start3A_281 = arith.constant 0 : i32
        %dma_start3A_282 = arith.constant 0 : i32
        %dma_start3A_283 = tpu.memref_slice %arg12[%dma_start3A_279, %dma_start3A_281, %dma_start3A_282] : memref<8x128x16xf32, #tpu.memory_space<vmem>> -> memref<1x128x16xf32, #tpu.memory_space<vmem>>
        %dma_start3A_284 = tpu.memref_squeeze %dma_start3A_283 : memref<1x128x16xf32, #tpu.memory_space<vmem>> -> memref<128x16xf32, #tpu.memory_space<vmem>>
        %dma_start3A_285 = arith.constant 0 : i32
        %dma_start3A_286 = tpu.memref_slice %arg11[%dma_start3A_280, %dma_start3A_285] : memref<8x128xi32, #tpu.memory_space<vmem>> -> memref<1x128xi32, #tpu.memory_space<vmem>>
        %dma_start3A_287 = tpu.memref_squeeze %dma_start3A_286 : memref<1x128xi32, #tpu.memory_space<vmem>> -> memref<128xi32, #tpu.memory_space<vmem>>
        %dma_start3A_288 = arith.constant 0 : i32
        %dma_start3A_289 = arith.constant 0 : i32
        %dma_start3A_290 = tpu.memref_slice %arg9[%dma_start3A_288, %dma_start3A_289] : memref<100500x16xf32, #tpu.memory_space<vmem_shared>> -> memref<100500x16xf32, #tpu.memory_space<vmem_shared>>
        tpu.enqueue_indirect_dma source(%dma_start3A_284 : memref<128x16xf32, #tpu.memory_space<vmem>>) target(%dma_start3A_290 : memref<100500x16xf32, #tpu.memory_space<vmem_shared>>) offsets(%dma_start3A_287 : memref<128xi32, #tpu.memory_space<vmem>>) semaphore(%arg15 : memref<!tpu.dma_semaphore, #tpu.memory_space<semaphore_mem>>) {add = true}
        %dma_wait3A_291 = arith.constant 7 : i32
        %dma_wait3A_292 = arith.constant 7 : i32
        %dma_wait3A_293 = arith.constant 0 : i32
        %dma_wait3A_294 = arith.constant 0 : i32
        %dma_wait3A_295 = tpu.memref_slice %arg12[%dma_wait3A_292, %dma_wait3A_293, %dma_wait3A_294] : memref<8x128x16xf32, #tpu.memory_space<vmem>> -> memref<1x128x16xf32, #tpu.memory_space<vmem>>
        %dma_wait3A_296 = tpu.memref_squeeze %dma_wait3A_295 : memref<1x128x16xf32, #tpu.memory_space<vmem>> -> memref<128x16xf32, #tpu.memory_space<vmem>>
        %dma_wait3A_297 = arith.constant 0 : i32
        %dma_wait3A_298 = tpu.memref_slice %arg10[%dma_wait3A_291, %dma_wait3A_297] : memref<8x128xi32, #tpu.memory_space<vmem>> -> memref<1x128xi32, #tpu.memory_space<vmem>>
        %dma_wait3A_299 = tpu.memref_squeeze %dma_wait3A_298 : memref<1x128xi32, #tpu.memory_space<vmem>> -> memref<128xi32, #tpu.memory_space<vmem>>
        %dma_wait3A_300 = arith.constant 0 : i32
        %dma_wait3A_301 = arith.constant 0 : i32
        %dma_wait3A_302 = tpu.memref_slice %arg2[%dma_wait3A_300, %dma_wait3A_301] : memref<102400x16xf32, #tpu.memory_space<hbm>> -> memref<102400x16xf32, #tpu.memory_space<hbm>>
        tpu.wait_indirect_dma semaphore(%arg14 : memref<!tpu.dma_semaphore, #tpu.memory_space<semaphore_mem>>) src(%dma_wait3A_302 : memref<102400x16xf32, #tpu.memory_space<hbm>>) dst(%dma_wait3A_296 : memref<128x16xf32, #tpu.memory_space<vmem>>)
        %dma_start3A_303 = arith.constant 7 : i32
        %dma_start3A_304 = arith.constant 7 : i32
        %dma_start3A_305 = arith.constant 0 : i32
        %dma_start3A_306 = arith.constant 0 : i32
        %dma_start3A_307 = tpu.memref_slice %arg12[%dma_start3A_303, %dma_start3A_305, %dma_start3A_306] : memref<8x128x16xf32, #tpu.memory_space<vmem>> -> memref<1x128x16xf32, #tpu.memory_space<vmem>>
        %dma_start3A_308 = tpu.memref_squeeze %dma_start3A_307 : memref<1x128x16xf32, #tpu.memory_space<vmem>> -> memref<128x16xf32, #tpu.memory_space<vmem>>
        %dma_start3A_309 = arith.constant 0 : i32
        %dma_start3A_310 = tpu.memref_slice %arg11[%dma_start3A_304, %dma_start3A_309] : memref<8x128xi32, #tpu.memory_space<vmem>> -> memref<1x128xi32, #tpu.memory_space<vmem>>
        %dma_start3A_311 = tpu.memref_squeeze %dma_start3A_310 : memref<1x128xi32, #tpu.memory_space<vmem>> -> memref<128xi32, #tpu.memory_space<vmem>>
        %dma_start3A_312 = arith.constant 0 : i32
        %dma_start3A_313 = arith.constant 0 : i32
        %dma_start3A_314 = tpu.memref_slice %arg9[%dma_start3A_312, %dma_start3A_313] : memref<100500x16xf32, #tpu.memory_space<vmem_shared>> -> memref<100500x16xf32, #tpu.memory_space<vmem_shared>>
        tpu.enqueue_indirect_dma source(%dma_start3A_308 : memref<128x16xf32, #tpu.memory_space<vmem>>) target(%dma_start3A_314 : memref<100500x16xf32, #tpu.memory_space<vmem_shared>>) offsets(%dma_start3A_311 : memref<128xi32, #tpu.memory_space<vmem>>) semaphore(%arg15 : memref<!tpu.dma_semaphore, #tpu.memory_space<semaphore_mem>>) {add = true}
        %dma_wait3A_315 = arith.constant 0 : i32
        %dma_wait3A_316 = arith.constant 0 : i32
        %dma_wait3A_317 = arith.constant 0 : i32
        %dma_wait3A_318 = arith.constant 0 : i32
        %dma_wait3A_319 = tpu.memref_slice %arg12[%dma_wait3A_315, %dma_wait3A_317, %dma_wait3A_318] : memref<8x128x16xf32, #tpu.memory_space<vmem>> -> memref<1x128x16xf32, #tpu.memory_space<vmem>>
        %dma_wait3A_320 = tpu.memref_squeeze %dma_wait3A_319 : memref<1x128x16xf32, #tpu.memory_space<vmem>> -> memref<128x16xf32, #tpu.memory_space<vmem>>
        %dma_wait3A_321 = arith.constant 0 : i32
        %dma_wait3A_322 = tpu.memref_slice %arg11[%dma_wait3A_316, %dma_wait3A_321] : memref<8x128xi32, #tpu.memory_space<vmem>> -> memref<1x128xi32, #tpu.memory_space<vmem>>
        %dma_wait3A_323 = tpu.memref_squeeze %dma_wait3A_322 : memref<1x128xi32, #tpu.memory_space<vmem>> -> memref<128xi32, #tpu.memory_space<vmem>>
        %dma_wait3A_324 = arith.constant 0 : i32
        %dma_wait3A_325 = arith.constant 0 : i32
        %dma_wait3A_326 = tpu.memref_slice %arg9[%dma_wait3A_324, %dma_wait3A_325] : memref<100500x16xf32, #tpu.memory_space<vmem_shared>> -> memref<100500x16xf32, #tpu.memory_space<vmem_shared>>
        tpu.wait_indirect_dma semaphore(%arg15 : memref<!tpu.dma_semaphore, #tpu.memory_space<semaphore_mem>>) src(%dma_wait3A_320 : memref<128x16xf32, #tpu.memory_space<vmem>>) dst(%dma_wait3A_326 : memref<100500x16xf32, #tpu.memory_space<vmem_shared>>)
        %dma_wait3A_327 = arith.constant 1 : i32
        %dma_wait3A_328 = arith.constant 1 : i32
        %dma_wait3A_329 = arith.constant 0 : i32
        %dma_wait3A_330 = arith.constant 0 : i32
        %dma_wait3A_331 = tpu.memref_slice %arg12[%dma_wait3A_327, %dma_wait3A_329, %dma_wait3A_330] : memref<8x128x16xf32, #tpu.memory_space<vmem>> -> memref<1x128x16xf32, #tpu.memory_space<vmem>>
        %dma_wait3A_332 = tpu.memref_squeeze %dma_wait3A_331 : memref<1x128x16xf32, #tpu.memory_space<vmem>> -> memref<128x16xf32, #tpu.memory_space<vmem>>
        %dma_wait3A_333 = arith.constant 0 : i32
        %dma_wait3A_334 = tpu.memref_slice %arg11[%dma_wait3A_328, %dma_wait3A_333] : memref<8x128xi32, #tpu.memory_space<vmem>> -> memref<1x128xi32, #tpu.memory_space<vmem>>
        %dma_wait3A_335 = tpu.memref_squeeze %dma_wait3A_334 : memref<1x128xi32, #tpu.memory_space<vmem>> -> memref<128xi32, #tpu.memory_space<vmem>>
        %dma_wait3A_336 = arith.constant 0 : i32
        %dma_wait3A_337 = arith.constant 0 : i32
        %dma_wait3A_338 = tpu.memref_slice %arg9[%dma_wait3A_336, %dma_wait3A_337] : memref<100500x16xf32, #tpu.memory_space<vmem_shared>> -> memref<100500x16xf32, #tpu.memory_space<vmem_shared>>
        tpu.wait_indirect_dma semaphore(%arg15 : memref<!tpu.dma_semaphore, #tpu.memory_space<semaphore_mem>>) src(%dma_wait3A_332 : memref<128x16xf32, #tpu.memory_space<vmem>>) dst(%dma_wait3A_338 : memref<100500x16xf32, #tpu.memory_space<vmem_shared>>)
        %dma_wait3A_339 = arith.constant 2 : i32
        %dma_wait3A_340 = arith.constant 2 : i32
        %dma_wait3A_341 = arith.constant 0 : i32
        %dma_wait3A_342 = arith.constant 0 : i32
        %dma_wait3A_343 = tpu.memref_slice %arg12[%dma_wait3A_339, %dma_wait3A_341, %dma_wait3A_342] : memref<8x128x16xf32, #tpu.memory_space<vmem>> -> memref<1x128x16xf32, #tpu.memory_space<vmem>>
        %dma_wait3A_344 = tpu.memref_squeeze %dma_wait3A_343 : memref<1x128x16xf32, #tpu.memory_space<vmem>> -> memref<128x16xf32, #tpu.memory_space<vmem>>
        %dma_wait3A_345 = arith.constant 0 : i32
        %dma_wait3A_346 = tpu.memref_slice %arg11[%dma_wait3A_340, %dma_wait3A_345] : memref<8x128xi32, #tpu.memory_space<vmem>> -> memref<1x128xi32, #tpu.memory_space<vmem>>
        %dma_wait3A_347 = tpu.memref_squeeze %dma_wait3A_346 : memref<1x128xi32, #tpu.memory_space<vmem>> -> memref<128xi32, #tpu.memory_space<vmem>>
        %dma_wait3A_348 = arith.constant 0 : i32
        %dma_wait3A_349 = arith.constant 0 : i32
        %dma_wait3A_350 = tpu.memref_slice %arg9[%dma_wait3A_348, %dma_wait3A_349] : memref<100500x16xf32, #tpu.memory_space<vmem_shared>> -> memref<100500x16xf32, #tpu.memory_space<vmem_shared>>
        tpu.wait_indirect_dma semaphore(%arg15 : memref<!tpu.dma_semaphore, #tpu.memory_space<semaphore_mem>>) src(%dma_wait3A_344 : memref<128x16xf32, #tpu.memory_space<vmem>>) dst(%dma_wait3A_350 : memref<100500x16xf32, #tpu.memory_space<vmem_shared>>)
        %dma_wait3A_351 = arith.constant 3 : i32
        %dma_wait3A_352 = arith.constant 3 : i32
        %dma_wait3A_353 = arith.constant 0 : i32
        %dma_wait3A_354 = arith.constant 0 : i32
        %dma_wait3A_355 = tpu.memref_slice %arg12[%dma_wait3A_351, %dma_wait3A_353, %dma_wait3A_354] : memref<8x128x16xf32, #tpu.memory_space<vmem>> -> memref<1x128x16xf32, #tpu.memory_space<vmem>>
        %dma_wait3A_356 = tpu.memref_squeeze %dma_wait3A_355 : memref<1x128x16xf32, #tpu.memory_space<vmem>> -> memref<128x16xf32, #tpu.memory_space<vmem>>
        %dma_wait3A_357 = arith.constant 0 : i32
        %dma_wait3A_358 = tpu.memref_slice %arg11[%dma_wait3A_352, %dma_wait3A_357] : memref<8x128xi32, #tpu.memory_space<vmem>> -> memref<1x128xi32, #tpu.memory_space<vmem>>
        %dma_wait3A_359 = tpu.memref_squeeze %dma_wait3A_358 : memref<1x128xi32, #tpu.memory_space<vmem>> -> memref<128xi32, #tpu.memory_space<vmem>>
        %dma_wait3A_360 = arith.constant 0 : i32
        %dma_wait3A_361 = arith.constant 0 : i32
        %dma_wait3A_362 = tpu.memref_slice %arg9[%dma_wait3A_360, %dma_wait3A_361] : memref<100500x16xf32, #tpu.memory_space<vmem_shared>> -> memref<100500x16xf32, #tpu.memory_space<vmem_shared>>
        tpu.wait_indirect_dma semaphore(%arg15 : memref<!tpu.dma_semaphore, #tpu.memory_space<semaphore_mem>>) src(%dma_wait3A_356 : memref<128x16xf32, #tpu.memory_space<vmem>>) dst(%dma_wait3A_362 : memref<100500x16xf32, #tpu.memory_space<vmem_shared>>)
        %dma_wait3A_363 = arith.constant 4 : i32
        %dma_wait3A_364 = arith.constant 4 : i32
        %dma_wait3A_365 = arith.constant 0 : i32
        %dma_wait3A_366 = arith.constant 0 : i32
        %dma_wait3A_367 = tpu.memref_slice %arg12[%dma_wait3A_363, %dma_wait3A_365, %dma_wait3A_366] : memref<8x128x16xf32, #tpu.memory_space<vmem>> -> memref<1x128x16xf32, #tpu.memory_space<vmem>>
        %dma_wait3A_368 = tpu.memref_squeeze %dma_wait3A_367 : memref<1x128x16xf32, #tpu.memory_space<vmem>> -> memref<128x16xf32, #tpu.memory_space<vmem>>
        %dma_wait3A_369 = arith.constant 0 : i32
        %dma_wait3A_370 = tpu.memref_slice %arg11[%dma_wait3A_364, %dma_wait3A_369] : memref<8x128xi32, #tpu.memory_space<vmem>> -> memref<1x128xi32, #tpu.memory_space<vmem>>
        %dma_wait3A_371 = tpu.memref_squeeze %dma_wait3A_370 : memref<1x128xi32, #tpu.memory_space<vmem>> -> memref<128xi32, #tpu.memory_space<vmem>>
        %dma_wait3A_372 = arith.constant 0 : i32
        %dma_wait3A_373 = arith.constant 0 : i32
        %dma_wait3A_374 = tpu.memref_slice %arg9[%dma_wait3A_372, %dma_wait3A_373] : memref<100500x16xf32, #tpu.memory_space<vmem_shared>> -> memref<100500x16xf32, #tpu.memory_space<vmem_shared>>
        tpu.wait_indirect_dma semaphore(%arg15 : memref<!tpu.dma_semaphore, #tpu.memory_space<semaphore_mem>>) src(%dma_wait3A_368 : memref<128x16xf32, #tpu.memory_space<vmem>>) dst(%dma_wait3A_374 : memref<100500x16xf32, #tpu.memory_space<vmem_shared>>)
        %dma_wait3A_375 = arith.constant 5 : i32
        %dma_wait3A_376 = arith.constant 5 : i32
        %dma_wait3A_377 = arith.constant 0 : i32
        %dma_wait3A_378 = arith.constant 0 : i32
        %dma_wait3A_379 = tpu.memref_slice %arg12[%dma_wait3A_375, %dma_wait3A_377, %dma_wait3A_378] : memref<8x128x16xf32, #tpu.memory_space<vmem>> -> memref<1x128x16xf32, #tpu.memory_space<vmem>>
        %dma_wait3A_380 = tpu.memref_squeeze %dma_wait3A_379 : memref<1x128x16xf32, #tpu.memory_space<vmem>> -> memref<128x16xf32, #tpu.memory_space<vmem>>
        %dma_wait3A_381 = arith.constant 0 : i32
        %dma_wait3A_382 = tpu.memref_slice %arg11[%dma_wait3A_376, %dma_wait3A_381] : memref<8x128xi32, #tpu.memory_space<vmem>> -> memref<1x128xi32, #tpu.memory_space<vmem>>
        %dma_wait3A_383 = tpu.memref_squeeze %dma_wait3A_382 : memref<1x128xi32, #tpu.memory_space<vmem>> -> memref<128xi32, #tpu.memory_space<vmem>>
        %dma_wait3A_384 = arith.constant 0 : i32
        %dma_wait3A_385 = arith.constant 0 : i32
        %dma_wait3A_386 = tpu.memref_slice %arg9[%dma_wait3A_384, %dma_wait3A_385] : memref<100500x16xf32, #tpu.memory_space<vmem_shared>> -> memref<100500x16xf32, #tpu.memory_space<vmem_shared>>
        tpu.wait_indirect_dma semaphore(%arg15 : memref<!tpu.dma_semaphore, #tpu.memory_space<semaphore_mem>>) src(%dma_wait3A_380 : memref<128x16xf32, #tpu.memory_space<vmem>>) dst(%dma_wait3A_386 : memref<100500x16xf32, #tpu.memory_space<vmem_shared>>)
        %dma_wait3A_387 = arith.constant 6 : i32
        %dma_wait3A_388 = arith.constant 6 : i32
        %dma_wait3A_389 = arith.constant 0 : i32
        %dma_wait3A_390 = arith.constant 0 : i32
        %dma_wait3A_391 = tpu.memref_slice %arg12[%dma_wait3A_387, %dma_wait3A_389, %dma_wait3A_390] : memref<8x128x16xf32, #tpu.memory_space<vmem>> -> memref<1x128x16xf32, #tpu.memory_space<vmem>>
        %dma_wait3A_392 = tpu.memref_squeeze %dma_wait3A_391 : memref<1x128x16xf32, #tpu.memory_space<vmem>> -> memref<128x16xf32, #tpu.memory_space<vmem>>
        %dma_wait3A_393 = arith.constant 0 : i32
        %dma_wait3A_394 = tpu.memref_slice %arg11[%dma_wait3A_388, %dma_wait3A_393] : memref<8x128xi32, #tpu.memory_space<vmem>> -> memref<1x128xi32, #tpu.memory_space<vmem>>
        %dma_wait3A_395 = tpu.memref_squeeze %dma_wait3A_394 : memref<1x128xi32, #tpu.memory_space<vmem>> -> memref<128xi32, #tpu.memory_space<vmem>>
        %dma_wait3A_396 = arith.constant 0 : i32
        %dma_wait3A_397 = arith.constant 0 : i32
        %dma_wait3A_398 = tpu.memref_slice %arg9[%dma_wait3A_396, %dma_wait3A_397] : memref<100500x16xf32, #tpu.memory_space<vmem_shared>> -> memref<100500x16xf32, #tpu.memory_space<vmem_shared>>
        tpu.wait_indirect_dma semaphore(%arg15 : memref<!tpu.dma_semaphore, #tpu.memory_space<semaphore_mem>>) src(%dma_wait3A_392 : memref<128x16xf32, #tpu.memory_space<vmem>>) dst(%dma_wait3A_398 : memref<100500x16xf32, #tpu.memory_space<vmem_shared>>)
        %dma_wait3A_399 = arith.constant 7 : i32
        %dma_wait3A_400 = arith.constant 7 : i32
        %dma_wait3A_401 = arith.constant 0 : i32
        %dma_wait3A_402 = arith.constant 0 : i32
        %dma_wait3A_403 = tpu.memref_slice %arg12[%dma_wait3A_399, %dma_wait3A_401, %dma_wait3A_402] : memref<8x128x16xf32, #tpu.memory_space<vmem>> -> memref<1x128x16xf32, #tpu.memory_space<vmem>>
        %dma_wait3A_404 = tpu.memref_squeeze %dma_wait3A_403 : memref<1x128x16xf32, #tpu.memory_space<vmem>> -> memref<128x16xf32, #tpu.memory_space<vmem>>
        %dma_wait3A_405 = arith.constant 0 : i32
        %dma_wait3A_406 = tpu.memref_slice %arg11[%dma_wait3A_400, %dma_wait3A_405] : memref<8x128xi32, #tpu.memory_space<vmem>> -> memref<1x128xi32, #tpu.memory_space<vmem>>
        %dma_wait3A_407 = tpu.memref_squeeze %dma_wait3A_406 : memref<1x128xi32, #tpu.memory_space<vmem>> -> memref<128xi32, #tpu.memory_space<vmem>>
        %dma_wait3A_408 = arith.constant 0 : i32
        %dma_wait3A_409 = arith.constant 0 : i32
        %dma_wait3A_410 = tpu.memref_slice %arg9[%dma_wait3A_408, %dma_wait3A_409] : memref<100500x16xf32, #tpu.memory_space<vmem_shared>> -> memref<100500x16xf32, #tpu.memory_space<vmem_shared>>
        tpu.wait_indirect_dma semaphore(%arg15 : memref<!tpu.dma_semaphore, #tpu.memory_space<semaphore_mem>>) src(%dma_wait3A_404 : memref<128x16xf32, #tpu.memory_space<vmem>>) dst(%dma_wait3A_410 : memref<100500x16xf32, #tpu.memory_space<vmem_shared>>)
      } else {
      }
      %eq3A_24 = arith.constant 1 : i32
      %eq3A_25 = arith.cmpi eq, %arg0, %eq3A_24 : i32
      %convert_element_type3A_26 = arith.extui %eq3A_25 : i1 to i32
      %cond3A_27 = arith.constant 0 : i32
      %cond3A_28 = arith.cmpi ne, %convert_element_type3A_26, %cond3A_27 : i32
      scf.if %cond3A_28 {
        %dma_start3A = arith.constant 0 : i32
        %dma_start3A_29 = arith.constant 0 : i32
        %dma_start3A_30 = arith.constant 0 : i32
        %dma_start3A_31 = arith.constant 0 : i32
        %dma_start3A_32 = tpu.memref_slice %arg12[%dma_start3A_29, %dma_start3A_30, %dma_start3A_31] : memref<8x128x16xf32, #tpu.memory_space<vmem>> -> memref<1x128x16xf32, #tpu.memory_space<vmem>>
        %dma_start3A_33 = tpu.memref_squeeze %dma_start3A_32 : memref<1x128x16xf32, #tpu.memory_space<vmem>> -> memref<128x16xf32, #tpu.memory_space<vmem>>
        %dma_start3A_34 = arith.constant 0 : i32
        %dma_start3A_35 = tpu.memref_slice %arg10[%dma_start3A, %dma_start3A_34] : memref<8x128xi32, #tpu.memory_space<vmem>> -> memref<1x128xi32, #tpu.memory_space<vmem>>
        %dma_start3A_36 = tpu.memref_squeeze %dma_start3A_35 : memref<1x128xi32, #tpu.memory_space<vmem>> -> memref<128xi32, #tpu.memory_space<vmem>>
        %dma_start3A_37 = arith.constant 0 : i32
        %dma_start3A_38 = arith.constant 0 : i32
        %dma_start3A_39 = tpu.memref_slice %arg3[%dma_start3A_37, %dma_start3A_38] : memref<102400x16xf32, #tpu.memory_space<hbm>> -> memref<102400x16xf32, #tpu.memory_space<hbm>>
        tpu.enqueue_indirect_dma source(%dma_start3A_39 : memref<102400x16xf32, #tpu.memory_space<hbm>>) target(%dma_start3A_33 : memref<128x16xf32, #tpu.memory_space<vmem>>) offsets(%dma_start3A_36 : memref<128xi32, #tpu.memory_space<vmem>>) semaphore(%arg14 : memref<!tpu.dma_semaphore, #tpu.memory_space<semaphore_mem>>)
        %dma_start3A_40 = arith.constant 1 : i32
        %dma_start3A_41 = arith.constant 1 : i32
        %dma_start3A_42 = arith.constant 0 : i32
        %dma_start3A_43 = arith.constant 0 : i32
        %dma_start3A_44 = tpu.memref_slice %arg12[%dma_start3A_41, %dma_start3A_42, %dma_start3A_43] : memref<8x128x16xf32, #tpu.memory_space<vmem>> -> memref<1x128x16xf32, #tpu.memory_space<vmem>>
        %dma_start3A_45 = tpu.memref_squeeze %dma_start3A_44 : memref<1x128x16xf32, #tpu.memory_space<vmem>> -> memref<128x16xf32, #tpu.memory_space<vmem>>
        %dma_start3A_46 = arith.constant 0 : i32
        %dma_start3A_47 = tpu.memref_slice %arg10[%dma_start3A_40, %dma_start3A_46] : memref<8x128xi32, #tpu.memory_space<vmem>> -> memref<1x128xi32, #tpu.memory_space<vmem>>
        %dma_start3A_48 = tpu.memref_squeeze %dma_start3A_47 : memref<1x128xi32, #tpu.memory_space<vmem>> -> memref<128xi32, #tpu.memory_space<vmem>>
        %dma_start3A_49 = arith.constant 0 : i32
        %dma_start3A_50 = arith.constant 0 : i32
        %dma_start3A_51 = tpu.memref_slice %arg3[%dma_start3A_49, %dma_start3A_50] : memref<102400x16xf32, #tpu.memory_space<hbm>> -> memref<102400x16xf32, #tpu.memory_space<hbm>>
        tpu.enqueue_indirect_dma source(%dma_start3A_51 : memref<102400x16xf32, #tpu.memory_space<hbm>>) target(%dma_start3A_45 : memref<128x16xf32, #tpu.memory_space<vmem>>) offsets(%dma_start3A_48 : memref<128xi32, #tpu.memory_space<vmem>>) semaphore(%arg14 : memref<!tpu.dma_semaphore, #tpu.memory_space<semaphore_mem>>)
        %dma_start3A_52 = arith.constant 2 : i32
        %dma_start3A_53 = arith.constant 2 : i32
        %dma_start3A_54 = arith.constant 0 : i32
        %dma_start3A_55 = arith.constant 0 : i32
        %dma_start3A_56 = tpu.memref_slice %arg12[%dma_start3A_53, %dma_start3A_54, %dma_start3A_55] : memref<8x128x16xf32, #tpu.memory_space<vmem>> -> memref<1x128x16xf32, #tpu.memory_space<vmem>>
        %dma_start3A_57 = tpu.memref_squeeze %dma_start3A_56 : memref<1x128x16xf32, #tpu.memory_space<vmem>> -> memref<128x16xf32, #tpu.memory_space<vmem>>
        %dma_start3A_58 = arith.constant 0 : i32
        %dma_start3A_59 = tpu.memref_slice %arg10[%dma_start3A_52, %dma_start3A_58] : memref<8x128xi32, #tpu.memory_space<vmem>> -> memref<1x128xi32, #tpu.memory_space<vmem>>
        %dma_start3A_60 = tpu.memref_squeeze %dma_start3A_59 : memref<1x128xi32, #tpu.memory_space<vmem>> -> memref<128xi32, #tpu.memory_space<vmem>>
        %dma_start3A_61 = arith.constant 0 : i32
        %dma_start3A_62 = arith.constant 0 : i32
        %dma_start3A_63 = tpu.memref_slice %arg3[%dma_start3A_61, %dma_start3A_62] : memref<102400x16xf32, #tpu.memory_space<hbm>> -> memref<102400x16xf32, #tpu.memory_space<hbm>>
        tpu.enqueue_indirect_dma source(%dma_start3A_63 : memref<102400x16xf32, #tpu.memory_space<hbm>>) target(%dma_start3A_57 : memref<128x16xf32, #tpu.memory_space<vmem>>) offsets(%dma_start3A_60 : memref<128xi32, #tpu.memory_space<vmem>>) semaphore(%arg14 : memref<!tpu.dma_semaphore, #tpu.memory_space<semaphore_mem>>)
        %dma_start3A_64 = arith.constant 3 : i32
        %dma_start3A_65 = arith.constant 3 : i32
        %dma_start3A_66 = arith.constant 0 : i32
        %dma_start3A_67 = arith.constant 0 : i32
        %dma_start3A_68 = tpu.memref_slice %arg12[%dma_start3A_65, %dma_start3A_66, %dma_start3A_67] : memref<8x128x16xf32, #tpu.memory_space<vmem>> -> memref<1x128x16xf32, #tpu.memory_space<vmem>>
        %dma_start3A_69 = tpu.memref_squeeze %dma_start3A_68 : memref<1x128x16xf32, #tpu.memory_space<vmem>> -> memref<128x16xf32, #tpu.memory_space<vmem>>
        %dma_start3A_70 = arith.constant 0 : i32
        %dma_start3A_71 = tpu.memref_slice %arg10[%dma_start3A_64, %dma_start3A_70] : memref<8x128xi32, #tpu.memory_space<vmem>> -> memref<1x128xi32, #tpu.memory_space<vmem>>
        %dma_start3A_72 = tpu.memref_squeeze %dma_start3A_71 : memref<1x128xi32, #tpu.memory_space<vmem>> -> memref<128xi32, #tpu.memory_space<vmem>>
        %dma_start3A_73 = arith.constant 0 : i32
        %dma_start3A_74 = arith.constant 0 : i32
        %dma_start3A_75 = tpu.memref_slice %arg3[%dma_start3A_73, %dma_start3A_74] : memref<102400x16xf32, #tpu.memory_space<hbm>> -> memref<102400x16xf32, #tpu.memory_space<hbm>>
        tpu.enqueue_indirect_dma source(%dma_start3A_75 : memref<102400x16xf32, #tpu.memory_space<hbm>>) target(%dma_start3A_69 : memref<128x16xf32, #tpu.memory_space<vmem>>) offsets(%dma_start3A_72 : memref<128xi32, #tpu.memory_space<vmem>>) semaphore(%arg14 : memref<!tpu.dma_semaphore, #tpu.memory_space<semaphore_mem>>)
        %dma_start3A_76 = arith.constant 4 : i32
        %dma_start3A_77 = arith.constant 4 : i32
        %dma_start3A_78 = arith.constant 0 : i32
        %dma_start3A_79 = arith.constant 0 : i32
        %dma_start3A_80 = tpu.memref_slice %arg12[%dma_start3A_77, %dma_start3A_78, %dma_start3A_79] : memref<8x128x16xf32, #tpu.memory_space<vmem>> -> memref<1x128x16xf32, #tpu.memory_space<vmem>>
        %dma_start3A_81 = tpu.memref_squeeze %dma_start3A_80 : memref<1x128x16xf32, #tpu.memory_space<vmem>> -> memref<128x16xf32, #tpu.memory_space<vmem>>
        %dma_start3A_82 = arith.constant 0 : i32
        %dma_start3A_83 = tpu.memref_slice %arg10[%dma_start3A_76, %dma_start3A_82] : memref<8x128xi32, #tpu.memory_space<vmem>> -> memref<1x128xi32, #tpu.memory_space<vmem>>
        %dma_start3A_84 = tpu.memref_squeeze %dma_start3A_83 : memref<1x128xi32, #tpu.memory_space<vmem>> -> memref<128xi32, #tpu.memory_space<vmem>>
        %dma_start3A_85 = arith.constant 0 : i32
        %dma_start3A_86 = arith.constant 0 : i32
        %dma_start3A_87 = tpu.memref_slice %arg3[%dma_start3A_85, %dma_start3A_86] : memref<102400x16xf32, #tpu.memory_space<hbm>> -> memref<102400x16xf32, #tpu.memory_space<hbm>>
        tpu.enqueue_indirect_dma source(%dma_start3A_87 : memref<102400x16xf32, #tpu.memory_space<hbm>>) target(%dma_start3A_81 : memref<128x16xf32, #tpu.memory_space<vmem>>) offsets(%dma_start3A_84 : memref<128xi32, #tpu.memory_space<vmem>>) semaphore(%arg14 : memref<!tpu.dma_semaphore, #tpu.memory_space<semaphore_mem>>)
        %dma_start3A_88 = arith.constant 5 : i32
        %dma_start3A_89 = arith.constant 5 : i32
        %dma_start3A_90 = arith.constant 0 : i32
        %dma_start3A_91 = arith.constant 0 : i32
        %dma_start3A_92 = tpu.memref_slice %arg12[%dma_start3A_89, %dma_start3A_90, %dma_start3A_91] : memref<8x128x16xf32, #tpu.memory_space<vmem>> -> memref<1x128x16xf32, #tpu.memory_space<vmem>>
        %dma_start3A_93 = tpu.memref_squeeze %dma_start3A_92 : memref<1x128x16xf32, #tpu.memory_space<vmem>> -> memref<128x16xf32, #tpu.memory_space<vmem>>
        %dma_start3A_94 = arith.constant 0 : i32
        %dma_start3A_95 = tpu.memref_slice %arg10[%dma_start3A_88, %dma_start3A_94] : memref<8x128xi32, #tpu.memory_space<vmem>> -> memref<1x128xi32, #tpu.memory_space<vmem>>
        %dma_start3A_96 = tpu.memref_squeeze %dma_start3A_95 : memref<1x128xi32, #tpu.memory_space<vmem>> -> memref<128xi32, #tpu.memory_space<vmem>>
        %dma_start3A_97 = arith.constant 0 : i32
        %dma_start3A_98 = arith.constant 0 : i32
        %dma_start3A_99 = tpu.memref_slice %arg3[%dma_start3A_97, %dma_start3A_98] : memref<102400x16xf32, #tpu.memory_space<hbm>> -> memref<102400x16xf32, #tpu.memory_space<hbm>>
        tpu.enqueue_indirect_dma source(%dma_start3A_99 : memref<102400x16xf32, #tpu.memory_space<hbm>>) target(%dma_start3A_93 : memref<128x16xf32, #tpu.memory_space<vmem>>) offsets(%dma_start3A_96 : memref<128xi32, #tpu.memory_space<vmem>>) semaphore(%arg14 : memref<!tpu.dma_semaphore, #tpu.memory_space<semaphore_mem>>)
        %dma_start3A_100 = arith.constant 6 : i32
        %dma_start3A_101 = arith.constant 6 : i32
        %dma_start3A_102 = arith.constant 0 : i32
        %dma_start3A_103 = arith.constant 0 : i32
        %dma_start3A_104 = tpu.memref_slice %arg12[%dma_start3A_101, %dma_start3A_102, %dma_start3A_103] : memref<8x128x16xf32, #tpu.memory_space<vmem>> -> memref<1x128x16xf32, #tpu.memory_space<vmem>>
        %dma_start3A_105 = tpu.memref_squeeze %dma_start3A_104 : memref<1x128x16xf32, #tpu.memory_space<vmem>> -> memref<128x16xf32, #tpu.memory_space<vmem>>
        %dma_start3A_106 = arith.constant 0 : i32
        %dma_start3A_107 = tpu.memref_slice %arg10[%dma_start3A_100, %dma_start3A_106] : memref<8x128xi32, #tpu.memory_space<vmem>> -> memref<1x128xi32, #tpu.memory_space<vmem>>
        %dma_start3A_108 = tpu.memref_squeeze %dma_start3A_107 : memref<1x128xi32, #tpu.memory_space<vmem>> -> memref<128xi32, #tpu.memory_space<vmem>>
        %dma_start3A_109 = arith.constant 0 : i32
        %dma_start3A_110 = arith.constant 0 : i32
        %dma_start3A_111 = tpu.memref_slice %arg3[%dma_start3A_109, %dma_start3A_110] : memref<102400x16xf32, #tpu.memory_space<hbm>> -> memref<102400x16xf32, #tpu.memory_space<hbm>>
        tpu.enqueue_indirect_dma source(%dma_start3A_111 : memref<102400x16xf32, #tpu.memory_space<hbm>>) target(%dma_start3A_105 : memref<128x16xf32, #tpu.memory_space<vmem>>) offsets(%dma_start3A_108 : memref<128xi32, #tpu.memory_space<vmem>>) semaphore(%arg14 : memref<!tpu.dma_semaphore, #tpu.memory_space<semaphore_mem>>)
        %dma_start3A_112 = arith.constant 7 : i32
        %dma_start3A_113 = arith.constant 7 : i32
        %dma_start3A_114 = arith.constant 0 : i32
        %dma_start3A_115 = arith.constant 0 : i32
        %dma_start3A_116 = tpu.memref_slice %arg12[%dma_start3A_113, %dma_start3A_114, %dma_start3A_115] : memref<8x128x16xf32, #tpu.memory_space<vmem>> -> memref<1x128x16xf32, #tpu.memory_space<vmem>>
        %dma_start3A_117 = tpu.memref_squeeze %dma_start3A_116 : memref<1x128x16xf32, #tpu.memory_space<vmem>> -> memref<128x16xf32, #tpu.memory_space<vmem>>
        %dma_start3A_118 = arith.constant 0 : i32
        %dma_start3A_119 = tpu.memref_slice %arg10[%dma_start3A_112, %dma_start3A_118] : memref<8x128xi32, #tpu.memory_space<vmem>> -> memref<1x128xi32, #tpu.memory_space<vmem>>
        %dma_start3A_120 = tpu.memref_squeeze %dma_start3A_119 : memref<1x128xi32, #tpu.memory_space<vmem>> -> memref<128xi32, #tpu.memory_space<vmem>>
        %dma_start3A_121 = arith.constant 0 : i32
        %dma_start3A_122 = arith.constant 0 : i32
        %dma_start3A_123 = tpu.memref_slice %arg3[%dma_start3A_121, %dma_start3A_122] : memref<102400x16xf32, #tpu.memory_space<hbm>> -> memref<102400x16xf32, #tpu.memory_space<hbm>>
        tpu.enqueue_indirect_dma source(%dma_start3A_123 : memref<102400x16xf32, #tpu.memory_space<hbm>>) target(%dma_start3A_117 : memref<128x16xf32, #tpu.memory_space<vmem>>) offsets(%dma_start3A_120 : memref<128xi32, #tpu.memory_space<vmem>>) semaphore(%arg14 : memref<!tpu.dma_semaphore, #tpu.memory_space<semaphore_mem>>)
        %dma_wait3A = arith.constant 0 : i32
        %dma_wait3A_124 = arith.constant 0 : i32
        %dma_wait3A_125 = arith.constant 0 : i32
        %dma_wait3A_126 = arith.constant 0 : i32
        %dma_wait3A_127 = tpu.memref_slice %arg12[%dma_wait3A_124, %dma_wait3A_125, %dma_wait3A_126] : memref<8x128x16xf32, #tpu.memory_space<vmem>> -> memref<1x128x16xf32, #tpu.memory_space<vmem>>
        %dma_wait3A_128 = tpu.memref_squeeze %dma_wait3A_127 : memref<1x128x16xf32, #tpu.memory_space<vmem>> -> memref<128x16xf32, #tpu.memory_space<vmem>>
        %dma_wait3A_129 = arith.constant 0 : i32
        %dma_wait3A_130 = tpu.memref_slice %arg10[%dma_wait3A, %dma_wait3A_129] : memref<8x128xi32, #tpu.memory_space<vmem>> -> memref<1x128xi32, #tpu.memory_space<vmem>>
        %dma_wait3A_131 = tpu.memref_squeeze %dma_wait3A_130 : memref<1x128xi32, #tpu.memory_space<vmem>> -> memref<128xi32, #tpu.memory_space<vmem>>
        %dma_wait3A_132 = arith.constant 0 : i32
        %dma_wait3A_133 = arith.constant 0 : i32
        %dma_wait3A_134 = tpu.memref_slice %arg3[%dma_wait3A_132, %dma_wait3A_133] : memref<102400x16xf32, #tpu.memory_space<hbm>> -> memref<102400x16xf32, #tpu.memory_space<hbm>>
        tpu.wait_indirect_dma semaphore(%arg14 : memref<!tpu.dma_semaphore, #tpu.memory_space<semaphore_mem>>) src(%dma_wait3A_134 : memref<102400x16xf32, #tpu.memory_space<hbm>>) dst(%dma_wait3A_128 : memref<128x16xf32, #tpu.memory_space<vmem>>)
        %dma_start3A_135 = arith.constant 0 : i32
        %dma_start3A_136 = arith.constant 0 : i32
        %dma_start3A_137 = arith.constant 0 : i32
        %dma_start3A_138 = arith.constant 0 : i32
        %dma_start3A_139 = tpu.memref_slice %arg12[%dma_start3A_135, %dma_start3A_137, %dma_start3A_138] : memref<8x128x16xf32, #tpu.memory_space<vmem>> -> memref<1x128x16xf32, #tpu.memory_space<vmem>>
        %dma_start3A_140 = tpu.memref_squeeze %dma_start3A_139 : memref<1x128x16xf32, #tpu.memory_space<vmem>> -> memref<128x16xf32, #tpu.memory_space<vmem>>
        %dma_start3A_141 = arith.constant 0 : i32
        %dma_start3A_142 = tpu.memref_slice %arg11[%dma_start3A_136, %dma_start3A_141] : memref<8x128xi32, #tpu.memory_space<vmem>> -> memref<1x128xi32, #tpu.memory_space<vmem>>
        %dma_start3A_143 = tpu.memref_squeeze %dma_start3A_142 : memref<1x128xi32, #tpu.memory_space<vmem>> -> memref<128xi32, #tpu.memory_space<vmem>>
        %dma_start3A_144 = arith.constant 0 : i32
        %dma_start3A_145 = arith.constant 0 : i32
        %dma_start3A_146 = tpu.memref_slice %arg9[%dma_start3A_144, %dma_start3A_145] : memref<100500x16xf32, #tpu.memory_space<vmem_shared>> -> memref<100500x16xf32, #tpu.memory_space<vmem_shared>>
        tpu.enqueue_indirect_dma source(%dma_start3A_140 : memref<128x16xf32, #tpu.memory_space<vmem>>) target(%dma_start3A_146 : memref<100500x16xf32, #tpu.memory_space<vmem_shared>>) offsets(%dma_start3A_143 : memref<128xi32, #tpu.memory_space<vmem>>) semaphore(%arg15 : memref<!tpu.dma_semaphore, #tpu.memory_space<semaphore_mem>>) {add = true}
        %dma_wait3A_147 = arith.constant 1 : i32
        %dma_wait3A_148 = arith.constant 1 : i32
        %dma_wait3A_149 = arith.constant 0 : i32
        %dma_wait3A_150 = arith.constant 0 : i32
        %dma_wait3A_151 = tpu.memref_slice %arg12[%dma_wait3A_148, %dma_wait3A_149, %dma_wait3A_150] : memref<8x128x16xf32, #tpu.memory_space<vmem>> -> memref<1x128x16xf32, #tpu.memory_space<vmem>>
        %dma_wait3A_152 = tpu.memref_squeeze %dma_wait3A_151 : memref<1x128x16xf32, #tpu.memory_space<vmem>> -> memref<128x16xf32, #tpu.memory_space<vmem>>
        %dma_wait3A_153 = arith.constant 0 : i32
        %dma_wait3A_154 = tpu.memref_slice %arg10[%dma_wait3A_147, %dma_wait3A_153] : memref<8x128xi32, #tpu.memory_space<vmem>> -> memref<1x128xi32, #tpu.memory_space<vmem>>
        %dma_wait3A_155 = tpu.memref_squeeze %dma_wait3A_154 : memref<1x128xi32, #tpu.memory_space<vmem>> -> memref<128xi32, #tpu.memory_space<vmem>>
        %dma_wait3A_156 = arith.constant 0 : i32
        %dma_wait3A_157 = arith.constant 0 : i32
        %dma_wait3A_158 = tpu.memref_slice %arg3[%dma_wait3A_156, %dma_wait3A_157] : memref<102400x16xf32, #tpu.memory_space<hbm>> -> memref<102400x16xf32, #tpu.memory_space<hbm>>
        tpu.wait_indirect_dma semaphore(%arg14 : memref<!tpu.dma_semaphore, #tpu.memory_space<semaphore_mem>>) src(%dma_wait3A_158 : memref<102400x16xf32, #tpu.memory_space<hbm>>) dst(%dma_wait3A_152 : memref<128x16xf32, #tpu.memory_space<vmem>>)
        %dma_start3A_159 = arith.constant 1 : i32
        %dma_start3A_160 = arith.constant 1 : i32
        %dma_start3A_161 = arith.constant 0 : i32
        %dma_start3A_162 = arith.constant 0 : i32
        %dma_start3A_163 = tpu.memref_slice %arg12[%dma_start3A_159, %dma_start3A_161, %dma_start3A_162] : memref<8x128x16xf32, #tpu.memory_space<vmem>> -> memref<1x128x16xf32, #tpu.memory_space<vmem>>
        %dma_start3A_164 = tpu.memref_squeeze %dma_start3A_163 : memref<1x128x16xf32, #tpu.memory_space<vmem>> -> memref<128x16xf32, #tpu.memory_space<vmem>>
        %dma_start3A_165 = arith.constant 0 : i32
        %dma_start3A_166 = tpu.memref_slice %arg11[%dma_start3A_160, %dma_start3A_165] : memref<8x128xi32, #tpu.memory_space<vmem>> -> memref<1x128xi32, #tpu.memory_space<vmem>>
        %dma_start3A_167 = tpu.memref_squeeze %dma_start3A_166 : memref<1x128xi32, #tpu.memory_space<vmem>> -> memref<128xi32, #tpu.memory_space<vmem>>
        %dma_start3A_168 = arith.constant 0 : i32
        %dma_start3A_169 = arith.constant 0 : i32
        %dma_start3A_170 = tpu.memref_slice %arg9[%dma_start3A_168, %dma_start3A_169] : memref<100500x16xf32, #tpu.memory_space<vmem_shared>> -> memref<100500x16xf32, #tpu.memory_space<vmem_shared>>
        tpu.enqueue_indirect_dma source(%dma_start3A_164 : memref<128x16xf32, #tpu.memory_space<vmem>>) target(%dma_start3A_170 : memref<100500x16xf32, #tpu.memory_space<vmem_shared>>) offsets(%dma_start3A_167 : memref<128xi32, #tpu.memory_space<vmem>>) semaphore(%arg15 : memref<!tpu.dma_semaphore, #tpu.memory_space<semaphore_mem>>) {add = true}
        %dma_wait3A_171 = arith.constant 2 : i32
        %dma_wait3A_172 = arith.constant 2 : i32
        %dma_wait3A_173 = arith.constant 0 : i32
        %dma_wait3A_174 = arith.constant 0 : i32
        %dma_wait3A_175 = tpu.memref_slice %arg12[%dma_wait3A_172, %dma_wait3A_173, %dma_wait3A_174] : memref<8x128x16xf32, #tpu.memory_space<vmem>> -> memref<1x128x16xf32, #tpu.memory_space<vmem>>
        %dma_wait3A_176 = tpu.memref_squeeze %dma_wait3A_175 : memref<1x128x16xf32, #tpu.memory_space<vmem>> -> memref<128x16xf32, #tpu.memory_space<vmem>>
        %dma_wait3A_177 = arith.constant 0 : i32
        %dma_wait3A_178 = tpu.memref_slice %arg10[%dma_wait3A_171, %dma_wait3A_177] : memref<8x128xi32, #tpu.memory_space<vmem>> -> memref<1x128xi32, #tpu.memory_space<vmem>>
        %dma_wait3A_179 = tpu.memref_squeeze %dma_wait3A_178 : memref<1x128xi32, #tpu.memory_space<vmem>> -> memref<128xi32, #tpu.memory_space<vmem>>
        %dma_wait3A_180 = arith.constant 0 : i32
        %dma_wait3A_181 = arith.constant 0 : i32
        %dma_wait3A_182 = tpu.memref_slice %arg3[%dma_wait3A_180, %dma_wait3A_181] : memref<102400x16xf32, #tpu.memory_space<hbm>> -> memref<102400x16xf32, #tpu.memory_space<hbm>>
        tpu.wait_indirect_dma semaphore(%arg14 : memref<!tpu.dma_semaphore, #tpu.memory_space<semaphore_mem>>) src(%dma_wait3A_182 : memref<102400x16xf32, #tpu.memory_space<hbm>>) dst(%dma_wait3A_176 : memref<128x16xf32, #tpu.memory_space<vmem>>)
        %dma_start3A_183 = arith.constant 2 : i32
        %dma_start3A_184 = arith.constant 2 : i32
        %dma_start3A_185 = arith.constant 0 : i32
        %dma_start3A_186 = arith.constant 0 : i32
        %dma_start3A_187 = tpu.memref_slice %arg12[%dma_start3A_183, %dma_start3A_185, %dma_start3A_186] : memref<8x128x16xf32, #tpu.memory_space<vmem>> -> memref<1x128x16xf32, #tpu.memory_space<vmem>>
        %dma_start3A_188 = tpu.memref_squeeze %dma_start3A_187 : memref<1x128x16xf32, #tpu.memory_space<vmem>> -> memref<128x16xf32, #tpu.memory_space<vmem>>
        %dma_start3A_189 = arith.constant 0 : i32
        %dma_start3A_190 = tpu.memref_slice %arg11[%dma_start3A_184, %dma_start3A_189] : memref<8x128xi32, #tpu.memory_space<vmem>> -> memref<1x128xi32, #tpu.memory_space<vmem>>
        %dma_start3A_191 = tpu.memref_squeeze %dma_start3A_190 : memref<1x128xi32, #tpu.memory_space<vmem>> -> memref<128xi32, #tpu.memory_space<vmem>>
        %dma_start3A_192 = arith.constant 0 : i32
        %dma_start3A_193 = arith.constant 0 : i32
        %dma_start3A_194 = tpu.memref_slice %arg9[%dma_start3A_192, %dma_start3A_193] : memref<100500x16xf32, #tpu.memory_space<vmem_shared>> -> memref<100500x16xf32, #tpu.memory_space<vmem_shared>>
        tpu.enqueue_indirect_dma source(%dma_start3A_188 : memref<128x16xf32, #tpu.memory_space<vmem>>) target(%dma_start3A_194 : memref<100500x16xf32, #tpu.memory_space<vmem_shared>>) offsets(%dma_start3A_191 : memref<128xi32, #tpu.memory_space<vmem>>) semaphore(%arg15 : memref<!tpu.dma_semaphore, #tpu.memory_space<semaphore_mem>>) {add = true}
        %dma_wait3A_195 = arith.constant 3 : i32
        %dma_wait3A_196 = arith.constant 3 : i32
        %dma_wait3A_197 = arith.constant 0 : i32
        %dma_wait3A_198 = arith.constant 0 : i32
        %dma_wait3A_199 = tpu.memref_slice %arg12[%dma_wait3A_196, %dma_wait3A_197, %dma_wait3A_198] : memref<8x128x16xf32, #tpu.memory_space<vmem>> -> memref<1x128x16xf32, #tpu.memory_space<vmem>>
        %dma_wait3A_200 = tpu.memref_squeeze %dma_wait3A_199 : memref<1x128x16xf32, #tpu.memory_space<vmem>> -> memref<128x16xf32, #tpu.memory_space<vmem>>
        %dma_wait3A_201 = arith.constant 0 : i32
        %dma_wait3A_202 = tpu.memref_slice %arg10[%dma_wait3A_195, %dma_wait3A_201] : memref<8x128xi32, #tpu.memory_space<vmem>> -> memref<1x128xi32, #tpu.memory_space<vmem>>
        %dma_wait3A_203 = tpu.memref_squeeze %dma_wait3A_202 : memref<1x128xi32, #tpu.memory_space<vmem>> -> memref<128xi32, #tpu.memory_space<vmem>>
        %dma_wait3A_204 = arith.constant 0 : i32
        %dma_wait3A_205 = arith.constant 0 : i32
        %dma_wait3A_206 = tpu.memref_slice %arg3[%dma_wait3A_204, %dma_wait3A_205] : memref<102400x16xf32, #tpu.memory_space<hbm>> -> memref<102400x16xf32, #tpu.memory_space<hbm>>
        tpu.wait_indirect_dma semaphore(%arg14 : memref<!tpu.dma_semaphore, #tpu.memory_space<semaphore_mem>>) src(%dma_wait3A_206 : memref<102400x16xf32, #tpu.memory_space<hbm>>) dst(%dma_wait3A_200 : memref<128x16xf32, #tpu.memory_space<vmem>>)
        %dma_start3A_207 = arith.constant 3 : i32
        %dma_start3A_208 = arith.constant 3 : i32
        %dma_start3A_209 = arith.constant 0 : i32
        %dma_start3A_210 = arith.constant 0 : i32
        %dma_start3A_211 = tpu.memref_slice %arg12[%dma_start3A_207, %dma_start3A_209, %dma_start3A_210] : memref<8x128x16xf32, #tpu.memory_space<vmem>> -> memref<1x128x16xf32, #tpu.memory_space<vmem>>
        %dma_start3A_212 = tpu.memref_squeeze %dma_start3A_211 : memref<1x128x16xf32, #tpu.memory_space<vmem>> -> memref<128x16xf32, #tpu.memory_space<vmem>>
        %dma_start3A_213 = arith.constant 0 : i32
        %dma_start3A_214 = tpu.memref_slice %arg11[%dma_start3A_208, %dma_start3A_213] : memref<8x128xi32, #tpu.memory_space<vmem>> -> memref<1x128xi32, #tpu.memory_space<vmem>>
        %dma_start3A_215 = tpu.memref_squeeze %dma_start3A_214 : memref<1x128xi32, #tpu.memory_space<vmem>> -> memref<128xi32, #tpu.memory_space<vmem>>
        %dma_start3A_216 = arith.constant 0 : i32
        %dma_start3A_217 = arith.constant 0 : i32
        %dma_start3A_218 = tpu.memref_slice %arg9[%dma_start3A_216, %dma_start3A_217] : memref<100500x16xf32, #tpu.memory_space<vmem_shared>> -> memref<100500x16xf32, #tpu.memory_space<vmem_shared>>
        tpu.enqueue_indirect_dma source(%dma_start3A_212 : memref<128x16xf32, #tpu.memory_space<vmem>>) target(%dma_start3A_218 : memref<100500x16xf32, #tpu.memory_space<vmem_shared>>) offsets(%dma_start3A_215 : memref<128xi32, #tpu.memory_space<vmem>>) semaphore(%arg15 : memref<!tpu.dma_semaphore, #tpu.memory_space<semaphore_mem>>) {add = true}
        %dma_wait3A_219 = arith.constant 4 : i32
        %dma_wait3A_220 = arith.constant 4 : i32
        %dma_wait3A_221 = arith.constant 0 : i32
        %dma_wait3A_222 = arith.constant 0 : i32
        %dma_wait3A_223 = tpu.memref_slice %arg12[%dma_wait3A_220, %dma_wait3A_221, %dma_wait3A_222] : memref<8x128x16xf32, #tpu.memory_space<vmem>> -> memref<1x128x16xf32, #tpu.memory_space<vmem>>
        %dma_wait3A_224 = tpu.memref_squeeze %dma_wait3A_223 : memref<1x128x16xf32, #tpu.memory_space<vmem>> -> memref<128x16xf32, #tpu.memory_space<vmem>>
        %dma_wait3A_225 = arith.constant 0 : i32
        %dma_wait3A_226 = tpu.memref_slice %arg10[%dma_wait3A_219, %dma_wait3A_225] : memref<8x128xi32, #tpu.memory_space<vmem>> -> memref<1x128xi32, #tpu.memory_space<vmem>>
        %dma_wait3A_227 = tpu.memref_squeeze %dma_wait3A_226 : memref<1x128xi32, #tpu.memory_space<vmem>> -> memref<128xi32, #tpu.memory_space<vmem>>
        %dma_wait3A_228 = arith.constant 0 : i32
        %dma_wait3A_229 = arith.constant 0 : i32
        %dma_wait3A_230 = tpu.memref_slice %arg3[%dma_wait3A_228, %dma_wait3A_229] : memref<102400x16xf32, #tpu.memory_space<hbm>> -> memref<102400x16xf32, #tpu.memory_space<hbm>>
        tpu.wait_indirect_dma semaphore(%arg14 : memref<!tpu.dma_semaphore, #tpu.memory_space<semaphore_mem>>) src(%dma_wait3A_230 : memref<102400x16xf32, #tpu.memory_space<hbm>>) dst(%dma_wait3A_224 : memref<128x16xf32, #tpu.memory_space<vmem>>)
        %dma_start3A_231 = arith.constant 4 : i32
        %dma_start3A_232 = arith.constant 4 : i32
        %dma_start3A_233 = arith.constant 0 : i32
        %dma_start3A_234 = arith.constant 0 : i32
        %dma_start3A_235 = tpu.memref_slice %arg12[%dma_start3A_231, %dma_start3A_233, %dma_start3A_234] : memref<8x128x16xf32, #tpu.memory_space<vmem>> -> memref<1x128x16xf32, #tpu.memory_space<vmem>>
        %dma_start3A_236 = tpu.memref_squeeze %dma_start3A_235 : memref<1x128x16xf32, #tpu.memory_space<vmem>> -> memref<128x16xf32, #tpu.memory_space<vmem>>
        %dma_start3A_237 = arith.constant 0 : i32
        %dma_start3A_238 = tpu.memref_slice %arg11[%dma_start3A_232, %dma_start3A_237] : memref<8x128xi32, #tpu.memory_space<vmem>> -> memref<1x128xi32, #tpu.memory_space<vmem>>
        %dma_start3A_239 = tpu.memref_squeeze %dma_start3A_238 : memref<1x128xi32, #tpu.memory_space<vmem>> -> memref<128xi32, #tpu.memory_space<vmem>>
        %dma_start3A_240 = arith.constant 0 : i32
        %dma_start3A_241 = arith.constant 0 : i32
        %dma_start3A_242 = tpu.memref_slice %arg9[%dma_start3A_240, %dma_start3A_241] : memref<100500x16xf32, #tpu.memory_space<vmem_shared>> -> memref<100500x16xf32, #tpu.memory_space<vmem_shared>>
        tpu.enqueue_indirect_dma source(%dma_start3A_236 : memref<128x16xf32, #tpu.memory_space<vmem>>) target(%dma_start3A_242 : memref<100500x16xf32, #tpu.memory_space<vmem_shared>>) offsets(%dma_start3A_239 : memref<128xi32, #tpu.memory_space<vmem>>) semaphore(%arg15 : memref<!tpu.dma_semaphore, #tpu.memory_space<semaphore_mem>>) {add = true}
        %dma_wait3A_243 = arith.constant 5 : i32
        %dma_wait3A_244 = arith.constant 5 : i32
        %dma_wait3A_245 = arith.constant 0 : i32
        %dma_wait3A_246 = arith.constant 0 : i32
        %dma_wait3A_247 = tpu.memref_slice %arg12[%dma_wait3A_244, %dma_wait3A_245, %dma_wait3A_246] : memref<8x128x16xf32, #tpu.memory_space<vmem>> -> memref<1x128x16xf32, #tpu.memory_space<vmem>>
        %dma_wait3A_248 = tpu.memref_squeeze %dma_wait3A_247 : memref<1x128x16xf32, #tpu.memory_space<vmem>> -> memref<128x16xf32, #tpu.memory_space<vmem>>
        %dma_wait3A_249 = arith.constant 0 : i32
        %dma_wait3A_250 = tpu.memref_slice %arg10[%dma_wait3A_243, %dma_wait3A_249] : memref<8x128xi32, #tpu.memory_space<vmem>> -> memref<1x128xi32, #tpu.memory_space<vmem>>
        %dma_wait3A_251 = tpu.memref_squeeze %dma_wait3A_250 : memref<1x128xi32, #tpu.memory_space<vmem>> -> memref<128xi32, #tpu.memory_space<vmem>>
        %dma_wait3A_252 = arith.constant 0 : i32
        %dma_wait3A_253 = arith.constant 0 : i32
        %dma_wait3A_254 = tpu.memref_slice %arg3[%dma_wait3A_252, %dma_wait3A_253] : memref<102400x16xf32, #tpu.memory_space<hbm>> -> memref<102400x16xf32, #tpu.memory_space<hbm>>
        tpu.wait_indirect_dma semaphore(%arg14 : memref<!tpu.dma_semaphore, #tpu.memory_space<semaphore_mem>>) src(%dma_wait3A_254 : memref<102400x16xf32, #tpu.memory_space<hbm>>) dst(%dma_wait3A_248 : memref<128x16xf32, #tpu.memory_space<vmem>>)
        %dma_start3A_255 = arith.constant 5 : i32
        %dma_start3A_256 = arith.constant 5 : i32
        %dma_start3A_257 = arith.constant 0 : i32
        %dma_start3A_258 = arith.constant 0 : i32
        %dma_start3A_259 = tpu.memref_slice %arg12[%dma_start3A_255, %dma_start3A_257, %dma_start3A_258] : memref<8x128x16xf32, #tpu.memory_space<vmem>> -> memref<1x128x16xf32, #tpu.memory_space<vmem>>
        %dma_start3A_260 = tpu.memref_squeeze %dma_start3A_259 : memref<1x128x16xf32, #tpu.memory_space<vmem>> -> memref<128x16xf32, #tpu.memory_space<vmem>>
        %dma_start3A_261 = arith.constant 0 : i32
        %dma_start3A_262 = tpu.memref_slice %arg11[%dma_start3A_256, %dma_start3A_261] : memref<8x128xi32, #tpu.memory_space<vmem>> -> memref<1x128xi32, #tpu.memory_space<vmem>>
        %dma_start3A_263 = tpu.memref_squeeze %dma_start3A_262 : memref<1x128xi32, #tpu.memory_space<vmem>> -> memref<128xi32, #tpu.memory_space<vmem>>
        %dma_start3A_264 = arith.constant 0 : i32
        %dma_start3A_265 = arith.constant 0 : i32
        %dma_start3A_266 = tpu.memref_slice %arg9[%dma_start3A_264, %dma_start3A_265] : memref<100500x16xf32, #tpu.memory_space<vmem_shared>> -> memref<100500x16xf32, #tpu.memory_space<vmem_shared>>
        tpu.enqueue_indirect_dma source(%dma_start3A_260 : memref<128x16xf32, #tpu.memory_space<vmem>>) target(%dma_start3A_266 : memref<100500x16xf32, #tpu.memory_space<vmem_shared>>) offsets(%dma_start3A_263 : memref<128xi32, #tpu.memory_space<vmem>>) semaphore(%arg15 : memref<!tpu.dma_semaphore, #tpu.memory_space<semaphore_mem>>) {add = true}
        %dma_wait3A_267 = arith.constant 6 : i32
        %dma_wait3A_268 = arith.constant 6 : i32
        %dma_wait3A_269 = arith.constant 0 : i32
        %dma_wait3A_270 = arith.constant 0 : i32
        %dma_wait3A_271 = tpu.memref_slice %arg12[%dma_wait3A_268, %dma_wait3A_269, %dma_wait3A_270] : memref<8x128x16xf32, #tpu.memory_space<vmem>> -> memref<1x128x16xf32, #tpu.memory_space<vmem>>
        %dma_wait3A_272 = tpu.memref_squeeze %dma_wait3A_271 : memref<1x128x16xf32, #tpu.memory_space<vmem>> -> memref<128x16xf32, #tpu.memory_space<vmem>>
        %dma_wait3A_273 = arith.constant 0 : i32
        %dma_wait3A_274 = tpu.memref_slice %arg10[%dma_wait3A_267, %dma_wait3A_273] : memref<8x128xi32, #tpu.memory_space<vmem>> -> memref<1x128xi32, #tpu.memory_space<vmem>>
        %dma_wait3A_275 = tpu.memref_squeeze %dma_wait3A_274 : memref<1x128xi32, #tpu.memory_space<vmem>> -> memref<128xi32, #tpu.memory_space<vmem>>
        %dma_wait3A_276 = arith.constant 0 : i32
        %dma_wait3A_277 = arith.constant 0 : i32
        %dma_wait3A_278 = tpu.memref_slice %arg3[%dma_wait3A_276, %dma_wait3A_277] : memref<102400x16xf32, #tpu.memory_space<hbm>> -> memref<102400x16xf32, #tpu.memory_space<hbm>>
        tpu.wait_indirect_dma semaphore(%arg14 : memref<!tpu.dma_semaphore, #tpu.memory_space<semaphore_mem>>) src(%dma_wait3A_278 : memref<102400x16xf32, #tpu.memory_space<hbm>>) dst(%dma_wait3A_272 : memref<128x16xf32, #tpu.memory_space<vmem>>)
        %dma_start3A_279 = arith.constant 6 : i32
        %dma_start3A_280 = arith.constant 6 : i32
        %dma_start3A_281 = arith.constant 0 : i32
        %dma_start3A_282 = arith.constant 0 : i32
        %dma_start3A_283 = tpu.memref_slice %arg12[%dma_start3A_279, %dma_start3A_281, %dma_start3A_282] : memref<8x128x16xf32, #tpu.memory_space<vmem>> -> memref<1x128x16xf32, #tpu.memory_space<vmem>>
        %dma_start3A_284 = tpu.memref_squeeze %dma_start3A_283 : memref<1x128x16xf32, #tpu.memory_space<vmem>> -> memref<128x16xf32, #tpu.memory_space<vmem>>
        %dma_start3A_285 = arith.constant 0 : i32
        %dma_start3A_286 = tpu.memref_slice %arg11[%dma_start3A_280, %dma_start3A_285] : memref<8x128xi32, #tpu.memory_space<vmem>> -> memref<1x128xi32, #tpu.memory_space<vmem>>
        %dma_start3A_287 = tpu.memref_squeeze %dma_start3A_286 : memref<1x128xi32, #tpu.memory_space<vmem>> -> memref<128xi32, #tpu.memory_space<vmem>>
        %dma_start3A_288 = arith.constant 0 : i32
        %dma_start3A_289 = arith.constant 0 : i32
        %dma_start3A_290 = tpu.memref_slice %arg9[%dma_start3A_288, %dma_start3A_289] : memref<100500x16xf32, #tpu.memory_space<vmem_shared>> -> memref<100500x16xf32, #tpu.memory_space<vmem_shared>>
        tpu.enqueue_indirect_dma source(%dma_start3A_284 : memref<128x16xf32, #tpu.memory_space<vmem>>) target(%dma_start3A_290 : memref<100500x16xf32, #tpu.memory_space<vmem_shared>>) offsets(%dma_start3A_287 : memref<128xi32, #tpu.memory_space<vmem>>) semaphore(%arg15 : memref<!tpu.dma_semaphore, #tpu.memory_space<semaphore_mem>>) {add = true}
        %dma_wait3A_291 = arith.constant 7 : i32
        %dma_wait3A_292 = arith.constant 7 : i32
        %dma_wait3A_293 = arith.constant 0 : i32
        %dma_wait3A_294 = arith.constant 0 : i32
        %dma_wait3A_295 = tpu.memref_slice %arg12[%dma_wait3A_292, %dma_wait3A_293, %dma_wait3A_294] : memref<8x128x16xf32, #tpu.memory_space<vmem>> -> memref<1x128x16xf32, #tpu.memory_space<vmem>>
        %dma_wait3A_296 = tpu.memref_squeeze %dma_wait3A_295 : memref<1x128x16xf32, #tpu.memory_space<vmem>> -> memref<128x16xf32, #tpu.memory_space<vmem>>
        %dma_wait3A_297 = arith.constant 0 : i32
        %dma_wait3A_298 = tpu.memref_slice %arg10[%dma_wait3A_291, %dma_wait3A_297] : memref<8x128xi32, #tpu.memory_space<vmem>> -> memref<1x128xi32, #tpu.memory_space<vmem>>
        %dma_wait3A_299 = tpu.memref_squeeze %dma_wait3A_298 : memref<1x128xi32, #tpu.memory_space<vmem>> -> memref<128xi32, #tpu.memory_space<vmem>>
        %dma_wait3A_300 = arith.constant 0 : i32
        %dma_wait3A_301 = arith.constant 0 : i32
        %dma_wait3A_302 = tpu.memref_slice %arg3[%dma_wait3A_300, %dma_wait3A_301] : memref<102400x16xf32, #tpu.memory_space<hbm>> -> memref<102400x16xf32, #tpu.memory_space<hbm>>
        tpu.wait_indirect_dma semaphore(%arg14 : memref<!tpu.dma_semaphore, #tpu.memory_space<semaphore_mem>>) src(%dma_wait3A_302 : memref<102400x16xf32, #tpu.memory_space<hbm>>) dst(%dma_wait3A_296 : memref<128x16xf32, #tpu.memory_space<vmem>>)
        %dma_start3A_303 = arith.constant 7 : i32
        %dma_start3A_304 = arith.constant 7 : i32
        %dma_start3A_305 = arith.constant 0 : i32
        %dma_start3A_306 = arith.constant 0 : i32
        %dma_start3A_307 = tpu.memref_slice %arg12[%dma_start3A_303, %dma_start3A_305, %dma_start3A_306] : memref<8x128x16xf32, #tpu.memory_space<vmem>> -> memref<1x128x16xf32, #tpu.memory_space<vmem>>
        %dma_start3A_308 = tpu.memref_squeeze %dma_start3A_307 : memref<1x128x16xf32, #tpu.memory_space<vmem>> -> memref<128x16xf32, #tpu.memory_space<vmem>>
        %dma_start3A_309 = arith.constant 0 : i32
        %dma_start3A_310 = tpu.memref_slice %arg11[%dma_start3A_304, %dma_start3A_309] : memref<8x128xi32, #tpu.memory_space<vmem>> -> memref<1x128xi32, #tpu.memory_space<vmem>>
        %dma_start3A_311 = tpu.memref_squeeze %dma_start3A_310 : memref<1x128xi32, #tpu.memory_space<vmem>> -> memref<128xi32, #tpu.memory_space<vmem>>
        %dma_start3A_312 = arith.constant 0 : i32
        %dma_start3A_313 = arith.constant 0 : i32
        %dma_start3A_314 = tpu.memref_slice %arg9[%dma_start3A_312, %dma_start3A_313] : memref<100500x16xf32, #tpu.memory_space<vmem_shared>> -> memref<100500x16xf32, #tpu.memory_space<vmem_shared>>
        tpu.enqueue_indirect_dma source(%dma_start3A_308 : memref<128x16xf32, #tpu.memory_space<vmem>>) target(%dma_start3A_314 : memref<100500x16xf32, #tpu.memory_space<vmem_shared>>) offsets(%dma_start3A_311 : memref<128xi32, #tpu.memory_space<vmem>>) semaphore(%arg15 : memref<!tpu.dma_semaphore, #tpu.memory_space<semaphore_mem>>) {add = true}
        %dma_wait3A_315 = arith.constant 0 : i32
        %dma_wait3A_316 = arith.constant 0 : i32
        %dma_wait3A_317 = arith.constant 0 : i32
        %dma_wait3A_318 = arith.constant 0 : i32
        %dma_wait3A_319 = tpu.memref_slice %arg12[%dma_wait3A_315, %dma_wait3A_317, %dma_wait3A_318] : memref<8x128x16xf32, #tpu.memory_space<vmem>> -> memref<1x128x16xf32, #tpu.memory_space<vmem>>
        %dma_wait3A_320 = tpu.memref_squeeze %dma_wait3A_319 : memref<1x128x16xf32, #tpu.memory_space<vmem>> -> memref<128x16xf32, #tpu.memory_space<vmem>>
        %dma_wait3A_321 = arith.constant 0 : i32
        %dma_wait3A_322 = tpu.memref_slice %arg11[%dma_wait3A_316, %dma_wait3A_321] : memref<8x128xi32, #tpu.memory_space<vmem>> -> memref<1x128xi32, #tpu.memory_space<vmem>>
        %dma_wait3A_323 = tpu.memref_squeeze %dma_wait3A_322 : memref<1x128xi32, #tpu.memory_space<vmem>> -> memref<128xi32, #tpu.memory_space<vmem>>
        %dma_wait3A_324 = arith.constant 0 : i32
        %dma_wait3A_325 = arith.constant 0 : i32
        %dma_wait3A_326 = tpu.memref_slice %arg9[%dma_wait3A_324, %dma_wait3A_325] : memref<100500x16xf32, #tpu.memory_space<vmem_shared>> -> memref<100500x16xf32, #tpu.memory_space<vmem_shared>>
        tpu.wait_indirect_dma semaphore(%arg15 : memref<!tpu.dma_semaphore, #tpu.memory_space<semaphore_mem>>) src(%dma_wait3A_320 : memref<128x16xf32, #tpu.memory_space<vmem>>) dst(%dma_wait3A_326 : memref<100500x16xf32, #tpu.memory_space<vmem_shared>>)
        %dma_wait3A_327 = arith.constant 1 : i32
        %dma_wait3A_328 = arith.constant 1 : i32
        %dma_wait3A_329 = arith.constant 0 : i32
        %dma_wait3A_330 = arith.constant 0 : i32
        %dma_wait3A_331 = tpu.memref_slice %arg12[%dma_wait3A_327, %dma_wait3A_329, %dma_wait3A_330] : memref<8x128x16xf32, #tpu.memory_space<vmem>> -> memref<1x128x16xf32, #tpu.memory_space<vmem>>
        %dma_wait3A_332 = tpu.memref_squeeze %dma_wait3A_331 : memref<1x128x16xf32, #tpu.memory_space<vmem>> -> memref<128x16xf32, #tpu.memory_space<vmem>>
        %dma_wait3A_333 = arith.constant 0 : i32
        %dma_wait3A_334 = tpu.memref_slice %arg11[%dma_wait3A_328, %dma_wait3A_333] : memref<8x128xi32, #tpu.memory_space<vmem>> -> memref<1x128xi32, #tpu.memory_space<vmem>>
        %dma_wait3A_335 = tpu.memref_squeeze %dma_wait3A_334 : memref<1x128xi32, #tpu.memory_space<vmem>> -> memref<128xi32, #tpu.memory_space<vmem>>
        %dma_wait3A_336 = arith.constant 0 : i32
        %dma_wait3A_337 = arith.constant 0 : i32
        %dma_wait3A_338 = tpu.memref_slice %arg9[%dma_wait3A_336, %dma_wait3A_337] : memref<100500x16xf32, #tpu.memory_space<vmem_shared>> -> memref<100500x16xf32, #tpu.memory_space<vmem_shared>>
        tpu.wait_indirect_dma semaphore(%arg15 : memref<!tpu.dma_semaphore, #tpu.memory_space<semaphore_mem>>) src(%dma_wait3A_332 : memref<128x16xf32, #tpu.memory_space<vmem>>) dst(%dma_wait3A_338 : memref<100500x16xf32, #tpu.memory_space<vmem_shared>>)
        %dma_wait3A_339 = arith.constant 2 : i32
        %dma_wait3A_340 = arith.constant 2 : i32
        %dma_wait3A_341 = arith.constant 0 : i32
        %dma_wait3A_342 = arith.constant 0 : i32
        %dma_wait3A_343 = tpu.memref_slice %arg12[%dma_wait3A_339, %dma_wait3A_341, %dma_wait3A_342] : memref<8x128x16xf32, #tpu.memory_space<vmem>> -> memref<1x128x16xf32, #tpu.memory_space<vmem>>
        %dma_wait3A_344 = tpu.memref_squeeze %dma_wait3A_343 : memref<1x128x16xf32, #tpu.memory_space<vmem>> -> memref<128x16xf32, #tpu.memory_space<vmem>>
        %dma_wait3A_345 = arith.constant 0 : i32
        %dma_wait3A_346 = tpu.memref_slice %arg11[%dma_wait3A_340, %dma_wait3A_345] : memref<8x128xi32, #tpu.memory_space<vmem>> -> memref<1x128xi32, #tpu.memory_space<vmem>>
        %dma_wait3A_347 = tpu.memref_squeeze %dma_wait3A_346 : memref<1x128xi32, #tpu.memory_space<vmem>> -> memref<128xi32, #tpu.memory_space<vmem>>
        %dma_wait3A_348 = arith.constant 0 : i32
        %dma_wait3A_349 = arith.constant 0 : i32
        %dma_wait3A_350 = tpu.memref_slice %arg9[%dma_wait3A_348, %dma_wait3A_349] : memref<100500x16xf32, #tpu.memory_space<vmem_shared>> -> memref<100500x16xf32, #tpu.memory_space<vmem_shared>>
        tpu.wait_indirect_dma semaphore(%arg15 : memref<!tpu.dma_semaphore, #tpu.memory_space<semaphore_mem>>) src(%dma_wait3A_344 : memref<128x16xf32, #tpu.memory_space<vmem>>) dst(%dma_wait3A_350 : memref<100500x16xf32, #tpu.memory_space<vmem_shared>>)
        %dma_wait3A_351 = arith.constant 3 : i32
        %dma_wait3A_352 = arith.constant 3 : i32
        %dma_wait3A_353 = arith.constant 0 : i32
        %dma_wait3A_354 = arith.constant 0 : i32
        %dma_wait3A_355 = tpu.memref_slice %arg12[%dma_wait3A_351, %dma_wait3A_353, %dma_wait3A_354] : memref<8x128x16xf32, #tpu.memory_space<vmem>> -> memref<1x128x16xf32, #tpu.memory_space<vmem>>
        %dma_wait3A_356 = tpu.memref_squeeze %dma_wait3A_355 : memref<1x128x16xf32, #tpu.memory_space<vmem>> -> memref<128x16xf32, #tpu.memory_space<vmem>>
        %dma_wait3A_357 = arith.constant 0 : i32
        %dma_wait3A_358 = tpu.memref_slice %arg11[%dma_wait3A_352, %dma_wait3A_357] : memref<8x128xi32, #tpu.memory_space<vmem>> -> memref<1x128xi32, #tpu.memory_space<vmem>>
        %dma_wait3A_359 = tpu.memref_squeeze %dma_wait3A_358 : memref<1x128xi32, #tpu.memory_space<vmem>> -> memref<128xi32, #tpu.memory_space<vmem>>
        %dma_wait3A_360 = arith.constant 0 : i32
        %dma_wait3A_361 = arith.constant 0 : i32
        %dma_wait3A_362 = tpu.memref_slice %arg9[%dma_wait3A_360, %dma_wait3A_361] : memref<100500x16xf32, #tpu.memory_space<vmem_shared>> -> memref<100500x16xf32, #tpu.memory_space<vmem_shared>>
        tpu.wait_indirect_dma semaphore(%arg15 : memref<!tpu.dma_semaphore, #tpu.memory_space<semaphore_mem>>) src(%dma_wait3A_356 : memref<128x16xf32, #tpu.memory_space<vmem>>) dst(%dma_wait3A_362 : memref<100500x16xf32, #tpu.memory_space<vmem_shared>>)
        %dma_wait3A_363 = arith.constant 4 : i32
        %dma_wait3A_364 = arith.constant 4 : i32
        %dma_wait3A_365 = arith.constant 0 : i32
        %dma_wait3A_366 = arith.constant 0 : i32
        %dma_wait3A_367 = tpu.memref_slice %arg12[%dma_wait3A_363, %dma_wait3A_365, %dma_wait3A_366] : memref<8x128x16xf32, #tpu.memory_space<vmem>> -> memref<1x128x16xf32, #tpu.memory_space<vmem>>
        %dma_wait3A_368 = tpu.memref_squeeze %dma_wait3A_367 : memref<1x128x16xf32, #tpu.memory_space<vmem>> -> memref<128x16xf32, #tpu.memory_space<vmem>>
        %dma_wait3A_369 = arith.constant 0 : i32
        %dma_wait3A_370 = tpu.memref_slice %arg11[%dma_wait3A_364, %dma_wait3A_369] : memref<8x128xi32, #tpu.memory_space<vmem>> -> memref<1x128xi32, #tpu.memory_space<vmem>>
        %dma_wait3A_371 = tpu.memref_squeeze %dma_wait3A_370 : memref<1x128xi32, #tpu.memory_space<vmem>> -> memref<128xi32, #tpu.memory_space<vmem>>
        %dma_wait3A_372 = arith.constant 0 : i32
        %dma_wait3A_373 = arith.constant 0 : i32
        %dma_wait3A_374 = tpu.memref_slice %arg9[%dma_wait3A_372, %dma_wait3A_373] : memref<100500x16xf32, #tpu.memory_space<vmem_shared>> -> memref<100500x16xf32, #tpu.memory_space<vmem_shared>>
        tpu.wait_indirect_dma semaphore(%arg15 : memref<!tpu.dma_semaphore, #tpu.memory_space<semaphore_mem>>) src(%dma_wait3A_368 : memref<128x16xf32, #tpu.memory_space<vmem>>) dst(%dma_wait3A_374 : memref<100500x16xf32, #tpu.memory_space<vmem_shared>>)
        %dma_wait3A_375 = arith.constant 5 : i32
        %dma_wait3A_376 = arith.constant 5 : i32
        %dma_wait3A_377 = arith.constant 0 : i32
        %dma_wait3A_378 = arith.constant 0 : i32
        %dma_wait3A_379 = tpu.memref_slice %arg12[%dma_wait3A_375, %dma_wait3A_377, %dma_wait3A_378] : memref<8x128x16xf32, #tpu.memory_space<vmem>> -> memref<1x128x16xf32, #tpu.memory_space<vmem>>
        %dma_wait3A_380 = tpu.memref_squeeze %dma_wait3A_379 : memref<1x128x16xf32, #tpu.memory_space<vmem>> -> memref<128x16xf32, #tpu.memory_space<vmem>>
        %dma_wait3A_381 = arith.constant 0 : i32
        %dma_wait3A_382 = tpu.memref_slice %arg11[%dma_wait3A_376, %dma_wait3A_381] : memref<8x128xi32, #tpu.memory_space<vmem>> -> memref<1x128xi32, #tpu.memory_space<vmem>>
        %dma_wait3A_383 = tpu.memref_squeeze %dma_wait3A_382 : memref<1x128xi32, #tpu.memory_space<vmem>> -> memref<128xi32, #tpu.memory_space<vmem>>
        %dma_wait3A_384 = arith.constant 0 : i32
        %dma_wait3A_385 = arith.constant 0 : i32
        %dma_wait3A_386 = tpu.memref_slice %arg9[%dma_wait3A_384, %dma_wait3A_385] : memref<100500x16xf32, #tpu.memory_space<vmem_shared>> -> memref<100500x16xf32, #tpu.memory_space<vmem_shared>>
        tpu.wait_indirect_dma semaphore(%arg15 : memref<!tpu.dma_semaphore, #tpu.memory_space<semaphore_mem>>) src(%dma_wait3A_380 : memref<128x16xf32, #tpu.memory_space<vmem>>) dst(%dma_wait3A_386 : memref<100500x16xf32, #tpu.memory_space<vmem_shared>>)
        %dma_wait3A_387 = arith.constant 6 : i32
        %dma_wait3A_388 = arith.constant 6 : i32
        %dma_wait3A_389 = arith.constant 0 : i32
        %dma_wait3A_390 = arith.constant 0 : i32
        %dma_wait3A_391 = tpu.memref_slice %arg12[%dma_wait3A_387, %dma_wait3A_389, %dma_wait3A_390] : memref<8x128x16xf32, #tpu.memory_space<vmem>> -> memref<1x128x16xf32, #tpu.memory_space<vmem>>
        %dma_wait3A_392 = tpu.memref_squeeze %dma_wait3A_391 : memref<1x128x16xf32, #tpu.memory_space<vmem>> -> memref<128x16xf32, #tpu.memory_space<vmem>>
        %dma_wait3A_393 = arith.constant 0 : i32
        %dma_wait3A_394 = tpu.memref_slice %arg11[%dma_wait3A_388, %dma_wait3A_393] : memref<8x128xi32, #tpu.memory_space<vmem>> -> memref<1x128xi32, #tpu.memory_space<vmem>>
        %dma_wait3A_395 = tpu.memref_squeeze %dma_wait3A_394 : memref<1x128xi32, #tpu.memory_space<vmem>> -> memref<128xi32, #tpu.memory_space<vmem>>
        %dma_wait3A_396 = arith.constant 0 : i32
        %dma_wait3A_397 = arith.constant 0 : i32
        %dma_wait3A_398 = tpu.memref_slice %arg9[%dma_wait3A_396, %dma_wait3A_397] : memref<100500x16xf32, #tpu.memory_space<vmem_shared>> -> memref<100500x16xf32, #tpu.memory_space<vmem_shared>>
        tpu.wait_indirect_dma semaphore(%arg15 : memref<!tpu.dma_semaphore, #tpu.memory_space<semaphore_mem>>) src(%dma_wait3A_392 : memref<128x16xf32, #tpu.memory_space<vmem>>) dst(%dma_wait3A_398 : memref<100500x16xf32, #tpu.memory_space<vmem_shared>>)
        %dma_wait3A_399 = arith.constant 7 : i32
        %dma_wait3A_400 = arith.constant 7 : i32
        %dma_wait3A_401 = arith.constant 0 : i32
        %dma_wait3A_402 = arith.constant 0 : i32
        %dma_wait3A_403 = tpu.memref_slice %arg12[%dma_wait3A_399, %dma_wait3A_401, %dma_wait3A_402] : memref<8x128x16xf32, #tpu.memory_space<vmem>> -> memref<1x128x16xf32, #tpu.memory_space<vmem>>
        %dma_wait3A_404 = tpu.memref_squeeze %dma_wait3A_403 : memref<1x128x16xf32, #tpu.memory_space<vmem>> -> memref<128x16xf32, #tpu.memory_space<vmem>>
        %dma_wait3A_405 = arith.constant 0 : i32
        %dma_wait3A_406 = tpu.memref_slice %arg11[%dma_wait3A_400, %dma_wait3A_405] : memref<8x128xi32, #tpu.memory_space<vmem>> -> memref<1x128xi32, #tpu.memory_space<vmem>>
        %dma_wait3A_407 = tpu.memref_squeeze %dma_wait3A_406 : memref<1x128xi32, #tpu.memory_space<vmem>> -> memref<128xi32, #tpu.memory_space<vmem>>
        %dma_wait3A_408 = arith.constant 0 : i32
        %dma_wait3A_409 = arith.constant 0 : i32
        %dma_wait3A_410 = tpu.memref_slice %arg9[%dma_wait3A_408, %dma_wait3A_409] : memref<100500x16xf32, #tpu.memory_space<vmem_shared>> -> memref<100500x16xf32, #tpu.memory_space<vmem_shared>>
        tpu.wait_indirect_dma semaphore(%arg15 : memref<!tpu.dma_semaphore, #tpu.memory_space<semaphore_mem>>) src(%dma_wait3A_404 : memref<128x16xf32, #tpu.memory_space<vmem>>) dst(%dma_wait3A_410 : memref<100500x16xf32, #tpu.memory_space<vmem_shared>>)
      } else {
      }
    }
    %scan3A_10 = arith.constant 104 : i32
    %barrier3A_11 = arith.constant 0 : index
    tpu.barrier barrier_id(%barrier3A_11)
    %scan3A_12 = arith.constant 0 : i32
    %scan3A_13 = arith.constant 0 : i32
    %scan3A_14 = arith.constant 51 : i32
    %scan3A_15 = arith.addi %scan3A_13, %scan3A_14 : i32
    %scan3A_16 = arith.constant 1 : i32
    scf.for %scan3A_18 = %scan3A_13 to %scan3A_15 step %scan3A_16  : i32 {
      %mul3A = arith.constant 16 : i32
      %mul3A_19 = arith.muli %mul3A, %scan3A_18 : i32
      %add3A = arith.addi %arg1, %mul3A_19 : i32
      %lt3A = arith.constant 800 : i32
      %lt3A_20 = arith.cmpi slt, %add3A, %lt3A : i32
      %convert_element_type3A = arith.extui %lt3A_20 : i1 to i32
      %cond3A = arith.constant 0 : i32
      %cond3A_21 = arith.cmpi ne, %convert_element_type3A, %cond3A : i32
      scf.if %cond3A_21 {
        %mul3A_22 = arith.constant 125 : i32
        %mul3A_23 = arith.muli %add3A, %mul3A_22 : i32
        "tpu.region"() ({
          %run_scoped3A = tpu.sem_alloc : memref<!tpu.dma_semaphore, #tpu.memory_space<semaphore_mem>>
          %dma_start3A = arith.constant 0 : i32
          %dma_start3A_33 = tpu.memref_slice %arg9[%mul3A_23, %dma_start3A] : memref<100500x16xf32, #tpu.memory_space<vmem_shared>> -> memref<125x16xf32, #tpu.memory_space<vmem_shared>>
          %dma_start3A_34 = arith.constant 0 : i32
          %dma_start3A_35 = tpu.memref_slice %arg9[%mul3A_23, %dma_start3A_34] : memref<100500x16xf32, #tpu.memory_space<vmem_shared>> -> memref<125x16xf32, #tpu.memory_space<vmem_shared>>
          tpu.enqueue_dma source(%dma_start3A_35 : memref<125x16xf32, #tpu.memory_space<vmem_shared>>) target(%arg13 : memref<125x16xf32, #tpu.memory_space<vmem>>) target_semaphore(%run_scoped3A : memref<!tpu.dma_semaphore, #tpu.memory_space<semaphore_mem>>)
          %dma_wait3A = arith.constant 0 : i32
          %dma_wait3A_36 = tpu.memref_slice %arg9[%mul3A_23, %dma_wait3A] : memref<100500x16xf32, #tpu.memory_space<vmem_shared>> -> memref<125x16xf32, #tpu.memory_space<vmem_shared>>
          %dma_wait3A_37 = arith.constant 0 : i32
          %dma_wait3A_38 = tpu.memref_slice %arg9[%mul3A_23, %dma_wait3A_37] : memref<100500x16xf32, #tpu.memory_space<vmem_shared>> -> memref<125x16xf32, #tpu.memory_space<vmem_shared>>
          tpu.wait_dma2 semaphore(%run_scoped3A : memref<!tpu.dma_semaphore, #tpu.memory_space<semaphore_mem>>) src(%dma_wait3A_38 : memref<125x16xf32, #tpu.memory_space<vmem_shared>>) dst(%arg13 : memref<125x16xf32, #tpu.memory_space<vmem>>)
          tpu.yield
        }) : () -> ()
        %eq3A = arith.constant 0 : i32
        %eq3A_24 = arith.cmpi eq, %arg0, %eq3A : i32
        %convert_element_type3A_25 = arith.extui %eq3A_24 : i1 to i32
        %cond3A_26 = arith.constant 0 : i32
        %cond3A_27 = arith.cmpi ne, %convert_element_type3A_25, %cond3A_26 : i32
        scf.if %cond3A_27 {
          %mul3A_33 = arith.constant 125 : i32
          %mul3A_34 = arith.muli %add3A, %mul3A_33 : i32
          "tpu.region"() ({
            %run_scoped3A = tpu.sem_alloc : memref<!tpu.dma_semaphore, #tpu.memory_space<semaphore_mem>>
            %dma_start3A = arith.constant 0 : i32
            %dma_start3A_35 = tpu.memref_slice %arg7[%mul3A_34, %dma_start3A] : memref<102400x16xf32, #tpu.memory_space<hbm>> -> memref<125x16xf32, #tpu.memory_space<hbm>>
            %dma_start3A_36 = arith.constant 0 : i32
            %dma_start3A_37 = tpu.memref_slice %arg7[%mul3A_34, %dma_start3A_36] : memref<102400x16xf32, #tpu.memory_space<hbm>> -> memref<125x16xf32, #tpu.memory_space<hbm>>
            tpu.enqueue_dma source(%arg13 : memref<125x16xf32, #tpu.memory_space<vmem>>) target(%dma_start3A_37 : memref<125x16xf32, #tpu.memory_space<hbm>>) target_semaphore(%run_scoped3A : memref<!tpu.dma_semaphore, #tpu.memory_space<semaphore_mem>>)
            %dma_wait3A = arith.constant 0 : i32
            %dma_wait3A_38 = tpu.memref_slice %arg7[%mul3A_34, %dma_wait3A] : memref<102400x16xf32, #tpu.memory_space<hbm>> -> memref<125x16xf32, #tpu.memory_space<hbm>>
            %dma_wait3A_39 = arith.constant 0 : i32
            %dma_wait3A_40 = tpu.memref_slice %arg7[%mul3A_34, %dma_wait3A_39] : memref<102400x16xf32, #tpu.memory_space<hbm>> -> memref<125x16xf32, #tpu.memory_space<hbm>>
            tpu.wait_dma2 semaphore(%run_scoped3A : memref<!tpu.dma_semaphore, #tpu.memory_space<semaphore_mem>>) src(%arg13 : memref<125x16xf32, #tpu.memory_space<vmem>>) dst(%dma_wait3A_40 : memref<125x16xf32, #tpu.memory_space<hbm>>)
            tpu.yield
          }) : () -> ()
        } else {
        }
        %eq3A_28 = arith.constant 1 : i32
        %eq3A_29 = arith.cmpi eq, %arg0, %eq3A_28 : i32
        %convert_element_type3A_30 = arith.extui %eq3A_29 : i1 to i32
        %cond3A_31 = arith.constant 0 : i32
        %cond3A_32 = arith.cmpi ne, %convert_element_type3A_30, %cond3A_31 : i32
        scf.if %cond3A_32 {
          %mul3A_33 = arith.constant 125 : i32
          %mul3A_34 = arith.muli %add3A, %mul3A_33 : i32
          "tpu.region"() ({
            %run_scoped3A = tpu.sem_alloc : memref<!tpu.dma_semaphore, #tpu.memory_space<semaphore_mem>>
            %dma_start3A = arith.constant 0 : i32
            %dma_start3A_35 = tpu.memref_slice %arg8[%mul3A_34, %dma_start3A] : memref<102400x16xf32, #tpu.memory_space<hbm>> -> memref<125x16xf32, #tpu.memory_space<hbm>>
            %dma_start3A_36 = arith.constant 0 : i32
            %dma_start3A_37 = tpu.memref_slice %arg8[%mul3A_34, %dma_start3A_36] : memref<102400x16xf32, #tpu.memory_space<hbm>> -> memref<125x16xf32, #tpu.memory_space<hbm>>
            tpu.enqueue_dma source(%arg13 : memref<125x16xf32, #tpu.memory_space<vmem>>) target(%dma_start3A_37 : memref<125x16xf32, #tpu.memory_space<hbm>>) target_semaphore(%run_scoped3A : memref<!tpu.dma_semaphore, #tpu.memory_space<semaphore_mem>>)
            %dma_wait3A = arith.constant 0 : i32
            %dma_wait3A_38 = tpu.memref_slice %arg8[%mul3A_34, %dma_wait3A] : memref<102400x16xf32, #tpu.memory_space<hbm>> -> memref<125x16xf32, #tpu.memory_space<hbm>>
            %dma_wait3A_39 = arith.constant 0 : i32
            %dma_wait3A_40 = tpu.memref_slice %arg8[%mul3A_34, %dma_wait3A_39] : memref<102400x16xf32, #tpu.memory_space<hbm>> -> memref<125x16xf32, #tpu.memory_space<hbm>>
            tpu.wait_dma2 semaphore(%run_scoped3A : memref<!tpu.dma_semaphore, #tpu.memory_space<semaphore_mem>>) src(%arg13 : memref<125x16xf32, #tpu.memory_space<vmem>>) dst(%dma_wait3A_40 : memref<125x16xf32, #tpu.memory_space<hbm>>)
            tpu.yield
          }) : () -> ()
        } else {
        }
      } else {
      }
    }
    %scan3A_17 = arith.constant 51 : i32
    return
  }
}

#map = affine_map<(d0, d1) -> (0, 0)>
module attributes {stable_mosaic.version = 14 : i64} {
  func.func @_agg_sc(%arg0: i32, %arg1: i32, %arg2: memref<102400x16xf32, #tpu.memory_space<hbm>>, %arg3: memref<102400x16xf32, #tpu.memory_space<hbm>>, %arg4: memref<13312x128xi32, #tpu.memory_space<hbm>>, %arg5: memref<13312x128xi32, #tpu.memory_space<hbm>>, %arg6: memref<125x16xf32, #tpu.memory_space<hbm>>, %arg7: memref<102400x16xf32, #tpu.memory_space<hbm>>, %arg8: memref<102400x16xf32, #tpu.memory_space<hbm>>, %arg9: memref<100500x16xf32, #tpu.memory_space<vmem_shared>>, %arg10: memref<8x128xi32, #tpu.memory_space<vmem>>, %arg11: memref<8x128xi32, #tpu.memory_space<vmem>>, %arg12: memref<8x128x16xf32, #tpu.memory_space<vmem>>, %arg13: memref<125x16xf32, #tpu.memory_space<vmem>>, %arg14: memref<!tpu.dma_semaphore, #tpu.memory_space<semaphore_mem>>, %arg15: memref<!tpu.dma_semaphore, #tpu.memory_space<semaphore_mem>>) attributes {dimension_semantics = [#tpu.dimension_semantics<core_parallel>, #tpu.dimension_semantics<subcore_parallel>], iteration_bounds = array<i64: 2, 16>, scalar_prefetch = 0 : i64, scratch_operands = 7 : i64, tpu.core_type = #tpu.core_type<sc_vector_subcore>, window_params = [{transform_indices = #map}, {transform_indices = #map}, {transform_indices = #map}, {transform_indices = #map}, {transform_indices = #map}, {transform_indices = #map}, {transform_indices = #map}]} {
    "tpu.region"() ({
      %run_scoped3A = tpu.sem_alloc : memref<!tpu.dma_semaphore, #tpu.memory_space<semaphore_mem>>
      tpu.enqueue_dma source(%arg6 : memref<125x16xf32, #tpu.memory_space<hbm>>) target(%arg13 : memref<125x16xf32, #tpu.memory_space<vmem>>) target_semaphore(%run_scoped3A : memref<!tpu.dma_semaphore, #tpu.memory_space<semaphore_mem>>)
      tpu.wait_dma2 semaphore(%run_scoped3A : memref<!tpu.dma_semaphore, #tpu.memory_space<semaphore_mem>>) src(%arg6 : memref<125x16xf32, #tpu.memory_space<hbm>>) dst(%arg13 : memref<125x16xf32, #tpu.memory_space<vmem>>)
      tpu.yield
    }) : () -> ()
    %scan3A = arith.constant 0 : i32
    %scan3A_0 = arith.constant 0 : i32
    %scan3A_1 = arith.constant 51 : i32
    %scan3A_2 = arith.addi %scan3A_0, %scan3A_1 : i32
    %scan3A_3 = arith.constant 1 : i32
    scf.for %scan3A_18 = %scan3A_0 to %scan3A_2 step %scan3A_3  : i32 {
      %mul3A = arith.constant 16 : i32
      %mul3A_19 = arith.muli %mul3A, %scan3A_18 : i32
      %add3A = arith.addi %arg1, %mul3A_19 : i32
      %lt3A = arith.constant 804 : i32
      %lt3A_20 = arith.cmpi slt, %add3A, %lt3A : i32
      %convert_element_type3A = arith.extui %lt3A_20 : i1 to i32
      %cond3A = arith.constant 0 : i32
      %cond3A_21 = arith.cmpi ne, %convert_element_type3A, %cond3A : i32
      scf.if %cond3A_21 {
        %mul3A_22 = arith.constant 125 : i32
        %mul3A_23 = arith.muli %add3A, %mul3A_22 : i32
        "tpu.region"() ({
          %run_scoped3A = tpu.sem_alloc : memref<!tpu.dma_semaphore, #tpu.memory_space<semaphore_mem>>
          %dma_start3A = arith.constant 0 : i32
          %dma_start3A_24 = tpu.memref_slice %arg9[%mul3A_23, %dma_start3A] : memref<100500x16xf32, #tpu.memory_space<vmem_shared>> -> memref<125x16xf32, #tpu.memory_space<vmem_shared>>
          %dma_start3A_25 = arith.constant 0 : i32
          %dma_start3A_26 = tpu.memref_slice %arg9[%mul3A_23, %dma_start3A_25] : memref<100500x16xf32, #tpu.memory_space<vmem_shared>> -> memref<125x16xf32, #tpu.memory_space<vmem_shared>>
          tpu.enqueue_dma source(%arg13 : memref<125x16xf32, #tpu.memory_space<vmem>>) target(%dma_start3A_26 : memref<125x16xf32, #tpu.memory_space<vmem_shared>>) target_semaphore(%run_scoped3A : memref<!tpu.dma_semaphore, #tpu.memory_space<semaphore_mem>>)
          %dma_wait3A = arith.constant 0 : i32
          %dma_wait3A_27 = tpu.memref_slice %arg9[%mul3A_23, %dma_wait3A] : memref<100500x16xf32, #tpu.memory_space<vmem_shared>> -> memref<125x16xf32, #tpu.memory_space<vmem_shared>>
          %dma_wait3A_28 = arith.constant 0 : i32
          %dma_wait3A_29 = tpu.memref_slice %arg9[%mul3A_23, %dma_wait3A_28] : memref<100500x16xf32, #tpu.memory_space<vmem_shared>> -> memref<125x16xf32, #tpu.memory_space<vmem_shared>>
          tpu.wait_dma2 semaphore(%run_scoped3A : memref<!tpu.dma_semaphore, #tpu.memory_space<semaphore_mem>>) src(%arg13 : memref<125x16xf32, #tpu.memory_space<vmem>>) dst(%dma_wait3A_29 : memref<125x16xf32, #tpu.memory_space<vmem_shared>>)
          tpu.yield
        }) : () -> ()
      } else {
      }
    }
    %scan3A_4 = arith.constant 51 : i32
    %barrier3A = arith.constant 0 : index
    tpu.barrier barrier_id(%barrier3A)
    %scan3A_5 = arith.constant 0 : i32
    %scan3A_6 = arith.constant 0 : i32
    %scan3A_7 = arith.constant 104 : i32
    %scan3A_8 = arith.addi %scan3A_6, %scan3A_7 : i32
    %scan3A_9 = arith.constant 1 : i32
    scf.for %scan3A_18 = %scan3A_6 to %scan3A_8 step %scan3A_9  : i32 {
      %mul3A = arith.constant 16 : i32
      %mul3A_19 = arith.muli %mul3A, %scan3A_18 : i32
      %add3A = arith.addi %arg1, %mul3A_19 : i32
      %mul3A_20 = arith.constant 8 : i32
      %mul3A_21 = arith.muli %add3A, %mul3A_20 : i32
      "tpu.region"() ({
        %run_scoped3A = tpu.sem_alloc : memref<!tpu.dma_semaphore, #tpu.memory_space<semaphore_mem>>
        %dma_start3A = arith.constant 0 : i32
        %dma_start3A_29 = tpu.memref_slice %arg4[%mul3A_21, %dma_start3A] : memref<13312x128xi32, #tpu.memory_space<hbm>> -> memref<8x128xi32, #tpu.memory_space<hbm>>
        %dma_start3A_30 = arith.constant 0 : i32
        %dma_start3A_31 = tpu.memref_slice %arg4[%mul3A_21, %dma_start3A_30] : memref<13312x128xi32, #tpu.memory_space<hbm>> -> memref<8x128xi32, #tpu.memory_space<hbm>>
        tpu.enqueue_dma source(%dma_start3A_31 : memref<8x128xi32, #tpu.memory_space<hbm>>) target(%arg10 : memref<8x128xi32, #tpu.memory_space<vmem>>) target_semaphore(%run_scoped3A : memref<!tpu.dma_semaphore, #tpu.memory_space<semaphore_mem>>)
        %dma_wait3A = arith.constant 0 : i32
        %dma_wait3A_32 = tpu.memref_slice %arg4[%mul3A_21, %dma_wait3A] : memref<13312x128xi32, #tpu.memory_space<hbm>> -> memref<8x128xi32, #tpu.memory_space<hbm>>
        %dma_wait3A_33 = arith.constant 0 : i32
        %dma_wait3A_34 = tpu.memref_slice %arg4[%mul3A_21, %dma_wait3A_33] : memref<13312x128xi32, #tpu.memory_space<hbm>> -> memref<8x128xi32, #tpu.memory_space<hbm>>
        tpu.wait_dma2 semaphore(%run_scoped3A : memref<!tpu.dma_semaphore, #tpu.memory_space<semaphore_mem>>) src(%dma_wait3A_34 : memref<8x128xi32, #tpu.memory_space<hbm>>) dst(%arg10 : memref<8x128xi32, #tpu.memory_space<vmem>>)
        tpu.yield
      }) : () -> ()
      "tpu.region"() ({
        %run_scoped3A = tpu.sem_alloc : memref<!tpu.dma_semaphore, #tpu.memory_space<semaphore_mem>>
        %dma_start3A = arith.constant 0 : i32
        %dma_start3A_29 = tpu.memref_slice %arg5[%mul3A_21, %dma_start3A] : memref<13312x128xi32, #tpu.memory_space<hbm>> -> memref<8x128xi32, #tpu.memory_space<hbm>>
        %dma_start3A_30 = arith.constant 0 : i32
        %dma_start3A_31 = tpu.memref_slice %arg5[%mul3A_21, %dma_start3A_30] : memref<13312x128xi32, #tpu.memory_space<hbm>> -> memref<8x128xi32, #tpu.memory_space<hbm>>
        tpu.enqueue_dma source(%dma_start3A_31 : memref<8x128xi32, #tpu.memory_space<hbm>>) target(%arg11 : memref<8x128xi32, #tpu.memory_space<vmem>>) target_semaphore(%run_scoped3A : memref<!tpu.dma_semaphore, #tpu.memory_space<semaphore_mem>>)
        %dma_wait3A = arith.constant 0 : i32
        %dma_wait3A_32 = tpu.memref_slice %arg5[%mul3A_21, %dma_wait3A] : memref<13312x128xi32, #tpu.memory_space<hbm>> -> memref<8x128xi32, #tpu.memory_space<hbm>>
        %dma_wait3A_33 = arith.constant 0 : i32
        %dma_wait3A_34 = tpu.memref_slice %arg5[%mul3A_21, %dma_wait3A_33] : memref<13312x128xi32, #tpu.memory_space<hbm>> -> memref<8x128xi32, #tpu.memory_space<hbm>>
        tpu.wait_dma2 semaphore(%run_scoped3A : memref<!tpu.dma_semaphore, #tpu.memory_space<semaphore_mem>>) src(%dma_wait3A_34 : memref<8x128xi32, #tpu.memory_space<hbm>>) dst(%arg11 : memref<8x128xi32, #tpu.memory_space<vmem>>)
        tpu.yield
      }) : () -> ()
      %eq3A = arith.constant 0 : i32
      %eq3A_22 = arith.cmpi eq, %arg0, %eq3A : i32
      %convert_element_type3A = arith.extui %eq3A_22 : i1 to i32
      %cond3A = arith.constant 0 : i32
      %cond3A_23 = arith.cmpi ne, %convert_element_type3A, %cond3A : i32
      scf.if %cond3A_23 {
        %dma_start3A = arith.constant 0 : i32
        %dma_start3A_29 = arith.constant 0 : i32
        %dma_start3A_30 = arith.constant 0 : i32
        %dma_start3A_31 = arith.constant 0 : i32
        %dma_start3A_32 = tpu.memref_slice %arg12[%dma_start3A_29, %dma_start3A_30, %dma_start3A_31] : memref<8x128x16xf32, #tpu.memory_space<vmem>> -> memref<1x128x16xf32, #tpu.memory_space<vmem>>
        %dma_start3A_33 = tpu.memref_squeeze %dma_start3A_32 : memref<1x128x16xf32, #tpu.memory_space<vmem>> -> memref<128x16xf32, #tpu.memory_space<vmem>>
        %dma_start3A_34 = arith.constant 0 : i32
        %dma_start3A_35 = tpu.memref_slice %arg10[%dma_start3A, %dma_start3A_34] : memref<8x128xi32, #tpu.memory_space<vmem>> -> memref<1x128xi32, #tpu.memory_space<vmem>>
        %dma_start3A_36 = tpu.memref_squeeze %dma_start3A_35 : memref<1x128xi32, #tpu.memory_space<vmem>> -> memref<128xi32, #tpu.memory_space<vmem>>
        %dma_start3A_37 = arith.constant 0 : i32
        %dma_start3A_38 = arith.constant 0 : i32
        %dma_start3A_39 = tpu.memref_slice %arg2[%dma_start3A_37, %dma_start3A_38] : memref<102400x16xf32, #tpu.memory_space<hbm>> -> memref<102400x16xf32, #tpu.memory_space<hbm>>
        tpu.enqueue_indirect_dma source(%dma_start3A_39 : memref<102400x16xf32, #tpu.memory_space<hbm>>) target(%dma_start3A_33 : memref<128x16xf32, #tpu.memory_space<vmem>>) offsets(%dma_start3A_36 : memref<128xi32, #tpu.memory_space<vmem>>) semaphore(%arg14 : memref<!tpu.dma_semaphore, #tpu.memory_space<semaphore_mem>>)
        %dma_start3A_40 = arith.constant 1 : i32
        %dma_start3A_41 = arith.constant 1 : i32
        %dma_start3A_42 = arith.constant 0 : i32
        %dma_start3A_43 = arith.constant 0 : i32
        %dma_start3A_44 = tpu.memref_slice %arg12[%dma_start3A_41, %dma_start3A_42, %dma_start3A_43] : memref<8x128x16xf32, #tpu.memory_space<vmem>> -> memref<1x128x16xf32, #tpu.memory_space<vmem>>
        %dma_start3A_45 = tpu.memref_squeeze %dma_start3A_44 : memref<1x128x16xf32, #tpu.memory_space<vmem>> -> memref<128x16xf32, #tpu.memory_space<vmem>>
        %dma_start3A_46 = arith.constant 0 : i32
        %dma_start3A_47 = tpu.memref_slice %arg10[%dma_start3A_40, %dma_start3A_46] : memref<8x128xi32, #tpu.memory_space<vmem>> -> memref<1x128xi32, #tpu.memory_space<vmem>>
        %dma_start3A_48 = tpu.memref_squeeze %dma_start3A_47 : memref<1x128xi32, #tpu.memory_space<vmem>> -> memref<128xi32, #tpu.memory_space<vmem>>
        %dma_start3A_49 = arith.constant 0 : i32
        %dma_start3A_50 = arith.constant 0 : i32
        %dma_start3A_51 = tpu.memref_slice %arg2[%dma_start3A_49, %dma_start3A_50] : memref<102400x16xf32, #tpu.memory_space<hbm>> -> memref<102400x16xf32, #tpu.memory_space<hbm>>
        tpu.enqueue_indirect_dma source(%dma_start3A_51 : memref<102400x16xf32, #tpu.memory_space<hbm>>) target(%dma_start3A_45 : memref<128x16xf32, #tpu.memory_space<vmem>>) offsets(%dma_start3A_48 : memref<128xi32, #tpu.memory_space<vmem>>) semaphore(%arg14 : memref<!tpu.dma_semaphore, #tpu.memory_space<semaphore_mem>>)
        %dma_start3A_52 = arith.constant 2 : i32
        %dma_start3A_53 = arith.constant 2 : i32
        %dma_start3A_54 = arith.constant 0 : i32
        %dma_start3A_55 = arith.constant 0 : i32
        %dma_start3A_56 = tpu.memref_slice %arg12[%dma_start3A_53, %dma_start3A_54, %dma_start3A_55] : memref<8x128x16xf32, #tpu.memory_space<vmem>> -> memref<1x128x16xf32, #tpu.memory_space<vmem>>
        %dma_start3A_57 = tpu.memref_squeeze %dma_start3A_56 : memref<1x128x16xf32, #tpu.memory_space<vmem>> -> memref<128x16xf32, #tpu.memory_space<vmem>>
        %dma_start3A_58 = arith.constant 0 : i32
        %dma_start3A_59 = tpu.memref_slice %arg10[%dma_start3A_52, %dma_start3A_58] : memref<8x128xi32, #tpu.memory_space<vmem>> -> memref<1x128xi32, #tpu.memory_space<vmem>>
        %dma_start3A_60 = tpu.memref_squeeze %dma_start3A_59 : memref<1x128xi32, #tpu.memory_space<vmem>> -> memref<128xi32, #tpu.memory_space<vmem>>
        %dma_start3A_61 = arith.constant 0 : i32
        %dma_start3A_62 = arith.constant 0 : i32
        %dma_start3A_63 = tpu.memref_slice %arg2[%dma_start3A_61, %dma_start3A_62] : memref<102400x16xf32, #tpu.memory_space<hbm>> -> memref<102400x16xf32, #tpu.memory_space<hbm>>
        tpu.enqueue_indirect_dma source(%dma_start3A_63 : memref<102400x16xf32, #tpu.memory_space<hbm>>) target(%dma_start3A_57 : memref<128x16xf32, #tpu.memory_space<vmem>>) offsets(%dma_start3A_60 : memref<128xi32, #tpu.memory_space<vmem>>) semaphore(%arg14 : memref<!tpu.dma_semaphore, #tpu.memory_space<semaphore_mem>>)
        %dma_start3A_64 = arith.constant 3 : i32
        %dma_start3A_65 = arith.constant 3 : i32
        %dma_start3A_66 = arith.constant 0 : i32
        %dma_start3A_67 = arith.constant 0 : i32
        %dma_start3A_68 = tpu.memref_slice %arg12[%dma_start3A_65, %dma_start3A_66, %dma_start3A_67] : memref<8x128x16xf32, #tpu.memory_space<vmem>> -> memref<1x128x16xf32, #tpu.memory_space<vmem>>
        %dma_start3A_69 = tpu.memref_squeeze %dma_start3A_68 : memref<1x128x16xf32, #tpu.memory_space<vmem>> -> memref<128x16xf32, #tpu.memory_space<vmem>>
        %dma_start3A_70 = arith.constant 0 : i32
        %dma_start3A_71 = tpu.memref_slice %arg10[%dma_start3A_64, %dma_start3A_70] : memref<8x128xi32, #tpu.memory_space<vmem>> -> memref<1x128xi32, #tpu.memory_space<vmem>>
        %dma_start3A_72 = tpu.memref_squeeze %dma_start3A_71 : memref<1x128xi32, #tpu.memory_space<vmem>> -> memref<128xi32, #tpu.memory_space<vmem>>
        %dma_start3A_73 = arith.constant 0 : i32
        %dma_start3A_74 = arith.constant 0 : i32
        %dma_start3A_75 = tpu.memref_slice %arg2[%dma_start3A_73, %dma_start3A_74] : memref<102400x16xf32, #tpu.memory_space<hbm>> -> memref<102400x16xf32, #tpu.memory_space<hbm>>
        tpu.enqueue_indirect_dma source(%dma_start3A_75 : memref<102400x16xf32, #tpu.memory_space<hbm>>) target(%dma_start3A_69 : memref<128x16xf32, #tpu.memory_space<vmem>>) offsets(%dma_start3A_72 : memref<128xi32, #tpu.memory_space<vmem>>) semaphore(%arg14 : memref<!tpu.dma_semaphore, #tpu.memory_space<semaphore_mem>>)
        %dma_start3A_76 = arith.constant 4 : i32
        %dma_start3A_77 = arith.constant 4 : i32
        %dma_start3A_78 = arith.constant 0 : i32
        %dma_start3A_79 = arith.constant 0 : i32
        %dma_start3A_80 = tpu.memref_slice %arg12[%dma_start3A_77, %dma_start3A_78, %dma_start3A_79] : memref<8x128x16xf32, #tpu.memory_space<vmem>> -> memref<1x128x16xf32, #tpu.memory_space<vmem>>
        %dma_start3A_81 = tpu.memref_squeeze %dma_start3A_80 : memref<1x128x16xf32, #tpu.memory_space<vmem>> -> memref<128x16xf32, #tpu.memory_space<vmem>>
        %dma_start3A_82 = arith.constant 0 : i32
        %dma_start3A_83 = tpu.memref_slice %arg10[%dma_start3A_76, %dma_start3A_82] : memref<8x128xi32, #tpu.memory_space<vmem>> -> memref<1x128xi32, #tpu.memory_space<vmem>>
        %dma_start3A_84 = tpu.memref_squeeze %dma_start3A_83 : memref<1x128xi32, #tpu.memory_space<vmem>> -> memref<128xi32, #tpu.memory_space<vmem>>
        %dma_start3A_85 = arith.constant 0 : i32
        %dma_start3A_86 = arith.constant 0 : i32
        %dma_start3A_87 = tpu.memref_slice %arg2[%dma_start3A_85, %dma_start3A_86] : memref<102400x16xf32, #tpu.memory_space<hbm>> -> memref<102400x16xf32, #tpu.memory_space<hbm>>
        tpu.enqueue_indirect_dma source(%dma_start3A_87 : memref<102400x16xf32, #tpu.memory_space<hbm>>) target(%dma_start3A_81 : memref<128x16xf32, #tpu.memory_space<vmem>>) offsets(%dma_start3A_84 : memref<128xi32, #tpu.memory_space<vmem>>) semaphore(%arg14 : memref<!tpu.dma_semaphore, #tpu.memory_space<semaphore_mem>>)
        %dma_start3A_88 = arith.constant 5 : i32
        %dma_start3A_89 = arith.constant 5 : i32
        %dma_start3A_90 = arith.constant 0 : i32
        %dma_start3A_91 = arith.constant 0 : i32
        %dma_start3A_92 = tpu.memref_slice %arg12[%dma_start3A_89, %dma_start3A_90, %dma_start3A_91] : memref<8x128x16xf32, #tpu.memory_space<vmem>> -> memref<1x128x16xf32, #tpu.memory_space<vmem>>
        %dma_start3A_93 = tpu.memref_squeeze %dma_start3A_92 : memref<1x128x16xf32, #tpu.memory_space<vmem>> -> memref<128x16xf32, #tpu.memory_space<vmem>>
        %dma_start3A_94 = arith.constant 0 : i32
        %dma_start3A_95 = tpu.memref_slice %arg10[%dma_start3A_88, %dma_start3A_94] : memref<8x128xi32, #tpu.memory_space<vmem>> -> memref<1x128xi32, #tpu.memory_space<vmem>>
        %dma_start3A_96 = tpu.memref_squeeze %dma_start3A_95 : memref<1x128xi32, #tpu.memory_space<vmem>> -> memref<128xi32, #tpu.memory_space<vmem>>
        %dma_start3A_97 = arith.constant 0 : i32
        %dma_start3A_98 = arith.constant 0 : i32
        %dma_start3A_99 = tpu.memref_slice %arg2[%dma_start3A_97, %dma_start3A_98] : memref<102400x16xf32, #tpu.memory_space<hbm>> -> memref<102400x16xf32, #tpu.memory_space<hbm>>
        tpu.enqueue_indirect_dma source(%dma_start3A_99 : memref<102400x16xf32, #tpu.memory_space<hbm>>) target(%dma_start3A_93 : memref<128x16xf32, #tpu.memory_space<vmem>>) offsets(%dma_start3A_96 : memref<128xi32, #tpu.memory_space<vmem>>) semaphore(%arg14 : memref<!tpu.dma_semaphore, #tpu.memory_space<semaphore_mem>>)
        %dma_start3A_100 = arith.constant 6 : i32
        %dma_start3A_101 = arith.constant 6 : i32
        %dma_start3A_102 = arith.constant 0 : i32
        %dma_start3A_103 = arith.constant 0 : i32
        %dma_start3A_104 = tpu.memref_slice %arg12[%dma_start3A_101, %dma_start3A_102, %dma_start3A_103] : memref<8x128x16xf32, #tpu.memory_space<vmem>> -> memref<1x128x16xf32, #tpu.memory_space<vmem>>
        %dma_start3A_105 = tpu.memref_squeeze %dma_start3A_104 : memref<1x128x16xf32, #tpu.memory_space<vmem>> -> memref<128x16xf32, #tpu.memory_space<vmem>>
        %dma_start3A_106 = arith.constant 0 : i32
        %dma_start3A_107 = tpu.memref_slice %arg10[%dma_start3A_100, %dma_start3A_106] : memref<8x128xi32, #tpu.memory_space<vmem>> -> memref<1x128xi32, #tpu.memory_space<vmem>>
        %dma_start3A_108 = tpu.memref_squeeze %dma_start3A_107 : memref<1x128xi32, #tpu.memory_space<vmem>> -> memref<128xi32, #tpu.memory_space<vmem>>
        %dma_start3A_109 = arith.constant 0 : i32
        %dma_start3A_110 = arith.constant 0 : i32
        %dma_start3A_111 = tpu.memref_slice %arg2[%dma_start3A_109, %dma_start3A_110] : memref<102400x16xf32, #tpu.memory_space<hbm>> -> memref<102400x16xf32, #tpu.memory_space<hbm>>
        tpu.enqueue_indirect_dma source(%dma_start3A_111 : memref<102400x16xf32, #tpu.memory_space<hbm>>) target(%dma_start3A_105 : memref<128x16xf32, #tpu.memory_space<vmem>>) offsets(%dma_start3A_108 : memref<128xi32, #tpu.memory_space<vmem>>) semaphore(%arg14 : memref<!tpu.dma_semaphore, #tpu.memory_space<semaphore_mem>>)
        %dma_start3A_112 = arith.constant 7 : i32
        %dma_start3A_113 = arith.constant 7 : i32
        %dma_start3A_114 = arith.constant 0 : i32
        %dma_start3A_115 = arith.constant 0 : i32
        %dma_start3A_116 = tpu.memref_slice %arg12[%dma_start3A_113, %dma_start3A_114, %dma_start3A_115] : memref<8x128x16xf32, #tpu.memory_space<vmem>> -> memref<1x128x16xf32, #tpu.memory_space<vmem>>
        %dma_start3A_117 = tpu.memref_squeeze %dma_start3A_116 : memref<1x128x16xf32, #tpu.memory_space<vmem>> -> memref<128x16xf32, #tpu.memory_space<vmem>>
        %dma_start3A_118 = arith.constant 0 : i32
        %dma_start3A_119 = tpu.memref_slice %arg10[%dma_start3A_112, %dma_start3A_118] : memref<8x128xi32, #tpu.memory_space<vmem>> -> memref<1x128xi32, #tpu.memory_space<vmem>>
        %dma_start3A_120 = tpu.memref_squeeze %dma_start3A_119 : memref<1x128xi32, #tpu.memory_space<vmem>> -> memref<128xi32, #tpu.memory_space<vmem>>
        %dma_start3A_121 = arith.constant 0 : i32
        %dma_start3A_122 = arith.constant 0 : i32
        %dma_start3A_123 = tpu.memref_slice %arg2[%dma_start3A_121, %dma_start3A_122] : memref<102400x16xf32, #tpu.memory_space<hbm>> -> memref<102400x16xf32, #tpu.memory_space<hbm>>
        tpu.enqueue_indirect_dma source(%dma_start3A_123 : memref<102400x16xf32, #tpu.memory_space<hbm>>) target(%dma_start3A_117 : memref<128x16xf32, #tpu.memory_space<vmem>>) offsets(%dma_start3A_120 : memref<128xi32, #tpu.memory_space<vmem>>) semaphore(%arg14 : memref<!tpu.dma_semaphore, #tpu.memory_space<semaphore_mem>>)
        %dma_wait3A = arith.constant 0 : i32
        %dma_wait3A_124 = arith.constant 0 : i32
        %dma_wait3A_125 = arith.constant 0 : i32
        %dma_wait3A_126 = arith.constant 0 : i32
        %dma_wait3A_127 = tpu.memref_slice %arg12[%dma_wait3A_124, %dma_wait3A_125, %dma_wait3A_126] : memref<8x128x16xf32, #tpu.memory_space<vmem>> -> memref<1x128x16xf32, #tpu.memory_space<vmem>>
        %dma_wait3A_128 = tpu.memref_squeeze %dma_wait3A_127 : memref<1x128x16xf32, #tpu.memory_space<vmem>> -> memref<128x16xf32, #tpu.memory_space<vmem>>
        %dma_wait3A_129 = arith.constant 0 : i32
        %dma_wait3A_130 = tpu.memref_slice %arg10[%dma_wait3A, %dma_wait3A_129] : memref<8x128xi32, #tpu.memory_space<vmem>> -> memref<1x128xi32, #tpu.memory_space<vmem>>
        %dma_wait3A_131 = tpu.memref_squeeze %dma_wait3A_130 : memref<1x128xi32, #tpu.memory_space<vmem>> -> memref<128xi32, #tpu.memory_space<vmem>>
        %dma_wait3A_132 = arith.constant 0 : i32
        %dma_wait3A_133 = arith.constant 0 : i32
        %dma_wait3A_134 = tpu.memref_slice %arg2[%dma_wait3A_132, %dma_wait3A_133] : memref<102400x16xf32, #tpu.memory_space<hbm>> -> memref<102400x16xf32, #tpu.memory_space<hbm>>
        tpu.wait_indirect_dma semaphore(%arg14 : memref<!tpu.dma_semaphore, #tpu.memory_space<semaphore_mem>>) src(%dma_wait3A_134 : memref<102400x16xf32, #tpu.memory_space<hbm>>) dst(%dma_wait3A_128 : memref<128x16xf32, #tpu.memory_space<vmem>>)
        %dma_start3A_135 = arith.constant 0 : i32
        %dma_start3A_136 = arith.constant 0 : i32
        %dma_start3A_137 = arith.constant 0 : i32
        %dma_start3A_138 = arith.constant 0 : i32
        %dma_start3A_139 = tpu.memref_slice %arg12[%dma_start3A_135, %dma_start3A_137, %dma_start3A_138] : memref<8x128x16xf32, #tpu.memory_space<vmem>> -> memref<1x128x16xf32, #tpu.memory_space<vmem>>
        %dma_start3A_140 = tpu.memref_squeeze %dma_start3A_139 : memref<1x128x16xf32, #tpu.memory_space<vmem>> -> memref<128x16xf32, #tpu.memory_space<vmem>>
        %dma_start3A_141 = arith.constant 0 : i32
        %dma_start3A_142 = tpu.memref_slice %arg11[%dma_start3A_136, %dma_start3A_141] : memref<8x128xi32, #tpu.memory_space<vmem>> -> memref<1x128xi32, #tpu.memory_space<vmem>>
        %dma_start3A_143 = tpu.memref_squeeze %dma_start3A_142 : memref<1x128xi32, #tpu.memory_space<vmem>> -> memref<128xi32, #tpu.memory_space<vmem>>
        %dma_start3A_144 = arith.constant 0 : i32
        %dma_start3A_145 = arith.constant 0 : i32
        %dma_start3A_146 = tpu.memref_slice %arg9[%dma_start3A_144, %dma_start3A_145] : memref<100500x16xf32, #tpu.memory_space<vmem_shared>> -> memref<100500x16xf32, #tpu.memory_space<vmem_shared>>
        tpu.enqueue_indirect_dma source(%dma_start3A_140 : memref<128x16xf32, #tpu.memory_space<vmem>>) target(%dma_start3A_146 : memref<100500x16xf32, #tpu.memory_space<vmem_shared>>) offsets(%dma_start3A_143 : memref<128xi32, #tpu.memory_space<vmem>>) semaphore(%arg15 : memref<!tpu.dma_semaphore, #tpu.memory_space<semaphore_mem>>) {add = true}
        %dma_wait3A_147 = arith.constant 1 : i32
        %dma_wait3A_148 = arith.constant 1 : i32
        %dma_wait3A_149 = arith.constant 0 : i32
        %dma_wait3A_150 = arith.constant 0 : i32
        %dma_wait3A_151 = tpu.memref_slice %arg12[%dma_wait3A_148, %dma_wait3A_149, %dma_wait3A_150] : memref<8x128x16xf32, #tpu.memory_space<vmem>> -> memref<1x128x16xf32, #tpu.memory_space<vmem>>
        %dma_wait3A_152 = tpu.memref_squeeze %dma_wait3A_151 : memref<1x128x16xf32, #tpu.memory_space<vmem>> -> memref<128x16xf32, #tpu.memory_space<vmem>>
        %dma_wait3A_153 = arith.constant 0 : i32
        %dma_wait3A_154 = tpu.memref_slice %arg10[%dma_wait3A_147, %dma_wait3A_153] : memref<8x128xi32, #tpu.memory_space<vmem>> -> memref<1x128xi32, #tpu.memory_space<vmem>>
        %dma_wait3A_155 = tpu.memref_squeeze %dma_wait3A_154 : memref<1x128xi32, #tpu.memory_space<vmem>> -> memref<128xi32, #tpu.memory_space<vmem>>
        %dma_wait3A_156 = arith.constant 0 : i32
        %dma_wait3A_157 = arith.constant 0 : i32
        %dma_wait3A_158 = tpu.memref_slice %arg2[%dma_wait3A_156, %dma_wait3A_157] : memref<102400x16xf32, #tpu.memory_space<hbm>> -> memref<102400x16xf32, #tpu.memory_space<hbm>>
        tpu.wait_indirect_dma semaphore(%arg14 : memref<!tpu.dma_semaphore, #tpu.memory_space<semaphore_mem>>) src(%dma_wait3A_158 : memref<102400x16xf32, #tpu.memory_space<hbm>>) dst(%dma_wait3A_152 : memref<128x16xf32, #tpu.memory_space<vmem>>)
        %dma_start3A_159 = arith.constant 1 : i32
        %dma_start3A_160 = arith.constant 1 : i32
        %dma_start3A_161 = arith.constant 0 : i32
        %dma_start3A_162 = arith.constant 0 : i32
        %dma_start3A_163 = tpu.memref_slice %arg12[%dma_start3A_159, %dma_start3A_161, %dma_start3A_162] : memref<8x128x16xf32, #tpu.memory_space<vmem>> -> memref<1x128x16xf32, #tpu.memory_space<vmem>>
        %dma_start3A_164 = tpu.memref_squeeze %dma_start3A_163 : memref<1x128x16xf32, #tpu.memory_space<vmem>> -> memref<128x16xf32, #tpu.memory_space<vmem>>
        %dma_start3A_165 = arith.constant 0 : i32
        %dma_start3A_166 = tpu.memref_slice %arg11[%dma_start3A_160, %dma_start3A_165] : memref<8x128xi32, #tpu.memory_space<vmem>> -> memref<1x128xi32, #tpu.memory_space<vmem>>
        %dma_start3A_167 = tpu.memref_squeeze %dma_start3A_166 : memref<1x128xi32, #tpu.memory_space<vmem>> -> memref<128xi32, #tpu.memory_space<vmem>>
        %dma_start3A_168 = arith.constant 0 : i32
        %dma_start3A_169 = arith.constant 0 : i32
        %dma_start3A_170 = tpu.memref_slice %arg9[%dma_start3A_168, %dma_start3A_169] : memref<100500x16xf32, #tpu.memory_space<vmem_shared>> -> memref<100500x16xf32, #tpu.memory_space<vmem_shared>>
        tpu.enqueue_indirect_dma source(%dma_start3A_164 : memref<128x16xf32, #tpu.memory_space<vmem>>) target(%dma_start3A_170 : memref<100500x16xf32, #tpu.memory_space<vmem_shared>>) offsets(%dma_start3A_167 : memref<128xi32, #tpu.memory_space<vmem>>) semaphore(%arg15 : memref<!tpu.dma_semaphore, #tpu.memory_space<semaphore_mem>>) {add = true}
        %dma_wait3A_171 = arith.constant 2 : i32
        %dma_wait3A_172 = arith.constant 2 : i32
        %dma_wait3A_173 = arith.constant 0 : i32
        %dma_wait3A_174 = arith.constant 0 : i32
        %dma_wait3A_175 = tpu.memref_slice %arg12[%dma_wait3A_172, %dma_wait3A_173, %dma_wait3A_174] : memref<8x128x16xf32, #tpu.memory_space<vmem>> -> memref<1x128x16xf32, #tpu.memory_space<vmem>>
        %dma_wait3A_176 = tpu.memref_squeeze %dma_wait3A_175 : memref<1x128x16xf32, #tpu.memory_space<vmem>> -> memref<128x16xf32, #tpu.memory_space<vmem>>
        %dma_wait3A_177 = arith.constant 0 : i32
        %dma_wait3A_178 = tpu.memref_slice %arg10[%dma_wait3A_171, %dma_wait3A_177] : memref<8x128xi32, #tpu.memory_space<vmem>> -> memref<1x128xi32, #tpu.memory_space<vmem>>
        %dma_wait3A_179 = tpu.memref_squeeze %dma_wait3A_178 : memref<1x128xi32, #tpu.memory_space<vmem>> -> memref<128xi32, #tpu.memory_space<vmem>>
        %dma_wait3A_180 = arith.constant 0 : i32
        %dma_wait3A_181 = arith.constant 0 : i32
        %dma_wait3A_182 = tpu.memref_slice %arg2[%dma_wait3A_180, %dma_wait3A_181] : memref<102400x16xf32, #tpu.memory_space<hbm>> -> memref<102400x16xf32, #tpu.memory_space<hbm>>
        tpu.wait_indirect_dma semaphore(%arg14 : memref<!tpu.dma_semaphore, #tpu.memory_space<semaphore_mem>>) src(%dma_wait3A_182 : memref<102400x16xf32, #tpu.memory_space<hbm>>) dst(%dma_wait3A_176 : memref<128x16xf32, #tpu.memory_space<vmem>>)
        %dma_start3A_183 = arith.constant 2 : i32
        %dma_start3A_184 = arith.constant 2 : i32
        %dma_start3A_185 = arith.constant 0 : i32
        %dma_start3A_186 = arith.constant 0 : i32
        %dma_start3A_187 = tpu.memref_slice %arg12[%dma_start3A_183, %dma_start3A_185, %dma_start3A_186] : memref<8x128x16xf32, #tpu.memory_space<vmem>> -> memref<1x128x16xf32, #tpu.memory_space<vmem>>
        %dma_start3A_188 = tpu.memref_squeeze %dma_start3A_187 : memref<1x128x16xf32, #tpu.memory_space<vmem>> -> memref<128x16xf32, #tpu.memory_space<vmem>>
        %dma_start3A_189 = arith.constant 0 : i32
        %dma_start3A_190 = tpu.memref_slice %arg11[%dma_start3A_184, %dma_start3A_189] : memref<8x128xi32, #tpu.memory_space<vmem>> -> memref<1x128xi32, #tpu.memory_space<vmem>>
        %dma_start3A_191 = tpu.memref_squeeze %dma_start3A_190 : memref<1x128xi32, #tpu.memory_space<vmem>> -> memref<128xi32, #tpu.memory_space<vmem>>
        %dma_start3A_192 = arith.constant 0 : i32
        %dma_start3A_193 = arith.constant 0 : i32
        %dma_start3A_194 = tpu.memref_slice %arg9[%dma_start3A_192, %dma_start3A_193] : memref<100500x16xf32, #tpu.memory_space<vmem_shared>> -> memref<100500x16xf32, #tpu.memory_space<vmem_shared>>
        tpu.enqueue_indirect_dma source(%dma_start3A_188 : memref<128x16xf32, #tpu.memory_space<vmem>>) target(%dma_start3A_194 : memref<100500x16xf32, #tpu.memory_space<vmem_shared>>) offsets(%dma_start3A_191 : memref<128xi32, #tpu.memory_space<vmem>>) semaphore(%arg15 : memref<!tpu.dma_semaphore, #tpu.memory_space<semaphore_mem>>) {add = true}
        %dma_wait3A_195 = arith.constant 3 : i32
        %dma_wait3A_196 = arith.constant 3 : i32
        %dma_wait3A_197 = arith.constant 0 : i32
        %dma_wait3A_198 = arith.constant 0 : i32
        %dma_wait3A_199 = tpu.memref_slice %arg12[%dma_wait3A_196, %dma_wait3A_197, %dma_wait3A_198] : memref<8x128x16xf32, #tpu.memory_space<vmem>> -> memref<1x128x16xf32, #tpu.memory_space<vmem>>
        %dma_wait3A_200 = tpu.memref_squeeze %dma_wait3A_199 : memref<1x128x16xf32, #tpu.memory_space<vmem>> -> memref<128x16xf32, #tpu.memory_space<vmem>>
        %dma_wait3A_201 = arith.constant 0 : i32
        %dma_wait3A_202 = tpu.memref_slice %arg10[%dma_wait3A_195, %dma_wait3A_201] : memref<8x128xi32, #tpu.memory_space<vmem>> -> memref<1x128xi32, #tpu.memory_space<vmem>>
        %dma_wait3A_203 = tpu.memref_squeeze %dma_wait3A_202 : memref<1x128xi32, #tpu.memory_space<vmem>> -> memref<128xi32, #tpu.memory_space<vmem>>
        %dma_wait3A_204 = arith.constant 0 : i32
        %dma_wait3A_205 = arith.constant 0 : i32
        %dma_wait3A_206 = tpu.memref_slice %arg2[%dma_wait3A_204, %dma_wait3A_205] : memref<102400x16xf32, #tpu.memory_space<hbm>> -> memref<102400x16xf32, #tpu.memory_space<hbm>>
        tpu.wait_indirect_dma semaphore(%arg14 : memref<!tpu.dma_semaphore, #tpu.memory_space<semaphore_mem>>) src(%dma_wait3A_206 : memref<102400x16xf32, #tpu.memory_space<hbm>>) dst(%dma_wait3A_200 : memref<128x16xf32, #tpu.memory_space<vmem>>)
        %dma_start3A_207 = arith.constant 3 : i32
        %dma_start3A_208 = arith.constant 3 : i32
        %dma_start3A_209 = arith.constant 0 : i32
        %dma_start3A_210 = arith.constant 0 : i32
        %dma_start3A_211 = tpu.memref_slice %arg12[%dma_start3A_207, %dma_start3A_209, %dma_start3A_210] : memref<8x128x16xf32, #tpu.memory_space<vmem>> -> memref<1x128x16xf32, #tpu.memory_space<vmem>>
        %dma_start3A_212 = tpu.memref_squeeze %dma_start3A_211 : memref<1x128x16xf32, #tpu.memory_space<vmem>> -> memref<128x16xf32, #tpu.memory_space<vmem>>
        %dma_start3A_213 = arith.constant 0 : i32
        %dma_start3A_214 = tpu.memref_slice %arg11[%dma_start3A_208, %dma_start3A_213] : memref<8x128xi32, #tpu.memory_space<vmem>> -> memref<1x128xi32, #tpu.memory_space<vmem>>
        %dma_start3A_215 = tpu.memref_squeeze %dma_start3A_214 : memref<1x128xi32, #tpu.memory_space<vmem>> -> memref<128xi32, #tpu.memory_space<vmem>>
        %dma_start3A_216 = arith.constant 0 : i32
        %dma_start3A_217 = arith.constant 0 : i32
        %dma_start3A_218 = tpu.memref_slice %arg9[%dma_start3A_216, %dma_start3A_217] : memref<100500x16xf32, #tpu.memory_space<vmem_shared>> -> memref<100500x16xf32, #tpu.memory_space<vmem_shared>>
        tpu.enqueue_indirect_dma source(%dma_start3A_212 : memref<128x16xf32, #tpu.memory_space<vmem>>) target(%dma_start3A_218 : memref<100500x16xf32, #tpu.memory_space<vmem_shared>>) offsets(%dma_start3A_215 : memref<128xi32, #tpu.memory_space<vmem>>) semaphore(%arg15 : memref<!tpu.dma_semaphore, #tpu.memory_space<semaphore_mem>>) {add = true}
        %dma_wait3A_219 = arith.constant 4 : i32
        %dma_wait3A_220 = arith.constant 4 : i32
        %dma_wait3A_221 = arith.constant 0 : i32
        %dma_wait3A_222 = arith.constant 0 : i32
        %dma_wait3A_223 = tpu.memref_slice %arg12[%dma_wait3A_220, %dma_wait3A_221, %dma_wait3A_222] : memref<8x128x16xf32, #tpu.memory_space<vmem>> -> memref<1x128x16xf32, #tpu.memory_space<vmem>>
        %dma_wait3A_224 = tpu.memref_squeeze %dma_wait3A_223 : memref<1x128x16xf32, #tpu.memory_space<vmem>> -> memref<128x16xf32, #tpu.memory_space<vmem>>
        %dma_wait3A_225 = arith.constant 0 : i32
        %dma_wait3A_226 = tpu.memref_slice %arg10[%dma_wait3A_219, %dma_wait3A_225] : memref<8x128xi32, #tpu.memory_space<vmem>> -> memref<1x128xi32, #tpu.memory_space<vmem>>
        %dma_wait3A_227 = tpu.memref_squeeze %dma_wait3A_226 : memref<1x128xi32, #tpu.memory_space<vmem>> -> memref<128xi32, #tpu.memory_space<vmem>>
        %dma_wait3A_228 = arith.constant 0 : i32
        %dma_wait3A_229 = arith.constant 0 : i32
        %dma_wait3A_230 = tpu.memref_slice %arg2[%dma_wait3A_228, %dma_wait3A_229] : memref<102400x16xf32, #tpu.memory_space<hbm>> -> memref<102400x16xf32, #tpu.memory_space<hbm>>
        tpu.wait_indirect_dma semaphore(%arg14 : memref<!tpu.dma_semaphore, #tpu.memory_space<semaphore_mem>>) src(%dma_wait3A_230 : memref<102400x16xf32, #tpu.memory_space<hbm>>) dst(%dma_wait3A_224 : memref<128x16xf32, #tpu.memory_space<vmem>>)
        %dma_start3A_231 = arith.constant 4 : i32
        %dma_start3A_232 = arith.constant 4 : i32
        %dma_start3A_233 = arith.constant 0 : i32
        %dma_start3A_234 = arith.constant 0 : i32
        %dma_start3A_235 = tpu.memref_slice %arg12[%dma_start3A_231, %dma_start3A_233, %dma_start3A_234] : memref<8x128x16xf32, #tpu.memory_space<vmem>> -> memref<1x128x16xf32, #tpu.memory_space<vmem>>
        %dma_start3A_236 = tpu.memref_squeeze %dma_start3A_235 : memref<1x128x16xf32, #tpu.memory_space<vmem>> -> memref<128x16xf32, #tpu.memory_space<vmem>>
        %dma_start3A_237 = arith.constant 0 : i32
        %dma_start3A_238 = tpu.memref_slice %arg11[%dma_start3A_232, %dma_start3A_237] : memref<8x128xi32, #tpu.memory_space<vmem>> -> memref<1x128xi32, #tpu.memory_space<vmem>>
        %dma_start3A_239 = tpu.memref_squeeze %dma_start3A_238 : memref<1x128xi32, #tpu.memory_space<vmem>> -> memref<128xi32, #tpu.memory_space<vmem>>
        %dma_start3A_240 = arith.constant 0 : i32
        %dma_start3A_241 = arith.constant 0 : i32
        %dma_start3A_242 = tpu.memref_slice %arg9[%dma_start3A_240, %dma_start3A_241] : memref<100500x16xf32, #tpu.memory_space<vmem_shared>> -> memref<100500x16xf32, #tpu.memory_space<vmem_shared>>
        tpu.enqueue_indirect_dma source(%dma_start3A_236 : memref<128x16xf32, #tpu.memory_space<vmem>>) target(%dma_start3A_242 : memref<100500x16xf32, #tpu.memory_space<vmem_shared>>) offsets(%dma_start3A_239 : memref<128xi32, #tpu.memory_space<vmem>>) semaphore(%arg15 : memref<!tpu.dma_semaphore, #tpu.memory_space<semaphore_mem>>) {add = true}
        %dma_wait3A_243 = arith.constant 5 : i32
        %dma_wait3A_244 = arith.constant 5 : i32
        %dma_wait3A_245 = arith.constant 0 : i32
        %dma_wait3A_246 = arith.constant 0 : i32
        %dma_wait3A_247 = tpu.memref_slice %arg12[%dma_wait3A_244, %dma_wait3A_245, %dma_wait3A_246] : memref<8x128x16xf32, #tpu.memory_space<vmem>> -> memref<1x128x16xf32, #tpu.memory_space<vmem>>
        %dma_wait3A_248 = tpu.memref_squeeze %dma_wait3A_247 : memref<1x128x16xf32, #tpu.memory_space<vmem>> -> memref<128x16xf32, #tpu.memory_space<vmem>>
        %dma_wait3A_249 = arith.constant 0 : i32
        %dma_wait3A_250 = tpu.memref_slice %arg10[%dma_wait3A_243, %dma_wait3A_249] : memref<8x128xi32, #tpu.memory_space<vmem>> -> memref<1x128xi32, #tpu.memory_space<vmem>>
        %dma_wait3A_251 = tpu.memref_squeeze %dma_wait3A_250 : memref<1x128xi32, #tpu.memory_space<vmem>> -> memref<128xi32, #tpu.memory_space<vmem>>
        %dma_wait3A_252 = arith.constant 0 : i32
        %dma_wait3A_253 = arith.constant 0 : i32
        %dma_wait3A_254 = tpu.memref_slice %arg2[%dma_wait3A_252, %dma_wait3A_253] : memref<102400x16xf32, #tpu.memory_space<hbm>> -> memref<102400x16xf32, #tpu.memory_space<hbm>>
        tpu.wait_indirect_dma semaphore(%arg14 : memref<!tpu.dma_semaphore, #tpu.memory_space<semaphore_mem>>) src(%dma_wait3A_254 : memref<102400x16xf32, #tpu.memory_space<hbm>>) dst(%dma_wait3A_248 : memref<128x16xf32, #tpu.memory_space<vmem>>)
        %dma_start3A_255 = arith.constant 5 : i32
        %dma_start3A_256 = arith.constant 5 : i32
        %dma_start3A_257 = arith.constant 0 : i32
        %dma_start3A_258 = arith.constant 0 : i32
        %dma_start3A_259 = tpu.memref_slice %arg12[%dma_start3A_255, %dma_start3A_257, %dma_start3A_258] : memref<8x128x16xf32, #tpu.memory_space<vmem>> -> memref<1x128x16xf32, #tpu.memory_space<vmem>>
        %dma_start3A_260 = tpu.memref_squeeze %dma_start3A_259 : memref<1x128x16xf32, #tpu.memory_space<vmem>> -> memref<128x16xf32, #tpu.memory_space<vmem>>
        %dma_start3A_261 = arith.constant 0 : i32
        %dma_start3A_262 = tpu.memref_slice %arg11[%dma_start3A_256, %dma_start3A_261] : memref<8x128xi32, #tpu.memory_space<vmem>> -> memref<1x128xi32, #tpu.memory_space<vmem>>
        %dma_start3A_263 = tpu.memref_squeeze %dma_start3A_262 : memref<1x128xi32, #tpu.memory_space<vmem>> -> memref<128xi32, #tpu.memory_space<vmem>>
        %dma_start3A_264 = arith.constant 0 : i32
        %dma_start3A_265 = arith.constant 0 : i32
        %dma_start3A_266 = tpu.memref_slice %arg9[%dma_start3A_264, %dma_start3A_265] : memref<100500x16xf32, #tpu.memory_space<vmem_shared>> -> memref<100500x16xf32, #tpu.memory_space<vmem_shared>>
        tpu.enqueue_indirect_dma source(%dma_start3A_260 : memref<128x16xf32, #tpu.memory_space<vmem>>) target(%dma_start3A_266 : memref<100500x16xf32, #tpu.memory_space<vmem_shared>>) offsets(%dma_start3A_263 : memref<128xi32, #tpu.memory_space<vmem>>) semaphore(%arg15 : memref<!tpu.dma_semaphore, #tpu.memory_space<semaphore_mem>>) {add = true}
        %dma_wait3A_267 = arith.constant 6 : i32
        %dma_wait3A_268 = arith.constant 6 : i32
        %dma_wait3A_269 = arith.constant 0 : i32
        %dma_wait3A_270 = arith.constant 0 : i32
        %dma_wait3A_271 = tpu.memref_slice %arg12[%dma_wait3A_268, %dma_wait3A_269, %dma_wait3A_270] : memref<8x128x16xf32, #tpu.memory_space<vmem>> -> memref<1x128x16xf32, #tpu.memory_space<vmem>>
        %dma_wait3A_272 = tpu.memref_squeeze %dma_wait3A_271 : memref<1x128x16xf32, #tpu.memory_space<vmem>> -> memref<128x16xf32, #tpu.memory_space<vmem>>
        %dma_wait3A_273 = arith.constant 0 : i32
        %dma_wait3A_274 = tpu.memref_slice %arg10[%dma_wait3A_267, %dma_wait3A_273] : memref<8x128xi32, #tpu.memory_space<vmem>> -> memref<1x128xi32, #tpu.memory_space<vmem>>
        %dma_wait3A_275 = tpu.memref_squeeze %dma_wait3A_274 : memref<1x128xi32, #tpu.memory_space<vmem>> -> memref<128xi32, #tpu.memory_space<vmem>>
        %dma_wait3A_276 = arith.constant 0 : i32
        %dma_wait3A_277 = arith.constant 0 : i32
        %dma_wait3A_278 = tpu.memref_slice %arg2[%dma_wait3A_276, %dma_wait3A_277] : memref<102400x16xf32, #tpu.memory_space<hbm>> -> memref<102400x16xf32, #tpu.memory_space<hbm>>
        tpu.wait_indirect_dma semaphore(%arg14 : memref<!tpu.dma_semaphore, #tpu.memory_space<semaphore_mem>>) src(%dma_wait3A_278 : memref<102400x16xf32, #tpu.memory_space<hbm>>) dst(%dma_wait3A_272 : memref<128x16xf32, #tpu.memory_space<vmem>>)
        %dma_start3A_279 = arith.constant 6 : i32
        %dma_start3A_280 = arith.constant 6 : i32
        %dma_start3A_281 = arith.constant 0 : i32
        %dma_start3A_282 = arith.constant 0 : i32
        %dma_start3A_283 = tpu.memref_slice %arg12[%dma_start3A_279, %dma_start3A_281, %dma_start3A_282] : memref<8x128x16xf32, #tpu.memory_space<vmem>> -> memref<1x128x16xf32, #tpu.memory_space<vmem>>
        %dma_start3A_284 = tpu.memref_squeeze %dma_start3A_283 : memref<1x128x16xf32, #tpu.memory_space<vmem>> -> memref<128x16xf32, #tpu.memory_space<vmem>>
        %dma_start3A_285 = arith.constant 0 : i32
        %dma_start3A_286 = tpu.memref_slice %arg11[%dma_start3A_280, %dma_start3A_285] : memref<8x128xi32, #tpu.memory_space<vmem>> -> memref<1x128xi32, #tpu.memory_space<vmem>>
        %dma_start3A_287 = tpu.memref_squeeze %dma_start3A_286 : memref<1x128xi32, #tpu.memory_space<vmem>> -> memref<128xi32, #tpu.memory_space<vmem>>
        %dma_start3A_288 = arith.constant 0 : i32
        %dma_start3A_289 = arith.constant 0 : i32
        %dma_start3A_290 = tpu.memref_slice %arg9[%dma_start3A_288, %dma_start3A_289] : memref<100500x16xf32, #tpu.memory_space<vmem_shared>> -> memref<100500x16xf32, #tpu.memory_space<vmem_shared>>
        tpu.enqueue_indirect_dma source(%dma_start3A_284 : memref<128x16xf32, #tpu.memory_space<vmem>>) target(%dma_start3A_290 : memref<100500x16xf32, #tpu.memory_space<vmem_shared>>) offsets(%dma_start3A_287 : memref<128xi32, #tpu.memory_space<vmem>>) semaphore(%arg15 : memref<!tpu.dma_semaphore, #tpu.memory_space<semaphore_mem>>) {add = true}
        %dma_wait3A_291 = arith.constant 7 : i32
        %dma_wait3A_292 = arith.constant 7 : i32
        %dma_wait3A_293 = arith.constant 0 : i32
        %dma_wait3A_294 = arith.constant 0 : i32
        %dma_wait3A_295 = tpu.memref_slice %arg12[%dma_wait3A_292, %dma_wait3A_293, %dma_wait3A_294] : memref<8x128x16xf32, #tpu.memory_space<vmem>> -> memref<1x128x16xf32, #tpu.memory_space<vmem>>
        %dma_wait3A_296 = tpu.memref_squeeze %dma_wait3A_295 : memref<1x128x16xf32, #tpu.memory_space<vmem>> -> memref<128x16xf32, #tpu.memory_space<vmem>>
        %dma_wait3A_297 = arith.constant 0 : i32
        %dma_wait3A_298 = tpu.memref_slice %arg10[%dma_wait3A_291, %dma_wait3A_297] : memref<8x128xi32, #tpu.memory_space<vmem>> -> memref<1x128xi32, #tpu.memory_space<vmem>>
        %dma_wait3A_299 = tpu.memref_squeeze %dma_wait3A_298 : memref<1x128xi32, #tpu.memory_space<vmem>> -> memref<128xi32, #tpu.memory_space<vmem>>
        %dma_wait3A_300 = arith.constant 0 : i32
        %dma_wait3A_301 = arith.constant 0 : i32
        %dma_wait3A_302 = tpu.memref_slice %arg2[%dma_wait3A_300, %dma_wait3A_301] : memref<102400x16xf32, #tpu.memory_space<hbm>> -> memref<102400x16xf32, #tpu.memory_space<hbm>>
        tpu.wait_indirect_dma semaphore(%arg14 : memref<!tpu.dma_semaphore, #tpu.memory_space<semaphore_mem>>) src(%dma_wait3A_302 : memref<102400x16xf32, #tpu.memory_space<hbm>>) dst(%dma_wait3A_296 : memref<128x16xf32, #tpu.memory_space<vmem>>)
        %dma_start3A_303 = arith.constant 7 : i32
        %dma_start3A_304 = arith.constant 7 : i32
        %dma_start3A_305 = arith.constant 0 : i32
        %dma_start3A_306 = arith.constant 0 : i32
        %dma_start3A_307 = tpu.memref_slice %arg12[%dma_start3A_303, %dma_start3A_305, %dma_start3A_306] : memref<8x128x16xf32, #tpu.memory_space<vmem>> -> memref<1x128x16xf32, #tpu.memory_space<vmem>>
        %dma_start3A_308 = tpu.memref_squeeze %dma_start3A_307 : memref<1x128x16xf32, #tpu.memory_space<vmem>> -> memref<128x16xf32, #tpu.memory_space<vmem>>
        %dma_start3A_309 = arith.constant 0 : i32
        %dma_start3A_310 = tpu.memref_slice %arg11[%dma_start3A_304, %dma_start3A_309] : memref<8x128xi32, #tpu.memory_space<vmem>> -> memref<1x128xi32, #tpu.memory_space<vmem>>
        %dma_start3A_311 = tpu.memref_squeeze %dma_start3A_310 : memref<1x128xi32, #tpu.memory_space<vmem>> -> memref<128xi32, #tpu.memory_space<vmem>>
        %dma_start3A_312 = arith.constant 0 : i32
        %dma_start3A_313 = arith.constant 0 : i32
        %dma_start3A_314 = tpu.memref_slice %arg9[%dma_start3A_312, %dma_start3A_313] : memref<100500x16xf32, #tpu.memory_space<vmem_shared>> -> memref<100500x16xf32, #tpu.memory_space<vmem_shared>>
        tpu.enqueue_indirect_dma source(%dma_start3A_308 : memref<128x16xf32, #tpu.memory_space<vmem>>) target(%dma_start3A_314 : memref<100500x16xf32, #tpu.memory_space<vmem_shared>>) offsets(%dma_start3A_311 : memref<128xi32, #tpu.memory_space<vmem>>) semaphore(%arg15 : memref<!tpu.dma_semaphore, #tpu.memory_space<semaphore_mem>>) {add = true}
        %dma_wait3A_315 = arith.constant 0 : i32
        %dma_wait3A_316 = arith.constant 0 : i32
        %dma_wait3A_317 = arith.constant 0 : i32
        %dma_wait3A_318 = arith.constant 0 : i32
        %dma_wait3A_319 = tpu.memref_slice %arg12[%dma_wait3A_315, %dma_wait3A_317, %dma_wait3A_318] : memref<8x128x16xf32, #tpu.memory_space<vmem>> -> memref<1x128x16xf32, #tpu.memory_space<vmem>>
        %dma_wait3A_320 = tpu.memref_squeeze %dma_wait3A_319 : memref<1x128x16xf32, #tpu.memory_space<vmem>> -> memref<128x16xf32, #tpu.memory_space<vmem>>
        %dma_wait3A_321 = arith.constant 0 : i32
        %dma_wait3A_322 = tpu.memref_slice %arg11[%dma_wait3A_316, %dma_wait3A_321] : memref<8x128xi32, #tpu.memory_space<vmem>> -> memref<1x128xi32, #tpu.memory_space<vmem>>
        %dma_wait3A_323 = tpu.memref_squeeze %dma_wait3A_322 : memref<1x128xi32, #tpu.memory_space<vmem>> -> memref<128xi32, #tpu.memory_space<vmem>>
        %dma_wait3A_324 = arith.constant 0 : i32
        %dma_wait3A_325 = arith.constant 0 : i32
        %dma_wait3A_326 = tpu.memref_slice %arg9[%dma_wait3A_324, %dma_wait3A_325] : memref<100500x16xf32, #tpu.memory_space<vmem_shared>> -> memref<100500x16xf32, #tpu.memory_space<vmem_shared>>
        tpu.wait_indirect_dma semaphore(%arg15 : memref<!tpu.dma_semaphore, #tpu.memory_space<semaphore_mem>>) src(%dma_wait3A_320 : memref<128x16xf32, #tpu.memory_space<vmem>>) dst(%dma_wait3A_326 : memref<100500x16xf32, #tpu.memory_space<vmem_shared>>)
        %dma_wait3A_327 = arith.constant 1 : i32
        %dma_wait3A_328 = arith.constant 1 : i32
        %dma_wait3A_329 = arith.constant 0 : i32
        %dma_wait3A_330 = arith.constant 0 : i32
        %dma_wait3A_331 = tpu.memref_slice %arg12[%dma_wait3A_327, %dma_wait3A_329, %dma_wait3A_330] : memref<8x128x16xf32, #tpu.memory_space<vmem>> -> memref<1x128x16xf32, #tpu.memory_space<vmem>>
        %dma_wait3A_332 = tpu.memref_squeeze %dma_wait3A_331 : memref<1x128x16xf32, #tpu.memory_space<vmem>> -> memref<128x16xf32, #tpu.memory_space<vmem>>
        %dma_wait3A_333 = arith.constant 0 : i32
        %dma_wait3A_334 = tpu.memref_slice %arg11[%dma_wait3A_328, %dma_wait3A_333] : memref<8x128xi32, #tpu.memory_space<vmem>> -> memref<1x128xi32, #tpu.memory_space<vmem>>
        %dma_wait3A_335 = tpu.memref_squeeze %dma_wait3A_334 : memref<1x128xi32, #tpu.memory_space<vmem>> -> memref<128xi32, #tpu.memory_space<vmem>>
        %dma_wait3A_336 = arith.constant 0 : i32
        %dma_wait3A_337 = arith.constant 0 : i32
        %dma_wait3A_338 = tpu.memref_slice %arg9[%dma_wait3A_336, %dma_wait3A_337] : memref<100500x16xf32, #tpu.memory_space<vmem_shared>> -> memref<100500x16xf32, #tpu.memory_space<vmem_shared>>
        tpu.wait_indirect_dma semaphore(%arg15 : memref<!tpu.dma_semaphore, #tpu.memory_space<semaphore_mem>>) src(%dma_wait3A_332 : memref<128x16xf32, #tpu.memory_space<vmem>>) dst(%dma_wait3A_338 : memref<100500x16xf32, #tpu.memory_space<vmem_shared>>)
        %dma_wait3A_339 = arith.constant 2 : i32
        %dma_wait3A_340 = arith.constant 2 : i32
        %dma_wait3A_341 = arith.constant 0 : i32
        %dma_wait3A_342 = arith.constant 0 : i32
        %dma_wait3A_343 = tpu.memref_slice %arg12[%dma_wait3A_339, %dma_wait3A_341, %dma_wait3A_342] : memref<8x128x16xf32, #tpu.memory_space<vmem>> -> memref<1x128x16xf32, #tpu.memory_space<vmem>>
        %dma_wait3A_344 = tpu.memref_squeeze %dma_wait3A_343 : memref<1x128x16xf32, #tpu.memory_space<vmem>> -> memref<128x16xf32, #tpu.memory_space<vmem>>
        %dma_wait3A_345 = arith.constant 0 : i32
        %dma_wait3A_346 = tpu.memref_slice %arg11[%dma_wait3A_340, %dma_wait3A_345] : memref<8x128xi32, #tpu.memory_space<vmem>> -> memref<1x128xi32, #tpu.memory_space<vmem>>
        %dma_wait3A_347 = tpu.memref_squeeze %dma_wait3A_346 : memref<1x128xi32, #tpu.memory_space<vmem>> -> memref<128xi32, #tpu.memory_space<vmem>>
        %dma_wait3A_348 = arith.constant 0 : i32
        %dma_wait3A_349 = arith.constant 0 : i32
        %dma_wait3A_350 = tpu.memref_slice %arg9[%dma_wait3A_348, %dma_wait3A_349] : memref<100500x16xf32, #tpu.memory_space<vmem_shared>> -> memref<100500x16xf32, #tpu.memory_space<vmem_shared>>
        tpu.wait_indirect_dma semaphore(%arg15 : memref<!tpu.dma_semaphore, #tpu.memory_space<semaphore_mem>>) src(%dma_wait3A_344 : memref<128x16xf32, #tpu.memory_space<vmem>>) dst(%dma_wait3A_350 : memref<100500x16xf32, #tpu.memory_space<vmem_shared>>)
        %dma_wait3A_351 = arith.constant 3 : i32
        %dma_wait3A_352 = arith.constant 3 : i32
        %dma_wait3A_353 = arith.constant 0 : i32
        %dma_wait3A_354 = arith.constant 0 : i32
        %dma_wait3A_355 = tpu.memref_slice %arg12[%dma_wait3A_351, %dma_wait3A_353, %dma_wait3A_354] : memref<8x128x16xf32, #tpu.memory_space<vmem>> -> memref<1x128x16xf32, #tpu.memory_space<vmem>>
        %dma_wait3A_356 = tpu.memref_squeeze %dma_wait3A_355 : memref<1x128x16xf32, #tpu.memory_space<vmem>> -> memref<128x16xf32, #tpu.memory_space<vmem>>
        %dma_wait3A_357 = arith.constant 0 : i32
        %dma_wait3A_358 = tpu.memref_slice %arg11[%dma_wait3A_352, %dma_wait3A_357] : memref<8x128xi32, #tpu.memory_space<vmem>> -> memref<1x128xi32, #tpu.memory_space<vmem>>
        %dma_wait3A_359 = tpu.memref_squeeze %dma_wait3A_358 : memref<1x128xi32, #tpu.memory_space<vmem>> -> memref<128xi32, #tpu.memory_space<vmem>>
        %dma_wait3A_360 = arith.constant 0 : i32
        %dma_wait3A_361 = arith.constant 0 : i32
        %dma_wait3A_362 = tpu.memref_slice %arg9[%dma_wait3A_360, %dma_wait3A_361] : memref<100500x16xf32, #tpu.memory_space<vmem_shared>> -> memref<100500x16xf32, #tpu.memory_space<vmem_shared>>
        tpu.wait_indirect_dma semaphore(%arg15 : memref<!tpu.dma_semaphore, #tpu.memory_space<semaphore_mem>>) src(%dma_wait3A_356 : memref<128x16xf32, #tpu.memory_space<vmem>>) dst(%dma_wait3A_362 : memref<100500x16xf32, #tpu.memory_space<vmem_shared>>)
        %dma_wait3A_363 = arith.constant 4 : i32
        %dma_wait3A_364 = arith.constant 4 : i32
        %dma_wait3A_365 = arith.constant 0 : i32
        %dma_wait3A_366 = arith.constant 0 : i32
        %dma_wait3A_367 = tpu.memref_slice %arg12[%dma_wait3A_363, %dma_wait3A_365, %dma_wait3A_366] : memref<8x128x16xf32, #tpu.memory_space<vmem>> -> memref<1x128x16xf32, #tpu.memory_space<vmem>>
        %dma_wait3A_368 = tpu.memref_squeeze %dma_wait3A_367 : memref<1x128x16xf32, #tpu.memory_space<vmem>> -> memref<128x16xf32, #tpu.memory_space<vmem>>
        %dma_wait3A_369 = arith.constant 0 : i32
        %dma_wait3A_370 = tpu.memref_slice %arg11[%dma_wait3A_364, %dma_wait3A_369] : memref<8x128xi32, #tpu.memory_space<vmem>> -> memref<1x128xi32, #tpu.memory_space<vmem>>
        %dma_wait3A_371 = tpu.memref_squeeze %dma_wait3A_370 : memref<1x128xi32, #tpu.memory_space<vmem>> -> memref<128xi32, #tpu.memory_space<vmem>>
        %dma_wait3A_372 = arith.constant 0 : i32
        %dma_wait3A_373 = arith.constant 0 : i32
        %dma_wait3A_374 = tpu.memref_slice %arg9[%dma_wait3A_372, %dma_wait3A_373] : memref<100500x16xf32, #tpu.memory_space<vmem_shared>> -> memref<100500x16xf32, #tpu.memory_space<vmem_shared>>
        tpu.wait_indirect_dma semaphore(%arg15 : memref<!tpu.dma_semaphore, #tpu.memory_space<semaphore_mem>>) src(%dma_wait3A_368 : memref<128x16xf32, #tpu.memory_space<vmem>>) dst(%dma_wait3A_374 : memref<100500x16xf32, #tpu.memory_space<vmem_shared>>)
        %dma_wait3A_375 = arith.constant 5 : i32
        %dma_wait3A_376 = arith.constant 5 : i32
        %dma_wait3A_377 = arith.constant 0 : i32
        %dma_wait3A_378 = arith.constant 0 : i32
        %dma_wait3A_379 = tpu.memref_slice %arg12[%dma_wait3A_375, %dma_wait3A_377, %dma_wait3A_378] : memref<8x128x16xf32, #tpu.memory_space<vmem>> -> memref<1x128x16xf32, #tpu.memory_space<vmem>>
        %dma_wait3A_380 = tpu.memref_squeeze %dma_wait3A_379 : memref<1x128x16xf32, #tpu.memory_space<vmem>> -> memref<128x16xf32, #tpu.memory_space<vmem>>
        %dma_wait3A_381 = arith.constant 0 : i32
        %dma_wait3A_382 = tpu.memref_slice %arg11[%dma_wait3A_376, %dma_wait3A_381] : memref<8x128xi32, #tpu.memory_space<vmem>> -> memref<1x128xi32, #tpu.memory_space<vmem>>
        %dma_wait3A_383 = tpu.memref_squeeze %dma_wait3A_382 : memref<1x128xi32, #tpu.memory_space<vmem>> -> memref<128xi32, #tpu.memory_space<vmem>>
        %dma_wait3A_384 = arith.constant 0 : i32
        %dma_wait3A_385 = arith.constant 0 : i32
        %dma_wait3A_386 = tpu.memref_slice %arg9[%dma_wait3A_384, %dma_wait3A_385] : memref<100500x16xf32, #tpu.memory_space<vmem_shared>> -> memref<100500x16xf32, #tpu.memory_space<vmem_shared>>
        tpu.wait_indirect_dma semaphore(%arg15 : memref<!tpu.dma_semaphore, #tpu.memory_space<semaphore_mem>>) src(%dma_wait3A_380 : memref<128x16xf32, #tpu.memory_space<vmem>>) dst(%dma_wait3A_386 : memref<100500x16xf32, #tpu.memory_space<vmem_shared>>)
        %dma_wait3A_387 = arith.constant 6 : i32
        %dma_wait3A_388 = arith.constant 6 : i32
        %dma_wait3A_389 = arith.constant 0 : i32
        %dma_wait3A_390 = arith.constant 0 : i32
        %dma_wait3A_391 = tpu.memref_slice %arg12[%dma_wait3A_387, %dma_wait3A_389, %dma_wait3A_390] : memref<8x128x16xf32, #tpu.memory_space<vmem>> -> memref<1x128x16xf32, #tpu.memory_space<vmem>>
        %dma_wait3A_392 = tpu.memref_squeeze %dma_wait3A_391 : memref<1x128x16xf32, #tpu.memory_space<vmem>> -> memref<128x16xf32, #tpu.memory_space<vmem>>
        %dma_wait3A_393 = arith.constant 0 : i32
        %dma_wait3A_394 = tpu.memref_slice %arg11[%dma_wait3A_388, %dma_wait3A_393] : memref<8x128xi32, #tpu.memory_space<vmem>> -> memref<1x128xi32, #tpu.memory_space<vmem>>
        %dma_wait3A_395 = tpu.memref_squeeze %dma_wait3A_394 : memref<1x128xi32, #tpu.memory_space<vmem>> -> memref<128xi32, #tpu.memory_space<vmem>>
        %dma_wait3A_396 = arith.constant 0 : i32
        %dma_wait3A_397 = arith.constant 0 : i32
        %dma_wait3A_398 = tpu.memref_slice %arg9[%dma_wait3A_396, %dma_wait3A_397] : memref<100500x16xf32, #tpu.memory_space<vmem_shared>> -> memref<100500x16xf32, #tpu.memory_space<vmem_shared>>
        tpu.wait_indirect_dma semaphore(%arg15 : memref<!tpu.dma_semaphore, #tpu.memory_space<semaphore_mem>>) src(%dma_wait3A_392 : memref<128x16xf32, #tpu.memory_space<vmem>>) dst(%dma_wait3A_398 : memref<100500x16xf32, #tpu.memory_space<vmem_shared>>)
        %dma_wait3A_399 = arith.constant 7 : i32
        %dma_wait3A_400 = arith.constant 7 : i32
        %dma_wait3A_401 = arith.constant 0 : i32
        %dma_wait3A_402 = arith.constant 0 : i32
        %dma_wait3A_403 = tpu.memref_slice %arg12[%dma_wait3A_399, %dma_wait3A_401, %dma_wait3A_402] : memref<8x128x16xf32, #tpu.memory_space<vmem>> -> memref<1x128x16xf32, #tpu.memory_space<vmem>>
        %dma_wait3A_404 = tpu.memref_squeeze %dma_wait3A_403 : memref<1x128x16xf32, #tpu.memory_space<vmem>> -> memref<128x16xf32, #tpu.memory_space<vmem>>
        %dma_wait3A_405 = arith.constant 0 : i32
        %dma_wait3A_406 = tpu.memref_slice %arg11[%dma_wait3A_400, %dma_wait3A_405] : memref<8x128xi32, #tpu.memory_space<vmem>> -> memref<1x128xi32, #tpu.memory_space<vmem>>
        %dma_wait3A_407 = tpu.memref_squeeze %dma_wait3A_406 : memref<1x128xi32, #tpu.memory_space<vmem>> -> memref<128xi32, #tpu.memory_space<vmem>>
        %dma_wait3A_408 = arith.constant 0 : i32
        %dma_wait3A_409 = arith.constant 0 : i32
        %dma_wait3A_410 = tpu.memref_slice %arg9[%dma_wait3A_408, %dma_wait3A_409] : memref<100500x16xf32, #tpu.memory_space<vmem_shared>> -> memref<100500x16xf32, #tpu.memory_space<vmem_shared>>
        tpu.wait_indirect_dma semaphore(%arg15 : memref<!tpu.dma_semaphore, #tpu.memory_space<semaphore_mem>>) src(%dma_wait3A_404 : memref<128x16xf32, #tpu.memory_space<vmem>>) dst(%dma_wait3A_410 : memref<100500x16xf32, #tpu.memory_space<vmem_shared>>)
      } else {
      }
      %eq3A_24 = arith.constant 1 : i32
      %eq3A_25 = arith.cmpi eq, %arg0, %eq3A_24 : i32
      %convert_element_type3A_26 = arith.extui %eq3A_25 : i1 to i32
      %cond3A_27 = arith.constant 0 : i32
      %cond3A_28 = arith.cmpi ne, %convert_element_type3A_26, %cond3A_27 : i32
      scf.if %cond3A_28 {
        %dma_start3A = arith.constant 0 : i32
        %dma_start3A_29 = arith.constant 0 : i32
        %dma_start3A_30 = arith.constant 0 : i32
        %dma_start3A_31 = arith.constant 0 : i32
        %dma_start3A_32 = tpu.memref_slice %arg12[%dma_start3A_29, %dma_start3A_30, %dma_start3A_31] : memref<8x128x16xf32, #tpu.memory_space<vmem>> -> memref<1x128x16xf32, #tpu.memory_space<vmem>>
        %dma_start3A_33 = tpu.memref_squeeze %dma_start3A_32 : memref<1x128x16xf32, #tpu.memory_space<vmem>> -> memref<128x16xf32, #tpu.memory_space<vmem>>
        %dma_start3A_34 = arith.constant 0 : i32
        %dma_start3A_35 = tpu.memref_slice %arg10[%dma_start3A, %dma_start3A_34] : memref<8x128xi32, #tpu.memory_space<vmem>> -> memref<1x128xi32, #tpu.memory_space<vmem>>
        %dma_start3A_36 = tpu.memref_squeeze %dma_start3A_35 : memref<1x128xi32, #tpu.memory_space<vmem>> -> memref<128xi32, #tpu.memory_space<vmem>>
        %dma_start3A_37 = arith.constant 0 : i32
        %dma_start3A_38 = arith.constant 0 : i32
        %dma_start3A_39 = tpu.memref_slice %arg3[%dma_start3A_37, %dma_start3A_38] : memref<102400x16xf32, #tpu.memory_space<hbm>> -> memref<102400x16xf32, #tpu.memory_space<hbm>>
        tpu.enqueue_indirect_dma source(%dma_start3A_39 : memref<102400x16xf32, #tpu.memory_space<hbm>>) target(%dma_start3A_33 : memref<128x16xf32, #tpu.memory_space<vmem>>) offsets(%dma_start3A_36 : memref<128xi32, #tpu.memory_space<vmem>>) semaphore(%arg14 : memref<!tpu.dma_semaphore, #tpu.memory_space<semaphore_mem>>)
        %dma_start3A_40 = arith.constant 1 : i32
        %dma_start3A_41 = arith.constant 1 : i32
        %dma_start3A_42 = arith.constant 0 : i32
        %dma_start3A_43 = arith.constant 0 : i32
        %dma_start3A_44 = tpu.memref_slice %arg12[%dma_start3A_41, %dma_start3A_42, %dma_start3A_43] : memref<8x128x16xf32, #tpu.memory_space<vmem>> -> memref<1x128x16xf32, #tpu.memory_space<vmem>>
        %dma_start3A_45 = tpu.memref_squeeze %dma_start3A_44 : memref<1x128x16xf32, #tpu.memory_space<vmem>> -> memref<128x16xf32, #tpu.memory_space<vmem>>
        %dma_start3A_46 = arith.constant 0 : i32
        %dma_start3A_47 = tpu.memref_slice %arg10[%dma_start3A_40, %dma_start3A_46] : memref<8x128xi32, #tpu.memory_space<vmem>> -> memref<1x128xi32, #tpu.memory_space<vmem>>
        %dma_start3A_48 = tpu.memref_squeeze %dma_start3A_47 : memref<1x128xi32, #tpu.memory_space<vmem>> -> memref<128xi32, #tpu.memory_space<vmem>>
        %dma_start3A_49 = arith.constant 0 : i32
        %dma_start3A_50 = arith.constant 0 : i32
        %dma_start3A_51 = tpu.memref_slice %arg3[%dma_start3A_49, %dma_start3A_50] : memref<102400x16xf32, #tpu.memory_space<hbm>> -> memref<102400x16xf32, #tpu.memory_space<hbm>>
        tpu.enqueue_indirect_dma source(%dma_start3A_51 : memref<102400x16xf32, #tpu.memory_space<hbm>>) target(%dma_start3A_45 : memref<128x16xf32, #tpu.memory_space<vmem>>) offsets(%dma_start3A_48 : memref<128xi32, #tpu.memory_space<vmem>>) semaphore(%arg14 : memref<!tpu.dma_semaphore, #tpu.memory_space<semaphore_mem>>)
        %dma_start3A_52 = arith.constant 2 : i32
        %dma_start3A_53 = arith.constant 2 : i32
        %dma_start3A_54 = arith.constant 0 : i32
        %dma_start3A_55 = arith.constant 0 : i32
        %dma_start3A_56 = tpu.memref_slice %arg12[%dma_start3A_53, %dma_start3A_54, %dma_start3A_55] : memref<8x128x16xf32, #tpu.memory_space<vmem>> -> memref<1x128x16xf32, #tpu.memory_space<vmem>>
        %dma_start3A_57 = tpu.memref_squeeze %dma_start3A_56 : memref<1x128x16xf32, #tpu.memory_space<vmem>> -> memref<128x16xf32, #tpu.memory_space<vmem>>
        %dma_start3A_58 = arith.constant 0 : i32
        %dma_start3A_59 = tpu.memref_slice %arg10[%dma_start3A_52, %dma_start3A_58] : memref<8x128xi32, #tpu.memory_space<vmem>> -> memref<1x128xi32, #tpu.memory_space<vmem>>
        %dma_start3A_60 = tpu.memref_squeeze %dma_start3A_59 : memref<1x128xi32, #tpu.memory_space<vmem>> -> memref<128xi32, #tpu.memory_space<vmem>>
        %dma_start3A_61 = arith.constant 0 : i32
        %dma_start3A_62 = arith.constant 0 : i32
        %dma_start3A_63 = tpu.memref_slice %arg3[%dma_start3A_61, %dma_start3A_62] : memref<102400x16xf32, #tpu.memory_space<hbm>> -> memref<102400x16xf32, #tpu.memory_space<hbm>>
        tpu.enqueue_indirect_dma source(%dma_start3A_63 : memref<102400x16xf32, #tpu.memory_space<hbm>>) target(%dma_start3A_57 : memref<128x16xf32, #tpu.memory_space<vmem>>) offsets(%dma_start3A_60 : memref<128xi32, #tpu.memory_space<vmem>>) semaphore(%arg14 : memref<!tpu.dma_semaphore, #tpu.memory_space<semaphore_mem>>)
        %dma_start3A_64 = arith.constant 3 : i32
        %dma_start3A_65 = arith.constant 3 : i32
        %dma_start3A_66 = arith.constant 0 : i32
        %dma_start3A_67 = arith.constant 0 : i32
        %dma_start3A_68 = tpu.memref_slice %arg12[%dma_start3A_65, %dma_start3A_66, %dma_start3A_67] : memref<8x128x16xf32, #tpu.memory_space<vmem>> -> memref<1x128x16xf32, #tpu.memory_space<vmem>>
        %dma_start3A_69 = tpu.memref_squeeze %dma_start3A_68 : memref<1x128x16xf32, #tpu.memory_space<vmem>> -> memref<128x16xf32, #tpu.memory_space<vmem>>
        %dma_start3A_70 = arith.constant 0 : i32
        %dma_start3A_71 = tpu.memref_slice %arg10[%dma_start3A_64, %dma_start3A_70] : memref<8x128xi32, #tpu.memory_space<vmem>> -> memref<1x128xi32, #tpu.memory_space<vmem>>
        %dma_start3A_72 = tpu.memref_squeeze %dma_start3A_71 : memref<1x128xi32, #tpu.memory_space<vmem>> -> memref<128xi32, #tpu.memory_space<vmem>>
        %dma_start3A_73 = arith.constant 0 : i32
        %dma_start3A_74 = arith.constant 0 : i32
        %dma_start3A_75 = tpu.memref_slice %arg3[%dma_start3A_73, %dma_start3A_74] : memref<102400x16xf32, #tpu.memory_space<hbm>> -> memref<102400x16xf32, #tpu.memory_space<hbm>>
        tpu.enqueue_indirect_dma source(%dma_start3A_75 : memref<102400x16xf32, #tpu.memory_space<hbm>>) target(%dma_start3A_69 : memref<128x16xf32, #tpu.memory_space<vmem>>) offsets(%dma_start3A_72 : memref<128xi32, #tpu.memory_space<vmem>>) semaphore(%arg14 : memref<!tpu.dma_semaphore, #tpu.memory_space<semaphore_mem>>)
        %dma_start3A_76 = arith.constant 4 : i32
        %dma_start3A_77 = arith.constant 4 : i32
        %dma_start3A_78 = arith.constant 0 : i32
        %dma_start3A_79 = arith.constant 0 : i32
        %dma_start3A_80 = tpu.memref_slice %arg12[%dma_start3A_77, %dma_start3A_78, %dma_start3A_79] : memref<8x128x16xf32, #tpu.memory_space<vmem>> -> memref<1x128x16xf32, #tpu.memory_space<vmem>>
        %dma_start3A_81 = tpu.memref_squeeze %dma_start3A_80 : memref<1x128x16xf32, #tpu.memory_space<vmem>> -> memref<128x16xf32, #tpu.memory_space<vmem>>
        %dma_start3A_82 = arith.constant 0 : i32
        %dma_start3A_83 = tpu.memref_slice %arg10[%dma_start3A_76, %dma_start3A_82] : memref<8x128xi32, #tpu.memory_space<vmem>> -> memref<1x128xi32, #tpu.memory_space<vmem>>
        %dma_start3A_84 = tpu.memref_squeeze %dma_start3A_83 : memref<1x128xi32, #tpu.memory_space<vmem>> -> memref<128xi32, #tpu.memory_space<vmem>>
        %dma_start3A_85 = arith.constant 0 : i32
        %dma_start3A_86 = arith.constant 0 : i32
        %dma_start3A_87 = tpu.memref_slice %arg3[%dma_start3A_85, %dma_start3A_86] : memref<102400x16xf32, #tpu.memory_space<hbm>> -> memref<102400x16xf32, #tpu.memory_space<hbm>>
        tpu.enqueue_indirect_dma source(%dma_start3A_87 : memref<102400x16xf32, #tpu.memory_space<hbm>>) target(%dma_start3A_81 : memref<128x16xf32, #tpu.memory_space<vmem>>) offsets(%dma_start3A_84 : memref<128xi32, #tpu.memory_space<vmem>>) semaphore(%arg14 : memref<!tpu.dma_semaphore, #tpu.memory_space<semaphore_mem>>)
        %dma_start3A_88 = arith.constant 5 : i32
        %dma_start3A_89 = arith.constant 5 : i32
        %dma_start3A_90 = arith.constant 0 : i32
        %dma_start3A_91 = arith.constant 0 : i32
        %dma_start3A_92 = tpu.memref_slice %arg12[%dma_start3A_89, %dma_start3A_90, %dma_start3A_91] : memref<8x128x16xf32, #tpu.memory_space<vmem>> -> memref<1x128x16xf32, #tpu.memory_space<vmem>>
        %dma_start3A_93 = tpu.memref_squeeze %dma_start3A_92 : memref<1x128x16xf32, #tpu.memory_space<vmem>> -> memref<128x16xf32, #tpu.memory_space<vmem>>
        %dma_start3A_94 = arith.constant 0 : i32
        %dma_start3A_95 = tpu.memref_slice %arg10[%dma_start3A_88, %dma_start3A_94] : memref<8x128xi32, #tpu.memory_space<vmem>> -> memref<1x128xi32, #tpu.memory_space<vmem>>
        %dma_start3A_96 = tpu.memref_squeeze %dma_start3A_95 : memref<1x128xi32, #tpu.memory_space<vmem>> -> memref<128xi32, #tpu.memory_space<vmem>>
        %dma_start3A_97 = arith.constant 0 : i32
        %dma_start3A_98 = arith.constant 0 : i32
        %dma_start3A_99 = tpu.memref_slice %arg3[%dma_start3A_97, %dma_start3A_98] : memref<102400x16xf32, #tpu.memory_space<hbm>> -> memref<102400x16xf32, #tpu.memory_space<hbm>>
        tpu.enqueue_indirect_dma source(%dma_start3A_99 : memref<102400x16xf32, #tpu.memory_space<hbm>>) target(%dma_start3A_93 : memref<128x16xf32, #tpu.memory_space<vmem>>) offsets(%dma_start3A_96 : memref<128xi32, #tpu.memory_space<vmem>>) semaphore(%arg14 : memref<!tpu.dma_semaphore, #tpu.memory_space<semaphore_mem>>)
        %dma_start3A_100 = arith.constant 6 : i32
        %dma_start3A_101 = arith.constant 6 : i32
        %dma_start3A_102 = arith.constant 0 : i32
        %dma_start3A_103 = arith.constant 0 : i32
        %dma_start3A_104 = tpu.memref_slice %arg12[%dma_start3A_101, %dma_start3A_102, %dma_start3A_103] : memref<8x128x16xf32, #tpu.memory_space<vmem>> -> memref<1x128x16xf32, #tpu.memory_space<vmem>>
        %dma_start3A_105 = tpu.memref_squeeze %dma_start3A_104 : memref<1x128x16xf32, #tpu.memory_space<vmem>> -> memref<128x16xf32, #tpu.memory_space<vmem>>
        %dma_start3A_106 = arith.constant 0 : i32
        %dma_start3A_107 = tpu.memref_slice %arg10[%dma_start3A_100, %dma_start3A_106] : memref<8x128xi32, #tpu.memory_space<vmem>> -> memref<1x128xi32, #tpu.memory_space<vmem>>
        %dma_start3A_108 = tpu.memref_squeeze %dma_start3A_107 : memref<1x128xi32, #tpu.memory_space<vmem>> -> memref<128xi32, #tpu.memory_space<vmem>>
        %dma_start3A_109 = arith.constant 0 : i32
        %dma_start3A_110 = arith.constant 0 : i32
        %dma_start3A_111 = tpu.memref_slice %arg3[%dma_start3A_109, %dma_start3A_110] : memref<102400x16xf32, #tpu.memory_space<hbm>> -> memref<102400x16xf32, #tpu.memory_space<hbm>>
        tpu.enqueue_indirect_dma source(%dma_start3A_111 : memref<102400x16xf32, #tpu.memory_space<hbm>>) target(%dma_start3A_105 : memref<128x16xf32, #tpu.memory_space<vmem>>) offsets(%dma_start3A_108 : memref<128xi32, #tpu.memory_space<vmem>>) semaphore(%arg14 : memref<!tpu.dma_semaphore, #tpu.memory_space<semaphore_mem>>)
        %dma_start3A_112 = arith.constant 7 : i32
        %dma_start3A_113 = arith.constant 7 : i32
        %dma_start3A_114 = arith.constant 0 : i32
        %dma_start3A_115 = arith.constant 0 : i32
        %dma_start3A_116 = tpu.memref_slice %arg12[%dma_start3A_113, %dma_start3A_114, %dma_start3A_115] : memref<8x128x16xf32, #tpu.memory_space<vmem>> -> memref<1x128x16xf32, #tpu.memory_space<vmem>>
        %dma_start3A_117 = tpu.memref_squeeze %dma_start3A_116 : memref<1x128x16xf32, #tpu.memory_space<vmem>> -> memref<128x16xf32, #tpu.memory_space<vmem>>
        %dma_start3A_118 = arith.constant 0 : i32
        %dma_start3A_119 = tpu.memref_slice %arg10[%dma_start3A_112, %dma_start3A_118] : memref<8x128xi32, #tpu.memory_space<vmem>> -> memref<1x128xi32, #tpu.memory_space<vmem>>
        %dma_start3A_120 = tpu.memref_squeeze %dma_start3A_119 : memref<1x128xi32, #tpu.memory_space<vmem>> -> memref<128xi32, #tpu.memory_space<vmem>>
        %dma_start3A_121 = arith.constant 0 : i32
        %dma_start3A_122 = arith.constant 0 : i32
        %dma_start3A_123 = tpu.memref_slice %arg3[%dma_start3A_121, %dma_start3A_122] : memref<102400x16xf32, #tpu.memory_space<hbm>> -> memref<102400x16xf32, #tpu.memory_space<hbm>>
        tpu.enqueue_indirect_dma source(%dma_start3A_123 : memref<102400x16xf32, #tpu.memory_space<hbm>>) target(%dma_start3A_117 : memref<128x16xf32, #tpu.memory_space<vmem>>) offsets(%dma_start3A_120 : memref<128xi32, #tpu.memory_space<vmem>>) semaphore(%arg14 : memref<!tpu.dma_semaphore, #tpu.memory_space<semaphore_mem>>)
        %dma_wait3A = arith.constant 0 : i32
        %dma_wait3A_124 = arith.constant 0 : i32
        %dma_wait3A_125 = arith.constant 0 : i32
        %dma_wait3A_126 = arith.constant 0 : i32
        %dma_wait3A_127 = tpu.memref_slice %arg12[%dma_wait3A_124, %dma_wait3A_125, %dma_wait3A_126] : memref<8x128x16xf32, #tpu.memory_space<vmem>> -> memref<1x128x16xf32, #tpu.memory_space<vmem>>
        %dma_wait3A_128 = tpu.memref_squeeze %dma_wait3A_127 : memref<1x128x16xf32, #tpu.memory_space<vmem>> -> memref<128x16xf32, #tpu.memory_space<vmem>>
        %dma_wait3A_129 = arith.constant 0 : i32
        %dma_wait3A_130 = tpu.memref_slice %arg10[%dma_wait3A, %dma_wait3A_129] : memref<8x128xi32, #tpu.memory_space<vmem>> -> memref<1x128xi32, #tpu.memory_space<vmem>>
        %dma_wait3A_131 = tpu.memref_squeeze %dma_wait3A_130 : memref<1x128xi32, #tpu.memory_space<vmem>> -> memref<128xi32, #tpu.memory_space<vmem>>
        %dma_wait3A_132 = arith.constant 0 : i32
        %dma_wait3A_133 = arith.constant 0 : i32
        %dma_wait3A_134 = tpu.memref_slice %arg3[%dma_wait3A_132, %dma_wait3A_133] : memref<102400x16xf32, #tpu.memory_space<hbm>> -> memref<102400x16xf32, #tpu.memory_space<hbm>>
        tpu.wait_indirect_dma semaphore(%arg14 : memref<!tpu.dma_semaphore, #tpu.memory_space<semaphore_mem>>) src(%dma_wait3A_134 : memref<102400x16xf32, #tpu.memory_space<hbm>>) dst(%dma_wait3A_128 : memref<128x16xf32, #tpu.memory_space<vmem>>)
        %dma_start3A_135 = arith.constant 0 : i32
        %dma_start3A_136 = arith.constant 0 : i32
        %dma_start3A_137 = arith.constant 0 : i32
        %dma_start3A_138 = arith.constant 0 : i32
        %dma_start3A_139 = tpu.memref_slice %arg12[%dma_start3A_135, %dma_start3A_137, %dma_start3A_138] : memref<8x128x16xf32, #tpu.memory_space<vmem>> -> memref<1x128x16xf32, #tpu.memory_space<vmem>>
        %dma_start3A_140 = tpu.memref_squeeze %dma_start3A_139 : memref<1x128x16xf32, #tpu.memory_space<vmem>> -> memref<128x16xf32, #tpu.memory_space<vmem>>
        %dma_start3A_141 = arith.constant 0 : i32
        %dma_start3A_142 = tpu.memref_slice %arg11[%dma_start3A_136, %dma_start3A_141] : memref<8x128xi32, #tpu.memory_space<vmem>> -> memref<1x128xi32, #tpu.memory_space<vmem>>
        %dma_start3A_143 = tpu.memref_squeeze %dma_start3A_142 : memref<1x128xi32, #tpu.memory_space<vmem>> -> memref<128xi32, #tpu.memory_space<vmem>>
        %dma_start3A_144 = arith.constant 0 : i32
        %dma_start3A_145 = arith.constant 0 : i32
        %dma_start3A_146 = tpu.memref_slice %arg9[%dma_start3A_144, %dma_start3A_145] : memref<100500x16xf32, #tpu.memory_space<vmem_shared>> -> memref<100500x16xf32, #tpu.memory_space<vmem_shared>>
        tpu.enqueue_indirect_dma source(%dma_start3A_140 : memref<128x16xf32, #tpu.memory_space<vmem>>) target(%dma_start3A_146 : memref<100500x16xf32, #tpu.memory_space<vmem_shared>>) offsets(%dma_start3A_143 : memref<128xi32, #tpu.memory_space<vmem>>) semaphore(%arg15 : memref<!tpu.dma_semaphore, #tpu.memory_space<semaphore_mem>>) {add = true}
        %dma_wait3A_147 = arith.constant 1 : i32
        %dma_wait3A_148 = arith.constant 1 : i32
        %dma_wait3A_149 = arith.constant 0 : i32
        %dma_wait3A_150 = arith.constant 0 : i32
        %dma_wait3A_151 = tpu.memref_slice %arg12[%dma_wait3A_148, %dma_wait3A_149, %dma_wait3A_150] : memref<8x128x16xf32, #tpu.memory_space<vmem>> -> memref<1x128x16xf32, #tpu.memory_space<vmem>>
        %dma_wait3A_152 = tpu.memref_squeeze %dma_wait3A_151 : memref<1x128x16xf32, #tpu.memory_space<vmem>> -> memref<128x16xf32, #tpu.memory_space<vmem>>
        %dma_wait3A_153 = arith.constant 0 : i32
        %dma_wait3A_154 = tpu.memref_slice %arg10[%dma_wait3A_147, %dma_wait3A_153] : memref<8x128xi32, #tpu.memory_space<vmem>> -> memref<1x128xi32, #tpu.memory_space<vmem>>
        %dma_wait3A_155 = tpu.memref_squeeze %dma_wait3A_154 : memref<1x128xi32, #tpu.memory_space<vmem>> -> memref<128xi32, #tpu.memory_space<vmem>>
        %dma_wait3A_156 = arith.constant 0 : i32
        %dma_wait3A_157 = arith.constant 0 : i32
        %dma_wait3A_158 = tpu.memref_slice %arg3[%dma_wait3A_156, %dma_wait3A_157] : memref<102400x16xf32, #tpu.memory_space<hbm>> -> memref<102400x16xf32, #tpu.memory_space<hbm>>
        tpu.wait_indirect_dma semaphore(%arg14 : memref<!tpu.dma_semaphore, #tpu.memory_space<semaphore_mem>>) src(%dma_wait3A_158 : memref<102400x16xf32, #tpu.memory_space<hbm>>) dst(%dma_wait3A_152 : memref<128x16xf32, #tpu.memory_space<vmem>>)
        %dma_start3A_159 = arith.constant 1 : i32
        %dma_start3A_160 = arith.constant 1 : i32
        %dma_start3A_161 = arith.constant 0 : i32
        %dma_start3A_162 = arith.constant 0 : i32
        %dma_start3A_163 = tpu.memref_slice %arg12[%dma_start3A_159, %dma_start3A_161, %dma_start3A_162] : memref<8x128x16xf32, #tpu.memory_space<vmem>> -> memref<1x128x16xf32, #tpu.memory_space<vmem>>
        %dma_start3A_164 = tpu.memref_squeeze %dma_start3A_163 : memref<1x128x16xf32, #tpu.memory_space<vmem>> -> memref<128x16xf32, #tpu.memory_space<vmem>>
        %dma_start3A_165 = arith.constant 0 : i32
        %dma_start3A_166 = tpu.memref_slice %arg11[%dma_start3A_160, %dma_start3A_165] : memref<8x128xi32, #tpu.memory_space<vmem>> -> memref<1x128xi32, #tpu.memory_space<vmem>>
        %dma_start3A_167 = tpu.memref_squeeze %dma_start3A_166 : memref<1x128xi32, #tpu.memory_space<vmem>> -> memref<128xi32, #tpu.memory_space<vmem>>
        %dma_start3A_168 = arith.constant 0 : i32
        %dma_start3A_169 = arith.constant 0 : i32
        %dma_start3A_170 = tpu.memref_slice %arg9[%dma_start3A_168, %dma_start3A_169] : memref<100500x16xf32, #tpu.memory_space<vmem_shared>> -> memref<100500x16xf32, #tpu.memory_space<vmem_shared>>
        tpu.enqueue_indirect_dma source(%dma_start3A_164 : memref<128x16xf32, #tpu.memory_space<vmem>>) target(%dma_start3A_170 : memref<100500x16xf32, #tpu.memory_space<vmem_shared>>) offsets(%dma_start3A_167 : memref<128xi32, #tpu.memory_space<vmem>>) semaphore(%arg15 : memref<!tpu.dma_semaphore, #tpu.memory_space<semaphore_mem>>) {add = true}
        %dma_wait3A_171 = arith.constant 2 : i32
        %dma_wait3A_172 = arith.constant 2 : i32
        %dma_wait3A_173 = arith.constant 0 : i32
        %dma_wait3A_174 = arith.constant 0 : i32
        %dma_wait3A_175 = tpu.memref_slice %arg12[%dma_wait3A_172, %dma_wait3A_173, %dma_wait3A_174] : memref<8x128x16xf32, #tpu.memory_space<vmem>> -> memref<1x128x16xf32, #tpu.memory_space<vmem>>
        %dma_wait3A_176 = tpu.memref_squeeze %dma_wait3A_175 : memref<1x128x16xf32, #tpu.memory_space<vmem>> -> memref<128x16xf32, #tpu.memory_space<vmem>>
        %dma_wait3A_177 = arith.constant 0 : i32
        %dma_wait3A_178 = tpu.memref_slice %arg10[%dma_wait3A_171, %dma_wait3A_177] : memref<8x128xi32, #tpu.memory_space<vmem>> -> memref<1x128xi32, #tpu.memory_space<vmem>>
        %dma_wait3A_179 = tpu.memref_squeeze %dma_wait3A_178 : memref<1x128xi32, #tpu.memory_space<vmem>> -> memref<128xi32, #tpu.memory_space<vmem>>
        %dma_wait3A_180 = arith.constant 0 : i32
        %dma_wait3A_181 = arith.constant 0 : i32
        %dma_wait3A_182 = tpu.memref_slice %arg3[%dma_wait3A_180, %dma_wait3A_181] : memref<102400x16xf32, #tpu.memory_space<hbm>> -> memref<102400x16xf32, #tpu.memory_space<hbm>>
        tpu.wait_indirect_dma semaphore(%arg14 : memref<!tpu.dma_semaphore, #tpu.memory_space<semaphore_mem>>) src(%dma_wait3A_182 : memref<102400x16xf32, #tpu.memory_space<hbm>>) dst(%dma_wait3A_176 : memref<128x16xf32, #tpu.memory_space<vmem>>)
        %dma_start3A_183 = arith.constant 2 : i32
        %dma_start3A_184 = arith.constant 2 : i32
        %dma_start3A_185 = arith.constant 0 : i32
        %dma_start3A_186 = arith.constant 0 : i32
        %dma_start3A_187 = tpu.memref_slice %arg12[%dma_start3A_183, %dma_start3A_185, %dma_start3A_186] : memref<8x128x16xf32, #tpu.memory_space<vmem>> -> memref<1x128x16xf32, #tpu.memory_space<vmem>>
        %dma_start3A_188 = tpu.memref_squeeze %dma_start3A_187 : memref<1x128x16xf32, #tpu.memory_space<vmem>> -> memref<128x16xf32, #tpu.memory_space<vmem>>
        %dma_start3A_189 = arith.constant 0 : i32
        %dma_start3A_190 = tpu.memref_slice %arg11[%dma_start3A_184, %dma_start3A_189] : memref<8x128xi32, #tpu.memory_space<vmem>> -> memref<1x128xi32, #tpu.memory_space<vmem>>
        %dma_start3A_191 = tpu.memref_squeeze %dma_start3A_190 : memref<1x128xi32, #tpu.memory_space<vmem>> -> memref<128xi32, #tpu.memory_space<vmem>>
        %dma_start3A_192 = arith.constant 0 : i32
        %dma_start3A_193 = arith.constant 0 : i32
        %dma_start3A_194 = tpu.memref_slice %arg9[%dma_start3A_192, %dma_start3A_193] : memref<100500x16xf32, #tpu.memory_space<vmem_shared>> -> memref<100500x16xf32, #tpu.memory_space<vmem_shared>>
        tpu.enqueue_indirect_dma source(%dma_start3A_188 : memref<128x16xf32, #tpu.memory_space<vmem>>) target(%dma_start3A_194 : memref<100500x16xf32, #tpu.memory_space<vmem_shared>>) offsets(%dma_start3A_191 : memref<128xi32, #tpu.memory_space<vmem>>) semaphore(%arg15 : memref<!tpu.dma_semaphore, #tpu.memory_space<semaphore_mem>>) {add = true}
        %dma_wait3A_195 = arith.constant 3 : i32
        %dma_wait3A_196 = arith.constant 3 : i32
        %dma_wait3A_197 = arith.constant 0 : i32
        %dma_wait3A_198 = arith.constant 0 : i32
        %dma_wait3A_199 = tpu.memref_slice %arg12[%dma_wait3A_196, %dma_wait3A_197, %dma_wait3A_198] : memref<8x128x16xf32, #tpu.memory_space<vmem>> -> memref<1x128x16xf32, #tpu.memory_space<vmem>>
        %dma_wait3A_200 = tpu.memref_squeeze %dma_wait3A_199 : memref<1x128x16xf32, #tpu.memory_space<vmem>> -> memref<128x16xf32, #tpu.memory_space<vmem>>
        %dma_wait3A_201 = arith.constant 0 : i32
        %dma_wait3A_202 = tpu.memref_slice %arg10[%dma_wait3A_195, %dma_wait3A_201] : memref<8x128xi32, #tpu.memory_space<vmem>> -> memref<1x128xi32, #tpu.memory_space<vmem>>
        %dma_wait3A_203 = tpu.memref_squeeze %dma_wait3A_202 : memref<1x128xi32, #tpu.memory_space<vmem>> -> memref<128xi32, #tpu.memory_space<vmem>>
        %dma_wait3A_204 = arith.constant 0 : i32
        %dma_wait3A_205 = arith.constant 0 : i32
        %dma_wait3A_206 = tpu.memref_slice %arg3[%dma_wait3A_204, %dma_wait3A_205] : memref<102400x16xf32, #tpu.memory_space<hbm>> -> memref<102400x16xf32, #tpu.memory_space<hbm>>
        tpu.wait_indirect_dma semaphore(%arg14 : memref<!tpu.dma_semaphore, #tpu.memory_space<semaphore_mem>>) src(%dma_wait3A_206 : memref<102400x16xf32, #tpu.memory_space<hbm>>) dst(%dma_wait3A_200 : memref<128x16xf32, #tpu.memory_space<vmem>>)
        %dma_start3A_207 = arith.constant 3 : i32
        %dma_start3A_208 = arith.constant 3 : i32
        %dma_start3A_209 = arith.constant 0 : i32
        %dma_start3A_210 = arith.constant 0 : i32
        %dma_start3A_211 = tpu.memref_slice %arg12[%dma_start3A_207, %dma_start3A_209, %dma_start3A_210] : memref<8x128x16xf32, #tpu.memory_space<vmem>> -> memref<1x128x16xf32, #tpu.memory_space<vmem>>
        %dma_start3A_212 = tpu.memref_squeeze %dma_start3A_211 : memref<1x128x16xf32, #tpu.memory_space<vmem>> -> memref<128x16xf32, #tpu.memory_space<vmem>>
        %dma_start3A_213 = arith.constant 0 : i32
        %dma_start3A_214 = tpu.memref_slice %arg11[%dma_start3A_208, %dma_start3A_213] : memref<8x128xi32, #tpu.memory_space<vmem>> -> memref<1x128xi32, #tpu.memory_space<vmem>>
        %dma_start3A_215 = tpu.memref_squeeze %dma_start3A_214 : memref<1x128xi32, #tpu.memory_space<vmem>> -> memref<128xi32, #tpu.memory_space<vmem>>
        %dma_start3A_216 = arith.constant 0 : i32
        %dma_start3A_217 = arith.constant 0 : i32
        %dma_start3A_218 = tpu.memref_slice %arg9[%dma_start3A_216, %dma_start3A_217] : memref<100500x16xf32, #tpu.memory_space<vmem_shared>> -> memref<100500x16xf32, #tpu.memory_space<vmem_shared>>
        tpu.enqueue_indirect_dma source(%dma_start3A_212 : memref<128x16xf32, #tpu.memory_space<vmem>>) target(%dma_start3A_218 : memref<100500x16xf32, #tpu.memory_space<vmem_shared>>) offsets(%dma_start3A_215 : memref<128xi32, #tpu.memory_space<vmem>>) semaphore(%arg15 : memref<!tpu.dma_semaphore, #tpu.memory_space<semaphore_mem>>) {add = true}
        %dma_wait3A_219 = arith.constant 4 : i32
        %dma_wait3A_220 = arith.constant 4 : i32
        %dma_wait3A_221 = arith.constant 0 : i32
        %dma_wait3A_222 = arith.constant 0 : i32
        %dma_wait3A_223 = tpu.memref_slice %arg12[%dma_wait3A_220, %dma_wait3A_221, %dma_wait3A_222] : memref<8x128x16xf32, #tpu.memory_space<vmem>> -> memref<1x128x16xf32, #tpu.memory_space<vmem>>
        %dma_wait3A_224 = tpu.memref_squeeze %dma_wait3A_223 : memref<1x128x16xf32, #tpu.memory_space<vmem>> -> memref<128x16xf32, #tpu.memory_space<vmem>>
        %dma_wait3A_225 = arith.constant 0 : i32
        %dma_wait3A_226 = tpu.memref_slice %arg10[%dma_wait3A_219, %dma_wait3A_225] : memref<8x128xi32, #tpu.memory_space<vmem>> -> memref<1x128xi32, #tpu.memory_space<vmem>>
        %dma_wait3A_227 = tpu.memref_squeeze %dma_wait3A_226 : memref<1x128xi32, #tpu.memory_space<vmem>> -> memref<128xi32, #tpu.memory_space<vmem>>
        %dma_wait3A_228 = arith.constant 0 : i32
        %dma_wait3A_229 = arith.constant 0 : i32
        %dma_wait3A_230 = tpu.memref_slice %arg3[%dma_wait3A_228, %dma_wait3A_229] : memref<102400x16xf32, #tpu.memory_space<hbm>> -> memref<102400x16xf32, #tpu.memory_space<hbm>>
        tpu.wait_indirect_dma semaphore(%arg14 : memref<!tpu.dma_semaphore, #tpu.memory_space<semaphore_mem>>) src(%dma_wait3A_230 : memref<102400x16xf32, #tpu.memory_space<hbm>>) dst(%dma_wait3A_224 : memref<128x16xf32, #tpu.memory_space<vmem>>)
        %dma_start3A_231 = arith.constant 4 : i32
        %dma_start3A_232 = arith.constant 4 : i32
        %dma_start3A_233 = arith.constant 0 : i32
        %dma_start3A_234 = arith.constant 0 : i32
        %dma_start3A_235 = tpu.memref_slice %arg12[%dma_start3A_231, %dma_start3A_233, %dma_start3A_234] : memref<8x128x16xf32, #tpu.memory_space<vmem>> -> memref<1x128x16xf32, #tpu.memory_space<vmem>>
        %dma_start3A_236 = tpu.memref_squeeze %dma_start3A_235 : memref<1x128x16xf32, #tpu.memory_space<vmem>> -> memref<128x16xf32, #tpu.memory_space<vmem>>
        %dma_start3A_237 = arith.constant 0 : i32
        %dma_start3A_238 = tpu.memref_slice %arg11[%dma_start3A_232, %dma_start3A_237] : memref<8x128xi32, #tpu.memory_space<vmem>> -> memref<1x128xi32, #tpu.memory_space<vmem>>
        %dma_start3A_239 = tpu.memref_squeeze %dma_start3A_238 : memref<1x128xi32, #tpu.memory_space<vmem>> -> memref<128xi32, #tpu.memory_space<vmem>>
        %dma_start3A_240 = arith.constant 0 : i32
        %dma_start3A_241 = arith.constant 0 : i32
        %dma_start3A_242 = tpu.memref_slice %arg9[%dma_start3A_240, %dma_start3A_241] : memref<100500x16xf32, #tpu.memory_space<vmem_shared>> -> memref<100500x16xf32, #tpu.memory_space<vmem_shared>>
        tpu.enqueue_indirect_dma source(%dma_start3A_236 : memref<128x16xf32, #tpu.memory_space<vmem>>) target(%dma_start3A_242 : memref<100500x16xf32, #tpu.memory_space<vmem_shared>>) offsets(%dma_start3A_239 : memref<128xi32, #tpu.memory_space<vmem>>) semaphore(%arg15 : memref<!tpu.dma_semaphore, #tpu.memory_space<semaphore_mem>>) {add = true}
        %dma_wait3A_243 = arith.constant 5 : i32
        %dma_wait3A_244 = arith.constant 5 : i32
        %dma_wait3A_245 = arith.constant 0 : i32
        %dma_wait3A_246 = arith.constant 0 : i32
        %dma_wait3A_247 = tpu.memref_slice %arg12[%dma_wait3A_244, %dma_wait3A_245, %dma_wait3A_246] : memref<8x128x16xf32, #tpu.memory_space<vmem>> -> memref<1x128x16xf32, #tpu.memory_space<vmem>>
        %dma_wait3A_248 = tpu.memref_squeeze %dma_wait3A_247 : memref<1x128x16xf32, #tpu.memory_space<vmem>> -> memref<128x16xf32, #tpu.memory_space<vmem>>
        %dma_wait3A_249 = arith.constant 0 : i32
        %dma_wait3A_250 = tpu.memref_slice %arg10[%dma_wait3A_243, %dma_wait3A_249] : memref<8x128xi32, #tpu.memory_space<vmem>> -> memref<1x128xi32, #tpu.memory_space<vmem>>
        %dma_wait3A_251 = tpu.memref_squeeze %dma_wait3A_250 : memref<1x128xi32, #tpu.memory_space<vmem>> -> memref<128xi32, #tpu.memory_space<vmem>>
        %dma_wait3A_252 = arith.constant 0 : i32
        %dma_wait3A_253 = arith.constant 0 : i32
        %dma_wait3A_254 = tpu.memref_slice %arg3[%dma_wait3A_252, %dma_wait3A_253] : memref<102400x16xf32, #tpu.memory_space<hbm>> -> memref<102400x16xf32, #tpu.memory_space<hbm>>
        tpu.wait_indirect_dma semaphore(%arg14 : memref<!tpu.dma_semaphore, #tpu.memory_space<semaphore_mem>>) src(%dma_wait3A_254 : memref<102400x16xf32, #tpu.memory_space<hbm>>) dst(%dma_wait3A_248 : memref<128x16xf32, #tpu.memory_space<vmem>>)
        %dma_start3A_255 = arith.constant 5 : i32
        %dma_start3A_256 = arith.constant 5 : i32
        %dma_start3A_257 = arith.constant 0 : i32
        %dma_start3A_258 = arith.constant 0 : i32
        %dma_start3A_259 = tpu.memref_slice %arg12[%dma_start3A_255, %dma_start3A_257, %dma_start3A_258] : memref<8x128x16xf32, #tpu.memory_space<vmem>> -> memref<1x128x16xf32, #tpu.memory_space<vmem>>
        %dma_start3A_260 = tpu.memref_squeeze %dma_start3A_259 : memref<1x128x16xf32, #tpu.memory_space<vmem>> -> memref<128x16xf32, #tpu.memory_space<vmem>>
        %dma_start3A_261 = arith.constant 0 : i32
        %dma_start3A_262 = tpu.memref_slice %arg11[%dma_start3A_256, %dma_start3A_261] : memref<8x128xi32, #tpu.memory_space<vmem>> -> memref<1x128xi32, #tpu.memory_space<vmem>>
        %dma_start3A_263 = tpu.memref_squeeze %dma_start3A_262 : memref<1x128xi32, #tpu.memory_space<vmem>> -> memref<128xi32, #tpu.memory_space<vmem>>
        %dma_start3A_264 = arith.constant 0 : i32
        %dma_start3A_265 = arith.constant 0 : i32
        %dma_start3A_266 = tpu.memref_slice %arg9[%dma_start3A_264, %dma_start3A_265] : memref<100500x16xf32, #tpu.memory_space<vmem_shared>> -> memref<100500x16xf32, #tpu.memory_space<vmem_shared>>
        tpu.enqueue_indirect_dma source(%dma_start3A_260 : memref<128x16xf32, #tpu.memory_space<vmem>>) target(%dma_start3A_266 : memref<100500x16xf32, #tpu.memory_space<vmem_shared>>) offsets(%dma_start3A_263 : memref<128xi32, #tpu.memory_space<vmem>>) semaphore(%arg15 : memref<!tpu.dma_semaphore, #tpu.memory_space<semaphore_mem>>) {add = true}
        %dma_wait3A_267 = arith.constant 6 : i32
        %dma_wait3A_268 = arith.constant 6 : i32
        %dma_wait3A_269 = arith.constant 0 : i32
        %dma_wait3A_270 = arith.constant 0 : i32
        %dma_wait3A_271 = tpu.memref_slice %arg12[%dma_wait3A_268, %dma_wait3A_269, %dma_wait3A_270] : memref<8x128x16xf32, #tpu.memory_space<vmem>> -> memref<1x128x16xf32, #tpu.memory_space<vmem>>
        %dma_wait3A_272 = tpu.memref_squeeze %dma_wait3A_271 : memref<1x128x16xf32, #tpu.memory_space<vmem>> -> memref<128x16xf32, #tpu.memory_space<vmem>>
        %dma_wait3A_273 = arith.constant 0 : i32
        %dma_wait3A_274 = tpu.memref_slice %arg10[%dma_wait3A_267, %dma_wait3A_273] : memref<8x128xi32, #tpu.memory_space<vmem>> -> memref<1x128xi32, #tpu.memory_space<vmem>>
        %dma_wait3A_275 = tpu.memref_squeeze %dma_wait3A_274 : memref<1x128xi32, #tpu.memory_space<vmem>> -> memref<128xi32, #tpu.memory_space<vmem>>
        %dma_wait3A_276 = arith.constant 0 : i32
        %dma_wait3A_277 = arith.constant 0 : i32
        %dma_wait3A_278 = tpu.memref_slice %arg3[%dma_wait3A_276, %dma_wait3A_277] : memref<102400x16xf32, #tpu.memory_space<hbm>> -> memref<102400x16xf32, #tpu.memory_space<hbm>>
        tpu.wait_indirect_dma semaphore(%arg14 : memref<!tpu.dma_semaphore, #tpu.memory_space<semaphore_mem>>) src(%dma_wait3A_278 : memref<102400x16xf32, #tpu.memory_space<hbm>>) dst(%dma_wait3A_272 : memref<128x16xf32, #tpu.memory_space<vmem>>)
        %dma_start3A_279 = arith.constant 6 : i32
        %dma_start3A_280 = arith.constant 6 : i32
        %dma_start3A_281 = arith.constant 0 : i32
        %dma_start3A_282 = arith.constant 0 : i32
        %dma_start3A_283 = tpu.memref_slice %arg12[%dma_start3A_279, %dma_start3A_281, %dma_start3A_282] : memref<8x128x16xf32, #tpu.memory_space<vmem>> -> memref<1x128x16xf32, #tpu.memory_space<vmem>>
        %dma_start3A_284 = tpu.memref_squeeze %dma_start3A_283 : memref<1x128x16xf32, #tpu.memory_space<vmem>> -> memref<128x16xf32, #tpu.memory_space<vmem>>
        %dma_start3A_285 = arith.constant 0 : i32
        %dma_start3A_286 = tpu.memref_slice %arg11[%dma_start3A_280, %dma_start3A_285] : memref<8x128xi32, #tpu.memory_space<vmem>> -> memref<1x128xi32, #tpu.memory_space<vmem>>
        %dma_start3A_287 = tpu.memref_squeeze %dma_start3A_286 : memref<1x128xi32, #tpu.memory_space<vmem>> -> memref<128xi32, #tpu.memory_space<vmem>>
        %dma_start3A_288 = arith.constant 0 : i32
        %dma_start3A_289 = arith.constant 0 : i32
        %dma_start3A_290 = tpu.memref_slice %arg9[%dma_start3A_288, %dma_start3A_289] : memref<100500x16xf32, #tpu.memory_space<vmem_shared>> -> memref<100500x16xf32, #tpu.memory_space<vmem_shared>>
        tpu.enqueue_indirect_dma source(%dma_start3A_284 : memref<128x16xf32, #tpu.memory_space<vmem>>) target(%dma_start3A_290 : memref<100500x16xf32, #tpu.memory_space<vmem_shared>>) offsets(%dma_start3A_287 : memref<128xi32, #tpu.memory_space<vmem>>) semaphore(%arg15 : memref<!tpu.dma_semaphore, #tpu.memory_space<semaphore_mem>>) {add = true}
        %dma_wait3A_291 = arith.constant 7 : i32
        %dma_wait3A_292 = arith.constant 7 : i32
        %dma_wait3A_293 = arith.constant 0 : i32
        %dma_wait3A_294 = arith.constant 0 : i32
        %dma_wait3A_295 = tpu.memref_slice %arg12[%dma_wait3A_292, %dma_wait3A_293, %dma_wait3A_294] : memref<8x128x16xf32, #tpu.memory_space<vmem>> -> memref<1x128x16xf32, #tpu.memory_space<vmem>>
        %dma_wait3A_296 = tpu.memref_squeeze %dma_wait3A_295 : memref<1x128x16xf32, #tpu.memory_space<vmem>> -> memref<128x16xf32, #tpu.memory_space<vmem>>
        %dma_wait3A_297 = arith.constant 0 : i32
        %dma_wait3A_298 = tpu.memref_slice %arg10[%dma_wait3A_291, %dma_wait3A_297] : memref<8x128xi32, #tpu.memory_space<vmem>> -> memref<1x128xi32, #tpu.memory_space<vmem>>
        %dma_wait3A_299 = tpu.memref_squeeze %dma_wait3A_298 : memref<1x128xi32, #tpu.memory_space<vmem>> -> memref<128xi32, #tpu.memory_space<vmem>>
        %dma_wait3A_300 = arith.constant 0 : i32
        %dma_wait3A_301 = arith.constant 0 : i32
        %dma_wait3A_302 = tpu.memref_slice %arg3[%dma_wait3A_300, %dma_wait3A_301] : memref<102400x16xf32, #tpu.memory_space<hbm>> -> memref<102400x16xf32, #tpu.memory_space<hbm>>
        tpu.wait_indirect_dma semaphore(%arg14 : memref<!tpu.dma_semaphore, #tpu.memory_space<semaphore_mem>>) src(%dma_wait3A_302 : memref<102400x16xf32, #tpu.memory_space<hbm>>) dst(%dma_wait3A_296 : memref<128x16xf32, #tpu.memory_space<vmem>>)
        %dma_start3A_303 = arith.constant 7 : i32
        %dma_start3A_304 = arith.constant 7 : i32
        %dma_start3A_305 = arith.constant 0 : i32
        %dma_start3A_306 = arith.constant 0 : i32
        %dma_start3A_307 = tpu.memref_slice %arg12[%dma_start3A_303, %dma_start3A_305, %dma_start3A_306] : memref<8x128x16xf32, #tpu.memory_space<vmem>> -> memref<1x128x16xf32, #tpu.memory_space<vmem>>
        %dma_start3A_308 = tpu.memref_squeeze %dma_start3A_307 : memref<1x128x16xf32, #tpu.memory_space<vmem>> -> memref<128x16xf32, #tpu.memory_space<vmem>>
        %dma_start3A_309 = arith.constant 0 : i32
        %dma_start3A_310 = tpu.memref_slice %arg11[%dma_start3A_304, %dma_start3A_309] : memref<8x128xi32, #tpu.memory_space<vmem>> -> memref<1x128xi32, #tpu.memory_space<vmem>>
        %dma_start3A_311 = tpu.memref_squeeze %dma_start3A_310 : memref<1x128xi32, #tpu.memory_space<vmem>> -> memref<128xi32, #tpu.memory_space<vmem>>
        %dma_start3A_312 = arith.constant 0 : i32
        %dma_start3A_313 = arith.constant 0 : i32
        %dma_start3A_314 = tpu.memref_slice %arg9[%dma_start3A_312, %dma_start3A_313] : memref<100500x16xf32, #tpu.memory_space<vmem_shared>> -> memref<100500x16xf32, #tpu.memory_space<vmem_shared>>
        tpu.enqueue_indirect_dma source(%dma_start3A_308 : memref<128x16xf32, #tpu.memory_space<vmem>>) target(%dma_start3A_314 : memref<100500x16xf32, #tpu.memory_space<vmem_shared>>) offsets(%dma_start3A_311 : memref<128xi32, #tpu.memory_space<vmem>>) semaphore(%arg15 : memref<!tpu.dma_semaphore, #tpu.memory_space<semaphore_mem>>) {add = true}
        %dma_wait3A_315 = arith.constant 0 : i32
        %dma_wait3A_316 = arith.constant 0 : i32
        %dma_wait3A_317 = arith.constant 0 : i32
        %dma_wait3A_318 = arith.constant 0 : i32
        %dma_wait3A_319 = tpu.memref_slice %arg12[%dma_wait3A_315, %dma_wait3A_317, %dma_wait3A_318] : memref<8x128x16xf32, #tpu.memory_space<vmem>> -> memref<1x128x16xf32, #tpu.memory_space<vmem>>
        %dma_wait3A_320 = tpu.memref_squeeze %dma_wait3A_319 : memref<1x128x16xf32, #tpu.memory_space<vmem>> -> memref<128x16xf32, #tpu.memory_space<vmem>>
        %dma_wait3A_321 = arith.constant 0 : i32
        %dma_wait3A_322 = tpu.memref_slice %arg11[%dma_wait3A_316, %dma_wait3A_321] : memref<8x128xi32, #tpu.memory_space<vmem>> -> memref<1x128xi32, #tpu.memory_space<vmem>>
        %dma_wait3A_323 = tpu.memref_squeeze %dma_wait3A_322 : memref<1x128xi32, #tpu.memory_space<vmem>> -> memref<128xi32, #tpu.memory_space<vmem>>
        %dma_wait3A_324 = arith.constant 0 : i32
        %dma_wait3A_325 = arith.constant 0 : i32
        %dma_wait3A_326 = tpu.memref_slice %arg9[%dma_wait3A_324, %dma_wait3A_325] : memref<100500x16xf32, #tpu.memory_space<vmem_shared>> -> memref<100500x16xf32, #tpu.memory_space<vmem_shared>>
        tpu.wait_indirect_dma semaphore(%arg15 : memref<!tpu.dma_semaphore, #tpu.memory_space<semaphore_mem>>) src(%dma_wait3A_320 : memref<128x16xf32, #tpu.memory_space<vmem>>) dst(%dma_wait3A_326 : memref<100500x16xf32, #tpu.memory_space<vmem_shared>>)
        %dma_wait3A_327 = arith.constant 1 : i32
        %dma_wait3A_328 = arith.constant 1 : i32
        %dma_wait3A_329 = arith.constant 0 : i32
        %dma_wait3A_330 = arith.constant 0 : i32
        %dma_wait3A_331 = tpu.memref_slice %arg12[%dma_wait3A_327, %dma_wait3A_329, %dma_wait3A_330] : memref<8x128x16xf32, #tpu.memory_space<vmem>> -> memref<1x128x16xf32, #tpu.memory_space<vmem>>
        %dma_wait3A_332 = tpu.memref_squeeze %dma_wait3A_331 : memref<1x128x16xf32, #tpu.memory_space<vmem>> -> memref<128x16xf32, #tpu.memory_space<vmem>>
        %dma_wait3A_333 = arith.constant 0 : i32
        %dma_wait3A_334 = tpu.memref_slice %arg11[%dma_wait3A_328, %dma_wait3A_333] : memref<8x128xi32, #tpu.memory_space<vmem>> -> memref<1x128xi32, #tpu.memory_space<vmem>>
        %dma_wait3A_335 = tpu.memref_squeeze %dma_wait3A_334 : memref<1x128xi32, #tpu.memory_space<vmem>> -> memref<128xi32, #tpu.memory_space<vmem>>
        %dma_wait3A_336 = arith.constant 0 : i32
        %dma_wait3A_337 = arith.constant 0 : i32
        %dma_wait3A_338 = tpu.memref_slice %arg9[%dma_wait3A_336, %dma_wait3A_337] : memref<100500x16xf32, #tpu.memory_space<vmem_shared>> -> memref<100500x16xf32, #tpu.memory_space<vmem_shared>>
        tpu.wait_indirect_dma semaphore(%arg15 : memref<!tpu.dma_semaphore, #tpu.memory_space<semaphore_mem>>) src(%dma_wait3A_332 : memref<128x16xf32, #tpu.memory_space<vmem>>) dst(%dma_wait3A_338 : memref<100500x16xf32, #tpu.memory_space<vmem_shared>>)
        %dma_wait3A_339 = arith.constant 2 : i32
        %dma_wait3A_340 = arith.constant 2 : i32
        %dma_wait3A_341 = arith.constant 0 : i32
        %dma_wait3A_342 = arith.constant 0 : i32
        %dma_wait3A_343 = tpu.memref_slice %arg12[%dma_wait3A_339, %dma_wait3A_341, %dma_wait3A_342] : memref<8x128x16xf32, #tpu.memory_space<vmem>> -> memref<1x128x16xf32, #tpu.memory_space<vmem>>
        %dma_wait3A_344 = tpu.memref_squeeze %dma_wait3A_343 : memref<1x128x16xf32, #tpu.memory_space<vmem>> -> memref<128x16xf32, #tpu.memory_space<vmem>>
        %dma_wait3A_345 = arith.constant 0 : i32
        %dma_wait3A_346 = tpu.memref_slice %arg11[%dma_wait3A_340, %dma_wait3A_345] : memref<8x128xi32, #tpu.memory_space<vmem>> -> memref<1x128xi32, #tpu.memory_space<vmem>>
        %dma_wait3A_347 = tpu.memref_squeeze %dma_wait3A_346 : memref<1x128xi32, #tpu.memory_space<vmem>> -> memref<128xi32, #tpu.memory_space<vmem>>
        %dma_wait3A_348 = arith.constant 0 : i32
        %dma_wait3A_349 = arith.constant 0 : i32
        %dma_wait3A_350 = tpu.memref_slice %arg9[%dma_wait3A_348, %dma_wait3A_349] : memref<100500x16xf32, #tpu.memory_space<vmem_shared>> -> memref<100500x16xf32, #tpu.memory_space<vmem_shared>>
        tpu.wait_indirect_dma semaphore(%arg15 : memref<!tpu.dma_semaphore, #tpu.memory_space<semaphore_mem>>) src(%dma_wait3A_344 : memref<128x16xf32, #tpu.memory_space<vmem>>) dst(%dma_wait3A_350 : memref<100500x16xf32, #tpu.memory_space<vmem_shared>>)
        %dma_wait3A_351 = arith.constant 3 : i32
        %dma_wait3A_352 = arith.constant 3 : i32
        %dma_wait3A_353 = arith.constant 0 : i32
        %dma_wait3A_354 = arith.constant 0 : i32
        %dma_wait3A_355 = tpu.memref_slice %arg12[%dma_wait3A_351, %dma_wait3A_353, %dma_wait3A_354] : memref<8x128x16xf32, #tpu.memory_space<vmem>> -> memref<1x128x16xf32, #tpu.memory_space<vmem>>
        %dma_wait3A_356 = tpu.memref_squeeze %dma_wait3A_355 : memref<1x128x16xf32, #tpu.memory_space<vmem>> -> memref<128x16xf32, #tpu.memory_space<vmem>>
        %dma_wait3A_357 = arith.constant 0 : i32
        %dma_wait3A_358 = tpu.memref_slice %arg11[%dma_wait3A_352, %dma_wait3A_357] : memref<8x128xi32, #tpu.memory_space<vmem>> -> memref<1x128xi32, #tpu.memory_space<vmem>>
        %dma_wait3A_359 = tpu.memref_squeeze %dma_wait3A_358 : memref<1x128xi32, #tpu.memory_space<vmem>> -> memref<128xi32, #tpu.memory_space<vmem>>
        %dma_wait3A_360 = arith.constant 0 : i32
        %dma_wait3A_361 = arith.constant 0 : i32
        %dma_wait3A_362 = tpu.memref_slice %arg9[%dma_wait3A_360, %dma_wait3A_361] : memref<100500x16xf32, #tpu.memory_space<vmem_shared>> -> memref<100500x16xf32, #tpu.memory_space<vmem_shared>>
        tpu.wait_indirect_dma semaphore(%arg15 : memref<!tpu.dma_semaphore, #tpu.memory_space<semaphore_mem>>) src(%dma_wait3A_356 : memref<128x16xf32, #tpu.memory_space<vmem>>) dst(%dma_wait3A_362 : memref<100500x16xf32, #tpu.memory_space<vmem_shared>>)
        %dma_wait3A_363 = arith.constant 4 : i32
        %dma_wait3A_364 = arith.constant 4 : i32
        %dma_wait3A_365 = arith.constant 0 : i32
        %dma_wait3A_366 = arith.constant 0 : i32
        %dma_wait3A_367 = tpu.memref_slice %arg12[%dma_wait3A_363, %dma_wait3A_365, %dma_wait3A_366] : memref<8x128x16xf32, #tpu.memory_space<vmem>> -> memref<1x128x16xf32, #tpu.memory_space<vmem>>
        %dma_wait3A_368 = tpu.memref_squeeze %dma_wait3A_367 : memref<1x128x16xf32, #tpu.memory_space<vmem>> -> memref<128x16xf32, #tpu.memory_space<vmem>>
        %dma_wait3A_369 = arith.constant 0 : i32
        %dma_wait3A_370 = tpu.memref_slice %arg11[%dma_wait3A_364, %dma_wait3A_369] : memref<8x128xi32, #tpu.memory_space<vmem>> -> memref<1x128xi32, #tpu.memory_space<vmem>>
        %dma_wait3A_371 = tpu.memref_squeeze %dma_wait3A_370 : memref<1x128xi32, #tpu.memory_space<vmem>> -> memref<128xi32, #tpu.memory_space<vmem>>
        %dma_wait3A_372 = arith.constant 0 : i32
        %dma_wait3A_373 = arith.constant 0 : i32
        %dma_wait3A_374 = tpu.memref_slice %arg9[%dma_wait3A_372, %dma_wait3A_373] : memref<100500x16xf32, #tpu.memory_space<vmem_shared>> -> memref<100500x16xf32, #tpu.memory_space<vmem_shared>>
        tpu.wait_indirect_dma semaphore(%arg15 : memref<!tpu.dma_semaphore, #tpu.memory_space<semaphore_mem>>) src(%dma_wait3A_368 : memref<128x16xf32, #tpu.memory_space<vmem>>) dst(%dma_wait3A_374 : memref<100500x16xf32, #tpu.memory_space<vmem_shared>>)
        %dma_wait3A_375 = arith.constant 5 : i32
        %dma_wait3A_376 = arith.constant 5 : i32
        %dma_wait3A_377 = arith.constant 0 : i32
        %dma_wait3A_378 = arith.constant 0 : i32
        %dma_wait3A_379 = tpu.memref_slice %arg12[%dma_wait3A_375, %dma_wait3A_377, %dma_wait3A_378] : memref<8x128x16xf32, #tpu.memory_space<vmem>> -> memref<1x128x16xf32, #tpu.memory_space<vmem>>
        %dma_wait3A_380 = tpu.memref_squeeze %dma_wait3A_379 : memref<1x128x16xf32, #tpu.memory_space<vmem>> -> memref<128x16xf32, #tpu.memory_space<vmem>>
        %dma_wait3A_381 = arith.constant 0 : i32
        %dma_wait3A_382 = tpu.memref_slice %arg11[%dma_wait3A_376, %dma_wait3A_381] : memref<8x128xi32, #tpu.memory_space<vmem>> -> memref<1x128xi32, #tpu.memory_space<vmem>>
        %dma_wait3A_383 = tpu.memref_squeeze %dma_wait3A_382 : memref<1x128xi32, #tpu.memory_space<vmem>> -> memref<128xi32, #tpu.memory_space<vmem>>
        %dma_wait3A_384 = arith.constant 0 : i32
        %dma_wait3A_385 = arith.constant 0 : i32
        %dma_wait3A_386 = tpu.memref_slice %arg9[%dma_wait3A_384, %dma_wait3A_385] : memref<100500x16xf32, #tpu.memory_space<vmem_shared>> -> memref<100500x16xf32, #tpu.memory_space<vmem_shared>>
        tpu.wait_indirect_dma semaphore(%arg15 : memref<!tpu.dma_semaphore, #tpu.memory_space<semaphore_mem>>) src(%dma_wait3A_380 : memref<128x16xf32, #tpu.memory_space<vmem>>) dst(%dma_wait3A_386 : memref<100500x16xf32, #tpu.memory_space<vmem_shared>>)
        %dma_wait3A_387 = arith.constant 6 : i32
        %dma_wait3A_388 = arith.constant 6 : i32
        %dma_wait3A_389 = arith.constant 0 : i32
        %dma_wait3A_390 = arith.constant 0 : i32
        %dma_wait3A_391 = tpu.memref_slice %arg12[%dma_wait3A_387, %dma_wait3A_389, %dma_wait3A_390] : memref<8x128x16xf32, #tpu.memory_space<vmem>> -> memref<1x128x16xf32, #tpu.memory_space<vmem>>
        %dma_wait3A_392 = tpu.memref_squeeze %dma_wait3A_391 : memref<1x128x16xf32, #tpu.memory_space<vmem>> -> memref<128x16xf32, #tpu.memory_space<vmem>>
        %dma_wait3A_393 = arith.constant 0 : i32
        %dma_wait3A_394 = tpu.memref_slice %arg11[%dma_wait3A_388, %dma_wait3A_393] : memref<8x128xi32, #tpu.memory_space<vmem>> -> memref<1x128xi32, #tpu.memory_space<vmem>>
        %dma_wait3A_395 = tpu.memref_squeeze %dma_wait3A_394 : memref<1x128xi32, #tpu.memory_space<vmem>> -> memref<128xi32, #tpu.memory_space<vmem>>
        %dma_wait3A_396 = arith.constant 0 : i32
        %dma_wait3A_397 = arith.constant 0 : i32
        %dma_wait3A_398 = tpu.memref_slice %arg9[%dma_wait3A_396, %dma_wait3A_397] : memref<100500x16xf32, #tpu.memory_space<vmem_shared>> -> memref<100500x16xf32, #tpu.memory_space<vmem_shared>>
        tpu.wait_indirect_dma semaphore(%arg15 : memref<!tpu.dma_semaphore, #tpu.memory_space<semaphore_mem>>) src(%dma_wait3A_392 : memref<128x16xf32, #tpu.memory_space<vmem>>) dst(%dma_wait3A_398 : memref<100500x16xf32, #tpu.memory_space<vmem_shared>>)
        %dma_wait3A_399 = arith.constant 7 : i32
        %dma_wait3A_400 = arith.constant 7 : i32
        %dma_wait3A_401 = arith.constant 0 : i32
        %dma_wait3A_402 = arith.constant 0 : i32
        %dma_wait3A_403 = tpu.memref_slice %arg12[%dma_wait3A_399, %dma_wait3A_401, %dma_wait3A_402] : memref<8x128x16xf32, #tpu.memory_space<vmem>> -> memref<1x128x16xf32, #tpu.memory_space<vmem>>
        %dma_wait3A_404 = tpu.memref_squeeze %dma_wait3A_403 : memref<1x128x16xf32, #tpu.memory_space<vmem>> -> memref<128x16xf32, #tpu.memory_space<vmem>>
        %dma_wait3A_405 = arith.constant 0 : i32
        %dma_wait3A_406 = tpu.memref_slice %arg11[%dma_wait3A_400, %dma_wait3A_405] : memref<8x128xi32, #tpu.memory_space<vmem>> -> memref<1x128xi32, #tpu.memory_space<vmem>>
        %dma_wait3A_407 = tpu.memref_squeeze %dma_wait3A_406 : memref<1x128xi32, #tpu.memory_space<vmem>> -> memref<128xi32, #tpu.memory_space<vmem>>
        %dma_wait3A_408 = arith.constant 0 : i32
        %dma_wait3A_409 = arith.constant 0 : i32
        %dma_wait3A_410 = tpu.memref_slice %arg9[%dma_wait3A_408, %dma_wait3A_409] : memref<100500x16xf32, #tpu.memory_space<vmem_shared>> -> memref<100500x16xf32, #tpu.memory_space<vmem_shared>>
        tpu.wait_indirect_dma semaphore(%arg15 : memref<!tpu.dma_semaphore, #tpu.memory_space<semaphore_mem>>) src(%dma_wait3A_404 : memref<128x16xf32, #tpu.memory_space<vmem>>) dst(%dma_wait3A_410 : memref<100500x16xf32, #tpu.memory_space<vmem_shared>>)
      } else {
      }
    }
    %scan3A_10 = arith.constant 104 : i32
    %barrier3A_11 = arith.constant 0 : index
    tpu.barrier barrier_id(%barrier3A_11)
    %scan3A_12 = arith.constant 0 : i32
    %scan3A_13 = arith.constant 0 : i32
    %scan3A_14 = arith.constant 51 : i32
    %scan3A_15 = arith.addi %scan3A_13, %scan3A_14 : i32
    %scan3A_16 = arith.constant 1 : i32
    scf.for %scan3A_18 = %scan3A_13 to %scan3A_15 step %scan3A_16  : i32 {
      %mul3A = arith.constant 16 : i32
      %mul3A_19 = arith.muli %mul3A, %scan3A_18 : i32
      %add3A = arith.addi %arg1, %mul3A_19 : i32
      %lt3A = arith.constant 800 : i32
      %lt3A_20 = arith.cmpi slt, %add3A, %lt3A : i32
      %convert_element_type3A = arith.extui %lt3A_20 : i1 to i32
      %cond3A = arith.constant 0 : i32
      %cond3A_21 = arith.cmpi ne, %convert_element_type3A, %cond3A : i32
      scf.if %cond3A_21 {
        %mul3A_22 = arith.constant 125 : i32
        %mul3A_23 = arith.muli %add3A, %mul3A_22 : i32
        "tpu.region"() ({
          %run_scoped3A = tpu.sem_alloc : memref<!tpu.dma_semaphore, #tpu.memory_space<semaphore_mem>>
          %dma_start3A = arith.constant 0 : i32
          %dma_start3A_33 = tpu.memref_slice %arg9[%mul3A_23, %dma_start3A] : memref<100500x16xf32, #tpu.memory_space<vmem_shared>> -> memref<125x16xf32, #tpu.memory_space<vmem_shared>>
          %dma_start3A_34 = arith.constant 0 : i32
          %dma_start3A_35 = tpu.memref_slice %arg9[%mul3A_23, %dma_start3A_34] : memref<100500x16xf32, #tpu.memory_space<vmem_shared>> -> memref<125x16xf32, #tpu.memory_space<vmem_shared>>
          tpu.enqueue_dma source(%dma_start3A_35 : memref<125x16xf32, #tpu.memory_space<vmem_shared>>) target(%arg13 : memref<125x16xf32, #tpu.memory_space<vmem>>) target_semaphore(%run_scoped3A : memref<!tpu.dma_semaphore, #tpu.memory_space<semaphore_mem>>)
          %dma_wait3A = arith.constant 0 : i32
          %dma_wait3A_36 = tpu.memref_slice %arg9[%mul3A_23, %dma_wait3A] : memref<100500x16xf32, #tpu.memory_space<vmem_shared>> -> memref<125x16xf32, #tpu.memory_space<vmem_shared>>
          %dma_wait3A_37 = arith.constant 0 : i32
          %dma_wait3A_38 = tpu.memref_slice %arg9[%mul3A_23, %dma_wait3A_37] : memref<100500x16xf32, #tpu.memory_space<vmem_shared>> -> memref<125x16xf32, #tpu.memory_space<vmem_shared>>
          tpu.wait_dma2 semaphore(%run_scoped3A : memref<!tpu.dma_semaphore, #tpu.memory_space<semaphore_mem>>) src(%dma_wait3A_38 : memref<125x16xf32, #tpu.memory_space<vmem_shared>>) dst(%arg13 : memref<125x16xf32, #tpu.memory_space<vmem>>)
          tpu.yield
        }) : () -> ()
        %eq3A = arith.constant 0 : i32
        %eq3A_24 = arith.cmpi eq, %arg0, %eq3A : i32
        %convert_element_type3A_25 = arith.extui %eq3A_24 : i1 to i32
        %cond3A_26 = arith.constant 0 : i32
        %cond3A_27 = arith.cmpi ne, %convert_element_type3A_25, %cond3A_26 : i32
        scf.if %cond3A_27 {
          %mul3A_33 = arith.constant 125 : i32
          %mul3A_34 = arith.muli %add3A, %mul3A_33 : i32
          "tpu.region"() ({
            %run_scoped3A = tpu.sem_alloc : memref<!tpu.dma_semaphore, #tpu.memory_space<semaphore_mem>>
            %dma_start3A = arith.constant 0 : i32
            %dma_start3A_35 = tpu.memref_slice %arg7[%mul3A_34, %dma_start3A] : memref<102400x16xf32, #tpu.memory_space<hbm>> -> memref<125x16xf32, #tpu.memory_space<hbm>>
            %dma_start3A_36 = arith.constant 0 : i32
            %dma_start3A_37 = tpu.memref_slice %arg7[%mul3A_34, %dma_start3A_36] : memref<102400x16xf32, #tpu.memory_space<hbm>> -> memref<125x16xf32, #tpu.memory_space<hbm>>
            tpu.enqueue_dma source(%arg13 : memref<125x16xf32, #tpu.memory_space<vmem>>) target(%dma_start3A_37 : memref<125x16xf32, #tpu.memory_space<hbm>>) target_semaphore(%run_scoped3A : memref<!tpu.dma_semaphore, #tpu.memory_space<semaphore_mem>>)
            %dma_wait3A = arith.constant 0 : i32
            %dma_wait3A_38 = tpu.memref_slice %arg7[%mul3A_34, %dma_wait3A] : memref<102400x16xf32, #tpu.memory_space<hbm>> -> memref<125x16xf32, #tpu.memory_space<hbm>>
            %dma_wait3A_39 = arith.constant 0 : i32
            %dma_wait3A_40 = tpu.memref_slice %arg7[%mul3A_34, %dma_wait3A_39] : memref<102400x16xf32, #tpu.memory_space<hbm>> -> memref<125x16xf32, #tpu.memory_space<hbm>>
            tpu.wait_dma2 semaphore(%run_scoped3A : memref<!tpu.dma_semaphore, #tpu.memory_space<semaphore_mem>>) src(%arg13 : memref<125x16xf32, #tpu.memory_space<vmem>>) dst(%dma_wait3A_40 : memref<125x16xf32, #tpu.memory_space<hbm>>)
            tpu.yield
          }) : () -> ()
        } else {
        }
        %eq3A_28 = arith.constant 1 : i32
        %eq3A_29 = arith.cmpi eq, %arg0, %eq3A_28 : i32
        %convert_element_type3A_30 = arith.extui %eq3A_29 : i1 to i32
        %cond3A_31 = arith.constant 0 : i32
        %cond3A_32 = arith.cmpi ne, %convert_element_type3A_30, %cond3A_31 : i32
        scf.if %cond3A_32 {
          %mul3A_33 = arith.constant 125 : i32
          %mul3A_34 = arith.muli %add3A, %mul3A_33 : i32
          "tpu.region"() ({
            %run_scoped3A = tpu.sem_alloc : memref<!tpu.dma_semaphore, #tpu.memory_space<semaphore_mem>>
            %dma_start3A = arith.constant 0 : i32
            %dma_start3A_35 = tpu.memref_slice %arg8[%mul3A_34, %dma_start3A] : memref<102400x16xf32, #tpu.memory_space<hbm>> -> memref<125x16xf32, #tpu.memory_space<hbm>>
            %dma_start3A_36 = arith.constant 0 : i32
            %dma_start3A_37 = tpu.memref_slice %arg8[%mul3A_34, %dma_start3A_36] : memref<102400x16xf32, #tpu.memory_space<hbm>> -> memref<125x16xf32, #tpu.memory_space<hbm>>
            tpu.enqueue_dma source(%arg13 : memref<125x16xf32, #tpu.memory_space<vmem>>) target(%dma_start3A_37 : memref<125x16xf32, #tpu.memory_space<hbm>>) target_semaphore(%run_scoped3A : memref<!tpu.dma_semaphore, #tpu.memory_space<semaphore_mem>>)
            %dma_wait3A = arith.constant 0 : i32
            %dma_wait3A_38 = tpu.memref_slice %arg8[%mul3A_34, %dma_wait3A] : memref<102400x16xf32, #tpu.memory_space<hbm>> -> memref<125x16xf32, #tpu.memory_space<hbm>>
            %dma_wait3A_39 = arith.constant 0 : i32
            %dma_wait3A_40 = tpu.memref_slice %arg8[%mul3A_34, %dma_wait3A_39] : memref<102400x16xf32, #tpu.memory_space<hbm>> -> memref<125x16xf32, #tpu.memory_space<hbm>>
            tpu.wait_dma2 semaphore(%run_scoped3A : memref<!tpu.dma_semaphore, #tpu.memory_space<semaphore_mem>>) src(%arg13 : memref<125x16xf32, #tpu.memory_space<vmem>>) dst(%dma_wait3A_40 : memref<125x16xf32, #tpu.memory_space<hbm>>)
            tpu.yield
          }) : () -> ()
        } else {
        }
      } else {
      }
    }
    %scan3A_17 = arith.constant 51 : i32
    return
  }
}

#map = affine_map<(d0, d1) -> (0, 0)>
#map1 = affine_map<(d0, d1) -> (0)>
module attributes {stable_mosaic.version = 14 : i64} {
  func.func @_deg_sc(%arg0: i32, %arg1: i32, %arg2: memref<12544x128xi32, #tpu.memory_space<hbm>>, %arg3: memref<128xf32, #tpu.memory_space<hbm>>, %arg4: memref<1000xf32, #tpu.memory_space<hbm>>, %arg5: memref<100000xf32, #tpu.memory_space<hbm>>, %arg6: memref<100000xf32, #tpu.memory_space<hbm>>, %arg7: memref<100512xf32, #tpu.memory_space<vmem_shared>>, %arg8: memref<8x128xi32, #tpu.memory_space<vmem>>, %arg9: memref<128xf32, #tpu.memory_space<vmem>>, %arg10: memref<1000xf32, #tpu.memory_space<vmem>>, %arg11: memref<!tpu.dma_semaphore, #tpu.memory_space<semaphore_mem>>) attributes {dimension_semantics = [#tpu.dimension_semantics<core_parallel>, #tpu.dimension_semantics<subcore_parallel>], iteration_bounds = array<i64: 2, 16>, scalar_prefetch = 0 : i64, scratch_operands = 5 : i64, tpu.core_type = #tpu.core_type<sc_vector_subcore>, window_params = [{transform_indices = #map}, {transform_indices = #map1}, {transform_indices = #map1}, {transform_indices = #map1}, {transform_indices = #map1}]} {
    "tpu.region"() ({
      %run_scoped3A = tpu.sem_alloc : memref<!tpu.dma_semaphore, #tpu.memory_space<semaphore_mem>>
      tpu.enqueue_dma source(%arg3 : memref<128xf32, #tpu.memory_space<hbm>>) target(%arg9 : memref<128xf32, #tpu.memory_space<vmem>>) target_semaphore(%run_scoped3A : memref<!tpu.dma_semaphore, #tpu.memory_space<semaphore_mem>>)
      tpu.wait_dma2 semaphore(%run_scoped3A : memref<!tpu.dma_semaphore, #tpu.memory_space<semaphore_mem>>) src(%arg3 : memref<128xf32, #tpu.memory_space<hbm>>) dst(%arg9 : memref<128xf32, #tpu.memory_space<vmem>>)
      tpu.yield
    }) : () -> ()
    "tpu.region"() ({
      %run_scoped3A = tpu.sem_alloc : memref<!tpu.dma_semaphore, #tpu.memory_space<semaphore_mem>>
      tpu.enqueue_dma source(%arg4 : memref<1000xf32, #tpu.memory_space<hbm>>) target(%arg10 : memref<1000xf32, #tpu.memory_space<vmem>>) target_semaphore(%run_scoped3A : memref<!tpu.dma_semaphore, #tpu.memory_space<semaphore_mem>>)
      tpu.wait_dma2 semaphore(%run_scoped3A : memref<!tpu.dma_semaphore, #tpu.memory_space<semaphore_mem>>) src(%arg4 : memref<1000xf32, #tpu.memory_space<hbm>>) dst(%arg10 : memref<1000xf32, #tpu.memory_space<vmem>>)
      tpu.yield
    }) : () -> ()
    %scan3A = arith.constant 0 : i32
    %scan3A_0 = arith.constant 0 : i32
    %scan3A_1 = arith.constant 7 : i32
    %scan3A_2 = arith.addi %scan3A_0, %scan3A_1 : i32
    %scan3A_3 = arith.constant 1 : i32
    scf.for %scan3A_20 = %scan3A_0 to %scan3A_2 step %scan3A_3  : i32 {
      %mul3A = arith.constant 16 : i32
      %mul3A_21 = arith.muli %mul3A, %scan3A_20 : i32
      %add3A = arith.addi %arg1, %mul3A_21 : i32
      %lt3A = arith.constant 100 : i32
      %lt3A_22 = arith.cmpi slt, %add3A, %lt3A : i32
      %convert_element_type3A_23 = arith.extui %lt3A_22 : i1 to i32
      %cond3A_24 = arith.constant 0 : i32
      %cond3A_25 = arith.cmpi ne, %convert_element_type3A_23, %cond3A_24 : i32
      scf.if %cond3A_25 {
        %mul3A_26 = arith.constant 1000 : i32
        %mul3A_27 = arith.muli %add3A, %mul3A_26 : i32
        "tpu.region"() ({
          %run_scoped3A = tpu.sem_alloc : memref<!tpu.dma_semaphore, #tpu.memory_space<semaphore_mem>>
          %dma_start3A = tpu.memref_slice %arg7[%mul3A_27] : memref<100512xf32, #tpu.memory_space<vmem_shared>> -> memref<1000xf32, #tpu.memory_space<vmem_shared>>
          %dma_start3A_28 = tpu.memref_slice %arg7[%mul3A_27] : memref<100512xf32, #tpu.memory_space<vmem_shared>> -> memref<1000xf32, #tpu.memory_space<vmem_shared>>
          tpu.enqueue_dma source(%arg10 : memref<1000xf32, #tpu.memory_space<vmem>>) target(%dma_start3A_28 : memref<1000xf32, #tpu.memory_space<vmem_shared>>) target_semaphore(%run_scoped3A : memref<!tpu.dma_semaphore, #tpu.memory_space<semaphore_mem>>)
          %dma_wait3A = tpu.memref_slice %arg7[%mul3A_27] : memref<100512xf32, #tpu.memory_space<vmem_shared>> -> memref<1000xf32, #tpu.memory_space<vmem_shared>>
          %dma_wait3A_29 = tpu.memref_slice %arg7[%mul3A_27] : memref<100512xf32, #tpu.memory_space<vmem_shared>> -> memref<1000xf32, #tpu.memory_space<vmem_shared>>
          tpu.wait_dma2 semaphore(%run_scoped3A : memref<!tpu.dma_semaphore, #tpu.memory_space<semaphore_mem>>) src(%arg10 : memref<1000xf32, #tpu.memory_space<vmem>>) dst(%dma_wait3A_29 : memref<1000xf32, #tpu.memory_space<vmem_shared>>)
          tpu.yield
        }) : () -> ()
      } else {
      }
    }
    %scan3A_4 = arith.constant 7 : i32
    %eq3A = arith.constant 0 : i32
    %eq3A_5 = arith.cmpi eq, %arg1, %eq3A : i32
    %convert_element_type3A = arith.extui %eq3A_5 : i1 to i32
    %cond3A = arith.constant 0 : i32
    %cond3A_6 = arith.cmpi ne, %convert_element_type3A, %cond3A : i32
    scf.if %cond3A_6 {
      "tpu.region"() ({
        %run_scoped3A = tpu.sem_alloc : memref<!tpu.dma_semaphore, #tpu.memory_space<semaphore_mem>>
        %dma_start3A = arith.constant 0 : i32
        %dma_start3A_20 = tpu.memref_slice %arg10[%dma_start3A] : memref<1000xf32, #tpu.memory_space<vmem>> -> memref<512xf32, #tpu.memory_space<vmem>>
        %dma_start3A_21 = arith.constant 100000 : i32
        %dma_start3A_22 = tpu.memref_slice %arg7[%dma_start3A_21] : memref<100512xf32, #tpu.memory_space<vmem_shared>> -> memref<512xf32, #tpu.memory_space<vmem_shared>>
        %dma_start3A_23 = arith.constant 100000 : i32
        %dma_start3A_24 = tpu.memref_slice %arg7[%dma_start3A_23] : memref<100512xf32, #tpu.memory_space<vmem_shared>> -> memref<512xf32, #tpu.memory_space<vmem_shared>>
        %dma_start3A_25 = arith.constant 0 : i32
        %dma_start3A_26 = tpu.memref_slice %arg10[%dma_start3A_25] : memref<1000xf32, #tpu.memory_space<vmem>> -> memref<512xf32, #tpu.memory_space<vmem>>
        tpu.enqueue_dma source(%dma_start3A_26 : memref<512xf32, #tpu.memory_space<vmem>>) target(%dma_start3A_24 : memref<512xf32, #tpu.memory_space<vmem_shared>>) target_semaphore(%run_scoped3A : memref<!tpu.dma_semaphore, #tpu.memory_space<semaphore_mem>>)
        %dma_wait3A = arith.constant 0 : i32
        %dma_wait3A_27 = tpu.memref_slice %arg10[%dma_wait3A] : memref<1000xf32, #tpu.memory_space<vmem>> -> memref<512xf32, #tpu.memory_space<vmem>>
        %dma_wait3A_28 = arith.constant 100000 : i32
        %dma_wait3A_29 = tpu.memref_slice %arg7[%dma_wait3A_28] : memref<100512xf32, #tpu.memory_space<vmem_shared>> -> memref<512xf32, #tpu.memory_space<vmem_shared>>
        %dma_wait3A_30 = arith.constant 100000 : i32
        %dma_wait3A_31 = tpu.memref_slice %arg7[%dma_wait3A_30] : memref<100512xf32, #tpu.memory_space<vmem_shared>> -> memref<512xf32, #tpu.memory_space<vmem_shared>>
        %dma_wait3A_32 = arith.constant 0 : i32
        %dma_wait3A_33 = tpu.memref_slice %arg10[%dma_wait3A_32] : memref<1000xf32, #tpu.memory_space<vmem>> -> memref<512xf32, #tpu.memory_space<vmem>>
        tpu.wait_dma2 semaphore(%run_scoped3A : memref<!tpu.dma_semaphore, #tpu.memory_space<semaphore_mem>>) src(%dma_wait3A_33 : memref<512xf32, #tpu.memory_space<vmem>>) dst(%dma_wait3A_31 : memref<512xf32, #tpu.memory_space<vmem_shared>>)
        tpu.yield
      }) : () -> ()
    } else {
    }
    %barrier3A = arith.constant 0 : index
    tpu.barrier barrier_id(%barrier3A)
    %scan3A_7 = arith.constant 0 : i32
    %scan3A_8 = arith.constant 0 : i32
    %scan3A_9 = arith.constant 49 : i32
    %scan3A_10 = arith.addi %scan3A_8, %scan3A_9 : i32
    %scan3A_11 = arith.constant 1 : i32
    scf.for %scan3A_20 = %scan3A_8 to %scan3A_10 step %scan3A_11  : i32 {
      %mul3A = arith.constant 784 : i32
      %mul3A_21 = arith.muli %arg0, %mul3A : i32
      %add3A = arith.addi %mul3A_21, %arg1 : i32
      %mul3A_22 = arith.constant 16 : i32
      %mul3A_23 = arith.muli %mul3A_22, %scan3A_20 : i32
      %add3A_24 = arith.addi %add3A, %mul3A_23 : i32
      %mul3A_25 = arith.constant 8 : i32
      %mul3A_26 = arith.muli %add3A_24, %mul3A_25 : i32
      "tpu.region"() ({
        %run_scoped3A = tpu.sem_alloc : memref<!tpu.dma_semaphore, #tpu.memory_space<semaphore_mem>>
        %dma_start3A_121 = arith.constant 0 : i32
        %dma_start3A_122 = tpu.memref_slice %arg2[%mul3A_26, %dma_start3A_121] : memref<12544x128xi32, #tpu.memory_space<hbm>> -> memref<8x128xi32, #tpu.memory_space<hbm>>
        %dma_start3A_123 = arith.constant 0 : i32
        %dma_start3A_124 = tpu.memref_slice %arg2[%mul3A_26, %dma_start3A_123] : memref<12544x128xi32, #tpu.memory_space<hbm>> -> memref<8x128xi32, #tpu.memory_space<hbm>>
        tpu.enqueue_dma source(%dma_start3A_124 : memref<8x128xi32, #tpu.memory_space<hbm>>) target(%arg8 : memref<8x128xi32, #tpu.memory_space<vmem>>) target_semaphore(%run_scoped3A : memref<!tpu.dma_semaphore, #tpu.memory_space<semaphore_mem>>)
        %dma_wait3A_125 = arith.constant 0 : i32
        %dma_wait3A_126 = tpu.memref_slice %arg2[%mul3A_26, %dma_wait3A_125] : memref<12544x128xi32, #tpu.memory_space<hbm>> -> memref<8x128xi32, #tpu.memory_space<hbm>>
        %dma_wait3A_127 = arith.constant 0 : i32
        %dma_wait3A_128 = tpu.memref_slice %arg2[%mul3A_26, %dma_wait3A_127] : memref<12544x128xi32, #tpu.memory_space<hbm>> -> memref<8x128xi32, #tpu.memory_space<hbm>>
        tpu.wait_dma2 semaphore(%run_scoped3A : memref<!tpu.dma_semaphore, #tpu.memory_space<semaphore_mem>>) src(%dma_wait3A_128 : memref<8x128xi32, #tpu.memory_space<hbm>>) dst(%arg8 : memref<8x128xi32, #tpu.memory_space<vmem>>)
        tpu.yield
      }) : () -> ()
      %dma_start3A = arith.constant 0 : i32
      %dma_start3A_27 = arith.constant 0 : i32
      %dma_start3A_28 = tpu.memref_slice %arg8[%dma_start3A, %dma_start3A_27] : memref<8x128xi32, #tpu.memory_space<vmem>> -> memref<1x128xi32, #tpu.memory_space<vmem>>
      %dma_start3A_29 = tpu.memref_squeeze %dma_start3A_28 : memref<1x128xi32, #tpu.memory_space<vmem>> -> memref<128xi32, #tpu.memory_space<vmem>>
      %dma_start3A_30 = arith.constant 0 : i32
      %dma_start3A_31 = tpu.memref_slice %arg7[%dma_start3A_30] : memref<100512xf32, #tpu.memory_space<vmem_shared>> -> memref<100512xf32, #tpu.memory_space<vmem_shared>>
      tpu.enqueue_indirect_dma source(%arg9 : memref<128xf32, #tpu.memory_space<vmem>>) target(%dma_start3A_31 : memref<100512xf32, #tpu.memory_space<vmem_shared>>) offsets(%dma_start3A_29 : memref<128xi32, #tpu.memory_space<vmem>>) semaphore(%arg11 : memref<!tpu.dma_semaphore, #tpu.memory_space<semaphore_mem>>) {add = true}
      %dma_start3A_32 = arith.constant 1 : i32
      %dma_start3A_33 = arith.constant 0 : i32
      %dma_start3A_34 = tpu.memref_slice %arg8[%dma_start3A_32, %dma_start3A_33] : memref<8x128xi32, #tpu.memory_space<vmem>> -> memref<1x128xi32, #tpu.memory_space<vmem>>
      %dma_start3A_35 = tpu.memref_squeeze %dma_start3A_34 : memref<1x128xi32, #tpu.memory_space<vmem>> -> memref<128xi32, #tpu.memory_space<vmem>>
      %dma_start3A_36 = arith.constant 0 : i32
      %dma_start3A_37 = tpu.memref_slice %arg7[%dma_start3A_36] : memref<100512xf32, #tpu.memory_space<vmem_shared>> -> memref<100512xf32, #tpu.memory_space<vmem_shared>>
      tpu.enqueue_indirect_dma source(%arg9 : memref<128xf32, #tpu.memory_space<vmem>>) target(%dma_start3A_37 : memref<100512xf32, #tpu.memory_space<vmem_shared>>) offsets(%dma_start3A_35 : memref<128xi32, #tpu.memory_space<vmem>>) semaphore(%arg11 : memref<!tpu.dma_semaphore, #tpu.memory_space<semaphore_mem>>) {add = true}
      %dma_start3A_38 = arith.constant 2 : i32
      %dma_start3A_39 = arith.constant 0 : i32
      %dma_start3A_40 = tpu.memref_slice %arg8[%dma_start3A_38, %dma_start3A_39] : memref<8x128xi32, #tpu.memory_space<vmem>> -> memref<1x128xi32, #tpu.memory_space<vmem>>
      %dma_start3A_41 = tpu.memref_squeeze %dma_start3A_40 : memref<1x128xi32, #tpu.memory_space<vmem>> -> memref<128xi32, #tpu.memory_space<vmem>>
      %dma_start3A_42 = arith.constant 0 : i32
      %dma_start3A_43 = tpu.memref_slice %arg7[%dma_start3A_42] : memref<100512xf32, #tpu.memory_space<vmem_shared>> -> memref<100512xf32, #tpu.memory_space<vmem_shared>>
      tpu.enqueue_indirect_dma source(%arg9 : memref<128xf32, #tpu.memory_space<vmem>>) target(%dma_start3A_43 : memref<100512xf32, #tpu.memory_space<vmem_shared>>) offsets(%dma_start3A_41 : memref<128xi32, #tpu.memory_space<vmem>>) semaphore(%arg11 : memref<!tpu.dma_semaphore, #tpu.memory_space<semaphore_mem>>) {add = true}
      %dma_start3A_44 = arith.constant 3 : i32
      %dma_start3A_45 = arith.constant 0 : i32
      %dma_start3A_46 = tpu.memref_slice %arg8[%dma_start3A_44, %dma_start3A_45] : memref<8x128xi32, #tpu.memory_space<vmem>> -> memref<1x128xi32, #tpu.memory_space<vmem>>
      %dma_start3A_47 = tpu.memref_squeeze %dma_start3A_46 : memref<1x128xi32, #tpu.memory_space<vmem>> -> memref<128xi32, #tpu.memory_space<vmem>>
      %dma_start3A_48 = arith.constant 0 : i32
      %dma_start3A_49 = tpu.memref_slice %arg7[%dma_start3A_48] : memref<100512xf32, #tpu.memory_space<vmem_shared>> -> memref<100512xf32, #tpu.memory_space<vmem_shared>>
      tpu.enqueue_indirect_dma source(%arg9 : memref<128xf32, #tpu.memory_space<vmem>>) target(%dma_start3A_49 : memref<100512xf32, #tpu.memory_space<vmem_shared>>) offsets(%dma_start3A_47 : memref<128xi32, #tpu.memory_space<vmem>>) semaphore(%arg11 : memref<!tpu.dma_semaphore, #tpu.memory_space<semaphore_mem>>) {add = true}
      %dma_start3A_50 = arith.constant 4 : i32
      %dma_start3A_51 = arith.constant 0 : i32
      %dma_start3A_52 = tpu.memref_slice %arg8[%dma_start3A_50, %dma_start3A_51] : memref<8x128xi32, #tpu.memory_space<vmem>> -> memref<1x128xi32, #tpu.memory_space<vmem>>
      %dma_start3A_53 = tpu.memref_squeeze %dma_start3A_52 : memref<1x128xi32, #tpu.memory_space<vmem>> -> memref<128xi32, #tpu.memory_space<vmem>>
      %dma_start3A_54 = arith.constant 0 : i32
      %dma_start3A_55 = tpu.memref_slice %arg7[%dma_start3A_54] : memref<100512xf32, #tpu.memory_space<vmem_shared>> -> memref<100512xf32, #tpu.memory_space<vmem_shared>>
      tpu.enqueue_indirect_dma source(%arg9 : memref<128xf32, #tpu.memory_space<vmem>>) target(%dma_start3A_55 : memref<100512xf32, #tpu.memory_space<vmem_shared>>) offsets(%dma_start3A_53 : memref<128xi32, #tpu.memory_space<vmem>>) semaphore(%arg11 : memref<!tpu.dma_semaphore, #tpu.memory_space<semaphore_mem>>) {add = true}
      %dma_start3A_56 = arith.constant 5 : i32
      %dma_start3A_57 = arith.constant 0 : i32
      %dma_start3A_58 = tpu.memref_slice %arg8[%dma_start3A_56, %dma_start3A_57] : memref<8x128xi32, #tpu.memory_space<vmem>> -> memref<1x128xi32, #tpu.memory_space<vmem>>
      %dma_start3A_59 = tpu.memref_squeeze %dma_start3A_58 : memref<1x128xi32, #tpu.memory_space<vmem>> -> memref<128xi32, #tpu.memory_space<vmem>>
      %dma_start3A_60 = arith.constant 0 : i32
      %dma_start3A_61 = tpu.memref_slice %arg7[%dma_start3A_60] : memref<100512xf32, #tpu.memory_space<vmem_shared>> -> memref<100512xf32, #tpu.memory_space<vmem_shared>>
      tpu.enqueue_indirect_dma source(%arg9 : memref<128xf32, #tpu.memory_space<vmem>>) target(%dma_start3A_61 : memref<100512xf32, #tpu.memory_space<vmem_shared>>) offsets(%dma_start3A_59 : memref<128xi32, #tpu.memory_space<vmem>>) semaphore(%arg11 : memref<!tpu.dma_semaphore, #tpu.memory_space<semaphore_mem>>) {add = true}
      %dma_start3A_62 = arith.constant 6 : i32
      %dma_start3A_63 = arith.constant 0 : i32
      %dma_start3A_64 = tpu.memref_slice %arg8[%dma_start3A_62, %dma_start3A_63] : memref<8x128xi32, #tpu.memory_space<vmem>> -> memref<1x128xi32, #tpu.memory_space<vmem>>
      %dma_start3A_65 = tpu.memref_squeeze %dma_start3A_64 : memref<1x128xi32, #tpu.memory_space<vmem>> -> memref<128xi32, #tpu.memory_space<vmem>>
      %dma_start3A_66 = arith.constant 0 : i32
      %dma_start3A_67 = tpu.memref_slice %arg7[%dma_start3A_66] : memref<100512xf32, #tpu.memory_space<vmem_shared>> -> memref<100512xf32, #tpu.memory_space<vmem_shared>>
      tpu.enqueue_indirect_dma source(%arg9 : memref<128xf32, #tpu.memory_space<vmem>>) target(%dma_start3A_67 : memref<100512xf32, #tpu.memory_space<vmem_shared>>) offsets(%dma_start3A_65 : memref<128xi32, #tpu.memory_space<vmem>>) semaphore(%arg11 : memref<!tpu.dma_semaphore, #tpu.memory_space<semaphore_mem>>) {add = true}
      %dma_start3A_68 = arith.constant 7 : i32
      %dma_start3A_69 = arith.constant 0 : i32
      %dma_start3A_70 = tpu.memref_slice %arg8[%dma_start3A_68, %dma_start3A_69] : memref<8x128xi32, #tpu.memory_space<vmem>> -> memref<1x128xi32, #tpu.memory_space<vmem>>
      %dma_start3A_71 = tpu.memref_squeeze %dma_start3A_70 : memref<1x128xi32, #tpu.memory_space<vmem>> -> memref<128xi32, #tpu.memory_space<vmem>>
      %dma_start3A_72 = arith.constant 0 : i32
      %dma_start3A_73 = tpu.memref_slice %arg7[%dma_start3A_72] : memref<100512xf32, #tpu.memory_space<vmem_shared>> -> memref<100512xf32, #tpu.memory_space<vmem_shared>>
      tpu.enqueue_indirect_dma source(%arg9 : memref<128xf32, #tpu.memory_space<vmem>>) target(%dma_start3A_73 : memref<100512xf32, #tpu.memory_space<vmem_shared>>) offsets(%dma_start3A_71 : memref<128xi32, #tpu.memory_space<vmem>>) semaphore(%arg11 : memref<!tpu.dma_semaphore, #tpu.memory_space<semaphore_mem>>) {add = true}
      %dma_wait3A = arith.constant 0 : i32
      %dma_wait3A_74 = arith.constant 0 : i32
      %dma_wait3A_75 = tpu.memref_slice %arg8[%dma_wait3A, %dma_wait3A_74] : memref<8x128xi32, #tpu.memory_space<vmem>> -> memref<1x128xi32, #tpu.memory_space<vmem>>
      %dma_wait3A_76 = tpu.memref_squeeze %dma_wait3A_75 : memref<1x128xi32, #tpu.memory_space<vmem>> -> memref<128xi32, #tpu.memory_space<vmem>>
      %dma_wait3A_77 = arith.constant 0 : i32
      %dma_wait3A_78 = tpu.memref_slice %arg7[%dma_wait3A_77] : memref<100512xf32, #tpu.memory_space<vmem_shared>> -> memref<100512xf32, #tpu.memory_space<vmem_shared>>
      tpu.wait_indirect_dma semaphore(%arg11 : memref<!tpu.dma_semaphore, #tpu.memory_space<semaphore_mem>>) src(%arg9 : memref<128xf32, #tpu.memory_space<vmem>>) dst(%dma_wait3A_78 : memref<100512xf32, #tpu.memory_space<vmem_shared>>)
      %dma_wait3A_79 = arith.constant 1 : i32
      %dma_wait3A_80 = arith.constant 0 : i32
      %dma_wait3A_81 = tpu.memref_slice %arg8[%dma_wait3A_79, %dma_wait3A_80] : memref<8x128xi32, #tpu.memory_space<vmem>> -> memref<1x128xi32, #tpu.memory_space<vmem>>
      %dma_wait3A_82 = tpu.memref_squeeze %dma_wait3A_81 : memref<1x128xi32, #tpu.memory_space<vmem>> -> memref<128xi32, #tpu.memory_space<vmem>>
      %dma_wait3A_83 = arith.constant 0 : i32
      %dma_wait3A_84 = tpu.memref_slice %arg7[%dma_wait3A_83] : memref<100512xf32, #tpu.memory_space<vmem_shared>> -> memref<100512xf32, #tpu.memory_space<vmem_shared>>
      tpu.wait_indirect_dma semaphore(%arg11 : memref<!tpu.dma_semaphore, #tpu.memory_space<semaphore_mem>>) src(%arg9 : memref<128xf32, #tpu.memory_space<vmem>>) dst(%dma_wait3A_84 : memref<100512xf32, #tpu.memory_space<vmem_shared>>)
      %dma_wait3A_85 = arith.constant 2 : i32
      %dma_wait3A_86 = arith.constant 0 : i32
      %dma_wait3A_87 = tpu.memref_slice %arg8[%dma_wait3A_85, %dma_wait3A_86] : memref<8x128xi32, #tpu.memory_space<vmem>> -> memref<1x128xi32, #tpu.memory_space<vmem>>
      %dma_wait3A_88 = tpu.memref_squeeze %dma_wait3A_87 : memref<1x128xi32, #tpu.memory_space<vmem>> -> memref<128xi32, #tpu.memory_space<vmem>>
      %dma_wait3A_89 = arith.constant 0 : i32
      %dma_wait3A_90 = tpu.memref_slice %arg7[%dma_wait3A_89] : memref<100512xf32, #tpu.memory_space<vmem_shared>> -> memref<100512xf32, #tpu.memory_space<vmem_shared>>
      tpu.wait_indirect_dma semaphore(%arg11 : memref<!tpu.dma_semaphore, #tpu.memory_space<semaphore_mem>>) src(%arg9 : memref<128xf32, #tpu.memory_space<vmem>>) dst(%dma_wait3A_90 : memref<100512xf32, #tpu.memory_space<vmem_shared>>)
      %dma_wait3A_91 = arith.constant 3 : i32
      %dma_wait3A_92 = arith.constant 0 : i32
      %dma_wait3A_93 = tpu.memref_slice %arg8[%dma_wait3A_91, %dma_wait3A_92] : memref<8x128xi32, #tpu.memory_space<vmem>> -> memref<1x128xi32, #tpu.memory_space<vmem>>
      %dma_wait3A_94 = tpu.memref_squeeze %dma_wait3A_93 : memref<1x128xi32, #tpu.memory_space<vmem>> -> memref<128xi32, #tpu.memory_space<vmem>>
      %dma_wait3A_95 = arith.constant 0 : i32
      %dma_wait3A_96 = tpu.memref_slice %arg7[%dma_wait3A_95] : memref<100512xf32, #tpu.memory_space<vmem_shared>> -> memref<100512xf32, #tpu.memory_space<vmem_shared>>
      tpu.wait_indirect_dma semaphore(%arg11 : memref<!tpu.dma_semaphore, #tpu.memory_space<semaphore_mem>>) src(%arg9 : memref<128xf32, #tpu.memory_space<vmem>>) dst(%dma_wait3A_96 : memref<100512xf32, #tpu.memory_space<vmem_shared>>)
      %dma_wait3A_97 = arith.constant 4 : i32
      %dma_wait3A_98 = arith.constant 0 : i32
      %dma_wait3A_99 = tpu.memref_slice %arg8[%dma_wait3A_97, %dma_wait3A_98] : memref<8x128xi32, #tpu.memory_space<vmem>> -> memref<1x128xi32, #tpu.memory_space<vmem>>
      %dma_wait3A_100 = tpu.memref_squeeze %dma_wait3A_99 : memref<1x128xi32, #tpu.memory_space<vmem>> -> memref<128xi32, #tpu.memory_space<vmem>>
      %dma_wait3A_101 = arith.constant 0 : i32
      %dma_wait3A_102 = tpu.memref_slice %arg7[%dma_wait3A_101] : memref<100512xf32, #tpu.memory_space<vmem_shared>> -> memref<100512xf32, #tpu.memory_space<vmem_shared>>
      tpu.wait_indirect_dma semaphore(%arg11 : memref<!tpu.dma_semaphore, #tpu.memory_space<semaphore_mem>>) src(%arg9 : memref<128xf32, #tpu.memory_space<vmem>>) dst(%dma_wait3A_102 : memref<100512xf32, #tpu.memory_space<vmem_shared>>)
      %dma_wait3A_103 = arith.constant 5 : i32
      %dma_wait3A_104 = arith.constant 0 : i32
      %dma_wait3A_105 = tpu.memref_slice %arg8[%dma_wait3A_103, %dma_wait3A_104] : memref<8x128xi32, #tpu.memory_space<vmem>> -> memref<1x128xi32, #tpu.memory_space<vmem>>
      %dma_wait3A_106 = tpu.memref_squeeze %dma_wait3A_105 : memref<1x128xi32, #tpu.memory_space<vmem>> -> memref<128xi32, #tpu.memory_space<vmem>>
      %dma_wait3A_107 = arith.constant 0 : i32
      %dma_wait3A_108 = tpu.memref_slice %arg7[%dma_wait3A_107] : memref<100512xf32, #tpu.memory_space<vmem_shared>> -> memref<100512xf32, #tpu.memory_space<vmem_shared>>
      tpu.wait_indirect_dma semaphore(%arg11 : memref<!tpu.dma_semaphore, #tpu.memory_space<semaphore_mem>>) src(%arg9 : memref<128xf32, #tpu.memory_space<vmem>>) dst(%dma_wait3A_108 : memref<100512xf32, #tpu.memory_space<vmem_shared>>)
      %dma_wait3A_109 = arith.constant 6 : i32
      %dma_wait3A_110 = arith.constant 0 : i32
      %dma_wait3A_111 = tpu.memref_slice %arg8[%dma_wait3A_109, %dma_wait3A_110] : memref<8x128xi32, #tpu.memory_space<vmem>> -> memref<1x128xi32, #tpu.memory_space<vmem>>
      %dma_wait3A_112 = tpu.memref_squeeze %dma_wait3A_111 : memref<1x128xi32, #tpu.memory_space<vmem>> -> memref<128xi32, #tpu.memory_space<vmem>>
      %dma_wait3A_113 = arith.constant 0 : i32
      %dma_wait3A_114 = tpu.memref_slice %arg7[%dma_wait3A_113] : memref<100512xf32, #tpu.memory_space<vmem_shared>> -> memref<100512xf32, #tpu.memory_space<vmem_shared>>
      tpu.wait_indirect_dma semaphore(%arg11 : memref<!tpu.dma_semaphore, #tpu.memory_space<semaphore_mem>>) src(%arg9 : memref<128xf32, #tpu.memory_space<vmem>>) dst(%dma_wait3A_114 : memref<100512xf32, #tpu.memory_space<vmem_shared>>)
      %dma_wait3A_115 = arith.constant 7 : i32
      %dma_wait3A_116 = arith.constant 0 : i32
      %dma_wait3A_117 = tpu.memref_slice %arg8[%dma_wait3A_115, %dma_wait3A_116] : memref<8x128xi32, #tpu.memory_space<vmem>> -> memref<1x128xi32, #tpu.memory_space<vmem>>
      %dma_wait3A_118 = tpu.memref_squeeze %dma_wait3A_117 : memref<1x128xi32, #tpu.memory_space<vmem>> -> memref<128xi32, #tpu.memory_space<vmem>>
      %dma_wait3A_119 = arith.constant 0 : i32
      %dma_wait3A_120 = tpu.memref_slice %arg7[%dma_wait3A_119] : memref<100512xf32, #tpu.memory_space<vmem_shared>> -> memref<100512xf32, #tpu.memory_space<vmem_shared>>
      tpu.wait_indirect_dma semaphore(%arg11 : memref<!tpu.dma_semaphore, #tpu.memory_space<semaphore_mem>>) src(%arg9 : memref<128xf32, #tpu.memory_space<vmem>>) dst(%dma_wait3A_120 : memref<100512xf32, #tpu.memory_space<vmem_shared>>)
    }
    %scan3A_12 = arith.constant 49 : i32
    %barrier3A_13 = arith.constant 0 : index
    tpu.barrier barrier_id(%barrier3A_13)
    %scan3A_14 = arith.constant 0 : i32
    %scan3A_15 = arith.constant 0 : i32
    %scan3A_16 = arith.constant 7 : i32
    %scan3A_17 = arith.addi %scan3A_15, %scan3A_16 : i32
    %scan3A_18 = arith.constant 1 : i32
    scf.for %scan3A_20 = %scan3A_15 to %scan3A_17 step %scan3A_18  : i32 {
      %mul3A = arith.constant 16 : i32
      %mul3A_21 = arith.muli %mul3A, %scan3A_20 : i32
      %add3A = arith.addi %arg1, %mul3A_21 : i32
      %lt3A = arith.constant 100 : i32
      %lt3A_22 = arith.cmpi slt, %add3A, %lt3A : i32
      %convert_element_type3A_23 = arith.extui %lt3A_22 : i1 to i32
      %cond3A_24 = arith.constant 0 : i32
      %cond3A_25 = arith.cmpi ne, %convert_element_type3A_23, %cond3A_24 : i32
      scf.if %cond3A_25 {
        %mul3A_26 = arith.constant 1000 : i32
        %mul3A_27 = arith.muli %add3A, %mul3A_26 : i32
        "tpu.region"() ({
          %run_scoped3A = tpu.sem_alloc : memref<!tpu.dma_semaphore, #tpu.memory_space<semaphore_mem>>
          %dma_start3A = tpu.memref_slice %arg7[%mul3A_27] : memref<100512xf32, #tpu.memory_space<vmem_shared>> -> memref<1000xf32, #tpu.memory_space<vmem_shared>>
          %dma_start3A_38 = tpu.memref_slice %arg7[%mul3A_27] : memref<100512xf32, #tpu.memory_space<vmem_shared>> -> memref<1000xf32, #tpu.memory_space<vmem_shared>>
          tpu.enqueue_dma source(%dma_start3A_38 : memref<1000xf32, #tpu.memory_space<vmem_shared>>) target(%arg10 : memref<1000xf32, #tpu.memory_space<vmem>>) target_semaphore(%run_scoped3A : memref<!tpu.dma_semaphore, #tpu.memory_space<semaphore_mem>>)
          %dma_wait3A = tpu.memref_slice %arg7[%mul3A_27] : memref<100512xf32, #tpu.memory_space<vmem_shared>> -> memref<1000xf32, #tpu.memory_space<vmem_shared>>
          %dma_wait3A_39 = tpu.memref_slice %arg7[%mul3A_27] : memref<100512xf32, #tpu.memory_space<vmem_shared>> -> memref<1000xf32, #tpu.memory_space<vmem_shared>>
          tpu.wait_dma2 semaphore(%run_scoped3A : memref<!tpu.dma_semaphore, #tpu.memory_space<semaphore_mem>>) src(%dma_wait3A_39 : memref<1000xf32, #tpu.memory_space<vmem_shared>>) dst(%arg10 : memref<1000xf32, #tpu.memory_space<vmem>>)
          tpu.yield
        }) : () -> ()
        %eq3A_28 = arith.constant 0 : i32
        %eq3A_29 = arith.cmpi eq, %arg0, %eq3A_28 : i32
        %convert_element_type3A_30 = arith.extui %eq3A_29 : i1 to i32
        %cond3A_31 = arith.constant 0 : i32
        %cond3A_32 = arith.cmpi ne, %convert_element_type3A_30, %cond3A_31 : i32
        scf.if %cond3A_32 {
          %mul3A_38 = arith.constant 1000 : i32
          %mul3A_39 = arith.muli %add3A, %mul3A_38 : i32
          "tpu.region"() ({
            %run_scoped3A = tpu.sem_alloc : memref<!tpu.dma_semaphore, #tpu.memory_space<semaphore_mem>>
            %dma_start3A = tpu.memref_slice %arg5[%mul3A_39] : memref<100000xf32, #tpu.memory_space<hbm>> -> memref<1000xf32, #tpu.memory_space<hbm>>
            %dma_start3A_40 = tpu.memref_slice %arg5[%mul3A_39] : memref<100000xf32, #tpu.memory_space<hbm>> -> memref<1000xf32, #tpu.memory_space<hbm>>
            tpu.enqueue_dma source(%arg10 : memref<1000xf32, #tpu.memory_space<vmem>>) target(%dma_start3A_40 : memref<1000xf32, #tpu.memory_space<hbm>>) target_semaphore(%run_scoped3A : memref<!tpu.dma_semaphore, #tpu.memory_space<semaphore_mem>>)
            %dma_wait3A = tpu.memref_slice %arg5[%mul3A_39] : memref<100000xf32, #tpu.memory_space<hbm>> -> memref<1000xf32, #tpu.memory_space<hbm>>
            %dma_wait3A_41 = tpu.memref_slice %arg5[%mul3A_39] : memref<100000xf32, #tpu.memory_space<hbm>> -> memref<1000xf32, #tpu.memory_space<hbm>>
            tpu.wait_dma2 semaphore(%run_scoped3A : memref<!tpu.dma_semaphore, #tpu.memory_space<semaphore_mem>>) src(%arg10 : memref<1000xf32, #tpu.memory_space<vmem>>) dst(%dma_wait3A_41 : memref<1000xf32, #tpu.memory_space<hbm>>)
            tpu.yield
          }) : () -> ()
        } else {
        }
        %eq3A_33 = arith.constant 1 : i32
        %eq3A_34 = arith.cmpi eq, %arg0, %eq3A_33 : i32
        %convert_element_type3A_35 = arith.extui %eq3A_34 : i1 to i32
        %cond3A_36 = arith.constant 0 : i32
        %cond3A_37 = arith.cmpi ne, %convert_element_type3A_35, %cond3A_36 : i32
        scf.if %cond3A_37 {
          %mul3A_38 = arith.constant 1000 : i32
          %mul3A_39 = arith.muli %add3A, %mul3A_38 : i32
          "tpu.region"() ({
            %run_scoped3A = tpu.sem_alloc : memref<!tpu.dma_semaphore, #tpu.memory_space<semaphore_mem>>
            %dma_start3A = tpu.memref_slice %arg6[%mul3A_39] : memref<100000xf32, #tpu.memory_space<hbm>> -> memref<1000xf32, #tpu.memory_space<hbm>>
            %dma_start3A_40 = tpu.memref_slice %arg6[%mul3A_39] : memref<100000xf32, #tpu.memory_space<hbm>> -> memref<1000xf32, #tpu.memory_space<hbm>>
            tpu.enqueue_dma source(%arg10 : memref<1000xf32, #tpu.memory_space<vmem>>) target(%dma_start3A_40 : memref<1000xf32, #tpu.memory_space<hbm>>) target_semaphore(%run_scoped3A : memref<!tpu.dma_semaphore, #tpu.memory_space<semaphore_mem>>)
            %dma_wait3A = tpu.memref_slice %arg6[%mul3A_39] : memref<100000xf32, #tpu.memory_space<hbm>> -> memref<1000xf32, #tpu.memory_space<hbm>>
            %dma_wait3A_41 = tpu.memref_slice %arg6[%mul3A_39] : memref<100000xf32, #tpu.memory_space<hbm>> -> memref<1000xf32, #tpu.memory_space<hbm>>
            tpu.wait_dma2 semaphore(%run_scoped3A : memref<!tpu.dma_semaphore, #tpu.memory_space<semaphore_mem>>) src(%arg10 : memref<1000xf32, #tpu.memory_space<vmem>>) dst(%dma_wait3A_41 : memref<1000xf32, #tpu.memory_space<hbm>>)
            tpu.yield
          }) : () -> ()
        } else {
        }
      } else {
      }
    }
    %scan3A_19 = arith.constant 7 : i32
    return
  }
}

module attributes {stable_mosaic.version = 14 : i64} {
  func.func @_prep_body(%arg0: i32, %arg1: memref<1280x128xi32, #tpu.memory_space<vmem>>, %arg2: memref<1280x128xi32, #tpu.memory_space<vmem>>, %arg3: memref<1280x128xf32, #tpu.memory_space<vmem>>, %arg4: memref<128x128xf32, #tpu.memory_space<vmem>>, %arg5: memref<128x128xf32, #tpu.memory_space<vmem>>, %arg6: memref<128x128xf32, #tpu.memory_space<vmem>>, %arg7: memref<128x128xf32, #tpu.memory_space<vmem>>, %arg8: memref<1280x128xf32, #tpu.memory_space<vmem>>, %arg9: memref<1280x128xf32, #tpu.memory_space<vmem>>) attributes {dimension_semantics = [#tpu.dimension_semantics<arbitrary>], iteration_bounds = array<i64: 10>, scalar_prefetch = 0 : i64, scratch_operands = 0 : i64, tpu.core_type = #tpu.core_type<tc>, window_params = [{transform_indices = @transform_0, window_bounds = array<i64: 1280, 128>}, {transform_indices = @transform_1, window_bounds = array<i64: 1280, 128>}, {transform_indices = @transform_2, window_bounds = array<i64: 1280, 128>}, {pipeline_mode = #tpu.pipeline_mode<synchronous>, transform_indices = @transform_3, window_bounds = array<i64: 128, 128>}, {pipeline_mode = #tpu.pipeline_mode<synchronous>, transform_indices = @transform_4, window_bounds = array<i64: 128, 128>}, {pipeline_mode = #tpu.pipeline_mode<synchronous>, transform_indices = @transform_5, window_bounds = array<i64: 128, 128>}, {pipeline_mode = #tpu.pipeline_mode<synchronous>, transform_indices = @transform_6, window_bounds = array<i64: 128, 128>}, {transform_indices = @transform_7, window_bounds = array<i64: 1280, 128>}, {transform_indices = @transform_8, window_bounds = array<i64: 1280, 128>}]} {
    %iota3A = tpu.iota {dimensions = array<i32: 1>} : vector<1x128xi32>
    %jit3A = arith.constant 16 : i32
    %eq3A = arith.constant 0 : i32
    %eq3A_0 = arith.cmpi eq, %jit3A, %eq3A : i32
    %jit3A_1 = arith.constant 1 : i32
    %select_n3A = arith.select %eq3A_0, %jit3A_1, %jit3A : i32
    %rem3A = vector.broadcast %select_n3A : i32 to vector<1x128xi32>
    %rem3A_2 = arith.remsi %iota3A, %rem3A : vector<1x128xi32>
    %ne3A = arith.constant 0 : i32
    %ne3A_3 = vector.broadcast %ne3A : i32 to vector<1x128xi32>
    %ne3A_4 = arith.cmpi ne, %rem3A_2, %ne3A_3 : vector<1x128xi32>
    %lt3A = arith.constant 0 : i32
    %lt3A_5 = vector.broadcast %lt3A : i32 to vector<1x128xi32>
    %lt3A_6 = arith.cmpi slt, %rem3A_2, %lt3A_5 : vector<1x128xi32>
    %lt3A_7 = arith.constant 0 : i32
    %lt3A_8 = arith.cmpi slt, %select_n3A, %lt3A_7 : i32
    %ne3A_9 = vector.broadcast %lt3A_8 : i1 to vector<1x128xi1>
    %ne3A_10 = vector.broadcast %ne3A_9 : vector<1x128xi1> to vector<1x128xi1>
    %ne3A_11 = arith.xori %lt3A_6, %ne3A_10 : vector<1x128xi1>
    %and3A = arith.andi %ne3A_11, %ne3A_4 : vector<1x128xi1>
    %add3A = vector.broadcast %select_n3A : i32 to vector<1x128xi32>
    %add3A_12 = arith.addi %rem3A_2, %add3A : vector<1x128xi32>
    %select_n3A_13 = arith.select %and3A, %add3A_12, %rem3A_2 : vector<1x128xi1>, vector<1x128xi32>
    %get3A = arith.constant 0 : index
    %get3A_14 = arith.constant 0 : index
    %get3A_15 = vector.load %arg1[%get3A, %get3A_14] : memref<1280x128xi32, #tpu.memory_space<vmem>>, vector<1280x128xi32>
    %eq3A_16 = vector.broadcast %select_n3A_13 : vector<1x128xi32> to vector<1280x128xi32>
    %eq3A_17 = arith.cmpi eq, %get3A_15, %eq3A_16 : vector<1280x128xi32>
    %convert_element_type3A = arith.extui %eq3A_17 : vector<1280x128xi1> to vector<1280x128xi32>
    %convert_element_type3A_18 = arith.sitofp %convert_element_type3A : vector<1280x128xi32> to vector<1280x128xf32>
    %get3A_19 = arith.constant 0 : index
    %get3A_20 = arith.constant 0 : index
    %get3A_21 = vector.load %arg2[%get3A_19, %get3A_20] : memref<1280x128xi32, #tpu.memory_space<vmem>>, vector<1280x128xi32>
    %eq3A_22 = vector.broadcast %select_n3A_13 : vector<1x128xi32> to vector<1280x128xi32>
    %eq3A_23 = arith.cmpi eq, %get3A_21, %eq3A_22 : vector<1280x128xi32>
    %convert_element_type3A_24 = arith.extui %eq3A_23 : vector<1280x128xi1> to vector<1280x128xi32>
    %convert_element_type3A_25 = arith.sitofp %convert_element_type3A_24 : vector<1280x128xi32> to vector<1280x128xf32>
    %get3A_26 = arith.constant 0 : index
    %get3A_27 = arith.constant 0 : index
    %get3A_28 = vector.load %arg4[%get3A_26, %get3A_27] : memref<128x128xf32, #tpu.memory_space<vmem>>, vector<128x128xf32>
    %dot_general3A = arith.constant dense<0.000000e+00> : vector<1280x128xf32>
    %dot_general3A_29 = tpu.matmul %convert_element_type3A_18, %get3A_28, %dot_general3A {dimension_numbers = #tpu.dot_dimension_numbers<[1], [0], [0], [1], [0, 0, 1, 1], [], []>, precision = #tpu.contract_precision<fp32>, transpose_lhs_hint = false} : vector<1280x128xf32>, vector<128x128xf32>, vector<1280x128xf32> -> vector<1280x128xf32>
    %get3A_30 = arith.constant 0 : index
    %get3A_31 = arith.constant 0 : index
    %get3A_32 = vector.load %arg6[%get3A_30, %get3A_31] : memref<128x128xf32, #tpu.memory_space<vmem>>, vector<128x128xf32>
    %dot_general3A_33 = arith.constant dense<0.000000e+00> : vector<1280x128xf32>
    %dot_general3A_34 = tpu.matmul %convert_element_type3A_25, %get3A_32, %dot_general3A_33 {dimension_numbers = #tpu.dot_dimension_numbers<[1], [0], [0], [1], [0, 0, 1, 1], [], []>, precision = #tpu.contract_precision<fp32>, transpose_lhs_hint = false} : vector<1280x128xf32>, vector<128x128xf32>, vector<1280x128xf32> -> vector<1280x128xf32>
    %add3A_35 = arith.addf %dot_general3A_29, %dot_general3A_34 : vector<1280x128xf32>
    %get3A_36 = arith.constant 0 : index
    %get3A_37 = arith.constant 0 : index
    %get3A_38 = vector.load %arg5[%get3A_36, %get3A_37] : memref<128x128xf32, #tpu.memory_space<vmem>>, vector<128x128xf32>
    %dot_general3A_39 = arith.constant dense<0.000000e+00> : vector<1280x128xf32>
    %dot_general3A_40 = tpu.matmul %convert_element_type3A_18, %get3A_38, %dot_general3A_39 {dimension_numbers = #tpu.dot_dimension_numbers<[1], [0], [0], [1], [0, 0, 1, 1], [], []>, precision = #tpu.contract_precision<fp32>, transpose_lhs_hint = false} : vector<1280x128xf32>, vector<128x128xf32>, vector<1280x128xf32> -> vector<1280x128xf32>
    %get3A_41 = arith.constant 0 : index
    %get3A_42 = arith.constant 0 : index
    %get3A_43 = vector.load %arg7[%get3A_41, %get3A_42] : memref<128x128xf32, #tpu.memory_space<vmem>>, vector<128x128xf32>
    %dot_general3A_44 = arith.constant dense<0.000000e+00> : vector<1280x128xf32>
    %dot_general3A_45 = tpu.matmul %convert_element_type3A_25, %get3A_43, %dot_general3A_44 {dimension_numbers = #tpu.dot_dimension_numbers<[1], [0], [0], [1], [0, 0, 1, 1], [], []>, precision = #tpu.contract_precision<fp32>, transpose_lhs_hint = false} : vector<1280x128xf32>, vector<128x128xf32>, vector<1280x128xf32> -> vector<1280x128xf32>
    %add3A_46 = arith.addf %dot_general3A_40, %dot_general3A_45 : vector<1280x128xf32>
    %get3A_47 = arith.constant 0 : index
    %get3A_48 = arith.constant 0 : index
    %get3A_49 = vector.load %arg3[%get3A_47, %get3A_48] : memref<1280x128xf32, #tpu.memory_space<vmem>>, vector<1280x128xf32>
    %add3A_50 = arith.constant 1.000000e+00 : f32
    %add3A_51 = vector.broadcast %add3A_50 : f32 to vector<1280x128xf32>
    %add3A_52 = arith.addf %get3A_49, %add3A_51 : vector<1280x128xf32>
    %rsqrt3A = math.rsqrt %add3A_52 : vector<1280x128xf32>
    %mul3A = arith.mulf %add3A_35, %rsqrt3A : vector<1280x128xf32>
    %swap3A = arith.constant 0 : index
    %swap3A_53 = arith.constant 0 : index
    %swap3A_54 = vector.load %arg8[%swap3A, %swap3A_53] : memref<1280x128xf32, #tpu.memory_space<vmem>>, vector<1280x128xf32>
    tpu.vector_store %arg8[%swap3A, %swap3A_53], %mul3A {strides = array<i32>} : memref<1280x128xf32, #tpu.memory_space<vmem>>, vector<1280x128xf32>,
    %mul3A_55 = arith.mulf %add3A_46, %rsqrt3A : vector<1280x128xf32>
    %swap3A_56 = arith.constant 0 : index
    %swap3A_57 = arith.constant 0 : index
    %swap3A_58 = vector.load %arg9[%swap3A_56, %swap3A_57] : memref<1280x128xf32, #tpu.memory_space<vmem>>, vector<1280x128xf32>
    tpu.vector_store %arg9[%swap3A_56, %swap3A_57], %mul3A_55 {strides = array<i32>} : memref<1280x128xf32, #tpu.memory_space<vmem>>, vector<1280x128xf32>,
    return
  }
  func.func @transform_0(%arg0: i32) -> (i32, i32) {
    %c0_i32 = arith.constant 0 : i32
    %c0_i32_0 = arith.constant 0 : i32
    return %arg0, %c0_i32 : i32, i32
  }
  func.func @transform_1(%arg0: i32) -> (i32, i32) {
    %c0_i32 = arith.constant 0 : i32
    %c0_i32_0 = arith.constant 0 : i32
    return %arg0, %c0_i32 : i32, i32
  }
  func.func @transform_2(%arg0: i32) -> (i32, i32) {
    %c0_i32 = arith.constant 0 : i32
    %c0_i32_0 = arith.constant 0 : i32
    return %arg0, %c0_i32 : i32, i32
  }
  func.func @transform_3(%arg0: i32) -> (i32, i32) {
    %c0_i32 = arith.constant 0 : i32
    %c0_i32_0 = arith.constant 0 : i32
    %c0_i32_1 = arith.constant 0 : i32
    return %c0_i32, %c0_i32_0 : i32, i32
  }
  func.func @transform_4(%arg0: i32) -> (i32, i32) {
    %c0_i32 = arith.constant 0 : i32
    %c0_i32_0 = arith.constant 0 : i32
    %c0_i32_1 = arith.constant 0 : i32
    return %c0_i32, %c0_i32_0 : i32, i32
  }
  func.func @transform_5(%arg0: i32) -> (i32, i32) {
    %c0_i32 = arith.constant 0 : i32
    %c0_i32_0 = arith.constant 0 : i32
    %c0_i32_1 = arith.constant 0 : i32
    return %c0_i32, %c0_i32_0 : i32, i32
  }
  func.func @transform_6(%arg0: i32) -> (i32, i32) {
    %c0_i32 = arith.constant 0 : i32
    %c0_i32_0 = arith.constant 0 : i32
    %c0_i32_1 = arith.constant 0 : i32
    return %c0_i32, %c0_i32_0 : i32, i32
  }
  func.func @transform_7(%arg0: i32) -> (i32, i32) {
    %c0_i32 = arith.constant 0 : i32
    %c0_i32_0 = arith.constant 0 : i32
    return %arg0, %c0_i32 : i32, i32
  }
  func.func @transform_8(%arg0: i32) -> (i32, i32) {
    %c0_i32 = arith.constant 0 : i32
    %c0_i32_0 = arith.constant 0 : i32
    return %arg0, %c0_i32 : i32, i32
  }
}

module attributes {stable_mosaic.version = 14 : i64} {
  func.func @_layer_body(%arg0: i32, %arg1: memref<1280x128xf32, #tpu.memory_space<vmem>>, %arg2: memref<1280x128xf32, #tpu.memory_space<vmem>>, %arg3: memref<1280x128xf32, #tpu.memory_space<vmem>>, %arg4: memref<128x128xf32, #tpu.memory_space<vmem>>, %arg5: memref<128x128xf32, #tpu.memory_space<vmem>>, %arg6: memref<128x128xf32, #tpu.memory_space<vmem>>, %arg7: memref<128x128xf32, #tpu.memory_space<vmem>>, %arg8: memref<1x128xf32, #tpu.memory_space<vmem>>, %arg9: memref<1x128xf32, #tpu.memory_space<vmem>>, %arg10: memref<1280x128xf32, #tpu.memory_space<vmem>>, %arg11: memref<1280x128xf32, #tpu.memory_space<vmem>>) attributes {dimension_semantics = [#tpu.dimension_semantics<arbitrary>], iteration_bounds = array<i64: 10>, scalar_prefetch = 0 : i64, scratch_operands = 0 : i64, tpu.core_type = #tpu.core_type<tc>, window_params = [{transform_indices = @transform_0, window_bounds = array<i64: 1280, 128>}, {transform_indices = @transform_1, window_bounds = array<i64: 1280, 128>}, {transform_indices = @transform_2, window_bounds = array<i64: 1280, 128>}, {pipeline_mode = #tpu.pipeline_mode<synchronous>, transform_indices = @transform_3, window_bounds = array<i64: 128, 128>}, {pipeline_mode = #tpu.pipeline_mode<synchronous>, transform_indices = @transform_4, window_bounds = array<i64: 128, 128>}, {pipeline_mode = #tpu.pipeline_mode<synchronous>, transform_indices = @transform_5, window_bounds = array<i64: 128, 128>}, {pipeline_mode = #tpu.pipeline_mode<synchronous>, transform_indices = @transform_6, window_bounds = array<i64: 128, 128>}, {pipeline_mode = #tpu.pipeline_mode<synchronous>, transform_indices = @transform_7, window_bounds = array<i64: 1, 128>}, {pipeline_mode = #tpu.pipeline_mode<synchronous>, transform_indices = @transform_8, window_bounds = array<i64: 1, 128>}, {transform_indices = @transform_9, window_bounds = array<i64: 1280, 128>}, {transform_indices = @transform_10, window_bounds = array<i64: 1280, 128>}]} {
    %get3A = arith.constant 0 : index
    %get3A_0 = arith.constant 0 : index
    %get3A_1 = vector.load %arg3[%get3A, %get3A_0] : memref<1280x128xf32, #tpu.memory_space<vmem>>, vector<1280x128xf32>
    %add3A = arith.constant 1.000000e+00 : f32
    %add3A_2 = vector.broadcast %add3A : f32 to vector<1280x128xf32>
    %add3A_3 = arith.addf %get3A_1, %add3A_2 : vector<1280x128xf32>
    %rsqrt3A = math.rsqrt %add3A_3 : vector<1280x128xf32>
    %get3A_4 = arith.constant 0 : index
    %get3A_5 = arith.constant 0 : index
    %get3A_6 = vector.load %arg1[%get3A_4, %get3A_5] : memref<1280x128xf32, #tpu.memory_space<vmem>>, vector<1280x128xf32>
    %mul3A = arith.mulf %get3A_6, %rsqrt3A : vector<1280x128xf32>
    %get3A_7 = arith.constant 0 : index
    %get3A_8 = arith.constant 0 : index
    %get3A_9 = vector.load %arg2[%get3A_7, %get3A_8] : memref<1280x128xf32, #tpu.memory_space<vmem>>, vector<1280x128xf32>
    %mul3A_10 = arith.mulf %get3A_9, %rsqrt3A : vector<1280x128xf32>
    %get3A_11 = arith.constant 0 : index
    %get3A_12 = arith.constant 0 : index
    %get3A_13 = vector.load %arg4[%get3A_11, %get3A_12] : memref<128x128xf32, #tpu.memory_space<vmem>>, vector<128x128xf32>
    %dot_general3A = arith.constant dense<0.000000e+00> : vector<1280x128xf32>
    %dot_general3A_14 = tpu.matmul %mul3A, %get3A_13, %dot_general3A {dimension_numbers = #tpu.dot_dimension_numbers<[1], [0], [0], [1], [0, 0, 1, 1], [], []>, precision = #tpu.contract_precision<fp32>, transpose_lhs_hint = false} : vector<1280x128xf32>, vector<128x128xf32>, vector<1280x128xf32> -> vector<1280x128xf32>
    %get3A_15 = arith.constant 0 : index
    %get3A_16 = arith.constant 0 : index
    %get3A_17 = vector.load %arg5[%get3A_15, %get3A_16] : memref<128x128xf32, #tpu.memory_space<vmem>>, vector<128x128xf32>
    %dot_general3A_18 = arith.constant dense<0.000000e+00> : vector<1280x128xf32>
    %dot_general3A_19 = tpu.matmul %mul3A_10, %get3A_17, %dot_general3A_18 {dimension_numbers = #tpu.dot_dimension_numbers<[1], [0], [0], [1], [0, 0, 1, 1], [], []>, precision = #tpu.contract_precision<fp32>, transpose_lhs_hint = false} : vector<1280x128xf32>, vector<128x128xf32>, vector<1280x128xf32> -> vector<1280x128xf32>
    %add3A_20 = arith.addf %dot_general3A_14, %dot_general3A_19 : vector<1280x128xf32>
    %get3A_21 = arith.constant 0 : index
    %get3A_22 = arith.constant 0 : index
    %get3A_23 = vector.load %arg8[%get3A_21, %get3A_22] : memref<1x128xf32, #tpu.memory_space<vmem>>, vector<1x128xf32>
    %add3A_24 = vector.broadcast %get3A_23 : vector<1x128xf32> to vector<1280x128xf32>
    %add3A_25 = arith.addf %add3A_20, %add3A_24 : vector<1280x128xf32>
    %max3A = arith.constant 0.000000e+00 : f32
    %max3A_26 = vector.broadcast %max3A : f32 to vector<1280x128xf32>
    %max3A_27 = arith.maximumf %add3A_25, %max3A_26 : vector<1280x128xf32>
    %get3A_28 = arith.constant 0 : index
    %get3A_29 = arith.constant 0 : index
    %get3A_30 = vector.load %arg6[%get3A_28, %get3A_29] : memref<128x128xf32, #tpu.memory_space<vmem>>, vector<128x128xf32>
    %dot_general3A_31 = arith.constant dense<0.000000e+00> : vector<1280x128xf32>
    %dot_general3A_32 = tpu.matmul %mul3A, %get3A_30, %dot_general3A_31 {dimension_numbers = #tpu.dot_dimension_numbers<[1], [0], [0], [1], [0, 0, 1, 1], [], []>, precision = #tpu.contract_precision<fp32>, transpose_lhs_hint = false} : vector<1280x128xf32>, vector<128x128xf32>, vector<1280x128xf32> -> vector<1280x128xf32>
    %get3A_33 = arith.constant 0 : index
    %get3A_34 = arith.constant 0 : index
    %get3A_35 = vector.load %arg7[%get3A_33, %get3A_34] : memref<128x128xf32, #tpu.memory_space<vmem>>, vector<128x128xf32>
    %dot_general3A_36 = arith.constant dense<0.000000e+00> : vector<1280x128xf32>
    %dot_general3A_37 = tpu.matmul %mul3A_10, %get3A_35, %dot_general3A_36 {dimension_numbers = #tpu.dot_dimension_numbers<[1], [0], [0], [1], [0, 0, 1, 1], [], []>, precision = #tpu.contract_precision<fp32>, transpose_lhs_hint = false} : vector<1280x128xf32>, vector<128x128xf32>, vector<1280x128xf32> -> vector<1280x128xf32>
    %add3A_38 = arith.addf %dot_general3A_32, %dot_general3A_37 : vector<1280x128xf32>
    %get3A_39 = arith.constant 0 : index
    %get3A_40 = arith.constant 0 : index
    %get3A_41 = vector.load %arg9[%get3A_39, %get3A_40] : memref<1x128xf32, #tpu.memory_space<vmem>>, vector<1x128xf32>
    %add3A_42 = vector.broadcast %get3A_41 : vector<1x128xf32> to vector<1280x128xf32>
    %add3A_43 = arith.addf %add3A_38, %add3A_42 : vector<1280x128xf32>
    %max3A_44 = arith.constant 0.000000e+00 : f32
    %max3A_45 = vector.broadcast %max3A_44 : f32 to vector<1280x128xf32>
    %max3A_46 = arith.maximumf %add3A_43, %max3A_45 : vector<1280x128xf32>
    %mul3A_47 = arith.mulf %max3A_27, %rsqrt3A : vector<1280x128xf32>
    %swap3A = arith.constant 0 : index
    %swap3A_48 = arith.constant 0 : index
    %swap3A_49 = vector.load %arg10[%swap3A, %swap3A_48] : memref<1280x128xf32, #tpu.memory_space<vmem>>, vector<1280x128xf32>
    tpu.vector_store %arg10[%swap3A, %swap3A_48], %mul3A_47 {strides = array<i32>} : memref<1280x128xf32, #tpu.memory_space<vmem>>, vector<1280x128xf32>,
    %mul3A_50 = arith.mulf %max3A_46, %rsqrt3A : vector<1280x128xf32>
    %swap3A_51 = arith.constant 0 : index
    %swap3A_52 = arith.constant 0 : index
    %swap3A_53 = vector.load %arg11[%swap3A_51, %swap3A_52] : memref<1280x128xf32, #tpu.memory_space<vmem>>, vector<1280x128xf32>
    tpu.vector_store %arg11[%swap3A_51, %swap3A_52], %mul3A_50 {strides = array<i32>} : memref<1280x128xf32, #tpu.memory_space<vmem>>, vector<1280x128xf32>,
    return
  }
  func.func @transform_0(%arg0: i32) -> (i32, i32) {
    %c0_i32 = arith.constant 0 : i32
    %c0_i32_0 = arith.constant 0 : i32
    return %arg0, %c0_i32 : i32, i32
  }
  func.func @transform_1(%arg0: i32) -> (i32, i32) {
    %c0_i32 = arith.constant 0 : i32
    %c0_i32_0 = arith.constant 0 : i32
    return %arg0, %c0_i32 : i32, i32
  }
  func.func @transform_2(%arg0: i32) -> (i32, i32) {
    %c0_i32 = arith.constant 0 : i32
    %c0_i32_0 = arith.constant 0 : i32
    return %arg0, %c0_i32 : i32, i32
  }
  func.func @transform_3(%arg0: i32) -> (i32, i32) {
    %c0_i32 = arith.constant 0 : i32
    %c0_i32_0 = arith.constant 0 : i32
    %c0_i32_1 = arith.constant 0 : i32
    return %c0_i32, %c0_i32_0 : i32, i32
  }
  func.func @transform_4(%arg0: i32) -> (i32, i32) {
    %c0_i32 = arith.constant 0 : i32
    %c0_i32_0 = arith.constant 0 : i32
    %c0_i32_1 = arith.constant 0 : i32
    return %c0_i32, %c0_i32_0 : i32, i32
  }
  func.func @transform_5(%arg0: i32) -> (i32, i32) {
    %c0_i32 = arith.constant 0 : i32
    %c0_i32_0 = arith.constant 0 : i32
    %c0_i32_1 = arith.constant 0 : i32
    return %c0_i32, %c0_i32_0 : i32, i32
  }
  func.func @transform_6(%arg0: i32) -> (i32, i32) {
    %c0_i32 = arith.constant 0 : i32
    %c0_i32_0 = arith.constant 0 : i32
    %c0_i32_1 = arith.constant 0 : i32
    return %c0_i32, %c0_i32_0 : i32, i32
  }
  func.func @transform_7(%arg0: i32) -> (i32, i32) {
    %c0_i32 = arith.constant 0 : i32
    %c0_i32_0 = arith.constant 0 : i32
    %c0_i32_1 = arith.constant 0 : i32
    return %c0_i32, %c0_i32_0 : i32, i32
  }
  func.func @transform_8(%arg0: i32) -> (i32, i32) {
    %c0_i32 = arith.constant 0 : i32
    %c0_i32_0 = arith.constant 0 : i32
    %c0_i32_1 = arith.constant 0 : i32
    return %c0_i32, %c0_i32_0 : i32, i32
  }
  func.func @transform_9(%arg0: i32) -> (i32, i32) {
    %c0_i32 = arith.constant 0 : i32
    %c0_i32_0 = arith.constant 0 : i32
    return %arg0, %c0_i32 : i32, i32
  }
  func.func @transform_10(%arg0: i32) -> (i32, i32) {
    %c0_i32 = arith.constant 0 : i32
    %c0_i32_0 = arith.constant 0 : i32
    return %arg0, %c0_i32 : i32, i32
  }
}

module attributes {stable_mosaic.version = 14 : i64} {
  func.func @_pool_body(%arg0: i32, %arg1: memref<2000x16xf32, #tpu.memory_space<vmem>>, %arg2: memref<2000x16xf32, #tpu.memory_space<vmem>>, %arg3: memref<2000x1xf32, #tpu.memory_space<vmem>>, %arg4: memref<32x32xf32, #tpu.memory_space<vmem>>, %arg5: memref<1x32xf32, #tpu.memory_space<vmem>>, %arg6: memref<2000x1xi32, #tpu.memory_space<vmem>>, %arg7: memref<256x32xf32, #tpu.memory_space<vmem>>, %arg8: memref<256x1xf32, #tpu.memory_space<vmem>>) attributes {dimension_semantics = [#tpu.dimension_semantics<arbitrary>], iteration_bounds = array<i64: 50>, scalar_prefetch = 0 : i64, scratch_operands = 0 : i64, tpu.core_type = #tpu.core_type<tc>, window_params = [{transform_indices = @transform_0, window_bounds = array<i64: 2000, 16>}, {transform_indices = @transform_1, window_bounds = array<i64: 2000, 16>}, {transform_indices = @transform_2, window_bounds = array<i64: 2000, 1>}, {pipeline_mode = #tpu.pipeline_mode<synchronous>, transform_indices = @transform_3, window_bounds = array<i64: 32, 32>}, {pipeline_mode = #tpu.pipeline_mode<synchronous>, transform_indices = @transform_4, window_bounds = array<i64: 1, 32>}, {transform_indices = @transform_5, window_bounds = array<i64: 2000, 1>}, {pipeline_mode = #tpu.pipeline_mode<synchronous>, transform_indices = @transform_6, window_bounds = array<i64: 256, 32>}, {pipeline_mode = #tpu.pipeline_mode<synchronous>, transform_indices = @transform_7, window_bounds = array<i64: 256, 1>}]} {
    %get3A = arith.constant 0 : index
    %get3A_0 = arith.constant 0 : index
    %get3A_1 = vector.load %arg3[%get3A, %get3A_0] : memref<2000x1xf32, #tpu.memory_space<vmem>>, vector<2000x1xf32>
    %add3A = arith.constant 1.000000e+00 : f32
    %add3A_2 = vector.broadcast %add3A : f32 to vector<2000x1xf32>
    %add3A_3 = arith.addf %get3A_1, %add3A_2 : vector<2000x1xf32>
    %rsqrt3A = math.rsqrt %add3A_3 : vector<2000x1xf32>
    %get3A_4 = arith.constant 0 : index
    %get3A_5 = arith.constant 0 : index
    %get3A_6 = vector.load %arg1[%get3A_4, %get3A_5] : memref<2000x16xf32, #tpu.memory_space<vmem>>, vector<2000x16xf32>
    %get3A_7 = arith.constant 0 : index
    %get3A_8 = arith.constant 0 : index
    %get3A_9 = vector.load %arg2[%get3A_7, %get3A_8] : memref<2000x16xf32, #tpu.memory_space<vmem>>, vector<2000x16xf32>
    %concatenate3A = tpu.concatenate %get3A_6, %get3A_9 in 1 : vector<2000x16xf32>, vector<2000x16xf32> -> vector<2000x32xf32>
    %mul3A = vector.broadcast %rsqrt3A : vector<2000x1xf32> to vector<2000x32xf32>
    %mul3A_10 = arith.mulf %concatenate3A, %mul3A : vector<2000x32xf32>
    %get3A_11 = arith.constant 0 : index
    %get3A_12 = arith.constant 0 : index
    %get3A_13 = vector.load %arg4[%get3A_11, %get3A_12] : memref<32x32xf32, #tpu.memory_space<vmem>>, vector<32x32xf32>
    %dot_general3A = arith.constant dense<0.000000e+00> : vector<2000x32xf32>
    %dot_general3A_14 = tpu.matmul %mul3A_10, %get3A_13, %dot_general3A {dimension_numbers = #tpu.dot_dimension_numbers<[1], [0], [0], [1], [0, 0, 1, 1], [], []>, precision = #tpu.contract_precision<fp32>, transpose_lhs_hint = false} : vector<2000x32xf32>, vector<32x32xf32>, vector<2000x32xf32> -> vector<2000x32xf32>
    %get3A_15 = arith.constant 0 : index
    %get3A_16 = arith.constant 0 : index
    %get3A_17 = vector.load %arg5[%get3A_15, %get3A_16] : memref<1x32xf32, #tpu.memory_space<vmem>>, vector<1x32xf32>
    %add3A_18 = vector.broadcast %get3A_17 : vector<1x32xf32> to vector<2000x32xf32>
    %add3A_19 = arith.addf %dot_general3A_14, %add3A_18 : vector<2000x32xf32>
    %max3A = arith.constant 0.000000e+00 : f32
    %max3A_20 = vector.broadcast %max3A : f32 to vector<2000x32xf32>
    %max3A_21 = arith.maximumf %add3A_19, %max3A_20 : vector<2000x32xf32>
    %get3A_22 = arith.constant 0 : index
    %get3A_23 = arith.constant 0 : index
    %get3A_24 = vector.load %arg6[%get3A_22, %get3A_23] : memref<2000x1xi32, #tpu.memory_space<vmem>>, vector<2000x1xi32>
    %iota3A = tpu.iota {dimensions = array<i32: 1>} : vector<2000x256xi32>
    %eq3A = vector.broadcast %get3A_24 : vector<2000x1xi32> to vector<2000x256xi32>
    %eq3A_25 = arith.cmpi eq, %eq3A, %iota3A : vector<2000x256xi32>
    %convert_element_type3A = arith.extui %eq3A_25 : vector<2000x256xi1> to vector<2000x256xi32>
    %convert_element_type3A_26 = arith.sitofp %convert_element_type3A : vector<2000x256xi32> to vector<2000x256xf32>
    %dot_general3A_27 = arith.constant dense<0.000000e+00> : vector<256x32xf32>
    %dot_general3A_28 = tpu.matmul %convert_element_type3A_26, %max3A_21, %dot_general3A_27 {dimension_numbers = #tpu.dot_dimension_numbers<[0], [0], [1], [1], [0, 1, 1, 1], [], []>, transpose_lhs_hint = false} : vector<2000x256xf32>, vector<2000x32xf32>, vector<256x32xf32> -> vector<256x32xf32>
    %reduce_sum3A = arith.constant dense<0.000000e+00> : vector<256xf32>
    %reduce_sum3A_29 = vector.multi_reduction <add>, %convert_element_type3A_26, %reduce_sum3A [0] : vector<2000x256xf32> to vector<256xf32>
    %broadcast_in_dim3A = vector.shape_cast %reduce_sum3A_29 : vector<256xf32> to vector<256x1xf32>
    %eq3A_30 = arith.constant 0 : i32
    %eq3A_31 = arith.cmpi eq, %arg0, %eq3A_30 : i32
    %convert_element_type3A_32 = arith.extui %eq3A_31 : i1 to i32
    %cond3A = arith.constant 0 : i32
    %cond3A_33 = arith.cmpi ne, %convert_element_type3A_32, %cond3A : i32
    scf.if %cond3A_33 {
      %swap3A = arith.constant 0 : index
      %swap3A_38 = arith.constant 0 : index
      %swap3A_39 = vector.load %arg7[%swap3A, %swap3A_38] : memref<256x32xf32, #tpu.memory_space<vmem>>, vector<256x32xf32>
      tpu.vector_store %arg7[%swap3A, %swap3A_38], %dot_general3A_28 {strides = array<i32>} : memref<256x32xf32, #tpu.memory_space<vmem>>, vector<256x32xf32>,
      %swap3A_40 = arith.constant 0 : index
      %swap3A_41 = arith.constant 0 : index
      %swap3A_42 = vector.load %arg8[%swap3A_40, %swap3A_41] : memref<256x1xf32, #tpu.memory_space<vmem>>, vector<256x1xf32>
      tpu.vector_store %arg8[%swap3A_40, %swap3A_41], %broadcast_in_dim3A {strides = array<i32>} : memref<256x1xf32, #tpu.memory_space<vmem>>, vector<256x1xf32>,
    } else {
    }
    %ne3A = arith.constant 0 : i32
    %ne3A_34 = arith.cmpi ne, %arg0, %ne3A : i32
    %convert_element_type3A_35 = arith.extui %ne3A_34 : i1 to i32
    %cond3A_36 = arith.constant 0 : i32
    %cond3A_37 = arith.cmpi ne, %convert_element_type3A_35, %cond3A_36 : i32
    scf.if %cond3A_37 {
      %get3A_38 = arith.constant 0 : index
      %get3A_39 = arith.constant 0 : index
      %get3A_40 = vector.load %arg7[%get3A_38, %get3A_39] : memref<256x32xf32, #tpu.memory_space<vmem>>, vector<256x32xf32>
      %add3A_41 = arith.addf %get3A_40, %dot_general3A_28 : vector<256x32xf32>
      %swap3A = arith.constant 0 : index
      %swap3A_42 = arith.constant 0 : index
      %swap3A_43 = vector.load %arg7[%swap3A, %swap3A_42] : memref<256x32xf32, #tpu.memory_space<vmem>>, vector<256x32xf32>
      tpu.vector_store %arg7[%swap3A, %swap3A_42], %add3A_41 {strides = array<i32>} : memref<256x32xf32, #tpu.memory_space<vmem>>, vector<256x32xf32>,
      %get3A_44 = arith.constant 0 : index
      %get3A_45 = arith.constant 0 : index
      %get3A_46 = vector.load %arg8[%get3A_44, %get3A_45] : memref<256x1xf32, #tpu.memory_space<vmem>>, vector<256x1xf32>
      %add3A_47 = arith.addf %get3A_46, %broadcast_in_dim3A : vector<256x1xf32>
      %swap3A_48 = arith.constant 0 : index
      %swap3A_49 = arith.constant 0 : index
      %swap3A_50 = vector.load %arg8[%swap3A_48, %swap3A_49] : memref<256x1xf32, #tpu.memory_space<vmem>>, vector<256x1xf32>
      tpu.vector_store %arg8[%swap3A_48, %swap3A_49], %add3A_47 {strides = array<i32>} : memref<256x1xf32, #tpu.memory_space<vmem>>, vector<256x1xf32>,
    } else {
    }
    return
  }
  func.func @transform_0(%arg0: i32) -> (i32, i32) {
    %c0_i32 = arith.constant 0 : i32
    %c0_i32_0 = arith.constant 0 : i32
    return %arg0, %c0_i32 : i32, i32
  }
  func.func @transform_1(%arg0: i32) -> (i32, i32) {
    %c0_i32 = arith.constant 0 : i32
    %c0_i32_0 = arith.constant 0 : i32
    return %arg0, %c0_i32 : i32, i32
  }
  func.func @transform_2(%arg0: i32) -> (i32, i32) {
    %c0_i32 = arith.constant 0 : i32
    %c0_i32_0 = arith.constant 0 : i32
    return %arg0, %c0_i32 : i32, i32
  }
  func.func @transform_3(%arg0: i32) -> (i32, i32) {
    %c0_i32 = arith.constant 0 : i32
    %c0_i32_0 = arith.constant 0 : i32
    %c0_i32_1 = arith.constant 0 : i32
    return %c0_i32, %c0_i32_0 : i32, i32
  }
  func.func @transform_4(%arg0: i32) -> (i32, i32) {
    %c0_i32 = arith.constant 0 : i32
    %c0_i32_0 = arith.constant 0 : i32
    %c0_i32_1 = arith.constant 0 : i32
    return %c0_i32, %c0_i32_0 : i32, i32
  }
  func.func @transform_5(%arg0: i32) -> (i32, i32) {
    %c0_i32 = arith.constant 0 : i32
    %c0_i32_0 = arith.constant 0 : i32
    return %arg0, %c0_i32 : i32, i32
  }
  func.func @transform_6(%arg0: i32) -> (i32, i32) {
    %c0_i32 = arith.constant 0 : i32
    %c0_i32_0 = arith.constant 0 : i32
    %c0_i32_1 = arith.constant 0 : i32
    return %c0_i32, %c0_i32_0 : i32, i32
  }
  func.func @transform_7(%arg0: i32) -> (i32, i32) {
    %c0_i32 = arith.constant 0 : i32
    %c0_i32_0 = arith.constant 0 : i32
    %c0_i32_1 = arith.constant 0 : i32
    return %c0_i32, %c0_i32_0 : i32, i32
  }
}

module attributes {stable_mosaic.version = 14 : i64} {
  func.func @_head_body(%arg0: i32, %arg1: memref<256x32xf32, #tpu.memory_space<vmem>>, %arg2: memref<256x1xf32, #tpu.memory_space<vmem>>, %arg3: memref<32x10xf32, #tpu.memory_space<vmem>>, %arg4: memref<1x10xf32, #tpu.memory_space<vmem>>, %arg5: memref<256x10xf32, #tpu.memory_space<vmem>>) attributes {dimension_semantics = [#tpu.dimension_semantics<arbitrary>], iteration_bounds = array<i64: 1>, scalar_prefetch = 0 : i64, scratch_operands = 0 : i64, tpu.core_type = #tpu.core_type<tc>, window_params = [{pipeline_mode = #tpu.pipeline_mode<synchronous>, transform_indices = @transform_0, window_bounds = array<i64: 256, 32>}, {pipeline_mode = #tpu.pipeline_mode<synchronous>, transform_indices = @transform_1, window_bounds = array<i64: 256, 1>}, {pipeline_mode = #tpu.pipeline_mode<synchronous>, transform_indices = @transform_2, window_bounds = array<i64: 32, 10>}, {pipeline_mode = #tpu.pipeline_mode<synchronous>, transform_indices = @transform_3, window_bounds = array<i64: 1, 10>}, {pipeline_mode = #tpu.pipeline_mode<synchronous>, transform_indices = @transform_4, window_bounds = array<i64: 256, 10>}]} {
    %get3A = arith.constant 0 : index
    %get3A_0 = arith.constant 0 : index
    %get3A_1 = vector.load %arg1[%get3A, %get3A_0] : memref<256x32xf32, #tpu.memory_space<vmem>>, vector<256x32xf32>
    %get3A_2 = arith.constant 0 : index
    %get3A_3 = arith.constant 0 : index
    %get3A_4 = vector.load %arg2[%get3A_2, %get3A_3] : memref<256x1xf32, #tpu.memory_space<vmem>>, vector<256x1xf32>
    %max3A = arith.constant 1.000000e+00 : f32
    %max3A_5 = vector.broadcast %max3A : f32 to vector<256x1xf32>
    %max3A_6 = arith.maximumf %get3A_4, %max3A_5 : vector<256x1xf32>
    %div3A = vector.broadcast %max3A_6 : vector<256x1xf32> to vector<256x32xf32>
    %div3A_7 = arith.divf %get3A_1, %div3A : vector<256x32xf32>
    %get3A_8 = arith.constant 0 : index
    %get3A_9 = arith.constant 0 : index
    %get3A_10 = vector.load %arg3[%get3A_8, %get3A_9] : memref<32x10xf32, #tpu.memory_space<vmem>>, vector<32x10xf32>
    %dot_general3A = arith.constant dense<0.000000e+00> : vector<256x10xf32>
    %dot_general3A_11 = tpu.matmul %div3A_7, %get3A_10, %dot_general3A {dimension_numbers = #tpu.dot_dimension_numbers<[1], [0], [0], [1], [0, 0, 1, 1], [], []>, precision = #tpu.contract_precision<fp32>, transpose_lhs_hint = false} : vector<256x32xf32>, vector<32x10xf32>, vector<256x10xf32> -> vector<256x10xf32>
    %get3A_12 = arith.constant 0 : index
    %get3A_13 = arith.constant 0 : index
    %get3A_14 = vector.load %arg4[%get3A_12, %get3A_13] : memref<1x10xf32, #tpu.memory_space<vmem>>, vector<1x10xf32>
    %add3A = vector.broadcast %get3A_14 : vector<1x10xf32> to vector<256x10xf32>
    %add3A_15 = arith.addf %dot_general3A_11, %add3A : vector<256x10xf32>
    %swap3A = arith.constant 0 : index
    %swap3A_16 = arith.constant 0 : index
    %swap3A_17 = vector.load %arg5[%swap3A, %swap3A_16] : memref<256x10xf32, #tpu.memory_space<vmem>>, vector<256x10xf32>
    tpu.vector_store %arg5[%swap3A, %swap3A_16], %add3A_15 {strides = array<i32>} : memref<256x10xf32, #tpu.memory_space<vmem>>, vector<256x10xf32>,
    return
  }
  func.func @transform_0(%arg0: i32) -> (i32, i32) {
    %c0_i32 = arith.constant 0 : i32
    %c0_i32_0 = arith.constant 0 : i32
    %c0_i32_1 = arith.constant 0 : i32
    return %c0_i32, %c0_i32_0 : i32, i32
  }
  func.func @transform_1(%arg0: i32) -> (i32, i32) {
    %c0_i32 = arith.constant 0 : i32
    %c0_i32_0 = arith.constant 0 : i32
    %c0_i32_1 = arith.constant 0 : i32
    return %c0_i32, %c0_i32_0 : i32, i32
  }
  func.func @transform_2(%arg0: i32) -> (i32, i32) {
    %c0_i32 = arith.constant 0 : i32
    %c0_i32_0 = arith.constant 0 : i32
    %c0_i32_1 = arith.constant 0 : i32
    return %c0_i32, %c0_i32_0 : i32, i32
  }
  func.func @transform_3(%arg0: i32) -> (i32, i32) {
    %c0_i32 = arith.constant 0 : i32
    %c0_i32_0 = arith.constant 0 : i32
    %c0_i32_1 = arith.constant 0 : i32
    return %c0_i32, %c0_i32_0 : i32, i32
  }
  func.func @transform_4(%arg0: i32) -> (i32, i32) {
    %c0_i32 = arith.constant 0 : i32
    %c0_i32_0 = arith.constant 0 : i32
    %c0_i32_1 = arith.constant 0 : i32
    return %c0_i32, %c0_i32_0 : i32, i32
  }
}

</mosaic_0001>

<sc_bundles>
// kernel: kernel.12.cloned.1.call-start
scs
__scs_entry_jumppad:
0x0: {  	(pc) =	sbr.rel $0x88, $3  }
0x1: {  	(tag) =	ssettag $0x0;
	lr =	simm.s32 $0x1  }
0x2: {  	[smem:$0x3F96] =	sst lr;
	_ =	strace $0xD0000000  }
0x3: {  	_ = 	snop  }
0x4: {  	_ = 	snop  }
0x5: {  	_ = 	snop  }
0x6: {  	_ = 	snop  }
0x7: {  	_ = 	snop  }
__scs_overlays_trampoline_lowered:
0x8: {  	[smem:$0x3FA5] =	sst s0  }
0x9: {  	[smem:$0x3FA6] =	sst s1  }
0xa: {  	[smem:$0x3FA7] =	sst s2  }
0xb: {  	[smem:$0x3FA8] =	sst s3  }
0xc: {  	[smem:$0x3FA9] =	sst s4  }
0xd: {  	[smem:$0x3FAA] =	sst s5  }
0xe: {  	[smem:$0x3FAB] =	sst s6  }
0xf: {  	[smem:$0x3FAC] =	sst s7  }
0x10: {  	[smem:$0x3FAD] =	sst s8  }
0x11: {  	[smem:$0x3FAE] =	sst s9;
	s0 =	simm.s32 @!p0 $0x0  }
0x12: {  	s1 =	sld [smem:$0x3F94];
	s0 =	simm.s32 @p0 $0x1  }
0x13: {  	[smem:$0x3FAF] =	sst s0;
	s0 =	simm.s32 @!p1 $0x0  }
0x14: {  	s2 =	sld [smem:$0x3F93];
	s0 =	simm.s32 @p1 $0x1  }
0x15: {  	[smem:$0x3FB0] =	sst s0;
	s0 =	simm.s32 @!p2 $0x0  }
0x16: {  	s3 =	sld [smem:$0x3FDB];
	s0 =	simm.s32 @p2 $0x1  }
0x17: {  	s4 =	simm.s32 $0x1BF5;
	[smem:$0x3FB2] =	sst s0  }
0x18: {  	s0 =	sld [smem:$0x3F95];
	_ =	swait.ge [sflag:s4], $0x0  }
0x19: {  	s7 =	sld [smem:$0x3F96]  }
0x1a: {  	s8 =	sadd.s32 $0xFFFFE003, lr  }
0x1b: {  	s9 =	sadd.s32 $0xFFFFFEF7, lr;
	s5 =	simm.s32 $0xFFFFFFFF;
	p2 =	slt.u32 s8, $0xFFFFF086  }
0x1c: {  	p1 =	slt.u32 s9, $0xF7A;
	s5 =	simm.s32 @!p2 $0x0  }
0x1d: {  	s5 =	simm.s32 @p1 $0x1;
	p0 =	seq.s32 s7, s2  }
0x1e: {  	s7 =	smul.u32 @!p0 $0xF7A, s2;
	p2 =	seq.s32 @!p0 s5, $0x0  }
0x1f: {  	s9 =	smul.u32 $0xF7A, s1;
	s8 =	simm.s32 @!p0 $0x1BF5;
	p2 =	por !p2, p0  }
0x20: {  	[sflag:s8] =	ssyncset.s32 @!p0 $0xFFFFF086;
	s6 =	sadd.s32 @!p0 s3, s7;
	s7 =	simm.s32 @!p0 $0x108  }
0x21: {  	s3 =	sadd.s32 s3, s9;
	s6 =	sadd.s32 @!p0 $0x88, s6;
	s7 =	simm.s32 @p2 $0x1082  }
0x22: {  	[simem:s7], [sflag:s8] =	dma.local @!p0 [hbm:s6], $0xF7A  }
0x23: {  	s9 =	sor.u32 $0xD0000000, s2;
	s6 =	simm.s32 $0x108;
	_ =	swait.ge @!p0 [sflag:s8], $0x0  }
0x24: {  	s3 =	sadd.s32 $0x88, s3;
	s6 =	simm.s32 @!p1 $0x1082;
	[sflag:s4] =	ssyncset.s32 $0xFFFFF086  }
0x25: {  	[simem:s6], [sflag:s4] =	dma.local [hbm:s3], $0xF7A  }
0x26: {  	[smem:$0x3F96] =	sst s1;
	(tag) =	ssettag s2;
	_ =	strace s9  }
0x27: {  	s1 =	sld [smem:$0x3FA6]  }
0x28: {  	s2 =	sld [smem:$0x3FA7]  }
0x29: {  	s4 =	sld [smem:$0x3FA9]  }
0x2a: {  	p0 =	seq.s32 s5, $0x0;
	s5 =	sld [smem:$0x3FAA]  }
0x2b: {  	s6 =	sld [smem:$0x3FAB]  }
0x2c: {  	s7 =	sld [smem:$0x3FAC]  }
0x2d: {  	s3 =	simm.s32 $0x108;
	s8 =	sld [smem:$0x3FAD]  }
0x2e: {  	s3 =	simm.s32 @!p0 $0x1082;
	s9 =	sld [smem:$0x3FAE]  }
0x2f: {  	lr =	sadd.s32 s0, s3;
	s0 =	sld [smem:$0x3FA5]  }
0x30: {  	s3 =	sld [smem:$0x3FA8]  }
0x31: {  	[smem:$0x3FB1] =	sst s10  }
0x32: {  	s10 =	sld [smem:$0x3FAF];
	_ =	sdelay $0x3  }
0x33: {  	p0 =	seq.s32 s10, $0x1;
	s10 =	sld [smem:$0x3FB1];
	_ =	sdelay $0x3  }
0x34: {  	[smem:$0x3FB1] =	sst s10  }
0x35: {  	s10 =	sld [smem:$0x3FB0];
	_ =	sdelay $0x3  }
0x36: {  	p1 =	seq.s32 s10, $0x1;
	s10 =	sld [smem:$0x3FB1];
	_ =	sdelay $0x3  }
0x37: {  	[smem:$0x3FB1] =	sst s10  }
0x38: {  	s10 =	sld [smem:$0x3FB2]  }
0x39: {  	_ = 	snop;
	(pc) =	sbr.ind lr, $3  }
0x3a: {  	_ = 	snop  }
0x3b: {  	_ = 	snop  }
0x3c: {  	p2 =	seq.s32 s10, $0x1;
	s10 =	sld [smem:$0x3FB1]  }
0x3d: {  	_ =	shalt  }
0x3e: {  	_ =	shalt  }
0x3f: {  	_ =	shalt  }
0x40: {  	_ =	shalt  }
0x41: {  	_ =	shalt  }
0x42: {  	_ =	shalt  }
0x43: {  	_ =	shalt  }
0x44: {  	_ =	shalt  }
0x45: {  	_ =	shalt  }
0x46: {  	_ =	shalt  }
0x47: {  	_ =	shalt  }
0x48: {  	_ =	shalt  }
0x49: {  	_ =	shalt  }
0x4a: {  	_ =	shalt  }
0x4b: {  	_ =	shalt  }
0x4c: {  	_ =	shalt  }
0x4d: {  	_ =	shalt  }
0x4e: {  	_ =	shalt  }
0x4f: {  	_ =	shalt  }
0x50: {  	_ =	shalt  }
0x51: {  	_ =	shalt  }
0x52: {  	_ =	shalt  }
0x53: {  	_ =	shalt  }
0x54: {  	_ =	shalt  }
0x55: {  	_ =	shalt  }
0x56: {  	_ =	shalt  }
0x57: {  	_ =	shalt  }
0x58: {  	_ =	shalt  }
0x59: {  	_ =	shalt  }
0x5a: {  	_ =	shalt  }
0x5b: {  	_ =	shalt  }
0x5c: {  	_ =	shalt  }
0x5d: {  	_ =	shalt  }
0x5e: {  	_ =	shalt  }
0x5f: {  	_ =	shalt  }
0x60: {  	_ =	shalt  }
0x61: {  	_ =	shalt  }
0x62: {  	_ =	shalt  }
0x63: {  	_ =	shalt  }
0x64: {  	_ =	shalt  }
0x65: {  	_ =	shalt  }
0x66: {  	_ =	shalt  }
0x67: {  	_ =	shalt  }
0x68: {  	_ =	shalt  }
0x69: {  	_ =	shalt  }
0x6a: {  	_ =	shalt  }
0x6b: {  	_ =	shalt  }
0x6c: {  	_ =	shalt  }
0x6d: {  	_ =	shalt  }
0x6e: {  	_ =	shalt  }
0x6f: {  	_ =	shalt  }
0x70: {  	_ =	shalt  }
0x71: {  	_ =	shalt  }
0x72: {  	_ =	shalt  }
0x73: {  	_ =	shalt  }
0x74: {  	_ =	shalt  }
0x75: {  	_ =	shalt  }
0x76: {  	_ =	shalt  }
0x77: {  	_ =	shalt  }
0x78: {  	_ =	shalt  }
0x79: {  	_ =	shalt  }
0x7a: {  	_ =	shalt  }
0x7b: {  	_ =	shalt  }
0x7c: {  	_ =	shalt  }
0x7d: {  	_ =	shalt  }
0x7e: {  	_ =	shalt  }
0x7f: {  	_ =	shalt  }
0x80: {  	_ =	shalt  }
0x81: {  	_ =	shalt  }
0x82: {  	_ =	shalt  }
0x83: {  	_ =	shalt  }
0x84: {  	_ =	shalt  }
0x85: {  	_ =	shalt  }
0x86: {  	_ =	shalt  }
0x87: {  	_ =	shalt  }
.Lfunc_end0:
.L_simem_size_0:
called_computation.1_lowered:
.L_overlay_start_0:
0x88: {  	s2 =	sld [smem:$0x3FD9]  }
0x89: {  	s3 =	sld [smem:$0x3FFE];
	_ =	sdelay $0x1  }
0x8a: {  	s1 =	srdreg.scid  }
0x8b: {  	s0 =	sand.u32 $0x1, s1  }
0x8c: {  	s17 =	sshll.u32 s0, $0xA;
	s2 =	sadd.s32 s3, s2  }
0x8d: {  	s2 =	sadd.s32 s2, s17  }
0x8e: {  	[smem:$0x3FBD] =	sst s2  }
0x8f: {  	_ = 	snop  }
0x90: {  	s2 =	sld [smem:$0x3FD0];
	(tm) =	ssettm $0x1  }
0x91: {  	s18 =	sld [smem:$0x3FFB];
	_ =	sdelay $0x3  }
0x92: {  	_ =	strace s18  }
0x93: {  	s3 =	sld [smem:$0x3FFC];
	_ =	sdelay $0x3  }
0x94: {  	_ =	strace s3  }
0x95: {  	s3 =	sld [smem:$0x3FFD];
	_ =	sdelay $0x3  }
0x96: {  	_ =	strace s3  }
0x97: {  	_ =	strace $0x8FFFFFFF  }
0x98: {  	s19 =	sld [smem:$0x3FDB];
	_ =	sdelay $0x1  }
0x99: {  	s4 =	simm.s32 $_scs_section_size  }
0x9a: {  	s5 =	simm.s32 $_size__tile_overlayer_lowered;
	s6 =	simm.s32 $_tile_overlayer_lowered  }
0x9b: {  	s22 =	simm.s32 $0x1BFF;
	s21 =	sshll.u32 s6, $0x1;
	s3 =	sadd.s32 s4, s19  }
0x9c: {  	s7 =	simm.s32 $0x0;
	s20 =	sshll.u32 s5, $0x1;
	s5 =	sadd.s32 s21, s3  }
0x9d: {  	[timem:s7], [sflag:s22] =	dma.local [hbm:s5], s20  }
0x9e: {  	_ =	swait.ge [sflag:s22], s20  }
0x9f: {  	s4 =	ssub.s32 $0x0, s20;
	[sflag:s22] =	ssyncset.done $0x0  }
0xa0: {  	[sflag:s22] =	ssyncadd.s32 s4;
	_ =	sdelay $0x1  }
0xa1: {  	s23 =	simm.s32 $0x1B8B  }
0xa2: {  	_ =	swait.ge [sflag:s23], $0x1  }
0xa3: {  	[sflag:s23] =	ssyncset.done $0x0  }
0xa4: {  	s25 =	simm.s32 $0x1B8E;
	s24 =	sld [smem:$0x3FFE];
	[sflag:s23] =	ssyncadd.s32 $0xFFFFFFFF  }
0xa5: {  	s26 =	simm.s32 $execute0_lowered;
	[smem:$0x3FD2] =	sst s25  }
0xa6: {  	s5 =	sshll.u32 s26, $0x1;
	_ =	strace $0x80000049;
	[dreg:$0x1] =	wrdreg $0xFFFFFFFF  }
0xa7: {  	s28 =	simm.s32 $_size_execute0_lowered;
	s3 =	sadd.s32 s3, s5;
	[dreg:$0x0] =	wrdreg $0x0  }
0xa8: {  	s5 =	sshll.u32 s28, $0x1;
	[dreg:$0x2] =	wrdreg s3  }
0xa9: {  	[dreg:$0x3] =	wrdreg s5  }
0xaa: {  	[dreg:$0x4] =	wrdreg $0xC0  }
0xab: {  	_ =	task [dreg:s7], $0x5FFFF  }
0xac: {  	[dreg:$0x1] =	wrdreg $0xFFFFFFFF  }
0xad: {  	[dreg:$0x0] =	wrdreg $0x60  }
0xae: {  	[dreg:$0x2] =	wrdreg s24  }
0xaf: {  	[dreg:$0x3] =	wrdreg s2  }
0xb0: {  	[dreg:$0x4] =	wrdreg $0x0  }
0xb1: {  	[dreg:$0x5] =	wrdreg $0x9  }
0xb2: {  	_ =	task.clear_ibuf [dreg:s7], $0x6FFFF;
	_ =	strace $0x90000049  }
0xb3: {  	s29 =	simm.s32 $0x9;
	_ =	strace $0x8000004B  }
0xb4: {  	_ =	swait.ge [sflag:s29], $0x1  }
0xb5: {  	[sflag:s29] =	ssyncadd.s32 $0xFFFFFFFF  }
0xb6: {  	_ =	strace $0x9000004B  }
0xb7: {  	_ =	sfence  }
0xb8: {  	s30 =	sld [smem:$0x0];
	_ =	sdelay $0x2  }
0xb9: {  	s31 =	sshll.u32 s1, $0xD;
	s1 =	sshrl.u32 s1, $0x2  }
0xba: {  	s3 =	sand.u32 $0x4000, s31;
	s1 =	sadd.s32 s1, s30  }
0xbb: {  	s0 =	sor.u32 s3, s0;
	s1 =	sshll.u32 s1, $0x11  }
0xbc: {  	s0 =	sor.u32 s1, s0  }
0xbd: {  	s0 =	sadd.s32 $0x8F2B, s0  }
0xbe: {  	[sflag:s0] =	ssyncadd.remote.s32 $0x1  }
0xbf: {  	_ =	sfence.sel $0xFFFF  }
0xc0: {  	[dreg:$0x0] =	wrdreg $0xFFFFFFFF;
	(pc) =	sbr.abs _section_cstart, $3  }
0xc1: {  	[dreg:$0x1] =	wrdreg $0xFFFFFFFF  }
0xc2: {  	_ =	task.clear_ibuf [dreg:s7], $0x2FFFF;
	_ =	strace $0x9FFFFFFF  }
0xc3: {  	(tm) =	ssettm $0x7FFFFFFF  }
tec
execute0_lowered:
.L_overlay_start_1:
0x0: {  	(tag) =	ssettag $0x1  }
0x1: {  	s0 =	rddreg [dreg:$0x0]  }
0x2: {  	s2 =	rddreg [dreg:$0x2]  }
0x3: {  	s4 =	simm.s32 $0x0;
	s1 =	srdreg.scid;
	s26 =	stileid.u32  }
0x4: {  	s10 =	simm.s32 $0x3;
	s11 =	simm.s32 $0x18898;
	s12 =	simm.s32 $0x18C98  }
0x5: {  	s22 =	simm.s32 $0x18918;
	s13 =	simm.s32 $0x80;
	s23 =	simm.s32 $0x18998  }
0x6: {  	s14 =	simm.s32 $0x19098;
	s24 =	simm.s32 $0x18A18;
	s15 =	simm.s32 $0x19898  }
0x7: {  	s25 =	simm.s32 $0x18A98;
	s28 =	simm.s32 $0x18B98;
	s29 =	simm.s32 $0x18C18  }
0x8: {  	s30 =	simm.s32 $0x18D18;
	s31 =	simm.s32 $0x18D98;
	[smem:$0x7FF] =	sst s4  }
0x9: {  	s1 =	sand.u32 $0x1, s1;
	s5 =	sadd.s32 $0x35400, s0;
	s3 =	sshll.u32 s26, $0x7  }
0xa: {  	s7 =	sadd.s32 $0xD4A00, s0;
	s9 =	sadd.s32 $0x106A00, s0;
	s16 =	smul.u32 $0x1F40, s26  }
0xb: {  	s20 =	smul.u32 $0xFA, s26;
	_ =	strace $0x8000004A;
	[dreg:$0x6] =	wrdreg s22  }
0xc: {  	s6 =	ssub.s32 $0x2, s1;
	s3 =	sadd.s32 s3, s0;
	[dreg:$0x7] =	wrdreg s23  }
0xd: {  	s0 =	sadd.s32 $0x138A00, s0;
	p0 =	seq.s32 s1, $0x1;
	[dreg:$0x8] =	wrdreg s24  }
0xe: {  	[dreg:$0x9] =	wrdreg s25;
	s22 =	simm.s32 $0x1C098;
	s24 =	simm.s32 $0x1C898  }
0xf: {  	s25 =	simm.s32 $0x1;
	s1 =	simm.s32 $0x18E98;
	s8 =	sshrl.u32 s6, $0x1  }
0x10: {  	s5 =	smov.u32 @p0 s7;
	s18 =	sshrl.u32 s16, $0x2;
	s19 =	sadd.s32 $0xA0A00, s3  }
0x11: {  	s3 =	sadd.s32 $0x6CA00, s3;
	s9 =	smov.u32 @p0 s0;
	s16 =	simm.s32 $0x1A098  }
0x12: {  	s7 =	simm.s32 $0x4;
	s0 =	simm.s32 $0x0;
	[dreg:$0x4] =	wrdreg s19  }
0x13: {  	s6 =	ssub.s32 s6, s8;
	s21 =	sadd.s32 s18, s2;
	[dreg:$0x5] =	wrdreg s3  }
0x14: {  	s8 =	sadd.s32 s20, s9;
	s9 =	simm.s32 $0x1D098;
	s18 =	simm.s32 $0x1B098  }
0x15: {  	s20 =	simm.s32 $0x1B898;
	s17 =	smax.u32 s6, $0x1;
	[dreg:$0xb] =	wrdreg s21  }
0x16: {  	s6 =	simm.s32 $0x2;
	[dreg:$0xa] =	wrdreg s17;
	s17 =	simm.s32 $0x1A898  }
.LBB2_1:
0x17: {  	[dreg:$0xc] =	wrdreg s0  }
0x18: {  	s3 =	rddreg [dreg:$0x1];
	s26 =	sadd.s32 $0x0, s26  }
0x19: {  	[tilespmem:s9], [sflag:$0x3] =	stream.linear.gather [hbm4b:s3+s4], $0x7D0, $0x38;
	[tilespmem:$0x1D868] =	vst v63  }
0x1a: {  	p1 =	sgt.u32 s26, $0x323;
	_ =	swait.ge [sflag:s10], $0x7D0  }
0x1b: {  	s3 =	simm.s32 @!p1 $0x1D098;
	[sflag:s10] =	ssyncset.done $0x0  }
0x1c: {  	s23 =	simm.s32 @!p1 $0x3;
	s26 =	rddreg [dreg:$0xb];
	[sflag:s10] =	ssyncadd.s32 $0xFFFFF830  }
0x1d: {  	[spmem:s26] =	stream.linear.scatter @!p1 [tilespmem:s3], [sflag:$0x3], $0x7D0, $0x38;
	[tilespmem:$0x1D868] =	vst v63  }
0x1e: {  	s19 =	simm.s32 $0x10;
	_ =	swait.ge @!p1 [sflag:s23], $0x7D0  }
0x1f: {  	s21 =	simm.s32 $0x20;
	s3 =	sadd.s32 $0x7D00, s26;
	[sflag:s23] =	ssyncset.done @!p1 $0x0  }
.LBB2_2:
0x20: {  	s26 =	stileid.u32;
	[sflag:s23] =	ssyncadd.s32 @!p1 $0xFFFFF830  }
0x21: {  	s26 =	sadd.s32 s19, s26;
	s19 =	smov.u32 s21;
	s21 =	sadd.s32 $0x10, s21  }
0x22: {  	p2 =	sne.s32 s21, $0x330;
	p1 =	sgt.u32 s26, $0x323  }
.Ltmp0:
0x23: {  	s26 =	simm.s32 @!p1 $0x1D098;
	s23 =	simm.s32 @!p1 $0x3;
	(pc) =	sbr.rel @p2 .LBB2_2-.Ltmp0, $4  }
0x24: {  	[spmem:s3] =	stream.linear.scatter @!p1 [tilespmem:s26], [sflag:$0x3], $0x7D0, $0x38;
	[tilespmem:$0x1D868] =	vst v63  }
0x25: {  	s26 =	stileid.u32  }
0x26: {  	_ =	swait.ge @!p1 [sflag:s23], $0x7D0  }
0x27: {  	s3 =	sadd.s32 $0x7D00, s3;
	[sflag:s23] =	ssyncset.done @!p1 $0x0  }
0x28: {  	s19 =	sadd.s32 s19, s26  }
0x29: {  	p2 =	sgt.u32 s19, $0x323  }
0x2a: {  	[sflag:s23] =	ssyncadd.s32 @!p1 $0xFFFFF830;
	s19 =	simm.s32 @!p2 $0x1D098;
	s21 =	simm.s32 @!p2 $0x3  }
0x2b: {  	[spmem:s3] =	stream.linear.scatter @!p2 [tilespmem:s19], [sflag:$0x3], $0x7D0, $0x38;
	[tilespmem:$0x1D868] =	vst v63  }
0x2c: {  	_ =	swait.ge @!p2 [sflag:s21], $0x7D0  }
0x2d: {  	[sflag:s21] =	ssyncset.done @!p2 $0x0  }
0x2e: {  	[sflag:s21] =	ssyncadd.s32 @!p2 $0xFFFFF830  }
0x2f: {  	[bflag:$0x0] =	sbarrier.arrive $0xFFFF  }
0x30: {  	s19 =	rddreg [dreg:$0x4]  }
0x31: {  	s3 =	sadd.s32 $0x0, s19  }
0x32: {  	[tilespmem:s11], [sflag:$0x3] =	stream.linear.gather [hbm4b:s3+s4], $0x400, $0x38;
	[tilespmem:$0x1D868] =	vst v63  }
0x33: {  	_ =	swait.ge [sflag:s10], $0x400  }
0x34: {  	s21 =	rddreg [dreg:$0x5];
	[sflag:s10] =	ssyncset.done $0x0  }
0x35: {  	[sflag:s10] =	ssyncadd.s32 $0xFFFFFC00;
	s3 =	sadd.s32 $0x0, s21  }
0x36: {  	[tilespmem:s12], [sflag:$0x3] =	stream.linear.gather [hbm4b:s3+s4], $0x400, $0x38;
	[tilespmem:$0x1D868] =	vst v63  }
0x37: {  	_ =	swait.ge [sflag:s10], $0x400  }
0x38: {  	[sflag:s10] =	ssyncset.done $0x0  }
0x39: {  	[sflag:s10] =	ssyncadd.s32 $0xFFFFFC00  }
0x3a: {  	[tilespmem:s14], [sflag:$0x1] =	stream.indirect.gather [hbm4b:s5+s13], $0x10, s11, s13, $0xb8;
	[tilespmem:$0x1D868] =	vst v63  }
0x3b: {  	s23 =	rddreg [dreg:$0x6]  }
0x3c: {  	[tilespmem:s15], [sflag:$0x1] =	stream.indirect.gather [hbm4b:s5+s13], $0x10, s23, s13, $0xb8;
	[tilespmem:$0x1D868] =	vst v63  }
0x3d: {  	s0 =	rddreg [dreg:$0x7]  }
0x3e: {  	[tilespmem:s16], [sflag:$0x1] =	stream.indirect.gather [hbm4b:s5+s13], $0x10, s0, s13, $0xb8;
	[tilespmem:$0x1D868] =	vst v63  }
0x3f: {  	s21 =	rddreg [dreg:$0x8]  }
0x40: {  	[tilespmem:s17], [sflag:$0x1] =	stream.indirect.gather [hbm4b:s5+s13], $0x10, s21, s13, $0xb8;
	[tilespmem:$0x1D868] =	vst v63  }
0x41: {  	s23 =	rddreg [dreg:$0x9]  }
0x42: {  	[tilespmem:s18], [sflag:$0x1] =	stream.indirect.gather [hbm4b:s5+s13], $0x10, s23, s13, $0xb8;
	[tilespmem:$0x1D868] =	vst v63  }
0x43: {  	s0 =	simm.s32 $0x18B18  }
0x44: {  	[tilespmem:s20], [sflag:$0x1] =	stream.indirect.gather [hbm4b:s5+s13], $0x10, s0, s13, $0xb8;
	[tilespmem:$0x1D868] =	vst v63  }
0x45: {  	_ = 	snop  }
0x46: {  	[tilespmem:s22], [sflag:$0x1] =	stream.indirect.gather [hbm4b:s5+s13], $0x10, s28, s13, $0xb8;
	[tilespmem:$0x1D868] =	vst v63  }
0x47: {  	_ = 	snop  }
0x48: {  	[tilespmem:s24], [sflag:$0x1] =	stream.indirect.gather [hbm4b:s5+s13], $0x10, s29, s13, $0xb8;
	[tilespmem:$0x1D868] =	vst v63  }
0x49: {  	_ =	swait.ge [sflag:s25], $0x800  }
0x4a: {  	[sflag:s25] =	ssyncset.done $0x0  }
0x4b: {  	[sflag:s25] =	ssyncadd.s32 $0xFFFFF800  }
0x4c: {  	[spmem:s2] =	stream.indirect.scatter.add.f32 [tilespmem:s14], [sflag:$0x2], $0x10, s12, s13, $0xb8;
	[tilespmem:$0x1D868] =	vst v63  }
0x4d: {  	_ =	swait.ge [sflag:s25], $0x800  }
0x4e: {  	[sflag:s25] =	ssyncset.done $0x0  }
0x4f: {  	[sflag:s25] =	ssyncadd.s32 $0xFFFFF800  }
0x50: {  	[spmem:s2] =	stream.indirect.scatter.add.f32 [tilespmem:s15], [sflag:$0x2], $0x10, s30, s13, $0xb8;
	[tilespmem:$0x1D868] =	vst v63  }
0x51: {  	_ =	swait.ge [sflag:s25], $0x800  }
0x52: {  	[sflag:s25] =	ssyncset.done $0x0  }
0x53: {  	[sflag:s25] =	ssyncadd.s32 $0xFFFFF800  }
0x54: {  	[spmem:s2] =	stream.indirect.scatter.add.f32 [tilespmem:s16], [sflag:$0x2], $0x10, s31, s13, $0xb8;
	[tilespmem:$0x1D868] =	vst v63  }
0x55: {  	_ =	swait.ge [sflag:s25], $0x800  }
0x56: {  	[sflag:s25] =	ssyncset.done $0x0  }
0x57: {  	s0 =	simm.s32 $0x18E18;
	[sflag:s25] =	ssyncadd.s32 $0xFFFFF800  }
0x58: {  	[spmem:s2] =	stream.indirect.scatter.add.f32 [tilespmem:s17], [sflag:$0x2], $0x10, s0, s13, $0xb8;
	[tilespmem:$0x1D868] =	vst v63  }
0x59: {  	_ =	swait.ge [sflag:s25], $0x800  }
0x5a: {  	[sflag:s25] =	ssyncset.done $0x0  }
0x5b: {  	[sflag:s25] =	ssyncadd.s32 $0xFFFFF800  }
0x5c: {  	[spmem:s2] =	stream.indirect.scatter.add.f32 [tilespmem:s18], [sflag:$0x2], $0x10, s1, s13, $0xb8;
	[tilespmem:$0x1D868] =	vst v63  }
0x5d: {  	_ =	swait.ge [sflag:s25], $0x800  }
0x5e: {  	[sflag:s25] =	ssyncset.done $0x0  }
0x5f: {  	s19 =	simm.s32 $0x18F18;
	[sflag:s25] =	ssyncadd.s32 $0xFFFFF800  }
0x60: {  	[spmem:s2] =	stream.indirect.scatter.add.f32 [tilespmem:s20], [sflag:$0x2], $0x10, s19, s13, $0xb8;
	[tilespmem:$0x1D868] =	vst v63  }
0x61: {  	_ =	swait.ge [sflag:s25], $0x800  }
0x62: {  	[sflag:s25] =	ssyncset.done $0x0  }
0x63: {  	s21 =	simm.s32 $0x18F98;
	[sflag:s25] =	ssyncadd.s32 $0xFFFFF800  }
0x64: {  	[spmem:s2] =	stream.indirect.scatter.add.f32 [tilespmem:s22], [sflag:$0x2], $0x10, s21, s13, $0xb8;
	[tilespmem:$0x1D868] =	vst v63  }
0x65: {  	_ =	swait.ge [sflag:s25], $0x800  }
0x66: {  	[sflag:s25] =	ssyncset.done $0x0  }
0x67: {  	s23 =	simm.s32 $0x19018;
	[sflag:s25] =	ssyncadd.s32 $0xFFFFF800  }
0x68: {  	[spmem:s2] =	stream.indirect.scatter.add.f32 [tilespmem:s24], [sflag:$0x2], $0x10, s23, s13, $0xb8;
	[tilespmem:$0x1D868] =	vst v63  }
0x69: {  	_ =	swait.ge [sflag:s6], $0x800  }
0x6a: {  	[sflag:s6] =	ssyncset.done $0x0  }
0x6b: {  	[sflag:s6] =	ssyncadd.s32 $0xFFFFF800  }
0x6c: {  	_ =	swait.ge [sflag:s6], $0x800  }
0x6d: {  	[sflag:s6] =	ssyncset.done $0x0  }
0x6e: {  	[sflag:s6] =	ssyncadd.s32 $0xFFFFF800  }
0x6f: {  	_ =	swait.ge [sflag:s6], $0x800  }
0x70: {  	[sflag:s6] =	ssyncset.done $0x0  }
0x71: {  	[sflag:s6] =	ssyncadd.s32 $0xFFFFF800  }
0x72: {  	_ =	swait.ge [sflag:s6], $0x800  }
0x73: {  	[sflag:s6] =	ssyncset.done $0x0  }
0x74: {  	[sflag:s6] =	ssyncadd.s32 $0xFFFFF800  }
0x75: {  	_ =	swait.ge [sflag:s6], $0x800  }
0x76: {  	[sflag:s6] =	ssyncset.done $0x0  }
0x77: {  	[sflag:s6] =	ssyncadd.s32 $0xFFFFF800  }
0x78: {  	_ =	swait.ge [sflag:s6], $0x800  }
0x79: {  	[sflag:s6] =	ssyncset.done $0x0  }
0x7a: {  	[sflag:s6] =	ssyncadd.s32 $0xFFFFF800  }
0x7b: {  	_ =	swait.ge [sflag:s6], $0x800  }
0x7c: {  	[sflag:s6] =	ssyncset.done $0x0  }
0x7d: {  	[sflag:s6] =	ssyncadd.s32 $0xFFFFF800  }
0x7e: {  	s3 =	simm.s32 $0x800;
	_ =	swait.ge [sflag:s6], $0x800  }
0x7f: {  	s19 =	simm.s32 $0x1000;
	s21 =	rddreg [dreg:$0x4];
	[sflag:s6] =	ssyncset.done $0x0  }
.LBB2_4:
0x80: {  	[sflag:s6] =	ssyncadd.s32 $0xFFFFF800;
	s21 =	sadd.s32 s3, s21  }
0x81: {  	[tilespmem:s11], [sflag:$0x3] =	stream.linear.gather [hbm4b:s21+s4], $0x400, $0x38;
	[tilespmem:$0x1D868] =	vst v63  }
0x82: {  	_ =	swait.ge [sflag:s10], $0x400  }
0x83: {  	s21 =	rddreg [dreg:$0x5];
	[sflag:s10] =	ssyncset.done $0x0  }
0x84: {  	[sflag:s10] =	ssyncadd.s32 $0xFFFFFC00;
	s21 =	sadd.s32 s3, s21  }
0x85: {  	[tilespmem:s12], [sflag:$0x3] =	stream.linear.gather [hbm4b:s21+s4], $0x400, $0x38;
	[tilespmem:$0x1D868] =	vst v63  }
0x86: {  	_ =	swait.ge [sflag:s10], $0x400  }
0x87: {  	[sflag:s10] =	ssyncset.done $0x0  }
0x88: {  	[sflag:s10] =	ssyncadd.s32 $0xFFFFFC00  }
0x89: {  	[tilespmem:s14], [sflag:$0x1] =	stream.indirect.gather [hbm4b:s5+s13], $0x10, s11, s13, $0xb8;
	[tilespmem:$0x1D868] =	vst v63  }
0x8a: {  	s23 =	smov.u32 s19;
	s21 =	rddreg [dreg:$0x6]  }
0x8b: {  	[tilespmem:s15], [sflag:$0x1] =	stream.indirect.gather [hbm4b:s5+s13], $0x10, s21, s13, $0xb8;
	[tilespmem:$0x1D868] =	vst v63  }
0x8c: {  	s3 =	smov.u32 s23;
	s23 =	rddreg [dreg:$0x7]  }
0x8d: {  	[tilespmem:s16], [sflag:$0x1] =	stream.indirect.gather [hbm4b:s5+s13], $0x10, s23, s13, $0xb8;
	[tilespmem:$0x1D868] =	vst v63  }
0x8e: {  	s21 =	rddreg [dreg:$0x8]  }
0x8f: {  	[tilespmem:s17], [sflag:$0x1] =	stream.indirect.gather [hbm4b:s5+s13], $0x10, s21, s13, $0xb8;
	[tilespmem:$0x1D868] =	vst v63  }
0x90: {  	s23 =	rddreg [dreg:$0x9]  }
0x91: {  	[tilespmem:s18], [sflag:$0x1] =	stream.indirect.gather [hbm4b:s5+s13], $0x10, s23, s13, $0xb8;
	[tilespmem:$0x1D868] =	vst v63  }
0x92: {  	s23 =	simm.s32 $0x18B18  }
0x93: {  	[tilespmem:s20], [sflag:$0x1] =	stream.indirect.gather [hbm4b:s5+s13], $0x10, s23, s13, $0xb8;
	[tilespmem:$0x1D868] =	vst v63  }
0x94: {  	_ = 	snop  }
0x95: {  	[tilespmem:s22], [sflag:$0x1] =	stream.indirect.gather [hbm4b:s5+s13], $0x10, s28, s13, $0xb8;
	[tilespmem:$0x1D868] =	vst v63  }
0x96: {  	_ = 	snop  }
0x97: {  	[tilespmem:s24], [sflag:$0x1] =	stream.indirect.gather [hbm4b:s5+s13], $0x10, s29, s13, $0xb8;
	[tilespmem:$0x1D868] =	vst v63  }
0x98: {  	_ =	swait.ge [sflag:s25], $0x800  }
0x99: {  	[sflag:s25] =	ssyncset.done $0x0  }
0x9a: {  	[sflag:s25] =	ssyncadd.s32 $0xFFFFF800  }
0x9b: {  	[spmem:s2] =	stream.indirect.scatter.add.f32 [tilespmem:s14], [sflag:$0x2], $0x10, s12, s13, $0xb8;
	[tilespmem:$0x1D868] =	vst v63  }
0x9c: {  	_ =	swait.ge [sflag:s25], $0x800  }
0x9d: {  	[sflag:s25] =	ssyncset.done $0x0  }
0x9e: {  	[sflag:s25] =	ssyncadd.s32 $0xFFFFF800  }
0x9f: {  	[spmem:s2] =	stream.indirect.scatter.add.f32 [tilespmem:s15], [sflag:$0x2], $0x10, s30, s13, $0xb8;
	[tilespmem:$0x1D868] =	vst v63  }
0xa0: {  	_ =	swait.ge [sflag:s25], $0x800  }
0xa1: {  	[sflag:s25] =	ssyncset.done $0x0  }
0xa2: {  	[sflag:s25] =	ssyncadd.s32 $0xFFFFF800  }
0xa3: {  	[spmem:s2] =	stream.indirect.scatter.add.f32 [tilespmem:s16], [sflag:$0x2], $0x10, s31, s13, $0xb8;
	[tilespmem:$0x1D868] =	vst v63  }
0xa4: {  	_ =	swait.ge [sflag:s25], $0x800  }
0xa5: {  	[sflag:s25] =	ssyncset.done $0x0  }
0xa6: {  	[sflag:s25] =	ssyncadd.s32 $0xFFFFF800  }
0xa7: {  	[spmem:s2] =	stream.indirect.scatter.add.f32 [tilespmem:s17], [sflag:$0x2], $0x10, s0, s13, $0xb8;
	[tilespmem:$0x1D868] =	vst v63  }
0xa8: {  	_ =	swait.ge [sflag:s25], $0x800  }
0xa9: {  	[sflag:s25] =	ssyncset.done $0x0  }
0xaa: {  	[sflag:s25] =	ssyncadd.s32 $0xFFFFF800  }
0xab: {  	[spmem:s2] =	stream.indirect.scatter.add.f32 [tilespmem:s18], [sflag:$0x2], $0x10, s1, s13, $0xb8;
	[tilespmem:$0x1D868] =	vst v63  }
0xac: {  	_ =	swait.ge [sflag:s25], $0x800  }
0xad: {  	[sflag:s25] =	ssyncset.done $0x0  }
0xae: {  	s21 =	simm.s32 $0x18F18;
	[sflag:s25] =	ssyncadd.s32 $0xFFFFF800  }
0xaf: {  	[spmem:s2] =	stream.indirect.scatter.add.f32 [tilespmem:s20], [sflag:$0x2], $0x10, s21, s13, $0xb8;
	[tilespmem:$0x1D868] =	vst v63  }
0xb0: {  	_ =	swait.ge [sflag:s25], $0x800  }
0xb1: {  	[sflag:s25] =	ssyncset.done $0x0  }
0xb2: {  	s21 =	simm.s32 $0x18F98;
	[sflag:s25] =	ssyncadd.s32 $0xFFFFF800  }
0xb3: {  	[spmem:s2] =	stream.indirect.scatter.add.f32 [tilespmem:s22], [sflag:$0x2], $0x10, s21, s13, $0xb8;
	[tilespmem:$0x1D868] =	vst v63  }
0xb4: {  	_ =	swait.ge [sflag:s25], $0x800  }
0xb5: {  	[sflag:s25] =	ssyncset.done $0x0  }
0xb6: {  	s21 =	simm.s32 $0x19018;
	[sflag:s25] =	ssyncadd.s32 $0xFFFFF800  }
0xb7: {  	[spmem:s2] =	stream.indirect.scatter.add.f32 [tilespmem:s24], [sflag:$0x2], $0x10, s21, s13, $0xb8;
	[tilespmem:$0x1D868] =	vst v63  }
0xb8: {  	_ =	swait.ge [sflag:s6], $0x800  }
0xb9: {  	[sflag:s6] =	ssyncset.done $0x0  }
0xba: {  	[sflag:s6] =	ssyncadd.s32 $0xFFFFF800  }
0xbb: {  	_ =	swait.ge [sflag:s6], $0x800  }
0xbc: {  	[sflag:s6] =	ssyncset.done $0x0  }
0xbd: {  	[sflag:s6] =	ssyncadd.s32 $0xFFFFF800  }
0xbe: {  	_ =	swait.ge [sflag:s6], $0x800  }
0xbf: {  	[sflag:s6] =	ssyncset.done $0x0  }
0xc0: {  	[sflag:s6] =	ssyncadd.s32 $0xFFFFF800  }
0xc1: {  	_ =	swait.ge [sflag:s6], $0x800  }
0xc2: {  	[sflag:s6] =	ssyncset.done $0x0  }
0xc3: {  	[sflag:s6] =	ssyncadd.s32 $0xFFFFF800  }
0xc4: {  	_ =	swait.ge [sflag:s6], $0x800  }
0xc5: {  	[sflag:s6] =	ssyncset.done $0x0  }
0xc6: {  	[sflag:s6] =	ssyncadd.s32 $0xFFFFF800  }
0xc7: {  	_ =	swait.ge [sflag:s6], $0x800  }
0xc8: {  	[sflag:s6] =	ssyncset.done $0x0  }
0xc9: {  	p1 =	sne.s32 s19, $0x33800;
	[sflag:s6] =	ssyncadd.s32 $0xFFFFF800  }
.Ltmp1:
0xca: {  	_ =	swait.ge [sflag:s6], $0x800;
	(pc) =	sbr.rel @p1 .LBB2_4-.Ltmp1, $4  }
0xcb: {  	[sflag:s6] =	ssyncset.done $0x0  }
0xcc: {  	[sflag:s6] =	ssyncadd.s32 $0xFFFFF800  }
0xcd: {  	_ =	swait.ge [sflag:s6], $0x800  }
0xce: {  	s19 =	sadd.s32 $0x800, s19;
	s21 =	rddreg [dreg:$0x4];
	[sflag:s6] =	ssyncset.done $0x0  }
0xcf: {  	[sflag:s6] =	ssyncadd.s32 $0xFFFFF800;
	s19 =	sadd.s32 s3, s21  }
0xd0: {  	[tilespmem:s11], [sflag:$0x3] =	stream.linear.gather [hbm4b:s19+s4], $0x400, $0x38;
	[tilespmem:$0x1D868] =	vst v63  }
0xd1: {  	_ =	swait.ge [sflag:s10], $0x400  }
0xd2: {  	s21 =	rddreg [dreg:$0x5];
	[sflag:s10] =	ssyncset.done $0x0  }
0xd3: {  	[sflag:s10] =	ssyncadd.s32 $0xFFFFFC00;
	s21 =	sadd.s32 s3, s21  }
0xd4: {  	[tilespmem:s12], [sflag:$0x3] =	stream.linear.gather [hbm4b:s21+s4], $0x400, $0x38;
	[tilespmem:$0x1D868] =	vst v63  }
0xd5: {  	_ =	swait.ge [sflag:s10], $0x400  }
0xd6: {  	[sflag:s10] =	ssyncset.done $0x0  }
0xd7: {  	[sflag:s10] =	ssyncadd.s32 $0xFFFFFC00  }
0xd8: {  	[tilespmem:s14], [sflag:$0x1] =	stream.indirect.gather [hbm4b:s5+s13], $0x10, s11, s13, $0xb8;
	[tilespmem:$0x1D868] =	vst v63  }
0xd9: {  	s19 =	rddreg [dreg:$0x6]  }
0xda: {  	[tilespmem:s15], [sflag:$0x1] =	stream.indirect.gather [hbm4b:s5+s13], $0x10, s19, s13, $0xb8;
	[tilespmem:$0x1D868] =	vst v63  }
0xdb: {  	s21 =	rddreg [dreg:$0x7]  }
0xdc: {  	[tilespmem:s16], [sflag:$0x1] =	stream.indirect.gather [hbm4b:s5+s13], $0x10, s21, s13, $0xb8;
	[tilespmem:$0x1D868] =	vst v63  }
0xdd: {  	s3 =	rddreg [dreg:$0x8]  }
0xde: {  	[tilespmem:s17], [sflag:$0x1] =	stream.indirect.gather [hbm4b:s5+s13], $0x10, s3, s13, $0xb8;
	[tilespmem:$0x1D868] =	vst v63  }
0xdf: {  	s21 =	rddreg [dreg:$0x9]  }
0xe0: {  	[tilespmem:s18], [sflag:$0x1] =	stream.indirect.gather [hbm4b:s5+s13], $0x10, s21, s13, $0xb8;
	[tilespmem:$0x1D868] =	vst v63  }
0xe1: {  	_ = 	snop  }
0xe2: {  	[tilespmem:s20], [sflag:$0x1] =	stream.indirect.gather [hbm4b:s5+s13], $0x10, s23, s13, $0xb8;
	[tilespmem:$0x1D868] =	vst v63  }
0xe3: {  	_ = 	snop  }
0xe4: {  	[tilespmem:s22], [sflag:$0x1] =	stream.indirect.gather [hbm4b:s5+s13], $0x10, s28, s13, $0xb8;
	[tilespmem:$0x1D868] =	vst v63  }
0xe5: {  	_ = 	snop  }
0xe6: {  	[tilespmem:s24], [sflag:$0x1] =	stream.indirect.gather [hbm4b:s5+s13], $0x10, s29, s13, $0xb8;
	[tilespmem:$0x1D868] =	vst v63  }
0xe7: {  	_ =	swait.ge [sflag:s25], $0x800  }
0xe8: {  	[sflag:s25] =	ssyncset.done $0x0  }
0xe9: {  	[sflag:s25] =	ssyncadd.s32 $0xFFFFF800  }
0xea: {  	[spmem:s2] =	stream.indirect.scatter.add.f32 [tilespmem:s14], [sflag:$0x2], $0x10, s12, s13, $0xb8;
	[tilespmem:$0x1D868] =	vst v63  }
0xeb: {  	_ =	swait.ge [sflag:s25], $0x800  }
0xec: {  	[sflag:s25] =	ssyncset.done $0x0  }
0xed: {  	[sflag:s25] =	ssyncadd.s32 $0xFFFFF800  }
0xee: {  	[spmem:s2] =	stream.indirect.scatter.add.f32 [tilespmem:s15], [sflag:$0x2], $0x10, s30, s13, $0xb8;
	[tilespmem:$0x1D868] =	vst v63  }
0xef: {  	_ =	swait.ge [sflag:s25], $0x800  }
0xf0: {  	[sflag:s25] =	ssyncset.done $0x0  }
0xf1: {  	[sflag:s25] =	ssyncadd.s32 $0xFFFFF800  }
0xf2: {  	[spmem:s2] =	stream.indirect.scatter.add.f32 [tilespmem:s16], [sflag:$0x2], $0x10, s31, s13, $0xb8;
	[tilespmem:$0x1D868] =	vst v63  }
0xf3: {  	_ =	swait.ge [sflag:s25], $0x800  }
0xf4: {  	[sflag:s25] =	ssyncset.done $0x0  }
0xf5: {  	[sflag:s25] =	ssyncadd.s32 $0xFFFFF800  }
0xf6: {  	[spmem:s2] =	stream.indirect.scatter.add.f32 [tilespmem:s17], [sflag:$0x2], $0x10, s0, s13, $0xb8;
	[tilespmem:$0x1D868] =	vst v63  }
0xf7: {  	_ =	swait.ge [sflag:s25], $0x800  }
0xf8: {  	[sflag:s25] =	ssyncset.done $0x0  }
0xf9: {  	[sflag:s25] =	ssyncadd.s32 $0xFFFFF800  }
0xfa: {  	[spmem:s2] =	stream.indirect.scatter.add.f32 [tilespmem:s18], [sflag:$0x2], $0x10, s1, s13, $0xb8;
	[tilespmem:$0x1D868] =	vst v63  }
0xfb: {  	_ =	swait.ge [sflag:s25], $0x800  }
0xfc: {  	[sflag:s25] =	ssyncset.done $0x0  }
0xfd: {  	s3 =	simm.s32 $0x18F18;
	[sflag:s25] =	ssyncadd.s32 $0xFFFFF800  }
0xfe: {  	[spmem:s2] =	stream.indirect.scatter.add.f32 [tilespmem:s20], [sflag:$0x2], $0x10, s3, s13, $0xb8;
	[tilespmem:$0x1D868] =	vst v63  }
0xff: {  	_ =	swait.ge [sflag:s25], $0x800  }
0x100: {  	[sflag:s25] =	ssyncset.done $0x0  }
0x101: {  	s19 =	simm.s32 $0x18F98;
	[sflag:s25] =	ssyncadd.s32 $0xFFFFF800  }
0x102: {  	[spmem:s2] =	stream.indirect.scatter.add.f32 [tilespmem:s22], [sflag:$0x2], $0x10, s19, s13, $0xb8;
	[tilespmem:$0x1D868] =	vst v63  }
0x103: {  	_ =	swait.ge [sflag:s25], $0x800  }
0x104: {  	[sflag:s25] =	ssyncset.done $0x0  }
0x105: {  	s21 =	simm.s32 $0x19018;
	[sflag:s25] =	ssyncadd.s32 $0xFFFFF800  }
0x106: {  	[spmem:s2] =	stream.indirect.scatter.add.f32 [tilespmem:s24], [sflag:$0x2], $0x10, s21, s13, $0xb8;
	[tilespmem:$0x1D868] =	vst v63  }
0x107: {  	_ =	swait.ge [sflag:s6], $0x800  }
0x108: {  	[sflag:s6] =	ssyncset.done $0x0  }
0x109: {  	[sflag:s6] =	ssyncadd.s32 $0xFFFFF800  }
0x10a: {  	_ =	swait.ge [sflag:s6], $0x800  }
0x10b: {  	[sflag:s6] =	ssyncset.done $0x0  }
0x10c: {  	[sflag:s6] =	ssyncadd.s32 $0xFFFFF800  }
0x10d: {  	_ =	swait.ge [sflag:s6], $0x800  }
0x10e: {  	[sflag:s6] =	ssyncset.done $0x0  }
0x10f: {  	[sflag:s6] =	ssyncadd.s32 $0xFFFFF800  }
0x110: {  	_ =	swait.ge [sflag:s6], $0x800  }
0x111: {  	[sflag:s6] =	ssyncset.done $0x0  }
0x112: {  	[sflag:s6] =	ssyncadd.s32 $0xFFFFF800  }
0x113: {  	_ =	swait.ge [sflag:s6], $0x800  }
0x114: {  	[sflag:s6] =	ssyncset.done $0x0  }
0x115: {  	[sflag:s6] =	ssyncadd.s32 $0xFFFFF800  }
0x116: {  	_ =	swait.ge [sflag:s6], $0x800  }
0x117: {  	[sflag:s6] =	ssyncset.done $0x0  }
0x118: {  	[sflag:s6] =	ssyncadd.s32 $0xFFFFF800  }
0x119: {  	_ =	swait.ge [sflag:s6], $0x800  }
0x11a: {  	[sflag:s6] =	ssyncset.done $0x0  }
0x11b: {  	[sflag:s6] =	ssyncadd.s32 $0xFFFFF800  }
0x11c: {  	_ =	swait.ge [sflag:s6], $0x800  }
0x11d: {  	[sflag:s6] =	ssyncset.done $0x0  }
0x11e: {  	[sflag:s6] =	ssyncadd.s32 $0xFFFFF800  }
0x11f: {  	[bflag:$0x0] =	sbarrier.arrive $0xFFFF  }
0x120: {  	s21 =	rddreg [dreg:$0xb]  }
0x121: {  	[tilespmem:s9], [sflag:$0x4] =	stream.linear.gather [spmem:s21], $0x7D0, $0x38;
	[tilespmem:$0x1D868] =	vst v63  }
0x122: {  	_ =	swait.ge [sflag:s7], $0x7D0  }
0x123: {  	s3 =	simm.s32 $0x3;
	[sflag:s7] =	ssyncset.done $0x0  }
0x124: {  	s23 =	sadd.s32 $0x0, s8;
	s3 =	simm.s32 @!p0 $0x4;
	[sflag:s7] =	ssyncadd.s32 $0xFFFFF830  }
0x125: {  	[hbm4b:s23+s4] =	stream.linear.scatter [tilespmem:s9], [sflag:s3], $0x7D0, $0x38;
	[tilespmem:$0x1D868] =	vst v63  }
0x126: {  	_ =	swait.ge [sflag:s3], $0x7D0  }
0x127: {  	s19 =	simm.s32 $0xFA0;
	[sflag:s3] =	ssyncset.done $0x0  }
.LBB2_6:
0x128: {  	p1 =	sne.s32 s19, $0x2FDA0;
	[sflag:s3] =	ssyncadd.s32 $0xFFFFF830;
	s21 =	sadd.s32 $0x7D00, s21  }
0x129: {  	[tilespmem:s9], [sflag:$0x4] =	stream.linear.gather [spmem:s21], $0x7D0, $0x38;
	[tilespmem:$0x1D868] =	vst v63  }
0x12a: {  	s23 =	smov.u32 s19;
	s19 =	sadd.s32 $0xFA0, s19;
	_ =	swait.ge [sflag:s7], $0x7D0  }
.Ltmp2:
0x12b: {  	[sflag:s7] =	ssyncset.done $0x0;
	(pc) =	sbr.rel @p1 .LBB2_6-.Ltmp2, $4  }
0x12c: {  	s23 =	sadd.s32 s23, s8;
	[sflag:s7] =	ssyncadd.s32 $0xFFFFF830  }
0x12d: {  	[hbm4b:s23+s4] =	stream.linear.scatter [tilespmem:s9], [sflag:s3], $0x7D0, $0x38;
	[tilespmem:$0x1D868] =	vst v63  }
0x12e: {  	_ =	swait.ge [sflag:s3], $0x7D0  }
0x12f: {  	[sflag:s3] =	ssyncset.done $0x0  }
0x130: {  	s0 =	rddreg [dreg:$0xc]  }
0x131: {  	s19 =	rddreg [dreg:$0xa];
	s0 =	sadd.s32 $0x1, s0  }
0x132: {  	p1 =	sne.s32 s0, s19  }
.Ltmp3:
0x133: {  	_ = 	snop;
	(pc) =	sbr.rel @p1 .LBB2_1-.Ltmp3, $2  }
0x134: {  	_ =	sdelay $0x2  }
0x135: {  	[sflag:s3] =	ssyncadd.s32 $0xFFFFF830  }
0x136: {  	_ =	sfence.sel $0x180000  }
0x137: {  	[bflag:$0x0] =	sbarrier.arrive $0xFFFF  }
0x138: {  	_ =	strace $0x9000004A  }
0x139: {  	[bflag:$0x2] =	sbarrier.arrive $0xFFFF  }
0x13a: {  	p0 =	sne.s32 s26, $0x0;
	s0 =	rddreg [dreg:$0x3]  }
0x13b: {  	s0 =	sadd.s32 @!p0 $0x100000, s0  }
0x13c: {  	[sflag:s0] =	ssyncadd.tile.s32 @!p0 $0x1;
	_ =	shalt  }
.Lfunc_end2:
_tile_overlayer_lowered:
.L_overlay_start_2:
0x13d: {  	(tag) =	ssettag $0x2  }
0x13e: {  	s0 =	rddreg [dreg:$0x0];
	s2 =	stileid.u32  }
0x13f: {  	s1 =	rddreg [dreg:$0x1];
	p0 =	sne.s32 s2, $0x0  }
0x140: {  	s3 =	rddreg [dreg:$0x2];
	[bflag:$0x3] =	sbarrier.arrive $0xFFFF;
	s2 =	simm.s32 @!p0 $0x1C03  }
0x141: {  	[timem:s3], [sflag:s2] =	dma.local @!p0 [hbm:s0], s1  }
0x142: {  	s0 =	simm.s32 @!p0 $0x3  }
0x143: {  	_ =	swait.ge @!p0 [sflag:s0], s1  }
0x144: {  	s1 =	ssub.s32 @!p0 $0x0, s1;
	[sflag:s0] =	ssyncset.done @!p0 $0x0  }
0x145: {  	[sflag:s0] =	ssyncadd.s32 @!p0 s1  }
0x146: {  	[bflag:$0x3] =	sbarrier.arrive $0xFFFF  }
0x147: {  	_ =	shalt  }

// kernel: kernel.15.cloned.1.call-start
scs
__scs_entry_jumppad:
0x0: {  	(pc) =	sbr.rel $0x88, $3  }
0x1: {  	(tag) =	ssettag $0x0;
	lr =	simm.s32 $0x1  }
0x2: {  	[smem:$0x3F96] =	sst lr;
	_ =	strace $0xD0000000  }
0x3: {  	_ = 	snop  }
0x4: {  	_ = 	snop  }
0x5: {  	_ = 	snop  }
0x6: {  	_ = 	snop  }
0x7: {  	_ = 	snop  }
__scs_overlays_trampoline_lowered:
0x8: {  	[smem:$0x3FA5] =	sst s0  }
0x9: {  	[smem:$0x3FA6] =	sst s1  }
0xa: {  	[smem:$0x3FA7] =	sst s2  }
0xb: {  	[smem:$0x3FA8] =	sst s3  }
0xc: {  	[smem:$0x3FA9] =	sst s4  }
0xd: {  	[smem:$0x3FAA] =	sst s5  }
0xe: {  	[smem:$0x3FAB] =	sst s6  }
0xf: {  	[smem:$0x3FAC] =	sst s7  }
0x10: {  	[smem:$0x3FAD] =	sst s8  }
0x11: {  	[smem:$0x3FAE] =	sst s9;
	s0 =	simm.s32 @!p0 $0x0  }
0x12: {  	s1 =	sld [smem:$0x3F94];
	s0 =	simm.s32 @p0 $0x1  }
0x13: {  	[smem:$0x3FAF] =	sst s0;
	s0 =	simm.s32 @!p1 $0x0  }
0x14: {  	s2 =	sld [smem:$0x3F93];
	s0 =	simm.s32 @p1 $0x1  }
0x15: {  	[smem:$0x3FB0] =	sst s0;
	s0 =	simm.s32 @!p2 $0x0  }
0x16: {  	s3 =	sld [smem:$0x3FDB];
	s0 =	simm.s32 @p2 $0x1  }
0x17: {  	s4 =	simm.s32 $0x1BF5;
	[smem:$0x3FB2] =	sst s0  }
0x18: {  	s0 =	sld [smem:$0x3F95];
	_ =	swait.ge [sflag:s4], $0x0  }
0x19: {  	s7 =	sld [smem:$0x3F96]  }
0x1a: {  	s8 =	sadd.s32 $0xFFFFE003, lr  }
0x1b: {  	s9 =	sadd.s32 $0xFFFFFEF7, lr;
	s5 =	simm.s32 $0xFFFFFFFF;
	p2 =	slt.u32 s8, $0xFFFFF086  }
0x1c: {  	p1 =	slt.u32 s9, $0xF7A;
	s5 =	simm.s32 @!p2 $0x0  }
0x1d: {  	s5 =	simm.s32 @p1 $0x1;
	p0 =	seq.s32 s7, s2  }
0x1e: {  	s7 =	smul.u32 @!p0 $0xF7A, s2;
	p2 =	seq.s32 @!p0 s5, $0x0  }
0x1f: {  	s9 =	smul.u32 $0xF7A, s1;
	s8 =	simm.s32 @!p0 $0x1BF5;
	p2 =	por !p2, p0  }
0x20: {  	[sflag:s8] =	ssyncset.s32 @!p0 $0xFFFFF086;
	s6 =	sadd.s32 @!p0 s3, s7;
	s7 =	simm.s32 @!p0 $0x108  }
0x21: {  	s3 =	sadd.s32 s3, s9;
	s6 =	sadd.s32 @!p0 $0x88, s6;
	s7 =	simm.s32 @p2 $0x1082  }
0x22: {  	[simem:s7], [sflag:s8] =	dma.local @!p0 [hbm:s6], $0xF7A  }
0x23: {  	s9 =	sor.u32 $0xD0000000, s2;
	s6 =	simm.s32 $0x108;
	_ =	swait.ge @!p0 [sflag:s8], $0x0  }
0x24: {  	s3 =	sadd.s32 $0x88, s3;
	s6 =	simm.s32 @!p1 $0x1082;
	[sflag:s4] =	ssyncset.s32 $0xFFFFF086  }
0x25: {  	[simem:s6], [sflag:s4] =	dma.local [hbm:s3], $0xF7A  }
0x26: {  	[smem:$0x3F96] =	sst s1;
	(tag) =	ssettag s2;
	_ =	strace s9  }
0x27: {  	s1 =	sld [smem:$0x3FA6]  }
0x28: {  	s2 =	sld [smem:$0x3FA7]  }
0x29: {  	s4 =	sld [smem:$0x3FA9]  }
0x2a: {  	p0 =	seq.s32 s5, $0x0;
	s5 =	sld [smem:$0x3FAA]  }
0x2b: {  	s6 =	sld [smem:$0x3FAB]  }
0x2c: {  	s7 =	sld [smem:$0x3FAC]  }
0x2d: {  	s3 =	simm.s32 $0x108;
	s8 =	sld [smem:$0x3FAD]  }
0x2e: {  	s3 =	simm.s32 @!p0 $0x1082;
	s9 =	sld [smem:$0x3FAE]  }
0x2f: {  	lr =	sadd.s32 s0, s3;
	s0 =	sld [smem:$0x3FA5]  }
0x30: {  	s3 =	sld [smem:$0x3FA8]  }
0x31: {  	[smem:$0x3FB1] =	sst s10  }
0x32: {  	s10 =	sld [smem:$0x3FAF];
	_ =	sdelay $0x3  }
0x33: {  	p0 =	seq.s32 s10, $0x1;
	s10 =	sld [smem:$0x3FB1];
	_ =	sdelay $0x3  }
0x34: {  	[smem:$0x3FB1] =	sst s10  }
0x35: {  	s10 =	sld [smem:$0x3FB0];
	_ =	sdelay $0x3  }
0x36: {  	p1 =	seq.s32 s10, $0x1;
	s10 =	sld [smem:$0x3FB1];
	_ =	sdelay $0x3  }
0x37: {  	[smem:$0x3FB1] =	sst s10  }
0x38: {  	s10 =	sld [smem:$0x3FB2]  }
0x39: {  	_ = 	snop;
	(pc) =	sbr.ind lr, $3  }
0x3a: {  	_ = 	snop  }
0x3b: {  	_ = 	snop  }
0x3c: {  	p2 =	seq.s32 s10, $0x1;
	s10 =	sld [smem:$0x3FB1]  }
0x3d: {  	_ =	shalt  }
0x3e: {  	_ =	shalt  }
0x3f: {  	_ =	shalt  }
0x40: {  	_ =	shalt  }
0x41: {  	_ =	shalt  }
0x42: {  	_ =	shalt  }
0x43: {  	_ =	shalt  }
0x44: {  	_ =	shalt  }
0x45: {  	_ =	shalt  }
0x46: {  	_ =	shalt  }
0x47: {  	_ =	shalt  }
0x48: {  	_ =	shalt  }
0x49: {  	_ =	shalt  }
0x4a: {  	_ =	shalt  }
0x4b: {  	_ =	shalt  }
0x4c: {  	_ =	shalt  }
0x4d: {  	_ =	shalt  }
0x4e: {  	_ =	shalt  }
0x4f: {  	_ =	shalt  }
0x50: {  	_ =	shalt  }
0x51: {  	_ =	shalt  }
0x52: {  	_ =	shalt  }
0x53: {  	_ =	shalt  }
0x54: {  	_ =	shalt  }
0x55: {  	_ =	shalt  }
0x56: {  	_ =	shalt  }
0x57: {  	_ =	shalt  }
0x58: {  	_ =	shalt  }
0x59: {  	_ =	shalt  }
0x5a: {  	_ =	shalt  }
0x5b: {  	_ =	shalt  }
0x5c: {  	_ =	shalt  }
0x5d: {  	_ =	shalt  }
0x5e: {  	_ =	shalt  }
0x5f: {  	_ =	shalt  }
0x60: {  	_ =	shalt  }
0x61: {  	_ =	shalt  }
0x62: {  	_ =	shalt  }
0x63: {  	_ =	shalt  }
0x64: {  	_ =	shalt  }
0x65: {  	_ =	shalt  }
0x66: {  	_ =	shalt  }
0x67: {  	_ =	shalt  }
0x68: {  	_ =	shalt  }
0x69: {  	_ =	shalt  }
0x6a: {  	_ =	shalt  }
0x6b: {  	_ =	shalt  }
0x6c: {  	_ =	shalt  }
0x6d: {  	_ =	shalt  }
0x6e: {  	_ =	shalt  }
0x6f: {  	_ =	shalt  }
0x70: {  	_ =	shalt  }
0x71: {  	_ =	shalt  }
0x72: {  	_ =	shalt  }
0x73: {  	_ =	shalt  }
0x74: {  	_ =	shalt  }
0x75: {  	_ =	shalt  }
0x76: {  	_ =	shalt  }
0x77: {  	_ =	shalt  }
0x78: {  	_ =	shalt  }
0x79: {  	_ =	shalt  }
0x7a: {  	_ =	shalt  }
0x7b: {  	_ =	shalt  }
0x7c: {  	_ =	shalt  }
0x7d: {  	_ =	shalt  }
0x7e: {  	_ =	shalt  }
0x7f: {  	_ =	shalt  }
0x80: {  	_ =	shalt  }
0x81: {  	_ =	shalt  }
0x82: {  	_ =	shalt  }
0x83: {  	_ =	shalt  }
0x84: {  	_ =	shalt  }
0x85: {  	_ =	shalt  }
0x86: {  	_ =	shalt  }
0x87: {  	_ =	shalt  }
.Lfunc_end0:
.L_simem_size_0:
called_computation.2_lowered:
.L_overlay_start_0:
0x88: {  	s2 =	sld [smem:$0x3FD9]  }
0x89: {  	s3 =	sld [smem:$0x3FFE];
	_ =	sdelay $0x1  }
0x8a: {  	s1 =	srdreg.scid  }
0x8b: {  	s0 =	sand.u32 $0x1, s1  }
0x8c: {  	s17 =	sshll.u32 s0, $0xA;
	s2 =	sadd.s32 s3, s2  }
0x8d: {  	s2 =	sadd.s32 s2, s17  }
0x8e: {  	[smem:$0x3FBD] =	sst s2  }
0x8f: {  	_ = 	snop  }
0x90: {  	s2 =	sld [smem:$0x3FD0];
	(tm) =	ssettm $0x1  }
0x91: {  	s18 =	sld [smem:$0x3FFB];
	_ =	sdelay $0x3  }
0x92: {  	_ =	strace s18  }
0x93: {  	s3 =	sld [smem:$0x3FFC];
	_ =	sdelay $0x3  }
0x94: {  	_ =	strace s3  }
0x95: {  	s3 =	sld [smem:$0x3FFD];
	_ =	sdelay $0x3  }
0x96: {  	_ =	strace s3  }
0x97: {  	_ =	strace $0x8FFFFFFF  }
0x98: {  	s19 =	sld [smem:$0x3FDB];
	_ =	sdelay $0x1  }
0x99: {  	s4 =	simm.s32 $_scs_section_size  }
0x9a: {  	s5 =	simm.s32 $_size__tile_overlayer_lowered;
	s6 =	simm.s32 $_tile_overlayer_lowered  }
0x9b: {  	s22 =	simm.s32 $0x1BFF;
	s21 =	sshll.u32 s6, $0x1;
	s3 =	sadd.s32 s4, s19  }
0x9c: {  	s7 =	simm.s32 $0x0;
	s20 =	sshll.u32 s5, $0x1;
	s5 =	sadd.s32 s21, s3  }
0x9d: {  	[timem:s7], [sflag:s22] =	dma.local [hbm:s5], s20  }
0x9e: {  	_ =	swait.ge [sflag:s22], s20  }
0x9f: {  	s4 =	ssub.s32 $0x0, s20;
	[sflag:s22] =	ssyncset.done $0x0  }
0xa0: {  	[sflag:s22] =	ssyncadd.s32 s4;
	_ =	sdelay $0x1  }
0xa1: {  	s23 =	simm.s32 $0x1B8B  }
0xa2: {  	_ =	swait.ge [sflag:s23], $0x1  }
0xa3: {  	[sflag:s23] =	ssyncset.done $0x0  }
0xa4: {  	s25 =	simm.s32 $0x1B8E;
	s24 =	sld [smem:$0x3FFE];
	[sflag:s23] =	ssyncadd.s32 $0xFFFFFFFF  }
0xa5: {  	s26 =	simm.s32 $execute0_lowered;
	[smem:$0x3FD2] =	sst s25  }
0xa6: {  	s5 =	sshll.u32 s26, $0x1;
	_ =	strace $0x8000004C;
	[dreg:$0x1] =	wrdreg $0xFFFFFFFF  }
0xa7: {  	s28 =	simm.s32 $_size_execute0_lowered;
	s3 =	sadd.s32 s3, s5;
	[dreg:$0x0] =	wrdreg $0x0  }
0xa8: {  	s5 =	sshll.u32 s28, $0x1;
	[dreg:$0x2] =	wrdreg s3  }
0xa9: {  	[dreg:$0x3] =	wrdreg s5  }
0xaa: {  	[dreg:$0x4] =	wrdreg $0xC0  }
0xab: {  	_ =	task [dreg:s7], $0x5FFFF  }
0xac: {  	[dreg:$0x1] =	wrdreg $0xFFFFFFFF  }
0xad: {  	[dreg:$0x0] =	wrdreg $0x60  }
0xae: {  	[dreg:$0x2] =	wrdreg s24  }
0xaf: {  	[dreg:$0x3] =	wrdreg s2  }
0xb0: {  	[dreg:$0x4] =	wrdreg $0x0  }
0xb1: {  	[dreg:$0x5] =	wrdreg $0x9  }
0xb2: {  	_ =	task.clear_ibuf [dreg:s7], $0x6FFFF;
	_ =	strace $0x9000004C  }
0xb3: {  	s29 =	simm.s32 $0x9;
	_ =	strace $0x8000004E  }
0xb4: {  	_ =	swait.ge [sflag:s29], $0x1  }
0xb5: {  	[sflag:s29] =	ssyncadd.s32 $0xFFFFFFFF  }
0xb6: {  	_ =	strace $0x9000004E  }
0xb7: {  	_ =	sfence  }
0xb8: {  	s30 =	sld [smem:$0x0];
	_ =	sdelay $0x2  }
0xb9: {  	s31 =	sshll.u32 s1, $0xD;
	s1 =	sshrl.u32 s1, $0x2  }
0xba: {  	s3 =	sand.u32 $0x4000, s31;
	s1 =	sadd.s32 s1, s30  }
0xbb: {  	s0 =	sor.u32 s3, s0;
	s1 =	sshll.u32 s1, $0x11  }
0xbc: {  	s0 =	sor.u32 s1, s0  }
0xbd: {  	s0 =	sadd.s32 $0x8F2B, s0  }
0xbe: {  	[sflag:s0] =	ssyncadd.remote.s32 $0x1  }
0xbf: {  	_ =	sfence.sel $0xFFFF  }
0xc0: {  	[dreg:$0x0] =	wrdreg $0xFFFFFFFF;
	(pc) =	sbr.abs _section_cstart, $3  }
0xc1: {  	[dreg:$0x1] =	wrdreg $0xFFFFFFFF  }
0xc2: {  	_ =	task.clear_ibuf [dreg:s7], $0x2FFFF;
	_ =	strace $0x9FFFFFFF  }
0xc3: {  	(tm) =	ssettm $0x7FFFFFFF  }
tec
execute0_lowered:
.L_overlay_start_1:
0x0: {  	(tag) =	ssettag $0x1  }
0x1: {  	s0 =	rddreg [dreg:$0x0]  }
0x2: {  	s2 =	rddreg [dreg:$0x2]  }
0x3: {  	s4 =	simm.s32 $0x0;
	s1 =	srdreg.scid;
	s26 =	stileid.u32  }
0x4: {  	s10 =	simm.s32 $0x3;
	s11 =	simm.s32 $0x18898;
	s12 =	simm.s32 $0x18C98  }
0x5: {  	s22 =	simm.s32 $0x18918;
	s13 =	simm.s32 $0x80;
	s23 =	simm.s32 $0x18998  }
0x6: {  	s14 =	simm.s32 $0x19098;
	s24 =	simm.s32 $0x18A18;
	s15 =	simm.s32 $0x19898  }
0x7: {  	s25 =	simm.s32 $0x18A98;
	s28 =	simm.s32 $0x18B98;
	s29 =	simm.s32 $0x18C18  }
0x8: {  	s30 =	simm.s32 $0x18D18;
	s31 =	simm.s32 $0x18D98;
	[smem:$0x7FF] =	sst s4  }
0x9: {  	s1 =	sand.u32 $0x1, s1;
	s5 =	sadd.s32 $0x3400, s0;
	s3 =	sshll.u32 s26, $0x7  }
0xa: {  	s7 =	sadd.s32 $0x35400, s0;
	s9 =	sadd.s32 $0x106A00, s0;
	s16 =	smul.u32 $0x1F40, s26  }
0xb: {  	s20 =	smul.u32 $0xFA, s26;
	_ =	strace $0x8000004D;
	[dreg:$0x6] =	wrdreg s22  }
0xc: {  	s6 =	ssub.s32 $0x2, s1;
	s3 =	sadd.s32 s3, s0;
	[dreg:$0x7] =	wrdreg s23  }
0xd: {  	s0 =	sadd.s32 $0xD4A00, s0;
	p0 =	seq.s32 s1, $0x1;
	[dreg:$0x8] =	wrdreg s24  }
0xe: {  	[dreg:$0x9] =	wrdreg s25;
	s22 =	simm.s32 $0x1C098;
	s24 =	simm.s32 $0x1C898  }
0xf: {  	s25 =	simm.s32 $0x1;
	s1 =	simm.s32 $0x18E98;
	s8 =	sshrl.u32 s6, $0x1  }
0x10: {  	s5 =	smov.u32 @p0 s7;
	s18 =	sshrl.u32 s16, $0x2;
	s19 =	sadd.s32 $0xA0A00, s3  }
0x11: {  	s3 =	sadd.s32 $0x6CA00, s3;
	s9 =	smov.u32 @p0 s0;
	s16 =	simm.s32 $0x1A098  }
0x12: {  	s7 =	simm.s32 $0x4;
	s0 =	simm.s32 $0x0;
	[dreg:$0x4] =	wrdreg s19  }
0x13: {  	s6 =	ssub.s32 s6, s8;
	s21 =	sadd.s32 s18, s2;
	[dreg:$0x5] =	wrdreg s3  }
0x14: {  	s8 =	sadd.s32 s20, s9;
	s9 =	simm.s32 $0x1D098;
	s18 =	simm.s32 $0x1B098  }
0x15: {  	s20 =	simm.s32 $0x1B898;
	s17 =	smax.u32 s6, $0x1;
	[dreg:$0xb] =	wrdreg s21  }
0x16: {  	s6 =	simm.s32 $0x2;
	[dreg:$0xa] =	wrdreg s17;
	s17 =	simm.s32 $0x1A898  }
.LBB2_1:
0x17: {  	[dreg:$0xc] =	wrdreg s0  }
0x18: {  	s3 =	rddreg [dreg:$0x1];
	s26 =	sadd.s32 $0x0, s26  }
0x19: {  	[tilespmem:s9], [sflag:$0x3] =	stream.linear.gather [hbm4b:s3+s4], $0x7D0, $0x38;
	[tilespmem:$0x1D868] =	vst v63  }
0x1a: {  	p1 =	sgt.u32 s26, $0x323;
	_ =	swait.ge [sflag:s10], $0x7D0  }
0x1b: {  	s3 =	simm.s32 @!p1 $0x1D098;
	[sflag:s10] =	ssyncset.done $0x0  }
0x1c: {  	s23 =	simm.s32 @!p1 $0x3;
	s26 =	rddreg [dreg:$0xb];
	[sflag:s10] =	ssyncadd.s32 $0xFFFFF830  }
0x1d: {  	[spmem:s26] =	stream.linear.scatter @!p1 [tilespmem:s3], [sflag:$0x3], $0x7D0, $0x38;
	[tilespmem:$0x1D868] =	vst v63  }
0x1e: {  	s19 =	simm.s32 $0x10;
	_ =	swait.ge @!p1 [sflag:s23], $0x7D0  }
0x1f: {  	s21 =	simm.s32 $0x20;
	s3 =	sadd.s32 $0x7D00, s26;
	[sflag:s23] =	ssyncset.done @!p1 $0x0  }
.LBB2_2:
0x20: {  	s26 =	stileid.u32;
	[sflag:s23] =	ssyncadd.s32 @!p1 $0xFFFFF830  }
0x21: {  	s26 =	sadd.s32 s19, s26;
	s19 =	smov.u32 s21;
	s21 =	sadd.s32 $0x10, s21  }
0x22: {  	p2 =	sne.s32 s21, $0x330;
	p1 =	sgt.u32 s26, $0x323  }
.Ltmp0:
0x23: {  	s26 =	simm.s32 @!p1 $0x1D098;
	s23 =	simm.s32 @!p1 $0x3;
	(pc) =	sbr.rel @p2 .LBB2_2-.Ltmp0, $4  }
0x24: {  	[spmem:s3] =	stream.linear.scatter @!p1 [tilespmem:s26], [sflag:$0x3], $0x7D0, $0x38;
	[tilespmem:$0x1D868] =	vst v63  }
0x25: {  	s26 =	stileid.u32  }
0x26: {  	_ =	swait.ge @!p1 [sflag:s23], $0x7D0  }
0x27: {  	s3 =	sadd.s32 $0x7D00, s3;
	[sflag:s23] =	ssyncset.done @!p1 $0x0  }
0x28: {  	s19 =	sadd.s32 s19, s26  }
0x29: {  	p2 =	sgt.u32 s19, $0x323  }
0x2a: {  	[sflag:s23] =	ssyncadd.s32 @!p1 $0xFFFFF830;
	s19 =	simm.s32 @!p2 $0x1D098;
	s21 =	simm.s32 @!p2 $0x3  }
0x2b: {  	[spmem:s3] =	stream.linear.scatter @!p2 [tilespmem:s19], [sflag:$0x3], $0x7D0, $0x38;
	[tilespmem:$0x1D868] =	vst v63  }
0x2c: {  	_ =	swait.ge @!p2 [sflag:s21], $0x7D0  }
0x2d: {  	[sflag:s21] =	ssyncset.done @!p2 $0x0  }
0x2e: {  	[sflag:s21] =	ssyncadd.s32 @!p2 $0xFFFFF830  }
0x2f: {  	[bflag:$0x0] =	sbarrier.arrive $0xFFFF  }
0x30: {  	s19 =	rddreg [dreg:$0x4]  }
0x31: {  	s3 =	sadd.s32 $0x0, s19  }
0x32: {  	[tilespmem:s11], [sflag:$0x3] =	stream.linear.gather [hbm4b:s3+s4], $0x400, $0x38;
	[tilespmem:$0x1D868] =	vst v63  }
0x33: {  	_ =	swait.ge [sflag:s10], $0x400  }
0x34: {  	s21 =	rddreg [dreg:$0x5];
	[sflag:s10] =	ssyncset.done $0x0  }
0x35: {  	[sflag:s10] =	ssyncadd.s32 $0xFFFFFC00;
	s3 =	sadd.s32 $0x0, s21  }
0x36: {  	[tilespmem:s12], [sflag:$0x3] =	stream.linear.gather [hbm4b:s3+s4], $0x400, $0x38;
	[tilespmem:$0x1D868] =	vst v63  }
0x37: {  	_ =	swait.ge [sflag:s10], $0x400  }
0x38: {  	[sflag:s10] =	ssyncset.done $0x0  }
0x39: {  	[sflag:s10] =	ssyncadd.s32 $0xFFFFFC00  }
0x3a: {  	[tilespmem:s14], [sflag:$0x1] =	stream.indirect.gather [hbm4b:s5+s13], $0x10, s11, s13, $0xb8;
	[tilespmem:$0x1D868] =	vst v63  }
0x3b: {  	s23 =	rddreg [dreg:$0x6]  }
0x3c: {  	[tilespmem:s15], [sflag:$0x1] =	stream.indirect.gather [hbm4b:s5+s13], $0x10, s23, s13, $0xb8;
	[tilespmem:$0x1D868] =	vst v63  }
0x3d: {  	s0 =	rddreg [dreg:$0x7]  }
0x3e: {  	[tilespmem:s16], [sflag:$0x1] =	stream.indirect.gather [hbm4b:s5+s13], $0x10, s0, s13, $0xb8;
	[tilespmem:$0x1D868] =	vst v63  }
0x3f: {  	s21 =	rddreg [dreg:$0x8]  }
0x40: {  	[tilespmem:s17], [sflag:$0x1] =	stream.indirect.gather [hbm4b:s5+s13], $0x10, s21, s13, $0xb8;
	[tilespmem:$0x1D868] =	vst v63  }
0x41: {  	s23 =	rddreg [dreg:$0x9]  }
0x42: {  	[tilespmem:s18], [sflag:$0x1] =	stream.indirect.gather [hbm4b:s5+s13], $0x10, s23, s13, $0xb8;
	[tilespmem:$0x1D868] =	vst v63  }
0x43: {  	s0 =	simm.s32 $0x18B18  }
0x44: {  	[tilespmem:s20], [sflag:$0x1] =	stream.indirect.gather [hbm4b:s5+s13], $0x10, s0, s13, $0xb8;
	[tilespmem:$0x1D868] =	vst v63  }
0x45: {  	_ = 	snop  }
0x46: {  	[tilespmem:s22], [sflag:$0x1] =	stream.indirect.gather [hbm4b:s5+s13], $0x10, s28, s13, $0xb8;
	[tilespmem:$0x1D868] =	vst v63  }
0x47: {  	_ = 	snop  }
0x48: {  	[tilespmem:s24], [sflag:$0x1] =	stream.indirect.gather [hbm4b:s5+s13], $0x10, s29, s13, $0xb8;
	[tilespmem:$0x1D868] =	vst v63  }
0x49: {  	_ =	swait.ge [sflag:s25], $0x800  }
0x4a: {  	[sflag:s25] =	ssyncset.done $0x0  }
0x4b: {  	[sflag:s25] =	ssyncadd.s32 $0xFFFFF800  }
0x4c: {  	[spmem:s2] =	stream.indirect.scatter.add.f32 [tilespmem:s14], [sflag:$0x2], $0x10, s12, s13, $0xb8;
	[tilespmem:$0x1D868] =	vst v63  }
0x4d: {  	_ =	swait.ge [sflag:s25], $0x800  }
0x4e: {  	[sflag:s25] =	ssyncset.done $0x0  }
0x4f: {  	[sflag:s25] =	ssyncadd.s32 $0xFFFFF800  }
0x50: {  	[spmem:s2] =	stream.indirect.scatter.add.f32 [tilespmem:s15], [sflag:$0x2], $0x10, s30, s13, $0xb8;
	[tilespmem:$0x1D868] =	vst v63  }
0x51: {  	_ =	swait.ge [sflag:s25], $0x800  }
0x52: {  	[sflag:s25] =	ssyncset.done $0x0  }
0x53: {  	[sflag:s25] =	ssyncadd.s32 $0xFFFFF800  }
0x54: {  	[spmem:s2] =	stream.indirect.scatter.add.f32 [tilespmem:s16], [sflag:$0x2], $0x10, s31, s13, $0xb8;
	[tilespmem:$0x1D868] =	vst v63  }
0x55: {  	_ =	swait.ge [sflag:s25], $0x800  }
0x56: {  	[sflag:s25] =	ssyncset.done $0x0  }
0x57: {  	s0 =	simm.s32 $0x18E18;
	[sflag:s25] =	ssyncadd.s32 $0xFFFFF800  }
0x58: {  	[spmem:s2] =	stream.indirect.scatter.add.f32 [tilespmem:s17], [sflag:$0x2], $0x10, s0, s13, $0xb8;
	[tilespmem:$0x1D868] =	vst v63  }
0x59: {  	_ =	swait.ge [sflag:s25], $0x800  }
0x5a: {  	[sflag:s25] =	ssyncset.done $0x0  }
0x5b: {  	[sflag:s25] =	ssyncadd.s32 $0xFFFFF800  }
0x5c: {  	[spmem:s2] =	stream.indirect.scatter.add.f32 [tilespmem:s18], [sflag:$0x2], $0x10, s1, s13, $0xb8;
	[tilespmem:$0x1D868] =	vst v63  }
0x5d: {  	_ =	swait.ge [sflag:s25], $0x800  }
0x5e: {  	[sflag:s25] =	ssyncset.done $0x0  }
0x5f: {  	s19 =	simm.s32 $0x18F18;
	[sflag:s25] =	ssyncadd.s32 $0xFFFFF800  }
0x60: {  	[spmem:s2] =	stream.indirect.scatter.add.f32 [tilespmem:s20], [sflag:$0x2], $0x10, s19, s13, $0xb8;
	[tilespmem:$0x1D868] =	vst v63  }
0x61: {  	_ =	swait.ge [sflag:s25], $0x800  }
0x62: {  	[sflag:s25] =	ssyncset.done $0x0  }
0x63: {  	s21 =	simm.s32 $0x18F98;
	[sflag:s25] =	ssyncadd.s32 $0xFFFFF800  }
0x64: {  	[spmem:s2] =	stream.indirect.scatter.add.f32 [tilespmem:s22], [sflag:$0x2], $0x10, s21, s13, $0xb8;
	[tilespmem:$0x1D868] =	vst v63  }
0x65: {  	_ =	swait.ge [sflag:s25], $0x800  }
0x66: {  	[sflag:s25] =	ssyncset.done $0x0  }
0x67: {  	s23 =	simm.s32 $0x19018;
	[sflag:s25] =	ssyncadd.s32 $0xFFFFF800  }
0x68: {  	[spmem:s2] =	stream.indirect.scatter.add.f32 [tilespmem:s24], [sflag:$0x2], $0x10, s23, s13, $0xb8;
	[tilespmem:$0x1D868] =	vst v63  }
0x69: {  	_ =	swait.ge [sflag:s6], $0x800  }
0x6a: {  	[sflag:s6] =	ssyncset.done $0x0  }
0x6b: {  	[sflag:s6] =	ssyncadd.s32 $0xFFFFF800  }
0x6c: {  	_ =	swait.ge [sflag:s6], $0x800  }
0x6d: {  	[sflag:s6] =	ssyncset.done $0x0  }
0x6e: {  	[sflag:s6] =	ssyncadd.s32 $0xFFFFF800  }
0x6f: {  	_ =	swait.ge [sflag:s6], $0x800  }
0x70: {  	[sflag:s6] =	ssyncset.done $0x0  }
0x71: {  	[sflag:s6] =	ssyncadd.s32 $0xFFFFF800  }
0x72: {  	_ =	swait.ge [sflag:s6], $0x800  }
0x73: {  	[sflag:s6] =	ssyncset.done $0x0  }
0x74: {  	[sflag:s6] =	ssyncadd.s32 $0xFFFFF800  }
0x75: {  	_ =	swait.ge [sflag:s6], $0x800  }
0x76: {  	[sflag:s6] =	ssyncset.done $0x0  }
0x77: {  	[sflag:s6] =	ssyncadd.s32 $0xFFFFF800  }
0x78: {  	_ =	swait.ge [sflag:s6], $0x800  }
0x79: {  	[sflag:s6] =	ssyncset.done $0x0  }
0x7a: {  	[sflag:s6] =	ssyncadd.s32 $0xFFFFF800  }
0x7b: {  	_ =	swait.ge [sflag:s6], $0x800  }
0x7c: {  	[sflag:s6] =	ssyncset.done $0x0  }
0x7d: {  	[sflag:s6] =	ssyncadd.s32 $0xFFFFF800  }
0x7e: {  	s3 =	simm.s32 $0x800;
	_ =	swait.ge [sflag:s6], $0x800  }
0x7f: {  	s19 =	simm.s32 $0x1000;
	s21 =	rddreg [dreg:$0x4];
	[sflag:s6] =	ssyncset.done $0x0  }
.LBB2_4:
0x80: {  	[sflag:s6] =	ssyncadd.s32 $0xFFFFF800;
	s21 =	sadd.s32 s3, s21  }
0x81: {  	[tilespmem:s11], [sflag:$0x3] =	stream.linear.gather [hbm4b:s21+s4], $0x400, $0x38;
	[tilespmem:$0x1D868] =	vst v63  }
0x82: {  	_ =	swait.ge [sflag:s10], $0x400  }
0x83: {  	s21 =	rddreg [dreg:$0x5];
	[sflag:s10] =	ssyncset.done $0x0  }
0x84: {  	[sflag:s10] =	ssyncadd.s32 $0xFFFFFC00;
	s21 =	sadd.s32 s3, s21  }
0x85: {  	[tilespmem:s12], [sflag:$0x3] =	stream.linear.gather [hbm4b:s21+s4], $0x400, $0x38;
	[tilespmem:$0x1D868] =	vst v63  }
0x86: {  	_ =	swait.ge [sflag:s10], $0x400  }
0x87: {  	[sflag:s10] =	ssyncset.done $0x0  }
0x88: {  	[sflag:s10] =	ssyncadd.s32 $0xFFFFFC00  }
0x89: {  	[tilespmem:s14], [sflag:$0x1] =	stream.indirect.gather [hbm4b:s5+s13], $0x10, s11, s13, $0xb8;
	[tilespmem:$0x1D868] =	vst v63  }
0x8a: {  	s23 =	smov.u32 s19;
	s21 =	rddreg [dreg:$0x6]  }
0x8b: {  	[tilespmem:s15], [sflag:$0x1] =	stream.indirect.gather [hbm4b:s5+s13], $0x10, s21, s13, $0xb8;
	[tilespmem:$0x1D868] =	vst v63  }
0x8c: {  	s3 =	smov.u32 s23;
	s23 =	rddreg [dreg:$0x7]  }
0x8d: {  	[tilespmem:s16], [sflag:$0x1] =	stream.indirect.gather [hbm4b:s5+s13], $0x10, s23, s13, $0xb8;
	[tilespmem:$0x1D868] =	vst v63  }
0x8e: {  	s21 =	rddreg [dreg:$0x8]  }
0x8f: {  	[tilespmem:s17], [sflag:$0x1] =	stream.indirect.gather [hbm4b:s5+s13], $0x10, s21, s13, $0xb8;
	[tilespmem:$0x1D868] =	vst v63  }
0x90: {  	s23 =	rddreg [dreg:$0x9]  }
0x91: {  	[tilespmem:s18], [sflag:$0x1] =	stream.indirect.gather [hbm4b:s5+s13], $0x10, s23, s13, $0xb8;
	[tilespmem:$0x1D868] =	vst v63  }
0x92: {  	s23 =	simm.s32 $0x18B18  }
0x93: {  	[tilespmem:s20], [sflag:$0x1] =	stream.indirect.gather [hbm4b:s5+s13], $0x10, s23, s13, $0xb8;
	[tilespmem:$0x1D868] =	vst v63  }
0x94: {  	_ = 	snop  }
0x95: {  	[tilespmem:s22], [sflag:$0x1] =	stream.indirect.gather [hbm4b:s5+s13], $0x10, s28, s13, $0xb8;
	[tilespmem:$0x1D868] =	vst v63  }
0x96: {  	_ = 	snop  }
0x97: {  	[tilespmem:s24], [sflag:$0x1] =	stream.indirect.gather [hbm4b:s5+s13], $0x10, s29, s13, $0xb8;
	[tilespmem:$0x1D868] =	vst v63  }
0x98: {  	_ =	swait.ge [sflag:s25], $0x800  }
0x99: {  	[sflag:s25] =	ssyncset.done $0x0  }
0x9a: {  	[sflag:s25] =	ssyncadd.s32 $0xFFFFF800  }
0x9b: {  	[spmem:s2] =	stream.indirect.scatter.add.f32 [tilespmem:s14], [sflag:$0x2], $0x10, s12, s13, $0xb8;
	[tilespmem:$0x1D868] =	vst v63  }
0x9c: {  	_ =	swait.ge [sflag:s25], $0x800  }
0x9d: {  	[sflag:s25] =	ssyncset.done $0x0  }
0x9e: {  	[sflag:s25] =	ssyncadd.s32 $0xFFFFF800  }
0x9f: {  	[spmem:s2] =	stream.indirect.scatter.add.f32 [tilespmem:s15], [sflag:$0x2], $0x10, s30, s13, $0xb8;
	[tilespmem:$0x1D868] =	vst v63  }
0xa0: {  	_ =	swait.ge [sflag:s25], $0x800  }
0xa1: {  	[sflag:s25] =	ssyncset.done $0x0  }
0xa2: {  	[sflag:s25] =	ssyncadd.s32 $0xFFFFF800  }
0xa3: {  	[spmem:s2] =	stream.indirect.scatter.add.f32 [tilespmem:s16], [sflag:$0x2], $0x10, s31, s13, $0xb8;
	[tilespmem:$0x1D868] =	vst v63  }
0xa4: {  	_ =	swait.ge [sflag:s25], $0x800  }
0xa5: {  	[sflag:s25] =	ssyncset.done $0x0  }
0xa6: {  	[sflag:s25] =	ssyncadd.s32 $0xFFFFF800  }
0xa7: {  	[spmem:s2] =	stream.indirect.scatter.add.f32 [tilespmem:s17], [sflag:$0x2], $0x10, s0, s13, $0xb8;
	[tilespmem:$0x1D868] =	vst v63  }
0xa8: {  	_ =	swait.ge [sflag:s25], $0x800  }
0xa9: {  	[sflag:s25] =	ssyncset.done $0x0  }
0xaa: {  	[sflag:s25] =	ssyncadd.s32 $0xFFFFF800  }
0xab: {  	[spmem:s2] =	stream.indirect.scatter.add.f32 [tilespmem:s18], [sflag:$0x2], $0x10, s1, s13, $0xb8;
	[tilespmem:$0x1D868] =	vst v63  }
0xac: {  	_ =	swait.ge [sflag:s25], $0x800  }
0xad: {  	[sflag:s25] =	ssyncset.done $0x0  }
0xae: {  	s21 =	simm.s32 $0x18F18;
	[sflag:s25] =	ssyncadd.s32 $0xFFFFF800  }
0xaf: {  	[spmem:s2] =	stream.indirect.scatter.add.f32 [tilespmem:s20], [sflag:$0x2], $0x10, s21, s13, $0xb8;
	[tilespmem:$0x1D868] =	vst v63  }
0xb0: {  	_ =	swait.ge [sflag:s25], $0x800  }
0xb1: {  	[sflag:s25] =	ssyncset.done $0x0  }
0xb2: {  	s21 =	simm.s32 $0x18F98;
	[sflag:s25] =	ssyncadd.s32 $0xFFFFF800  }
0xb3: {  	[spmem:s2] =	stream.indirect.scatter.add.f32 [tilespmem:s22], [sflag:$0x2], $0x10, s21, s13, $0xb8;
	[tilespmem:$0x1D868] =	vst v63  }
0xb4: {  	_ =	swait.ge [sflag:s25], $0x800  }
0xb5: {  	[sflag:s25] =	ssyncset.done $0x0  }
0xb6: {  	s21 =	simm.s32 $0x19018;
	[sflag:s25] =	ssyncadd.s32 $0xFFFFF800  }
0xb7: {  	[spmem:s2] =	stream.indirect.scatter.add.f32 [tilespmem:s24], [sflag:$0x2], $0x10, s21, s13, $0xb8;
	[tilespmem:$0x1D868] =	vst v63  }
0xb8: {  	_ =	swait.ge [sflag:s6], $0x800  }
0xb9: {  	[sflag:s6] =	ssyncset.done $0x0  }
0xba: {  	[sflag:s6] =	ssyncadd.s32 $0xFFFFF800  }
0xbb: {  	_ =	swait.ge [sflag:s6], $0x800  }
0xbc: {  	[sflag:s6] =	ssyncset.done $0x0  }
0xbd: {  	[sflag:s6] =	ssyncadd.s32 $0xFFFFF800  }
0xbe: {  	_ =	swait.ge [sflag:s6], $0x800  }
0xbf: {  	[sflag:s6] =	ssyncset.done $0x0  }
0xc0: {  	[sflag:s6] =	ssyncadd.s32 $0xFFFFF800  }
0xc1: {  	_ =	swait.ge [sflag:s6], $0x800  }
0xc2: {  	[sflag:s6] =	ssyncset.done $0x0  }
0xc3: {  	[sflag:s6] =	ssyncadd.s32 $0xFFFFF800  }
0xc4: {  	_ =	swait.ge [sflag:s6], $0x800  }
0xc5: {  	[sflag:s6] =	ssyncset.done $0x0  }
0xc6: {  	[sflag:s6] =	ssyncadd.s32 $0xFFFFF800  }
0xc7: {  	_ =	swait.ge [sflag:s6], $0x800  }
0xc8: {  	[sflag:s6] =	ssyncset.done $0x0  }
0xc9: {  	p1 =	sne.s32 s19, $0x33800;
	[sflag:s6] =	ssyncadd.s32 $0xFFFFF800  }
.Ltmp1:
0xca: {  	_ =	swait.ge [sflag:s6], $0x800;
	(pc) =	sbr.rel @p1 .LBB2_4-.Ltmp1, $4  }
0xcb: {  	[sflag:s6] =	ssyncset.done $0x0  }
0xcc: {  	[sflag:s6] =	ssyncadd.s32 $0xFFFFF800  }
0xcd: {  	_ =	swait.ge [sflag:s6], $0x800  }
0xce: {  	s19 =	sadd.s32 $0x800, s19;
	s21 =	rddreg [dreg:$0x4];
	[sflag:s6] =	ssyncset.done $0x0  }
0xcf: {  	[sflag:s6] =	ssyncadd.s32 $0xFFFFF800;
	s19 =	sadd.s32 s3, s21  }
0xd0: {  	[tilespmem:s11], [sflag:$0x3] =	stream.linear.gather [hbm4b:s19+s4], $0x400, $0x38;
	[tilespmem:$0x1D868] =	vst v63  }
0xd1: {  	_ =	swait.ge [sflag:s10], $0x400  }
0xd2: {  	s21 =	rddreg [dreg:$0x5];
	[sflag:s10] =	ssyncset.done $0x0  }
0xd3: {  	[sflag:s10] =	ssyncadd.s32 $0xFFFFFC00;
	s21 =	sadd.s32 s3, s21  }
0xd4: {  	[tilespmem:s12], [sflag:$0x3] =	stream.linear.gather [hbm4b:s21+s4], $0x400, $0x38;
	[tilespmem:$0x1D868] =	vst v63  }
0xd5: {  	_ =	swait.ge [sflag:s10], $0x400  }
0xd6: {  	[sflag:s10] =	ssyncset.done $0x0  }
0xd7: {  	[sflag:s10] =	ssyncadd.s32 $0xFFFFFC00  }
0xd8: {  	[tilespmem:s14], [sflag:$0x1] =	stream.indirect.gather [hbm4b:s5+s13], $0x10, s11, s13, $0xb8;
	[tilespmem:$0x1D868] =	vst v63  }
0xd9: {  	s19 =	rddreg [dreg:$0x6]  }
0xda: {  	[tilespmem:s15], [sflag:$0x1] =	stream.indirect.gather [hbm4b:s5+s13], $0x10, s19, s13, $0xb8;
	[tilespmem:$0x1D868] =	vst v63  }
0xdb: {  	s21 =	rddreg [dreg:$0x7]  }
0xdc: {  	[tilespmem:s16], [sflag:$0x1] =	stream.indirect.gather [hbm4b:s5+s13], $0x10, s21, s13, $0xb8;
	[tilespmem:$0x1D868] =	vst v63  }
0xdd: {  	s3 =	rddreg [dreg:$0x8]  }
0xde: {  	[tilespmem:s17], [sflag:$0x1] =	stream.indirect.gather [hbm4b:s5+s13], $0x10, s3, s13, $0xb8;
	[tilespmem:$0x1D868] =	vst v63  }
0xdf: {  	s21 =	rddreg [dreg:$0x9]  }
0xe0: {  	[tilespmem:s18], [sflag:$0x1] =	stream.indirect.gather [hbm4b:s5+s13], $0x10, s21, s13, $0xb8;
	[tilespmem:$0x1D868] =	vst v63  }
0xe1: {  	_ = 	snop  }
0xe2: {  	[tilespmem:s20], [sflag:$0x1] =	stream.indirect.gather [hbm4b:s5+s13], $0x10, s23, s13, $0xb8;
	[tilespmem:$0x1D868] =	vst v63  }
0xe3: {  	_ = 	snop  }
0xe4: {  	[tilespmem:s22], [sflag:$0x1] =	stream.indirect.gather [hbm4b:s5+s13], $0x10, s28, s13, $0xb8;
	[tilespmem:$0x1D868] =	vst v63  }
0xe5: {  	_ = 	snop  }
0xe6: {  	[tilespmem:s24], [sflag:$0x1] =	stream.indirect.gather [hbm4b:s5+s13], $0x10, s29, s13, $0xb8;
	[tilespmem:$0x1D868] =	vst v63  }
0xe7: {  	_ =	swait.ge [sflag:s25], $0x800  }
0xe8: {  	[sflag:s25] =	ssyncset.done $0x0  }
0xe9: {  	[sflag:s25] =	ssyncadd.s32 $0xFFFFF800  }
0xea: {  	[spmem:s2] =	stream.indirect.scatter.add.f32 [tilespmem:s14], [sflag:$0x2], $0x10, s12, s13, $0xb8;
	[tilespmem:$0x1D868] =	vst v63  }
0xeb: {  	_ =	swait.ge [sflag:s25], $0x800  }
0xec: {  	[sflag:s25] =	ssyncset.done $0x0  }
0xed: {  	[sflag:s25] =	ssyncadd.s32 $0xFFFFF800  }
0xee: {  	[spmem:s2] =	stream.indirect.scatter.add.f32 [tilespmem:s15], [sflag:$0x2], $0x10, s30, s13, $0xb8;
	[tilespmem:$0x1D868] =	vst v63  }
0xef: {  	_ =	swait.ge [sflag:s25], $0x800  }
0xf0: {  	[sflag:s25] =	ssyncset.done $0x0  }
0xf1: {  	[sflag:s25] =	ssyncadd.s32 $0xFFFFF800  }
0xf2: {  	[spmem:s2] =	stream.indirect.scatter.add.f32 [tilespmem:s16], [sflag:$0x2], $0x10, s31, s13, $0xb8;
	[tilespmem:$0x1D868] =	vst v63  }
0xf3: {  	_ =	swait.ge [sflag:s25], $0x800  }
0xf4: {  	[sflag:s25] =	ssyncset.done $0x0  }
0xf5: {  	[sflag:s25] =	ssyncadd.s32 $0xFFFFF800  }
0xf6: {  	[spmem:s2] =	stream.indirect.scatter.add.f32 [tilespmem:s17], [sflag:$0x2], $0x10, s0, s13, $0xb8;
	[tilespmem:$0x1D868] =	vst v63  }
0xf7: {  	_ =	swait.ge [sflag:s25], $0x800  }
0xf8: {  	[sflag:s25] =	ssyncset.done $0x0  }
0xf9: {  	[sflag:s25] =	ssyncadd.s32 $0xFFFFF800  }
0xfa: {  	[spmem:s2] =	stream.indirect.scatter.add.f32 [tilespmem:s18], [sflag:$0x2], $0x10, s1, s13, $0xb8;
	[tilespmem:$0x1D868] =	vst v63  }
0xfb: {  	_ =	swait.ge [sflag:s25], $0x800  }
0xfc: {  	[sflag:s25] =	ssyncset.done $0x0  }
0xfd: {  	s3 =	simm.s32 $0x18F18;
	[sflag:s25] =	ssyncadd.s32 $0xFFFFF800  }
0xfe: {  	[spmem:s2] =	stream.indirect.scatter.add.f32 [tilespmem:s20], [sflag:$0x2], $0x10, s3, s13, $0xb8;
	[tilespmem:$0x1D868] =	vst v63  }
0xff: {  	_ =	swait.ge [sflag:s25], $0x800  }
0x100: {  	[sflag:s25] =	ssyncset.done $0x0  }
0x101: {  	s19 =	simm.s32 $0x18F98;
	[sflag:s25] =	ssyncadd.s32 $0xFFFFF800  }
0x102: {  	[spmem:s2] =	stream.indirect.scatter.add.f32 [tilespmem:s22], [sflag:$0x2], $0x10, s19, s13, $0xb8;
	[tilespmem:$0x1D868] =	vst v63  }
0x103: {  	_ =	swait.ge [sflag:s25], $0x800  }
0x104: {  	[sflag:s25] =	ssyncset.done $0x0  }
0x105: {  	s21 =	simm.s32 $0x19018;
	[sflag:s25] =	ssyncadd.s32 $0xFFFFF800  }
0x106: {  	[spmem:s2] =	stream.indirect.scatter.add.f32 [tilespmem:s24], [sflag:$0x2], $0x10, s21, s13, $0xb8;
	[tilespmem:$0x1D868] =	vst v63  }
0x107: {  	_ =	swait.ge [sflag:s6], $0x800  }
0x108: {  	[sflag:s6] =	ssyncset.done $0x0  }
0x109: {  	[sflag:s6] =	ssyncadd.s32 $0xFFFFF800  }
0x10a: {  	_ =	swait.ge [sflag:s6], $0x800  }
0x10b: {  	[sflag:s6] =	ssyncset.done $0x0  }
0x10c: {  	[sflag:s6] =	ssyncadd.s32 $0xFFFFF800  }
0x10d: {  	_ =	swait.ge [sflag:s6], $0x800  }
0x10e: {  	[sflag:s6] =	ssyncset.done $0x0  }
0x10f: {  	[sflag:s6] =	ssyncadd.s32 $0xFFFFF800  }
0x110: {  	_ =	swait.ge [sflag:s6], $0x800  }
0x111: {  	[sflag:s6] =	ssyncset.done $0x0  }
0x112: {  	[sflag:s6] =	ssyncadd.s32 $0xFFFFF800  }
0x113: {  	_ =	swait.ge [sflag:s6], $0x800  }
0x114: {  	[sflag:s6] =	ssyncset.done $0x0  }
0x115: {  	[sflag:s6] =	ssyncadd.s32 $0xFFFFF800  }
0x116: {  	_ =	swait.ge [sflag:s6], $0x800  }
0x117: {  	[sflag:s6] =	ssyncset.done $0x0  }
0x118: {  	[sflag:s6] =	ssyncadd.s32 $0xFFFFF800  }
0x119: {  	_ =	swait.ge [sflag:s6], $0x800  }
0x11a: {  	[sflag:s6] =	ssyncset.done $0x0  }
0x11b: {  	[sflag:s6] =	ssyncadd.s32 $0xFFFFF800  }
0x11c: {  	_ =	swait.ge [sflag:s6], $0x800  }
0x11d: {  	[sflag:s6] =	ssyncset.done $0x0  }
0x11e: {  	[sflag:s6] =	ssyncadd.s32 $0xFFFFF800  }
0x11f: {  	[bflag:$0x0] =	sbarrier.arrive $0xFFFF  }
0x120: {  	s21 =	rddreg [dreg:$0xb]  }
0x121: {  	[tilespmem:s9], [sflag:$0x4] =	stream.linear.gather [spmem:s21], $0x7D0, $0x38;
	[tilespmem:$0x1D868] =	vst v63  }
0x122: {  	_ =	swait.ge [sflag:s7], $0x7D0  }
0x123: {  	s3 =	simm.s32 $0x3;
	[sflag:s7] =	ssyncset.done $0x0  }
0x124: {  	s23 =	sadd.s32 $0x0, s8;
	s3 =	simm.s32 @!p0 $0x4;
	[sflag:s7] =	ssyncadd.s32 $0xFFFFF830  }
0x125: {  	[hbm4b:s23+s4] =	stream.linear.scatter [tilespmem:s9], [sflag:s3], $0x7D0, $0x38;
	[tilespmem:$0x1D868] =	vst v63  }
0x126: {  	_ =	swait.ge [sflag:s3], $0x7D0  }
0x127: {  	s19 =	simm.s32 $0xFA0;
	[sflag:s3] =	ssyncset.done $0x0  }
.LBB2_6:
0x128: {  	p1 =	sne.s32 s19, $0x2FDA0;
	[sflag:s3] =	ssyncadd.s32 $0xFFFFF830;
	s21 =	sadd.s32 $0x7D00, s21  }
0x129: {  	[tilespmem:s9], [sflag:$0x4] =	stream.linear.gather [spmem:s21], $0x7D0, $0x38;
	[tilespmem:$0x1D868] =	vst v63  }
0x12a: {  	s23 =	smov.u32 s19;
	s19 =	sadd.s32 $0xFA0, s19;
	_ =	swait.ge [sflag:s7], $0x7D0  }
.Ltmp2:
0x12b: {  	[sflag:s7] =	ssyncset.done $0x0;
	(pc) =	sbr.rel @p1 .LBB2_6-.Ltmp2, $4  }
0x12c: {  	s23 =	sadd.s32 s23, s8;
	[sflag:s7] =	ssyncadd.s32 $0xFFFFF830  }
0x12d: {  	[hbm4b:s23+s4] =	stream.linear.scatter [tilespmem:s9], [sflag:s3], $0x7D0, $0x38;
	[tilespmem:$0x1D868] =	vst v63  }
0x12e: {  	_ =	swait.ge [sflag:s3], $0x7D0  }
0x12f: {  	[sflag:s3] =	ssyncset.done $0x0  }
0x130: {  	s0 =	rddreg [dreg:$0xc]  }
0x131: {  	s19 =	rddreg [dreg:$0xa];
	s0 =	sadd.s32 $0x1, s0  }
0x132: {  	p1 =	sne.s32 s0, s19  }
.Ltmp3:
0x133: {  	_ = 	snop;
	(pc) =	sbr.rel @p1 .LBB2_1-.Ltmp3, $2  }
0x134: {  	_ =	sdelay $0x2  }
0x135: {  	[sflag:s3] =	ssyncadd.s32 $0xFFFFF830  }
0x136: {  	_ =	sfence.sel $0x180000  }
0x137: {  	[bflag:$0x0] =	sbarrier.arrive $0xFFFF  }
0x138: {  	_ =	strace $0x9000004D  }
0x139: {  	[bflag:$0x2] =	sbarrier.arrive $0xFFFF  }
0x13a: {  	p0 =	sne.s32 s26, $0x0;
	s0 =	rddreg [dreg:$0x3]  }
0x13b: {  	s0 =	sadd.s32 @!p0 $0x100000, s0  }
0x13c: {  	[sflag:s0] =	ssyncadd.tile.s32 @!p0 $0x1;
	_ =	shalt  }
.Lfunc_end2:
_tile_overlayer_lowered:
.L_overlay_start_2:
0x13d: {  	(tag) =	ssettag $0x2  }
0x13e: {  	s0 =	rddreg [dreg:$0x0];
	s2 =	stileid.u32  }
0x13f: {  	s1 =	rddreg [dreg:$0x1];
	p0 =	sne.s32 s2, $0x0  }
0x140: {  	s3 =	rddreg [dreg:$0x2];
	[bflag:$0x3] =	sbarrier.arrive $0xFFFF;
	s2 =	simm.s32 @!p0 $0x1C03  }
0x141: {  	[timem:s3], [sflag:s2] =	dma.local @!p0 [hbm:s0], s1  }
0x142: {  	s0 =	simm.s32 @!p0 $0x3  }
0x143: {  	_ =	swait.ge @!p0 [sflag:s0], s1  }
0x144: {  	s1 =	ssub.s32 @!p0 $0x0, s1;
	[sflag:s0] =	ssyncset.done @!p0 $0x0  }
0x145: {  	[sflag:s0] =	ssyncadd.s32 @!p0 s1  }
0x146: {  	[bflag:$0x3] =	sbarrier.arrive $0xFFFF  }
0x147: {  	_ =	shalt  }

// kernel: kernel.9.cloned.1.call-start
scs
__scs_entry_jumppad:
0x0: {  	(pc) =	sbr.rel $0x88, $3  }
0x1: {  	(tag) =	ssettag $0x0;
	lr =	simm.s32 $0x1  }
0x2: {  	[smem:$0x3F96] =	sst lr;
	_ =	strace $0xD0000000  }
0x3: {  	_ = 	snop  }
0x4: {  	_ = 	snop  }
0x5: {  	_ = 	snop  }
0x6: {  	_ = 	snop  }
0x7: {  	_ = 	snop  }
__scs_overlays_trampoline_lowered:
0x8: {  	[smem:$0x3FA5] =	sst s0  }
0x9: {  	[smem:$0x3FA6] =	sst s1  }
0xa: {  	[smem:$0x3FA7] =	sst s2  }
0xb: {  	[smem:$0x3FA8] =	sst s3  }
0xc: {  	[smem:$0x3FA9] =	sst s4  }
0xd: {  	[smem:$0x3FAA] =	sst s5  }
0xe: {  	[smem:$0x3FAB] =	sst s6  }
0xf: {  	[smem:$0x3FAC] =	sst s7  }
0x10: {  	[smem:$0x3FAD] =	sst s8  }
0x11: {  	[smem:$0x3FAE] =	sst s9;
	s0 =	simm.s32 @!p0 $0x0  }
0x12: {  	s1 =	sld [smem:$0x3F94];
	s0 =	simm.s32 @p0 $0x1  }
0x13: {  	[smem:$0x3FAF] =	sst s0;
	s0 =	simm.s32 @!p1 $0x0  }
0x14: {  	s2 =	sld [smem:$0x3F93];
	s0 =	simm.s32 @p1 $0x1  }
0x15: {  	[smem:$0x3FB0] =	sst s0;
	s0 =	simm.s32 @!p2 $0x0  }
0x16: {  	s3 =	sld [smem:$0x3FDB];
	s0 =	simm.s32 @p2 $0x1  }
0x17: {  	s4 =	simm.s32 $0x1BF5;
	[smem:$0x3FB2] =	sst s0  }
0x18: {  	s0 =	sld [smem:$0x3F95];
	_ =	swait.ge [sflag:s4], $0x0  }
0x19: {  	s7 =	sld [smem:$0x3F96]  }
0x1a: {  	s8 =	sadd.s32 $0xFFFFE003, lr  }
0x1b: {  	s9 =	sadd.s32 $0xFFFFFEF7, lr;
	s5 =	simm.s32 $0xFFFFFFFF;
	p2 =	slt.u32 s8, $0xFFFFF086  }
0x1c: {  	p1 =	slt.u32 s9, $0xF7A;
	s5 =	simm.s32 @!p2 $0x0  }
0x1d: {  	s5 =	simm.s32 @p1 $0x1;
	p0 =	seq.s32 s7, s2  }
0x1e: {  	s7 =	smul.u32 @!p0 $0xF7A, s2;
	p2 =	seq.s32 @!p0 s5, $0x0  }
0x1f: {  	s9 =	smul.u32 $0xF7A, s1;
	s8 =	simm.s32 @!p0 $0x1BF5;
	p2 =	por !p2, p0  }
0x20: {  	[sflag:s8] =	ssyncset.s32 @!p0 $0xFFFFF086;
	s6 =	sadd.s32 @!p0 s3, s7;
	s7 =	simm.s32 @!p0 $0x108  }
0x21: {  	s3 =	sadd.s32 s3, s9;
	s6 =	sadd.s32 @!p0 $0x88, s6;
	s7 =	simm.s32 @p2 $0x1082  }
0x22: {  	[simem:s7], [sflag:s8] =	dma.local @!p0 [hbm:s6], $0xF7A  }
0x23: {  	s9 =	sor.u32 $0xD0000000, s2;
	s6 =	simm.s32 $0x108;
	_ =	swait.ge @!p0 [sflag:s8], $0x0  }
0x24: {  	s3 =	sadd.s32 $0x88, s3;
	s6 =	simm.s32 @!p1 $0x1082;
	[sflag:s4] =	ssyncset.s32 $0xFFFFF086  }
0x25: {  	[simem:s6], [sflag:s4] =	dma.local [hbm:s3], $0xF7A  }
0x26: {  	[smem:$0x3F96] =	sst s1;
	(tag) =	ssettag s2;
	_ =	strace s9  }
0x27: {  	s1 =	sld [smem:$0x3FA6]  }
0x28: {  	s2 =	sld [smem:$0x3FA7]  }
0x29: {  	s4 =	sld [smem:$0x3FA9]  }
0x2a: {  	p0 =	seq.s32 s5, $0x0;
	s5 =	sld [smem:$0x3FAA]  }
0x2b: {  	s6 =	sld [smem:$0x3FAB]  }
0x2c: {  	s7 =	sld [smem:$0x3FAC]  }
0x2d: {  	s3 =	simm.s32 $0x108;
	s8 =	sld [smem:$0x3FAD]  }
0x2e: {  	s3 =	simm.s32 @!p0 $0x1082;
	s9 =	sld [smem:$0x3FAE]  }
0x2f: {  	lr =	sadd.s32 s0, s3;
	s0 =	sld [smem:$0x3FA5]  }
0x30: {  	s3 =	sld [smem:$0x3FA8]  }
0x31: {  	[smem:$0x3FB1] =	sst s10  }
0x32: {  	s10 =	sld [smem:$0x3FAF];
	_ =	sdelay $0x3  }
0x33: {  	p0 =	seq.s32 s10, $0x1;
	s10 =	sld [smem:$0x3FB1];
	_ =	sdelay $0x3  }
0x34: {  	[smem:$0x3FB1] =	sst s10  }
0x35: {  	s10 =	sld [smem:$0x3FB0];
	_ =	sdelay $0x3  }
0x36: {  	p1 =	seq.s32 s10, $0x1;
	s10 =	sld [smem:$0x3FB1];
	_ =	sdelay $0x3  }
0x37: {  	[smem:$0x3FB1] =	sst s10  }
0x38: {  	s10 =	sld [smem:$0x3FB2]  }
0x39: {  	_ = 	snop;
	(pc) =	sbr.ind lr, $3  }
0x3a: {  	_ = 	snop  }
0x3b: {  	_ = 	snop  }
0x3c: {  	p2 =	seq.s32 s10, $0x1;
	s10 =	sld [smem:$0x3FB1]  }
0x3d: {  	_ =	shalt  }
0x3e: {  	_ =	shalt  }
0x3f: {  	_ =	shalt  }
0x40: {  	_ =	shalt  }
0x41: {  	_ =	shalt  }
0x42: {  	_ =	shalt  }
0x43: {  	_ =	shalt  }
0x44: {  	_ =	shalt  }
0x45: {  	_ =	shalt  }
0x46: {  	_ =	shalt  }
0x47: {  	_ =	shalt  }
0x48: {  	_ =	shalt  }
0x49: {  	_ =	shalt  }
0x4a: {  	_ =	shalt  }
0x4b: {  	_ =	shalt  }
0x4c: {  	_ =	shalt  }
0x4d: {  	_ =	shalt  }
0x4e: {  	_ =	shalt  }
0x4f: {  	_ =	shalt  }
0x50: {  	_ =	shalt  }
0x51: {  	_ =	shalt  }
0x52: {  	_ =	shalt  }
0x53: {  	_ =	shalt  }
0x54: {  	_ =	shalt  }
0x55: {  	_ =	shalt  }
0x56: {  	_ =	shalt  }
0x57: {  	_ =	shalt  }
0x58: {  	_ =	shalt  }
0x59: {  	_ =	shalt  }
0x5a: {  	_ =	shalt  }
0x5b: {  	_ =	shalt  }
0x5c: {  	_ =	shalt  }
0x5d: {  	_ =	shalt  }
0x5e: {  	_ =	shalt  }
0x5f: {  	_ =	shalt  }
0x60: {  	_ =	shalt  }
0x61: {  	_ =	shalt  }
0x62: {  	_ =	shalt  }
0x63: {  	_ =	shalt  }
0x64: {  	_ =	shalt  }
0x65: {  	_ =	shalt  }
0x66: {  	_ =	shalt  }
0x67: {  	_ =	shalt  }
0x68: {  	_ =	shalt  }
0x69: {  	_ =	shalt  }
0x6a: {  	_ =	shalt  }
0x6b: {  	_ =	shalt  }
0x6c: {  	_ =	shalt  }
0x6d: {  	_ =	shalt  }
0x6e: {  	_ =	shalt  }
0x6f: {  	_ =	shalt  }
0x70: {  	_ =	shalt  }
0x71: {  	_ =	shalt  }
0x72: {  	_ =	shalt  }
0x73: {  	_ =	shalt  }
0x74: {  	_ =	shalt  }
0x75: {  	_ =	shalt  }
0x76: {  	_ =	shalt  }
0x77: {  	_ =	shalt  }
0x78: {  	_ =	shalt  }
0x79: {  	_ =	shalt  }
0x7a: {  	_ =	shalt  }
0x7b: {  	_ =	shalt  }
0x7c: {  	_ =	shalt  }
0x7d: {  	_ =	shalt  }
0x7e: {  	_ =	shalt  }
0x7f: {  	_ =	shalt  }
0x80: {  	_ =	shalt  }
0x81: {  	_ =	shalt  }
0x82: {  	_ =	shalt  }
0x83: {  	_ =	shalt  }
0x84: {  	_ =	shalt  }
0x85: {  	_ =	shalt  }
0x86: {  	_ =	shalt  }
0x87: {  	_ =	shalt  }
.Lfunc_end0:
.L_simem_size_0:
called_computation_lowered:
.L_overlay_start_0:
0x88: {  	s2 =	sld [smem:$0x3FD9]  }
0x89: {  	s3 =	sld [smem:$0x3FFE];
	_ =	sdelay $0x1  }
0x8a: {  	s1 =	srdreg.scid  }
0x8b: {  	s0 =	sand.u32 $0x1, s1  }
0x8c: {  	s17 =	sshll.u32 s0, $0xA;
	s2 =	sadd.s32 s3, s2  }
0x8d: {  	s2 =	sadd.s32 s2, s17  }
0x8e: {  	[smem:$0x3FBD] =	sst s2  }
0x8f: {  	_ = 	snop  }
0x90: {  	s2 =	sld [smem:$0x3FD0];
	(tm) =	ssettm $0x1  }
0x91: {  	s18 =	sld [smem:$0x3FFB];
	_ =	sdelay $0x3  }
0x92: {  	_ =	strace s18  }
0x93: {  	s3 =	sld [smem:$0x3FFC];
	_ =	sdelay $0x3  }
0x94: {  	_ =	strace s3  }
0x95: {  	s3 =	sld [smem:$0x3FFD];
	_ =	sdelay $0x3  }
0x96: {  	_ =	strace s3  }
0x97: {  	_ =	strace $0x8FFFFFFF  }
0x98: {  	s19 =	sld [smem:$0x3FDB];
	_ =	sdelay $0x1  }
0x99: {  	s4 =	simm.s32 $_scs_section_size  }
0x9a: {  	s5 =	simm.s32 $_size__tile_overlayer_lowered;
	s6 =	simm.s32 $_tile_overlayer_lowered  }
0x9b: {  	s22 =	simm.s32 $0x1BFF;
	s21 =	sshll.u32 s6, $0x1;
	s3 =	sadd.s32 s4, s19  }
0x9c: {  	s7 =	simm.s32 $0x0;
	s20 =	sshll.u32 s5, $0x1;
	s5 =	sadd.s32 s21, s3  }
0x9d: {  	[timem:s7], [sflag:s22] =	dma.local [hbm:s5], s20  }
0x9e: {  	_ =	swait.ge [sflag:s22], s20  }
0x9f: {  	s4 =	ssub.s32 $0x0, s20;
	[sflag:s22] =	ssyncset.done $0x0  }
0xa0: {  	[sflag:s22] =	ssyncadd.s32 s4;
	_ =	sdelay $0x1  }
0xa1: {  	s23 =	simm.s32 $0x1B8B  }
0xa2: {  	_ =	swait.ge [sflag:s23], $0x1  }
0xa3: {  	[sflag:s23] =	ssyncset.done $0x0  }
0xa4: {  	s25 =	simm.s32 $0x1B8E;
	s24 =	sld [smem:$0x3FFE];
	[sflag:s23] =	ssyncadd.s32 $0xFFFFFFFF  }
0xa5: {  	s26 =	simm.s32 $execute0_lowered;
	[smem:$0x3FD2] =	sst s25  }
0xa6: {  	s5 =	sshll.u32 s26, $0x1;
	_ =	strace $0x80000046;
	[dreg:$0x1] =	wrdreg $0xFFFFFFFF  }
0xa7: {  	s28 =	simm.s32 $_size_execute0_lowered;
	s3 =	sadd.s32 s3, s5;
	[dreg:$0x0] =	wrdreg $0x0  }
0xa8: {  	s5 =	sshll.u32 s28, $0x1;
	[dreg:$0x2] =	wrdreg s3  }
0xa9: {  	[dreg:$0x3] =	wrdreg s5  }
0xaa: {  	[dreg:$0x4] =	wrdreg $0xC0  }
0xab: {  	_ =	task [dreg:s7], $0x5FFFF  }
0xac: {  	[dreg:$0x1] =	wrdreg $0xFFFFFFFF  }
0xad: {  	[dreg:$0x0] =	wrdreg $0x60  }
0xae: {  	[dreg:$0x2] =	wrdreg s24  }
0xaf: {  	[dreg:$0x3] =	wrdreg s2  }
0xb0: {  	[dreg:$0x4] =	wrdreg $0x0  }
0xb1: {  	[dreg:$0x5] =	wrdreg $0x9  }
0xb2: {  	_ =	task.clear_ibuf [dreg:s7], $0x6FFFF;
	_ =	strace $0x90000046  }
0xb3: {  	s29 =	simm.s32 $0x9;
	_ =	strace $0x80000048  }
0xb4: {  	_ =	swait.ge [sflag:s29], $0x1  }
0xb5: {  	[sflag:s29] =	ssyncadd.s32 $0xFFFFFFFF  }
0xb6: {  	_ =	strace $0x90000048  }
0xb7: {  	_ =	sfence  }
0xb8: {  	s30 =	sld [smem:$0x0];
	_ =	sdelay $0x2  }
0xb9: {  	s31 =	sshll.u32 s1, $0xD;
	s1 =	sshrl.u32 s1, $0x2  }
0xba: {  	s3 =	sand.u32 $0x4000, s31;
	s1 =	sadd.s32 s1, s30  }
0xbb: {  	s0 =	sor.u32 s3, s0;
	s1 =	sshll.u32 s1, $0x11  }
0xbc: {  	s0 =	sor.u32 s1, s0  }
0xbd: {  	s0 =	sadd.s32 $0x8F2B, s0  }
0xbe: {  	[sflag:s0] =	ssyncadd.remote.s32 $0x1  }
0xbf: {  	_ =	sfence.sel $0xFFFF  }
0xc0: {  	[dreg:$0x0] =	wrdreg $0xFFFFFFFF;
	(pc) =	sbr.abs _section_cstart, $3  }
0xc1: {  	[dreg:$0x1] =	wrdreg $0xFFFFFFFF  }
0xc2: {  	_ =	task.clear_ibuf [dreg:s7], $0x2FFFF;
	_ =	strace $0x9FFFFFFF  }
0xc3: {  	(tm) =	ssettm $0x7FFFFFFF  }
tec
execute0_lowered:
.L_overlay_start_1:
0x0: {  	(tag) =	ssettag $0x1  }
0x1: {  	s0 =	rddreg [dreg:$0x0]  }
0x2: {  	s1 =	srdreg.scid;
	s2 =	rddreg [dreg:$0x2]  }
0x3: {  	s3 =	simm.s32 $0x0;
	s17 =	stileid.u32;
	s31 =	simm.s32 $0x1C90  }
0x4: {  	s1 =	sand.u32 $0x1, s1;
	[smem:$0x7FF] =	sst s3;
	s5 =	sadd.s32 $0x34400, s0  }
0x5: {  	s6 =	sadd.s32 $0x34600, s0;
	s8 =	smul.u32 $0xFA0, s17;
	s25 =	sor.u32 $0x60, s17  }
0x6: {  	s21 =	sshll.u32 s17, $0x7;
	s4 =	smul.u32 $0x18800, s1;
	_ =	strace $0x80000047  }
0x7: {  	[dreg:$0x4] =	wrdreg s5;
	s23 =	ssub.s32 $0x2, s1;
	s16 =	smul.u32 $0x3E8, s25  }
0x8: {  	p0 =	seq.s32 s1, $0x1;
	s22 =	smul.u32 $0xFA0, s25;
	p1 =	sgt.u32 s25, $0x63  }
0x9: {  	s7 =	sshrl.u32 s23, $0x1;
	s24 =	sshrl.u32 s8, $0x2;
	p2 =	sne.s32 @!p1 s17, $0x0  }
0xa: {  	s8 =	simm.s32 $0x1A10;
	s4 =	sadd.s32 s4, s0;
	s0 =	sadd.s32 $0x37800, s0  }
0xb: {  	s5 =	ssub.s32 s23, s7;
	s7 =	smul.u32 $0x3E8, s17;
	s20 =	sshrl.u32 s16, $0x3  }
0xc: {  	s23 =	sadd.s32 $0x186A0, s2;
	p2 =	por p2, p1;
	s6 =	smov.u32 @p0 s0  }
0xd: {  	s4 =	sadd.s32 s21, s4;
	[dreg:$0xc] =	wrdreg s23;
	s5 =	smax.u32 s5, $0x1  }
0xe: {  	s9 =	sshrl.u32 s7, $0x3;
	s26 =	sadd.s32 $0x3E80, s7;
	s10 =	sadd.s32 $0x7D00, s7  }
0xf: {  	s11 =	sadd.s32 $0xBB80, s7;
	s12 =	sadd.s32 $0xFA00, s7;
	[dreg:$0xd] =	wrdreg s5  }
0x10: {  	s25 =	sadd.s32 s7, s2;
	s5 =	simm.s32 $0x80;
	s9 =	sadd.s32 s6, s9  }
0x11: {  	s13 =	sshrl.u32 s26, $0x3;
	s14 =	sshrl.u32 s10, $0x3;
	s15 =	sshrl.u32 s11, $0x3  }
0x12: {  	[dreg:$0x10] =	wrdreg s25;
	s0 =	sadd.s32 s26, s2;
	s26 =	sadd.s32 s10, s2  }
0x13: {  	s21 =	sadd.s32 s11, s2;
	s25 =	sadd.s32 $0x3400, s4;
	[dreg:$0x5] =	wrdreg s9  }
0x14: {  	s4 =	simm.s32 $0x1D10;
	s10 =	simm.s32 $0x1B10;
	[dreg:$0x11] =	wrdreg s0  }
0x15: {  	s11 =	simm.s32 $0x1B90;
	s9 =	sadd.s32 s6, s13;
	[dreg:$0x12] =	wrdreg s26  }
0x16: {  	s13 =	sshrl.u32 s12, $0x3;
	s0 =	simm.s32 $0x2;
	[dreg:$0x6] =	wrdreg s9  }
0x17: {  	s9 =	sadd.s32 s6, s14;
	s14 =	sadd.s32 $0x13880, s7;
	s18 =	sadd.s32 s6, s13  }
0x18: {  	s7 =	simm.s32 $0x1990;
	s13 =	simm.s32 $0x1;
	[dreg:$0x7] =	wrdreg s9  }
0x19: {  	s9 =	sadd.s32 s6, s15;
	[dreg:$0x9] =	wrdreg s18;
	s19 =	sshrl.u32 s14, $0x3  }
0x1a: {  	s15 =	sadd.s32 s24, s2;
	s24 =	sshrl.u32 s22, $0x2;
	s22 =	sadd.s32 s12, s2  }
0x1b: {  	s23 =	sadd.s32 s14, s2;
	s12 =	simm.s32 $0x1C10;
	s14 =	simm.s32 $0x3  }
0x1c: {  	[dreg:$0x8] =	wrdreg s9;
	s9 =	sadd.s32 s6, s19;
	s6 =	sadd.s32 s6, s20  }
0x1d: {  	s1 =	sadd.s32 $0x3E80, s15;
	s26 =	sadd.s32 $0x7D00, s15;
	[dreg:$0xa] =	wrdreg s9  }
0x1e: {  	s28 =	sadd.s32 $0xBB80, s15;
	s29 =	sadd.s32 $0xFA00, s15;
	[dreg:$0xb] =	wrdreg s6  }
0x1f: {  	s30 =	sadd.s32 $0x13880, s15;
	[dreg:$0xe] =	wrdreg s1;
	s1 =	sadd.s32 s24, s2  }
0x20: {  	s24 =	sadd.s32 s16, s2;
	s6 =	simm.s32 $0x1910;
	s9 =	simm.s32 $0x1A90  }
0x21: {  	s16 =	simm.s32 $0x0;
	[dreg:$0xf] =	wrdreg s1;
	s1 =	simm.s32 $0x1890  }
.LBB2_1:
0x22: {  	s17 =	rddreg [dreg:$0x4]  }
0x23: {  	[tilespmem:s31], [sflag:$0x2] =	stream.linear.gather [hbm4b:s17+s3], $0x80, $0x38;
	[tilespmem:$0x20F8] =	vst v63  }
0x24: {  	_ =	swait.ge [sflag:s0], $0x80  }
0x25: {  	[sflag:s0] =	ssyncset.done $0x0  }
0x26: {  	[sflag:s0] =	ssyncadd.s32 $0xFFFFFF80  }
0x27: {  	s18 =	rddreg [dreg:$0x1]  }
0x28: {  	[tilespmem:s4], [sflag:$0x2] =	stream.linear.gather [hbm4b:s18+s3], $0x3E8, $0x38;
	[tilespmem:$0x20F8] =	vst v63  }
0x29: {  	_ =	swait.ge [sflag:s0], $0x3E8  }
0x2a: {  	[sflag:s0] =	ssyncset.done $0x0  }
0x2b: {  	[sflag:s0] =	ssyncadd.s32 $0xFFFFFC18  }
0x2c: {  	[spmem:s15] =	stream.linear.scatter [tilespmem:s4], [sflag:$0x2], $0x3E8, $0x38;
	[tilespmem:$0x20F8] =	vst v63  }
0x2d: {  	_ =	swait.ge [sflag:s0], $0x3E8  }
0x2e: {  	[sflag:s0] =	ssyncset.done $0x0  }
0x2f: {  	s19 =	rddreg [dreg:$0xe];
	[sflag:s0] =	ssyncadd.s32 $0xFFFFFC18  }
0x30: {  	[spmem:s19] =	stream.linear.scatter [tilespmem:s4], [sflag:$0x2], $0x3E8, $0x38;
	[tilespmem:$0x20F8] =	vst v63  }
0x31: {  	_ =	swait.ge [sflag:s0], $0x3E8  }
0x32: {  	[sflag:s0] =	ssyncset.done $0x0  }
0x33: {  	[sflag:s0] =	ssyncadd.s32 $0xFFFFFC18  }
0x34: {  	[spmem:s26] =	stream.linear.scatter [tilespmem:s4], [sflag:$0x2], $0x3E8, $0x38;
	[tilespmem:$0x20F8] =	vst v63  }
0x35: {  	_ =	swait.ge [sflag:s0], $0x3E8  }
0x36: {  	[sflag:s0] =	ssyncset.done $0x0  }
0x37: {  	[sflag:s0] =	ssyncadd.s32 $0xFFFFFC18  }
0x38: {  	[spmem:s28] =	stream.linear.scatter [tilespmem:s4], [sflag:$0x2], $0x3E8, $0x38;
	[tilespmem:$0x20F8] =	vst v63  }
0x39: {  	_ =	swait.ge [sflag:s0], $0x3E8  }
0x3a: {  	[sflag:s0] =	ssyncset.done $0x0  }
0x3b: {  	[sflag:s0] =	ssyncadd.s32 $0xFFFFFC18  }
0x3c: {  	[spmem:s29] =	stream.linear.scatter [tilespmem:s4], [sflag:$0x2], $0x3E8, $0x38;
	[tilespmem:$0x20F8] =	vst v63  }
0x3d: {  	_ =	swait.ge [sflag:s0], $0x3E8  }
0x3e: {  	[sflag:s0] =	ssyncset.done $0x0  }
0x3f: {  	[sflag:s0] =	ssyncadd.s32 $0xFFFFFC18  }
0x40: {  	[spmem:s30] =	stream.linear.scatter [tilespmem:s4], [sflag:$0x2], $0x3E8, $0x38;
	[tilespmem:$0x20F8] =	vst v63  }
0x41: {  	_ =	swait.ge [sflag:s0], $0x3E8  }
0x42: {  	[sflag:s0] =	ssyncset.done $0x0  }
0x43: {  	s17 =	simm.s32 @!p1 $0x1D10;
	s18 =	rddreg [dreg:$0xf];
	[sflag:s0] =	ssyncadd.s32 $0xFFFFFC18  }
0x44: {  	[spmem:s18] =	stream.linear.scatter @!p1 [tilespmem:s17], [sflag:$0x2], $0x3E8, $0x38;
	[tilespmem:$0x20F8] =	vst v63  }
0x45: {  	s17 =	simm.s32 @!p1 $0x2  }
0x46: {  	_ =	swait.ge @!p1 [sflag:s17], $0x3E8  }
0x47: {  	[sflag:s17] =	ssyncset.done @!p1 $0x0  }
0x48: {  	s18 =	rddreg [dreg:$0xc];
	[sflag:s17] =	ssyncadd.s32 @!p1 $0xFFFFFC18;
	s17 =	simm.s32 @!p2 $0x1D10  }
0x49: {  	[spmem:s18] =	stream.linear.scatter @!p2 [tilespmem:s17], [sflag:$0x2], $0x200, $0x38;
	[tilespmem:$0x20F8] =	vst v63  }
0x4a: {  	s17 =	simm.s32 @!p2 $0x2  }
0x4b: {  	_ =	swait.ge @!p2 [sflag:s17], $0x200  }
0x4c: {  	[sflag:s17] =	ssyncset.done @!p2 $0x0  }
0x4d: {  	[sflag:s17] =	ssyncadd.s32 @!p2 $0xFFFFFE00  }
0x4e: {  	s20 =	sadd.s32 $0x0, s25;
	[bflag:$0x0] =	sbarrier.arrive $0xFFFF  }
0x4f: {  	[tilespmem:s1], [sflag:$0x2] =	stream.linear.gather [hbm4b:s20+s3], $0x400, $0x38;
	[tilespmem:$0x20F8] =	vst v63  }
0x50: {  	_ =	swait.ge [sflag:s0], $0x400  }
0x51: {  	[sflag:s0] =	ssyncset.done $0x0  }
0x52: {  	[sflag:s0] =	ssyncadd.s32 $0xFFFFFC00  }
0x53: {  	[spmem:s2] =	stream.indirect.scatter.add.f32 [tilespmem:s31], [sflag:$0x1], $0x1, s1, s5, $0xb8;
	[tilespmem:$0x20F8] =	vst v63  }
0x54: {  	_ = 	snop  }
0x55: {  	[spmem:s2] =	stream.indirect.scatter.add.f32 [tilespmem:s31], [sflag:$0x1], $0x1, s6, s5, $0xb8;
	[tilespmem:$0x20F8] =	vst v63  }
0x56: {  	_ = 	snop  }
0x57: {  	[spmem:s2] =	stream.indirect.scatter.add.f32 [tilespmem:s31], [sflag:$0x1], $0x1, s7, s5, $0xb8;
	[tilespmem:$0x20F8] =	vst v63  }
0x58: {  	_ = 	snop  }
0x59: {  	[spmem:s2] =	stream.indirect.scatter.add.f32 [tilespmem:s31], [sflag:$0x1], $0x1, s8, s5, $0xb8;
	[tilespmem:$0x20F8] =	vst v63  }
0x5a: {  	_ = 	snop  }
0x5b: {  	[spmem:s2] =	stream.indirect.scatter.add.f32 [tilespmem:s31], [sflag:$0x1], $0x1, s9, s5, $0xb8;
	[tilespmem:$0x20F8] =	vst v63  }
0x5c: {  	_ = 	snop  }
0x5d: {  	[spmem:s2] =	stream.indirect.scatter.add.f32 [tilespmem:s31], [sflag:$0x1], $0x1, s10, s5, $0xb8;
	[tilespmem:$0x20F8] =	vst v63  }
0x5e: {  	_ = 	snop  }
0x5f: {  	[spmem:s2] =	stream.indirect.scatter.add.f32 [tilespmem:s31], [sflag:$0x1], $0x1, s11, s5, $0xb8;
	[tilespmem:$0x20F8] =	vst v63  }
0x60: {  	_ = 	snop  }
0x61: {  	[spmem:s2] =	stream.indirect.scatter.add.f32 [tilespmem:s31], [sflag:$0x1], $0x1, s12, s5, $0xb8;
	[tilespmem:$0x20F8] =	vst v63  }
0x62: {  	_ =	swait.ge [sflag:s13], $0x80  }
0x63: {  	[sflag:s13] =	ssyncset.done $0x0  }
0x64: {  	[sflag:s13] =	ssyncadd.s32 $0xFFFFFF80  }
0x65: {  	_ =	swait.ge [sflag:s13], $0x80  }
0x66: {  	[sflag:s13] =	ssyncset.done $0x0  }
0x67: {  	[sflag:s13] =	ssyncadd.s32 $0xFFFFFF80  }
0x68: {  	_ =	swait.ge [sflag:s13], $0x80  }
0x69: {  	[sflag:s13] =	ssyncset.done $0x0  }
0x6a: {  	[sflag:s13] =	ssyncadd.s32 $0xFFFFFF80  }
0x6b: {  	_ =	swait.ge [sflag:s13], $0x80  }
0x6c: {  	[sflag:s13] =	ssyncset.done $0x0  }
0x6d: {  	[sflag:s13] =	ssyncadd.s32 $0xFFFFFF80  }
0x6e: {  	_ =	swait.ge [sflag:s13], $0x80  }
0x6f: {  	[sflag:s13] =	ssyncset.done $0x0  }
0x70: {  	[sflag:s13] =	ssyncadd.s32 $0xFFFFFF80  }
0x71: {  	_ =	swait.ge [sflag:s13], $0x80  }
0x72: {  	[sflag:s13] =	ssyncset.done $0x0  }
0x73: {  	[sflag:s13] =	ssyncadd.s32 $0xFFFFFF80  }
0x74: {  	_ =	swait.ge [sflag:s13], $0x80  }
0x75: {  	[sflag:s13] =	ssyncset.done $0x0  }
0x76: {  	[sflag:s13] =	ssyncadd.s32 $0xFFFFFF80  }
0x77: {  	_ =	swait.ge [sflag:s13], $0x80  }
0x78: {  	s18 =	simm.s32 $0x1000;
	s17 =	simm.s32 $0x800;
	[sflag:s13] =	ssyncset.done $0x0  }
.LBB2_2:
0x79: {  	s20 =	sadd.s32 s17, s25  }
0x7a: {  	[sflag:s13] =	ssyncadd.s32 $0xFFFFFF80;
	s17 =	smov.u32 s18;
	s19 =	sadd.s32 $0x800, s18  }
0x7b: {  	[tilespmem:s1], [sflag:$0x2] =	stream.linear.gather [hbm4b:s20+s3], $0x400, $0x38;
	[tilespmem:$0x20F8] =	vst v63  }
0x7c: {  	p3 =	sne.s32 s18, $0x18000;
	_ =	swait.ge [sflag:s0], $0x400  }
0x7d: {  	[sflag:s0] =	ssyncset.done $0x0  }
0x7e: {  	[sflag:s0] =	ssyncadd.s32 $0xFFFFFC00  }
0x7f: {  	[spmem:s2] =	stream.indirect.scatter.add.f32 [tilespmem:s31], [sflag:$0x1], $0x1, s1, s5, $0xb8;
	[tilespmem:$0x20F8] =	vst v63  }
0x80: {  	_ = 	snop  }
0x81: {  	[spmem:s2] =	stream.indirect.scatter.add.f32 [tilespmem:s31], [sflag:$0x1], $0x1, s6, s5, $0xb8;
	[tilespmem:$0x20F8] =	vst v63  }
0x82: {  	_ = 	snop  }
0x83: {  	[spmem:s2] =	stream.indirect.scatter.add.f32 [tilespmem:s31], [sflag:$0x1], $0x1, s7, s5, $0xb8;
	[tilespmem:$0x20F8] =	vst v63  }
0x84: {  	_ = 	snop  }
0x85: {  	[spmem:s2] =	stream.indirect.scatter.add.f32 [tilespmem:s31], [sflag:$0x1], $0x1, s8, s5, $0xb8;
	[tilespmem:$0x20F8] =	vst v63  }
0x86: {  	_ = 	snop  }
0x87: {  	[spmem:s2] =	stream.indirect.scatter.add.f32 [tilespmem:s31], [sflag:$0x1], $0x1, s9, s5, $0xb8;
	[tilespmem:$0x20F8] =	vst v63  }
0x88: {  	_ = 	snop  }
0x89: {  	[spmem:s2] =	stream.indirect.scatter.add.f32 [tilespmem:s31], [sflag:$0x1], $0x1, s10, s5, $0xb8;
	[tilespmem:$0x20F8] =	vst v63  }
0x8a: {  	_ = 	snop  }
0x8b: {  	[spmem:s2] =	stream.indirect.scatter.add.f32 [tilespmem:s31], [sflag:$0x1], $0x1, s11, s5, $0xb8;
	[tilespmem:$0x20F8] =	vst v63  }
0x8c: {  	_ = 	snop  }
0x8d: {  	[spmem:s2] =	stream.indirect.scatter.add.f32 [tilespmem:s31], [sflag:$0x1], $0x1, s12, s5, $0xb8;
	[tilespmem:$0x20F8] =	vst v63  }
0x8e: {  	_ =	swait.ge [sflag:s13], $0x80  }
0x8f: {  	[sflag:s13] =	ssyncset.done $0x0  }
0x90: {  	[sflag:s13] =	ssyncadd.s32 $0xFFFFFF80  }
0x91: {  	_ =	swait.ge [sflag:s13], $0x80  }
0x92: {  	[sflag:s13] =	ssyncset.done $0x0  }
0x93: {  	[sflag:s13] =	ssyncadd.s32 $0xFFFFFF80  }
0x94: {  	_ =	swait.ge [sflag:s13], $0x80  }
0x95: {  	[sflag:s13] =	ssyncset.done $0x0  }
0x96: {  	[sflag:s13] =	ssyncadd.s32 $0xFFFFFF80  }
0x97: {  	_ =	swait.ge [sflag:s13], $0x80  }
0x98: {  	[sflag:s13] =	ssyncset.done $0x0  }
0x99: {  	[sflag:s13] =	ssyncadd.s32 $0xFFFFFF80  }
0x9a: {  	_ =	swait.ge [sflag:s13], $0x80  }
0x9b: {  	[sflag:s13] =	ssyncset.done $0x0  }
0x9c: {  	[sflag:s13] =	ssyncadd.s32 $0xFFFFFF80  }
0x9d: {  	_ =	swait.ge [sflag:s13], $0x80  }
0x9e: {  	[sflag:s13] =	ssyncset.done $0x0  }
0x9f: {  	[sflag:s13] =	ssyncadd.s32 $0xFFFFFF80  }
.Ltmp0:
0xa0: {  	_ =	swait.ge [sflag:s13], $0x80;
	(pc) =	sbr.rel @p3 .LBB2_2-.Ltmp0, $4  }
0xa1: {  	[sflag:s13] =	ssyncset.done $0x0  }
0xa2: {  	[sflag:s13] =	ssyncadd.s32 $0xFFFFFF80  }
0xa3: {  	_ =	swait.ge [sflag:s13], $0x80  }
0xa4: {  	s18 =	smov.u32 s19;
	[sflag:s13] =	ssyncset.done $0x0  }
0xa5: {  	s17 =	sadd.s32 s17, s25;
	[sflag:s13] =	ssyncadd.s32 $0xFFFFFF80  }
0xa6: {  	[tilespmem:s1], [sflag:$0x2] =	stream.linear.gather [hbm4b:s17+s3], $0x400, $0x38;
	[tilespmem:$0x20F8] =	vst v63  }
0xa7: {  	_ =	swait.ge [sflag:s0], $0x400  }
0xa8: {  	[sflag:s0] =	ssyncset.done $0x0  }
0xa9: {  	[sflag:s0] =	ssyncadd.s32 $0xFFFFFC00  }
0xaa: {  	[spmem:s2] =	stream.indirect.scatter.add.f32 [tilespmem:s31], [sflag:$0x1], $0x1, s1, s5, $0xb8;
	[tilespmem:$0x20F8] =	vst v63  }
0xab: {  	_ = 	snop  }
0xac: {  	[spmem:s2] =	stream.indirect.scatter.add.f32 [tilespmem:s31], [sflag:$0x1], $0x1, s6, s5, $0xb8;
	[tilespmem:$0x20F8] =	vst v63  }
0xad: {  	_ = 	snop  }
0xae: {  	[spmem:s2] =	stream.indirect.scatter.add.f32 [tilespmem:s31], [sflag:$0x1], $0x1, s7, s5, $0xb8;
	[tilespmem:$0x20F8] =	vst v63  }
0xaf: {  	_ = 	snop  }
0xb0: {  	[spmem:s2] =	stream.indirect.scatter.add.f32 [tilespmem:s31], [sflag:$0x1], $0x1, s8, s5, $0xb8;
	[tilespmem:$0x20F8] =	vst v63  }
0xb1: {  	_ = 	snop  }
0xb2: {  	[spmem:s2] =	stream.indirect.scatter.add.f32 [tilespmem:s31], [sflag:$0x1], $0x1, s9, s5, $0xb8;
	[tilespmem:$0x20F8] =	vst v63  }
0xb3: {  	_ = 	snop  }
0xb4: {  	[spmem:s2] =	stream.indirect.scatter.add.f32 [tilespmem:s31], [sflag:$0x1], $0x1, s10, s5, $0xb8;
	[tilespmem:$0x20F8] =	vst v63  }
0xb5: {  	_ = 	snop  }
0xb6: {  	[spmem:s2] =	stream.indirect.scatter.add.f32 [tilespmem:s31], [sflag:$0x1], $0x1, s11, s5, $0xb8;
	[tilespmem:$0x20F8] =	vst v63  }
0xb7: {  	_ = 	snop  }
0xb8: {  	[spmem:s2] =	stream.indirect.scatter.add.f32 [tilespmem:s31], [sflag:$0x1], $0x1, s12, s5, $0xb8;
	[tilespmem:$0x20F8] =	vst v63  }
0xb9: {  	_ =	swait.ge [sflag:s13], $0x80  }
0xba: {  	[sflag:s13] =	ssyncset.done $0x0  }
0xbb: {  	[sflag:s13] =	ssyncadd.s32 $0xFFFFFF80  }
0xbc: {  	_ =	swait.ge [sflag:s13], $0x80  }
0xbd: {  	[sflag:s13] =	ssyncset.done $0x0  }
0xbe: {  	[sflag:s13] =	ssyncadd.s32 $0xFFFFFF80  }
0xbf: {  	_ =	swait.ge [sflag:s13], $0x80  }
0xc0: {  	[sflag:s13] =	ssyncset.done $0x0  }
0xc1: {  	[sflag:s13] =	ssyncadd.s32 $0xFFFFFF80  }
0xc2: {  	_ =	swait.ge [sflag:s13], $0x80  }
0xc3: {  	[sflag:s13] =	ssyncset.done $0x0  }
0xc4: {  	[sflag:s13] =	ssyncadd.s32 $0xFFFFFF80  }
0xc5: {  	_ =	swait.ge [sflag:s13], $0x80  }
0xc6: {  	[sflag:s13] =	ssyncset.done $0x0  }
0xc7: {  	[sflag:s13] =	ssyncadd.s32 $0xFFFFFF80  }
0xc8: {  	_ =	swait.ge [sflag:s13], $0x80  }
0xc9: {  	[sflag:s13] =	ssyncset.done $0x0  }
0xca: {  	[sflag:s13] =	ssyncadd.s32 $0xFFFFFF80  }
0xcb: {  	_ =	swait.ge [sflag:s13], $0x80  }
0xcc: {  	[sflag:s13] =	ssyncset.done $0x0  }
0xcd: {  	[sflag:s13] =	ssyncadd.s32 $0xFFFFFF80  }
0xce: {  	_ =	swait.ge [sflag:s13], $0x80  }
0xcf: {  	[sflag:s13] =	ssyncset.done $0x0  }
0xd0: {  	[sflag:s13] =	ssyncadd.s32 $0xFFFFFF80  }
0xd1: {  	[bflag:$0x0] =	sbarrier.arrive $0xFFFF  }
0xd2: {  	s18 =	rddreg [dreg:$0x10]  }
0xd3: {  	[tilespmem:s4], [sflag:$0x3] =	stream.linear.gather [spmem:s18], $0x3E8, $0x38;
	[tilespmem:$0x20F8] =	vst v63  }
0xd4: {  	_ =	swait.ge [sflag:s14], $0x3E8  }
0xd5: {  	s17 =	simm.s32 $0x2;
	[sflag:s14] =	ssyncset.done $0x0  }
0xd6: {  	s17 =	simm.s32 @!p0 $0x3;
	s18 =	rddreg [dreg:$0x5];
	[sflag:s14] =	ssyncadd.s32 $0xFFFFFC18  }
0xd7: {  	[hbm4b:s18+s3] =	stream.linear.scatter [tilespmem:s4], [sflag:s17], $0x3E8, $0x38;
	[tilespmem:$0x20F8] =	vst v63  }
0xd8: {  	_ =	swait.ge [sflag:s17], $0x3E8  }
0xd9: {  	[sflag:s17] =	ssyncset.done $0x0  }
0xda: {  	s19 =	rddreg [dreg:$0x11];
	[sflag:s17] =	ssyncadd.s32 $0xFFFFFC18  }
0xdb: {  	[tilespmem:s4], [sflag:$0x3] =	stream.linear.gather [spmem:s19], $0x3E8, $0x38;
	[tilespmem:$0x20F8] =	vst v63  }
0xdc: {  	_ =	swait.ge [sflag:s14], $0x3E8  }
0xdd: {  	[sflag:s14] =	ssyncset.done $0x0  }
0xde: {  	s20 =	rddreg [dreg:$0x6];
	[sflag:s14] =	ssyncadd.s32 $0xFFFFFC18  }
0xdf: {  	[hbm4b:s20+s3] =	stream.linear.scatter [tilespmem:s4], [sflag:s17], $0x3E8, $0x38;
	[tilespmem:$0x20F8] =	vst v63  }
0xe0: {  	_ =	swait.ge [sflag:s17], $0x3E8  }
0xe1: {  	[sflag:s17] =	ssyncset.done $0x0  }
0xe2: {  	s19 =	rddreg [dreg:$0x12];
	[sflag:s17] =	ssyncadd.s32 $0xFFFFFC18  }
0xe3: {  	[tilespmem:s4], [sflag:$0x3] =	stream.linear.gather [spmem:s19], $0x3E8, $0x38;
	[tilespmem:$0x20F8] =	vst v63  }
0xe4: {  	_ =	swait.ge [sflag:s14], $0x3E8  }
0xe5: {  	[sflag:s14] =	ssyncset.done $0x0  }
0xe6: {  	s20 =	rddreg [dreg:$0x7];
	[sflag:s14] =	ssyncadd.s32 $0xFFFFFC18  }
0xe7: {  	[hbm4b:s20+s3] =	stream.linear.scatter [tilespmem:s4], [sflag:s17], $0x3E8, $0x38;
	[tilespmem:$0x20F8] =	vst v63  }
0xe8: {  	_ =	swait.ge [sflag:s17], $0x3E8  }
0xe9: {  	[sflag:s17] =	ssyncset.done $0x0  }
0xea: {  	[sflag:s17] =	ssyncadd.s32 $0xFFFFFC18  }
0xeb: {  	[tilespmem:s4], [sflag:$0x3] =	stream.linear.gather [spmem:s21], $0x3E8, $0x38;
	[tilespmem:$0x20F8] =	vst v63  }
0xec: {  	_ =	swait.ge [sflag:s14], $0x3E8  }
0xed: {  	[sflag:s14] =	ssyncset.done $0x0  }
0xee: {  	s19 =	rddreg [dreg:$0x8];
	[sflag:s14] =	ssyncadd.s32 $0xFFFFFC18  }
0xef: {  	[hbm4b:s19+s3] =	stream.linear.scatter [tilespmem:s4], [sflag:s17], $0x3E8, $0x38;
	[tilespmem:$0x20F8] =	vst v63  }
0xf0: {  	_ =	swait.ge [sflag:s17], $0x3E8  }
0xf1: {  	[sflag:s17] =	ssyncset.done $0x0  }
0xf2: {  	[sflag:s17] =	ssyncadd.s32 $0xFFFFFC18  }
0xf3: {  	[tilespmem:s4], [sflag:$0x3] =	stream.linear.gather [spmem:s22], $0x3E8, $0x38;
	[tilespmem:$0x20F8] =	vst v63  }
0xf4: {  	_ =	swait.ge [sflag:s14], $0x3E8  }
0xf5: {  	[sflag:s14] =	ssyncset.done $0x0  }
0xf6: {  	s20 =	rddreg [dreg:$0x9];
	[sflag:s14] =	ssyncadd.s32 $0xFFFFFC18  }
0xf7: {  	[hbm4b:s20+s3] =	stream.linear.scatter [tilespmem:s4], [sflag:s17], $0x3E8, $0x38;
	[tilespmem:$0x20F8] =	vst v63  }
0xf8: {  	_ =	swait.ge [sflag:s17], $0x3E8  }
0xf9: {  	[sflag:s17] =	ssyncset.done $0x0  }
0xfa: {  	[sflag:s17] =	ssyncadd.s32 $0xFFFFFC18  }
0xfb: {  	[tilespmem:s4], [sflag:$0x3] =	stream.linear.gather [spmem:s23], $0x3E8, $0x38;
	[tilespmem:$0x20F8] =	vst v63  }
0xfc: {  	_ =	swait.ge [sflag:s14], $0x3E8  }
0xfd: {  	[sflag:s14] =	ssyncset.done $0x0  }
0xfe: {  	s19 =	rddreg [dreg:$0xa];
	[sflag:s14] =	ssyncadd.s32 $0xFFFFFC18  }
0xff: {  	[hbm4b:s19+s3] =	stream.linear.scatter [tilespmem:s4], [sflag:s17], $0x3E8, $0x38;
	[tilespmem:$0x20F8] =	vst v63  }
0x100: {  	_ =	swait.ge [sflag:s17], $0x3E8  }
0x101: {  	[sflag:s17] =	ssyncset.done $0x0  }
0x102: {  	s18 =	simm.s32 @!p1 $0x1D10;
	s19 =	simm.s32 @!p1 $0x3;
	[sflag:s17] =	ssyncadd.s32 $0xFFFFFC18  }
0x103: {  	[tilespmem:s18], [sflag:$0x3] =	stream.linear.gather @!p1 [spmem:s24], $0x3E8, $0x38;
	[tilespmem:$0x20F8] =	vst v63  }
0x104: {  	_ =	swait.ge @!p1 [sflag:s19], $0x3E8  }
0x105: {  	[sflag:s19] =	ssyncset.done @!p1 $0x0  }
0x106: {  	s20 =	rddreg [dreg:$0xb];
	[sflag:s19] =	ssyncadd.s32 @!p1 $0xFFFFFC18;
	s19 =	simm.s32 @!p1 $0x0  }
0x107: {  	[hbm4b:s20+s19] =	stream.linear.scatter @!p1 [tilespmem:s18], [sflag:s17], $0x3E8, $0x38;
	[tilespmem:$0x20F8] =	vst v63  }
0x108: {  	_ =	swait.ge @!p1 [sflag:s17], $0x3E8  }
0x109: {  	s16 =	sadd.s32 $0x1, s16;
	s20 =	rddreg [dreg:$0xd]  }
0x10a: {  	p3 =	sne.s32 s16, s20  }
.Ltmp1:
0x10b: {  	_ = 	snop;
	(pc) =	sbr.rel @p3 .LBB2_1-.Ltmp1, $3  }
0x10c: {  	_ =	sdelay $0x1  }
0x10d: {  	[sflag:s17] =	ssyncset.done @!p1 $0x0  }
0x10e: {  	[sflag:s17] =	ssyncadd.s32 @!p1 $0xFFFFFC18  }
0x10f: {  	_ =	sfence.sel $0x180000  }
0x110: {  	[bflag:$0x0] =	sbarrier.arrive $0xFFFF  }
0x111: {  	_ =	strace $0x90000047  }
0x112: {  	s0 =	stileid.u32;
	[bflag:$0x2] =	sbarrier.arrive $0xFFFF  }
0x113: {  	p0 =	sne.s32 s0, $0x0;
	s0 =	rddreg [dreg:$0x3]  }
0x114: {  	s0 =	sadd.s32 @!p0 $0x100000, s0  }
0x115: {  	[sflag:s0] =	ssyncadd.tile.s32 @!p0 $0x1;
	_ =	shalt  }
.Lfunc_end2:
_tile_overlayer_lowered:
.L_overlay_start_2:
0x116: {  	(tag) =	ssettag $0x2  }
0x117: {  	s0 =	rddreg [dreg:$0x0];
	s2 =	stileid.u32  }
0x118: {  	s1 =	rddreg [dreg:$0x1];
	p0 =	sne.s32 s2, $0x0  }
0x119: {  	s3 =	rddreg [dreg:$0x2];
	[bflag:$0x3] =	sbarrier.arrive $0xFFFF;
	s2 =	simm.s32 @!p0 $0x1C02  }
0x11a: {  	[timem:s3], [sflag:s2] =	dma.local @!p0 [hbm:s0], s1  }
0x11b: {  	s0 =	simm.s32 @!p0 $0x2  }
0x11c: {  	_ =	swait.ge @!p0 [sflag:s0], s1  }
0x11d: {  	s1 =	ssub.s32 @!p0 $0x0, s1;
	[sflag:s0] =	ssyncset.done @!p0 $0x0  }
0x11e: {  	[sflag:s0] =	ssyncadd.s32 @!p0 s1  }
0x11f: {  	[bflag:$0x3] =	sbarrier.arrive $0xFFFF  }
0x120: {  	_ =	shalt  }

</sc_bundles>
